<compile_context>
chip_gen: v7x
topology: tpu7x:2x2x1
jax: 0.10.2.dev20260603
libtpu: 0.0.44.dev20260713+nightly
codegen_flags: <defaults>
</compile_context>

<pallas_src>
import functools

import jax
import jax.numpy as jnp
from jax import lax
from jax.experimental import pallas as pl
from jax.experimental.pallas import tpu as pltpu
from jax.experimental.pallas import tpu_sc as plsc

N = 10000
E = 320000
D = 128
H = 64
S = 3
G = 16
F = S * H
FH = F // 2
W2 = 112
CH = 80
NC = 2
NS = 16
EPT = E // NS
CHUNKS = EPT // CH
SUP = 25
NSUP = CHUNKS // SUP
IRT = EPT // CH
RPT_OFF = 624
RPT_SZ = 640


def _dot(a, b):
    return lax.dot_general(a, b, (((1,), (0,)), ((), ())),
                           preferred_element_type=jnp.float32)


def _dot_hp(a, b):
    return lax.dot_general(a, b, (((1,), (0,)), ((), ())),
                           precision=lax.Precision.HIGHEST,
                           preferred_element_type=jnp.float32)


def _tc_pre_body(x_ref, wenc_ref, benc_ref, wcat_ref, pos16_ref, bm_ref,
                 h_ref, td0_ref, td1_ref, ts0_ref, ts1_ref):
    h = jnp.maximum(_dot(x_ref[...], wenc_ref[...]) + benc_ref[...], 0.0)
    h_ref[...] = h
    ab = _dot(h, wcat_ref[...])
    pos16 = pos16_ref[...]
    bm = bm_ref[...]
    td0_ref[...] = jnp.concatenate([ab[:, :FH] + bm[:, :FH], pos16], axis=1)
    td1_ref[...] = jnp.concatenate([ab[:, FH:F] + bm[:, FH:], pos16], axis=1)
    ts0_ref[...] = jnp.concatenate([ab[:, F:F + FH], pos16], axis=1)
    ts1_ref[...] = jnp.concatenate([ab[:, F + FH:], pos16], axis=1)


def _tc_post_body(h_ref, ag_ref, batcht_ref, wu_ref, bu_ref, wp_ref, bp_ref,
                  wg1_ref, bg1_ref, wg2_ref, bg2_ref,
                  wf1_ref, bf1_ref, wf2_ref, bf2_ref, geom_ref, func_ref):
    h = h_ref[...][:, :H]
    ag = jnp.concatenate([ag_ref[0][:, :FH], ag_ref[1][:, :FH]], axis=1)
    cnt = jnp.maximum(ag_ref[0][:, FH:FH + 1], 1.0)
    oht = (lax.broadcasted_iota(jnp.int32, (G, N), 0)
           == batcht_ref[...]).astype(jnp.float32)
    bcnt = jnp.maximum(_dot_hp(oht, jnp.ones((N, 1), jnp.float32)), 1.0)
    feats = []
    for s in range(S):
        aggr_s = ag[:, s * H:(s + 1) * H] / cnt
        ui = jnp.concatenate([h, aggr_s], axis=1)
        hs = jnp.maximum(_dot(ui, wu_ref[s]) + bu_ref[s], 0.0)
        pooled = _dot_hp(oht, hs) / bcnt
        pooled = jnp.maximum(_dot(pooled, wp_ref[s]) + bp_ref[s], 0.0)
        feats.append(pooled)
    msf = jnp.concatenate(feats, axis=1)
    geom_ref[...] = _dot(jnp.maximum(_dot(msf, wg1_ref[...]) + bg1_ref[...],
                                     0.0), wg2_ref[...]) + bg2_ref[...]
    func_ref[...] = _dot(jnp.maximum(_dot(msf, wf1_ref[...]) + bf1_ref[...],
                                     0.0), wf2_ref[...]) + bf2_ref[...]


def _edge_stream(tdst, tsrc, idx2_hbm, aggr, bufs, idxb, wb, s):
    cnt_col = jnp.where(lax.iota(jnp.int32, 16) == 0,
                        jnp.full((16,), 1.0, jnp.float32),
                        jnp.zeros((16,), jnp.float32))
    wbs = [wb[pl.ds(16 * j, 16)] for j in range(FH // 16)]
    srow0 = s * IRT

    def start_gather(bs, i):
        pltpu.async_copy(tdst.at[idxb.at[i, 0]], bs.dstb, bs.gsem)
        pltpu.async_copy(tsrc.at[idxb.at[i, 1]], bs.srcb, bs.gsem)

    def wait_gather(bs, i):
        pltpu.make_async_copy(tdst.at[idxb.at[i, 0]], bs.dstb,
                              bs.gsem).wait()
        pltpu.make_async_copy(tsrc.at[idxb.at[i, 1]], bs.srcb,
                              bs.gsem).wait()

    def compute(bs):
        dstb, srcb, msgb = bs.dstb, bs.srcb, bs.msgb

        def edge_body(e, carry):
            diff = dstb[e, pl.ds(FH, 16)] - srcb[e, pl.ds(FH, 16)]
            sq = diff * diff
            d2 = jnp.broadcast_to(sq[0] + sq[1] + sq[2], (16,))
            di = plsc.bitcast(d2, jnp.int32)
            y = plsc.bitcast(jnp.int32(0x5F3759DF) - (di >> 1), jnp.float32)
            for _ in range(3):
                y = y * (1.5 - 0.5 * d2 * y * y)
            ea = jnp.where(d2 > 0.0, d2 * y, 0.0)
            ei = plsc.bitcast(ea, jnp.int32)
            ei = (ei + jnp.int32(0x7FFF) + ((ei >> 16) & jnp.int32(1))) \
                & jnp.int32(-65536)
            ea = plsc.bitcast(ei, jnp.float32)
            for j in range(FH // 16):
                off = j * 16
                m = (dstb[e, pl.ds(off, 16)] + srcb[e, pl.ds(off, 16)]
                     + ea * wbs[j])
                msgb[e, pl.ds(off, 16)] = jnp.maximum(m, 0.0)
            return carry

        lax.fori_loop(0, CH, edge_body, 0)

    def start_scatter(bs, i):
        pltpu.async_copy(bs.msgb, aggr.at[idxb.at[i, 0]], bs.ssem, add=True)

    def wait_scatter(bs, i):
        pltpu.make_async_copy(bs.msgb, aggr.at[idxb.at[i, 0]],
                              bs.ssem).wait()

    bA, bB = bufs

    def fill_cnt(msgb):
        def fb(e, cr):
            msgb[e, pl.ds(FH, 16)] = cnt_col
            return cr
        lax.fori_loop(0, CH, fb, 0)

    fill_cnt(bA.msgb)
    fill_cnt(bB.msgb)

    def super_body(sk, carry):
        srow = srow0 + sk * SUP
        pltpu.sync_copy(idx2_hbm.at[pl.ds(srow, SUP)], idxb)
        start_gather(bA, 0)

        def pair_body(k2, carry2):
            i0 = 2 * k2

            @pl.when(k2 > 0)
            def _():
                wait_scatter(bB, i0 - 1)
            start_gather(bB, i0 + 1)

            @pl.when(k2 > 0)
            def _():
                wait_scatter(bA, i0 - 2)
            wait_gather(bA, i0)
            compute(bA)
            start_scatter(bA, i0)
            start_gather(bA, i0 + 2)
            wait_gather(bB, i0 + 1)
            compute(bB)
            start_scatter(bB, i0 + 1)
            return carry2

        lax.fori_loop(0, SUP // 2, pair_body, 0)
        wait_scatter(bA, SUP - 3)
        wait_gather(bA, SUP - 1)
        compute(bA)
        start_scatter(bA, SUP - 1)
        wait_scatter(bB, SUP - 2)
        wait_scatter(bA, SUP - 1)
        return carry

    lax.fori_loop(0, NSUP, super_body, 0)


class _BufSet:
    def __init__(self, dstb, srcb, msgb, gsem, ssem):
        self.dstb, self.srcb, self.msgb = dstb, srcb, msgb
        self.gsem, self.ssem = gsem, ssem


def _sc_edge_body(td0, td1, ts0, ts1, idx2_hbm, wvec_hbm,
                  zeros_hbm, out, aggr, idxb,
                  dstbA, srcbA, msgbA, dstbB, srcbB, msgbB,
                  wb, gsemA, ssemA, gsemB, ssemB):
    c = lax.axis_index("c")
    s = lax.axis_index("s")
    pltpu.sync_copy(zeros_hbm.at[pl.ds(s * RPT_OFF, RPT_SZ)],
                    aggr.at[pl.ds(s * RPT_OFF, RPT_SZ)])
    pltpu.sync_copy(wvec_hbm.at[c], wb)
    plsc.subcore_barrier()

    bufs = (_BufSet(dstbA, srcbA, msgbA, gsemA, ssemA),
            _BufSet(dstbB, srcbB, msgbB, gsemB, ssemB))

    @pl.when(c == 0)
    def _():
        _edge_stream(td0, ts0, idx2_hbm, aggr, bufs, idxb, wb, s)

    @pl.when(c == 1)
    def _():
        _edge_stream(td1, ts1, idx2_hbm, aggr, bufs, idxb, wb, s)

    plsc.subcore_barrier()
    pltpu.sync_copy(aggr.at[pl.ds(s * RPT_OFF, RPT_SZ)],
                    out.at[c, pl.ds(s * RPT_OFF, RPT_SZ)])


@functools.cache
def _get_sc_edge():
    mesh = plsc.VectorSubcoreMesh(core_axis_name="c", subcore_axis_name="s",
                                  num_cores=NC, num_subcores=NS)
    return pl.kernel(
        _sc_edge_body,
        out_type=jax.ShapeDtypeStruct((NC, N, W2), jnp.float32),
        mesh=mesh,
        compiler_params=pltpu.CompilerParams(needs_layout_passes=False,
                                             use_tc_tiling_on_sc=False),
        scratch_types=[
            pltpu.VMEM_SHARED((N, W2), jnp.float32),
            pltpu.VMEM((SUP, 2, CH), jnp.int32),
            pltpu.VMEM((CH, W2), jnp.float32),
            pltpu.VMEM((CH, W2), jnp.float32),
            pltpu.VMEM((CH, W2), jnp.float32),
            pltpu.VMEM((CH, W2), jnp.float32),
            pltpu.VMEM((CH, W2), jnp.float32),
            pltpu.VMEM((CH, W2), jnp.float32),
            pltpu.VMEM((W2,), jnp.float32),
            pltpu.SemaphoreType.DMA,
            pltpu.SemaphoreType.DMA,
            pltpu.SemaphoreType.DMA,
            pltpu.SemaphoreType.DMA,
        ],
    )


_TC_PARAMS = pltpu.CompilerParams(vmem_limit_bytes=110 * 1024 * 1024)

_tc_pre = pl.pallas_call(
    _tc_pre_body,
    out_shape=[jax.ShapeDtypeStruct((N, D), jnp.float32)]
    + [jax.ShapeDtypeStruct((N, W2), jnp.float32)] * 4,
    compiler_params=_TC_PARAMS,
)

_tc_post = pl.pallas_call(
    _tc_post_body,
    out_shape=[jax.ShapeDtypeStruct((G, 1), jnp.float32),
               jax.ShapeDtypeStruct((G, 1), jnp.float32)],
    compiler_params=_TC_PARAMS,
)


def kernel(x, pos, batch, edge_index, W_enc, b_enc,
           Wm0, bm0, Wu0, bu0, Wp0, bp0,
           Wm1, bm1, Wu1, bu1, Wp1, bp1,
           Wm2, bm2, Wu2, bu2, Wp2, bp2,
           Wg1, bg1, Wg2, bg2, Wf1, bf1, Wf2, bf2):
    f32 = jnp.float32
    row = edge_index[0]
    col = edge_index[1]

    wenc_p = jnp.concatenate([W_enc, jnp.zeros((D, D - H), f32)], axis=1)
    benc_p = jnp.concatenate([b_enc, jnp.zeros((D - H,), f32)])[None, :]
    wcat = jnp.concatenate(
        [Wm0[:H], Wm1[:H], Wm2[:H], Wm0[H:2 * H], Wm1[H:2 * H], Wm2[H:2 * H]],
        axis=1)
    wcat = jnp.concatenate([wcat, jnp.zeros((D - H, 2 * F), f32)], axis=0)
    wvec = jnp.concatenate([Wm0[2 * H], Wm1[2 * H], Wm2[2 * H]])
    wvec = wvec.astype(jnp.bfloat16).astype(f32)
    bvec = jnp.concatenate([bm0, bm1, bm2])[None, :]
    pad16 = jnp.zeros((W2 - FH,), f32)
    wvec2 = jnp.stack([jnp.concatenate([wvec[:FH], pad16]),
                       jnp.concatenate([wvec[FH:], pad16])])
    pos16 = jnp.concatenate([pos, jnp.zeros((N, 16 - 3), f32)], axis=1)
    zeros_tab = jnp.zeros((N, W2), f32)

    h_pad, td0, td1, ts0, ts1 = _tc_pre(x, wenc_p, benc_p, wcat, pos16, bvec)
    idx2 = jnp.stack([col.reshape(E // CH, CH), row.reshape(E // CH, CH)],
                     axis=1)
    aggr2 = _get_sc_edge()(td0, td1, ts0, ts1, idx2, wvec2, zeros_tab)

    wu = jnp.stack([Wu0, Wu1, Wu2])
    bu = jnp.stack([bu0, bu1, bu2])[:, None, :]
    wp = jnp.stack([Wp0, Wp1, Wp2])
    bp = jnp.stack([bp0, bp1, bp2])[:, None, :]
    geom, func = _tc_post(h_pad, aggr2, batch[None, :].astype(jnp.int32),
                          wu, bu, wp, bp,
                          Wg1, bg1[None, :], Wg2, bg2[None, :],
                          Wf1, bf1[None, :], Wf2, bf2[None, :])
    return (geom, func)

# --- scband reference (transcript-rebuilt; emitter-appended) ---
"""Pipeline reference for scband-multiscale-discriminator-62457414419226 (READ-ONLY COPY).

The authoritative reference and input builder live on the scoring server;
editing this copy changes nothing except your own understanding.
"""

import jax, jax.numpy as jnp
import numpy as np

N = 10000
E = 320000
D = 128
H = 64
S = 3
G = 16


def _lin(k, i, o):
    return jax.random.normal(k, (i, o), jnp.float32) * (1.0 / np.sqrt(i))


def setup_inputs(seed: int = 0) -> dict:
    key = jax.random.key(seed)
    ks = jax.random.split(key, 24)
    inp = {}
    inp["x"] = jax.random.normal(ks[0], (N, D), jnp.float32)
    inp["pos"] = jax.random.normal(ks[1], (N, 3), jnp.float32) * 10.0
    inp["batch"] = jnp.sort(jax.random.randint(ks[2], (N,), 0, G)).astype(jnp.int32)
    inp["edge_index"] = jax.random.randint(ks[3], (2, E), 0, N).astype(jnp.int32)
    inp["W_enc"] = _lin(ks[4], D, H)
    inp["b_enc"] = jnp.zeros((H,), jnp.float32)
    for i in range(S):
        inp[f"Wm{i}"] = _lin(ks[5 + i], 2 * H + 1, H)
        inp[f"bm{i}"] = jnp.zeros((H,), jnp.float32)
        inp[f"Wu{i}"] = _lin(ks[8 + i], 2 * H, H)
        inp[f"bu{i}"] = jnp.zeros((H,), jnp.float32)
        inp[f"Wp{i}"] = _lin(ks[11 + i], H, H)
        inp[f"bp{i}"] = jnp.zeros((H,), jnp.float32)
    inp["Wg1"] = _lin(ks[14], S * H, H)
    inp["bg1"] = jnp.zeros((H,), jnp.float32)
    inp["Wg2"] = _lin(ks[15], H, 1)
    inp["bg2"] = jnp.zeros((1,), jnp.float32)
    inp["Wf1"] = _lin(ks[16], S * H, H)
    inp["bf1"] = jnp.zeros((H,), jnp.float32)
    inp["Wf2"] = _lin(ks[17], H, 1)
    inp["bf2"] = jnp.zeros((1,), jnp.float32)
    return inp


def reference(x, pos, batch, edge_index, W_enc, b_enc,
              Wm0, bm0, Wu0, bu0, Wp0, bp0,
              Wm1, bm1, Wu1, bu1, Wp1, bp1,
              Wm2, bm2, Wu2, bu2, Wp2, bp2,
              Wg1, bg1, Wg2, bg2, Wf1, bf1, Wf2, bf2):
    # node_encoder (dropout is identity in eval)
    h = jax.nn.relu(x @ W_enc + b_enc)
    row = edge_index[0]  # source (x_j)
    col = edge_index[1]  # target (x_i), aggregation index
    edge_attr = jnp.linalg.norm(pos[row] - pos[col], axis=1, keepdims=True)
    cnt = jax.ops.segment_sum(jnp.ones((E,), jnp.float32), col, num_segments=N)
    cnt = jnp.maximum(cnt, 1.0)[:, None]
    bcnt = jax.ops.segment_sum(jnp.ones((N,), jnp.float32), batch, num_segments=G)
    bcnt = jnp.maximum(bcnt, 1.0)[:, None]
    scale_params = [(Wm0, bm0, Wu0, bu0, Wp0, bp0),
                    (Wm1, bm1, Wu1, bu1, Wp1, bp1),
                    (Wm2, bm2, Wu2, bu2, Wp2, bp2)]
    pooled_feats = []
    for Wm, bm, Wu, bu, Wp, bp in scale_params:
        # message: cat([x_i, x_j, edge_attr]) -> Linear -> ReLU
        msg_in = jnp.concatenate([h[col], h[row], edge_attr], axis=1)
        msg = jax.nn.relu(msg_in @ Wm + bm)
        # aggr='mean' over target nodes
        aggr = jax.ops.segment_sum(msg, col, num_segments=N) / cnt
        # update: cat([x, aggr]) -> Linear -> ReLU
        h_scale = jax.nn.relu(jnp.concatenate([h, aggr], axis=1) @ Wu + bu)
        # global_mean_pool over batch
        pooled = jax.ops.segment_sum(h_scale, batch, num_segments=G) / bcnt
        pooled = jax.nn.relu(pooled @ Wp + bp)
        pooled_feats.append(pooled)
    msf = jnp.concatenate(pooled_feats, axis=1)
    geom = jax.nn.relu(msf @ Wg1 + bg1) @ Wg2 + bg2
    func = jax.nn.relu(msf @ Wf1 + bf1) @ Wf2 + bf2
    return (geom, func)

if __name__ == "__main__":
    import jax
    _d = setup_inputs()
    print(jax.jit(kernel)(*tuple(_d.values())))

</pallas_src>

<mosaic_0001>
#map = affine_map<(d0, d1) -> (0, 0)>
#map1 = affine_map<(d0, d1) -> (0, 0, 0)>
module attributes {stable_mosaic.version = 14 : i64} {
  func.func @_sc_edge_body(%arg0: i32, %arg1: i32, %arg2: memref<10000x112xf32, #tpu.memory_space<hbm>>, %arg3: memref<10000x112xf32, #tpu.memory_space<hbm>>, %arg4: memref<10000x112xf32, #tpu.memory_space<hbm>>, %arg5: memref<10000x112xf32, #tpu.memory_space<hbm>>, %arg6: memref<4000x2x80xi32, #tpu.memory_space<hbm>>, %arg7: memref<2x112xf32, #tpu.memory_space<hbm>>, %arg8: memref<10000x112xf32, #tpu.memory_space<hbm>>, %arg9: memref<2x10000x112xf32, #tpu.memory_space<hbm>>, %arg10: memref<10000x112xf32, #tpu.memory_space<vmem_shared>>, %arg11: memref<25x2x80xi32, #tpu.memory_space<vmem>>, %arg12: memref<80x112xf32, #tpu.memory_space<vmem>>, %arg13: memref<80x112xf32, #tpu.memory_space<vmem>>, %arg14: memref<80x112xf32, #tpu.memory_space<vmem>>, %arg15: memref<80x112xf32, #tpu.memory_space<vmem>>, %arg16: memref<80x112xf32, #tpu.memory_space<vmem>>, %arg17: memref<80x112xf32, #tpu.memory_space<vmem>>, %arg18: memref<112xf32, #tpu.memory_space<vmem>>, %arg19: memref<!tpu.dma_semaphore, #tpu.memory_space<semaphore_mem>>, %arg20: memref<!tpu.dma_semaphore, #tpu.memory_space<semaphore_mem>>, %arg21: memref<!tpu.dma_semaphore, #tpu.memory_space<semaphore_mem>>, %arg22: memref<!tpu.dma_semaphore, #tpu.memory_space<semaphore_mem>>) attributes {dimension_semantics = [#tpu.dimension_semantics<core_parallel>, #tpu.dimension_semantics<subcore_parallel>], iteration_bounds = array<i64: 2, 16>, scalar_prefetch = 0 : i64, scratch_operands = 13 : i64, tpu.core_type = #tpu.core_type<sc_vector_subcore>, window_params = [{transform_indices = #map}, {transform_indices = #map}, {transform_indices = #map}, {transform_indices = #map}, {transform_indices = #map1}, {transform_indices = #map}, {transform_indices = #map}, {transform_indices = #map1}]} {
    %mul3A = arith.constant 624 : i32
    %mul3A_0 = arith.muli %arg1, %mul3A : i32
    %mul3A_1 = arith.constant 624 : i32
    %mul3A_2 = arith.muli %arg1, %mul3A_1 : i32
    "tpu.region"() ({
      %run_scoped3A = tpu.sem_alloc : memref<!tpu.dma_semaphore, #tpu.memory_space<semaphore_mem>>
      %dma_start3A = arith.constant 0 : i32
      %dma_start3A_15 = tpu.memref_slice %arg10[%mul3A_2, %dma_start3A] : memref<10000x112xf32, #tpu.memory_space<vmem_shared>> -> memref<640x112xf32, #tpu.memory_space<vmem_shared>>
      %dma_start3A_16 = arith.constant 0 : i32
      %dma_start3A_17 = tpu.memref_slice %arg8[%mul3A_0, %dma_start3A_16] : memref<10000x112xf32, #tpu.memory_space<hbm>> -> memref<640x112xf32, #tpu.memory_space<hbm>>
      tpu.enqueue_dma source(%dma_start3A_17 : memref<640x112xf32, #tpu.memory_space<hbm>>) target(%dma_start3A_15 : memref<640x112xf32, #tpu.memory_space<vmem_shared>>) target_semaphore(%run_scoped3A : memref<!tpu.dma_semaphore, #tpu.memory_space<semaphore_mem>>)
      %dma_wait3A = arith.constant 0 : i32
      %dma_wait3A_18 = tpu.memref_slice %arg10[%mul3A_2, %dma_wait3A] : memref<10000x112xf32, #tpu.memory_space<vmem_shared>> -> memref<640x112xf32, #tpu.memory_space<vmem_shared>>
      %dma_wait3A_19 = arith.constant 0 : i32
      %dma_wait3A_20 = tpu.memref_slice %arg8[%mul3A_0, %dma_wait3A_19] : memref<10000x112xf32, #tpu.memory_space<hbm>> -> memref<640x112xf32, #tpu.memory_space<hbm>>
      tpu.wait_dma2 semaphore(%run_scoped3A : memref<!tpu.dma_semaphore, #tpu.memory_space<semaphore_mem>>) src(%dma_wait3A_20 : memref<640x112xf32, #tpu.memory_space<hbm>>) dst(%dma_wait3A_18 : memref<640x112xf32, #tpu.memory_space<vmem_shared>>)
      tpu.yield
    }) : () -> ()
    "tpu.region"() ({
      %run_scoped3A = tpu.sem_alloc : memref<!tpu.dma_semaphore, #tpu.memory_space<semaphore_mem>>
      %dma_start3A = arith.constant 0 : i32
      %dma_start3A_15 = tpu.memref_slice %arg7[%arg0, %dma_start3A] : memref<2x112xf32, #tpu.memory_space<hbm>> -> memref<1x112xf32, #tpu.memory_space<hbm>>
      %dma_start3A_16 = tpu.memref_squeeze %dma_start3A_15 : memref<1x112xf32, #tpu.memory_space<hbm>> -> memref<112xf32, #tpu.memory_space<hbm>>
      %dma_start3A_17 = arith.constant 0 : i32
      %dma_start3A_18 = tpu.memref_slice %arg7[%arg0, %dma_start3A_17] : memref<2x112xf32, #tpu.memory_space<hbm>> -> memref<1x112xf32, #tpu.memory_space<hbm>>
      %dma_start3A_19 = tpu.memref_squeeze %dma_start3A_18 : memref<1x112xf32, #tpu.memory_space<hbm>> -> memref<112xf32, #tpu.memory_space<hbm>>
      tpu.enqueue_dma source(%dma_start3A_19 : memref<112xf32, #tpu.memory_space<hbm>>) target(%arg18 : memref<112xf32, #tpu.memory_space<vmem>>) target_semaphore(%run_scoped3A : memref<!tpu.dma_semaphore, #tpu.memory_space<semaphore_mem>>)
      %dma_wait3A = arith.constant 0 : i32
      %dma_wait3A_20 = tpu.memref_slice %arg7[%arg0, %dma_wait3A] : memref<2x112xf32, #tpu.memory_space<hbm>> -> memref<1x112xf32, #tpu.memory_space<hbm>>
      %dma_wait3A_21 = tpu.memref_squeeze %dma_wait3A_20 : memref<1x112xf32, #tpu.memory_space<hbm>> -> memref<112xf32, #tpu.memory_space<hbm>>
      %dma_wait3A_22 = arith.constant 0 : i32
      %dma_wait3A_23 = tpu.memref_slice %arg7[%arg0, %dma_wait3A_22] : memref<2x112xf32, #tpu.memory_space<hbm>> -> memref<1x112xf32, #tpu.memory_space<hbm>>
      %dma_wait3A_24 = tpu.memref_squeeze %dma_wait3A_23 : memref<1x112xf32, #tpu.memory_space<hbm>> -> memref<112xf32, #tpu.memory_space<hbm>>
      tpu.wait_dma2 semaphore(%run_scoped3A : memref<!tpu.dma_semaphore, #tpu.memory_space<semaphore_mem>>) src(%dma_wait3A_24 : memref<112xf32, #tpu.memory_space<hbm>>) dst(%arg18 : memref<112xf32, #tpu.memory_space<vmem>>)
      tpu.yield
    }) : () -> ()
    %barrier3A = arith.constant 0 : index
    tpu.barrier barrier_id(%barrier3A)
    %eq3A = arith.constant 0 : i32
    %eq3A_3 = arith.cmpi eq, %arg0, %eq3A : i32
    %convert_element_type3A = arith.extui %eq3A_3 : i1 to i32
    %cond3A = arith.constant 0 : i32
    %cond3A_4 = arith.cmpi ne, %convert_element_type3A, %cond3A : i32
    scf.if %cond3A_4 {
      %iota3A = tpu.iota {dimensions = array<i32: 0>} : vector<16xi32>
      %eq3A_15 = arith.constant 0 : i32
      %eq3A_16 = vector.broadcast %eq3A_15 : i32 to vector<16xi32>
      %eq3A_17 = arith.cmpi eq, %iota3A, %eq3A_16 : vector<16xi32>
      %broadcast_in_dim3A = arith.constant 1.000000e+00 : f32
      %broadcast_in_dim3A_18 = vector.broadcast %broadcast_in_dim3A : f32 to vector<16xf32>
      %broadcast_in_dim3A_19 = arith.constant 0.000000e+00 : f32
      %broadcast_in_dim3A_20 = vector.broadcast %broadcast_in_dim3A_19 : f32 to vector<16xf32>
      %select_n3A = arith.select %eq3A_17, %broadcast_in_dim3A_18, %broadcast_in_dim3A_20 : vector<16xi1>, vector<16xf32>
      %get3A = arith.constant 0 : index
      %get3A_21 = tpu.vector_load %arg18[%get3A] {strides = array<i32>} : memref<112xf32, #tpu.memory_space<vmem>>, vector<16xf32>,
      %get3A_22 = arith.constant 16 : index
      %get3A_23 = tpu.vector_load %arg18[%get3A_22] {strides = array<i32>} : memref<112xf32, #tpu.memory_space<vmem>>, vector<16xf32>,
      %get3A_24 = arith.constant 32 : index
      %get3A_25 = tpu.vector_load %arg18[%get3A_24] {strides = array<i32>} : memref<112xf32, #tpu.memory_space<vmem>>, vector<16xf32>,
      %get3A_26 = arith.constant 48 : index
      %get3A_27 = tpu.vector_load %arg18[%get3A_26] {strides = array<i32>} : memref<112xf32, #tpu.memory_space<vmem>>, vector<16xf32>,
      %get3A_28 = arith.constant 64 : index
      %get3A_29 = tpu.vector_load %arg18[%get3A_28] {strides = array<i32>} : memref<112xf32, #tpu.memory_space<vmem>>, vector<16xf32>,
      %get3A_30 = arith.constant 80 : index
      %get3A_31 = tpu.vector_load %arg18[%get3A_30] {strides = array<i32>} : memref<112xf32, #tpu.memory_space<vmem>>, vector<16xf32>,
      %mul3A_32 = arith.constant 250 : i32
      %mul3A_33 = arith.muli %arg1, %mul3A_32 : i32
      %scan3A = arith.constant 0 : i32
      %scan3A_34 = arith.constant 0 : i32
      %scan3A_35 = arith.constant 80 : i32
      %scan3A_36 = arith.addi %scan3A_34, %scan3A_35 : i32
      %scan3A_37 = arith.constant 1 : i32
      scf.for %scan3A_51 = %scan3A_34 to %scan3A_36 step %scan3A_37  : i32 {
        %swap3A = arith.index_cast %scan3A_51 : i32 to index
        %swap3A_52 = arith.constant 96 : index
        %swap3A_53 = tpu.vector_load %arg14[%swap3A, %swap3A_52] {strides = array<i32>} : memref<80x112xf32, #tpu.memory_space<vmem>>, vector<16xf32>,
        tpu.vector_store %arg14[%swap3A, %swap3A_52], %select_n3A {strides = array<i32>} : memref<80x112xf32, #tpu.memory_space<vmem>>, vector<16xf32>,
      }
      %scan3A_38 = arith.constant 80 : i32
      %scan3A_39 = arith.constant 0 : i32
      %scan3A_40 = arith.constant 0 : i32
      %scan3A_41 = arith.constant 80 : i32
      %scan3A_42 = arith.addi %scan3A_40, %scan3A_41 : i32
      %scan3A_43 = arith.constant 1 : i32
      scf.for %scan3A_51 = %scan3A_40 to %scan3A_42 step %scan3A_43  : i32 {
        %swap3A = arith.index_cast %scan3A_51 : i32 to index
        %swap3A_52 = arith.constant 96 : index
        %swap3A_53 = tpu.vector_load %arg17[%swap3A, %swap3A_52] {strides = array<i32>} : memref<80x112xf32, #tpu.memory_space<vmem>>, vector<16xf32>,
        tpu.vector_store %arg17[%swap3A, %swap3A_52], %select_n3A {strides = array<i32>} : memref<80x112xf32, #tpu.memory_space<vmem>>, vector<16xf32>,
      }
      %scan3A_44 = arith.constant 80 : i32
      %scan3A_45 = arith.constant 0 : i32
      %scan3A_46 = arith.constant 0 : i32
      %scan3A_47 = arith.constant 10 : i32
      %scan3A_48 = arith.addi %scan3A_46, %scan3A_47 : i32
      %scan3A_49 = arith.constant 1 : i32
      scf.for %scan3A_51 = %scan3A_46 to %scan3A_48 step %scan3A_49  : i32 {
        %mul3A_52 = arith.constant 25 : i32
        %mul3A_53 = arith.muli %scan3A_51, %mul3A_52 : i32
        %add3A = arith.addi %mul3A_33, %mul3A_53 : i32
        "tpu.region"() ({
          %run_scoped3A = tpu.sem_alloc : memref<!tpu.dma_semaphore, #tpu.memory_space<semaphore_mem>>
          %dma_start3A_128 = arith.constant 0 : i32
          %dma_start3A_129 = arith.constant 0 : i32
          %dma_start3A_130 = tpu.memref_slice %arg6[%add3A, %dma_start3A_128, %dma_start3A_129] : memref<4000x2x80xi32, #tpu.memory_space<hbm>> -> memref<25x2x80xi32, #tpu.memory_space<hbm>>
          %dma_start3A_131 = arith.constant 0 : i32
          %dma_start3A_132 = arith.constant 0 : i32
          %dma_start3A_133 = tpu.memref_slice %arg6[%add3A, %dma_start3A_131, %dma_start3A_132] : memref<4000x2x80xi32, #tpu.memory_space<hbm>> -> memref<25x2x80xi32, #tpu.memory_space<hbm>>
          tpu.enqueue_dma source(%dma_start3A_133 : memref<25x2x80xi32, #tpu.memory_space<hbm>>) target(%arg11 : memref<25x2x80xi32, #tpu.memory_space<vmem>>) target_semaphore(%run_scoped3A : memref<!tpu.dma_semaphore, #tpu.memory_space<semaphore_mem>>)
          %dma_wait3A_134 = arith.constant 0 : i32
          %dma_wait3A_135 = arith.constant 0 : i32
          %dma_wait3A_136 = tpu.memref_slice %arg6[%add3A, %dma_wait3A_134, %dma_wait3A_135] : memref<4000x2x80xi32, #tpu.memory_space<hbm>> -> memref<25x2x80xi32, #tpu.memory_space<hbm>>
          %dma_wait3A_137 = arith.constant 0 : i32
          %dma_wait3A_138 = arith.constant 0 : i32
          %dma_wait3A_139 = tpu.memref_slice %arg6[%add3A, %dma_wait3A_137, %dma_wait3A_138] : memref<4000x2x80xi32, #tpu.memory_space<hbm>> -> memref<25x2x80xi32, #tpu.memory_space<hbm>>
          tpu.wait_dma2 semaphore(%run_scoped3A : memref<!tpu.dma_semaphore, #tpu.memory_space<semaphore_mem>>) src(%dma_wait3A_139 : memref<25x2x80xi32, #tpu.memory_space<hbm>>) dst(%arg11 : memref<25x2x80xi32, #tpu.memory_space<vmem>>)
          tpu.yield
        }) : () -> ()
        %dma_start3A = arith.constant 0 : i32
        %dma_start3A_54 = arith.constant 0 : i32
        %dma_start3A_55 = arith.constant 0 : i32
        %dma_start3A_56 = tpu.memref_slice %arg11[%dma_start3A, %dma_start3A_54, %dma_start3A_55] : memref<25x2x80xi32, #tpu.memory_space<vmem>> -> memref<1x1x80xi32, #tpu.memory_space<vmem>>
        %dma_start3A_57 = tpu.memref_squeeze %dma_start3A_56 : memref<1x1x80xi32, #tpu.memory_space<vmem>> -> memref<80xi32, #tpu.memory_space<vmem>>
        %dma_start3A_58 = arith.constant 0 : i32
        %dma_start3A_59 = arith.constant 0 : i32
        %dma_start3A_60 = tpu.memref_slice %arg2[%dma_start3A_58, %dma_start3A_59] : memref<10000x112xf32, #tpu.memory_space<hbm>> -> memref<10000x112xf32, #tpu.memory_space<hbm>>
        tpu.enqueue_indirect_dma source(%dma_start3A_60 : memref<10000x112xf32, #tpu.memory_space<hbm>>) target(%arg12 : memref<80x112xf32, #tpu.memory_space<vmem>>) offsets(%dma_start3A_57 : memref<80xi32, #tpu.memory_space<vmem>>) semaphore(%arg19 : memref<!tpu.dma_semaphore, #tpu.memory_space<semaphore_mem>>)
        %dma_start3A_61 = arith.constant 0 : i32
        %dma_start3A_62 = arith.constant 1 : i32
        %dma_start3A_63 = arith.constant 0 : i32
        %dma_start3A_64 = tpu.memref_slice %arg11[%dma_start3A_61, %dma_start3A_62, %dma_start3A_63] : memref<25x2x80xi32, #tpu.memory_space<vmem>> -> memref<1x1x80xi32, #tpu.memory_space<vmem>>
        %dma_start3A_65 = tpu.memref_squeeze %dma_start3A_64 : memref<1x1x80xi32, #tpu.memory_space<vmem>> -> memref<80xi32, #tpu.memory_space<vmem>>
        %dma_start3A_66 = arith.constant 0 : i32
        %dma_start3A_67 = arith.constant 0 : i32
        %dma_start3A_68 = tpu.memref_slice %arg4[%dma_start3A_66, %dma_start3A_67] : memref<10000x112xf32, #tpu.memory_space<hbm>> -> memref<10000x112xf32, #tpu.memory_space<hbm>>
        tpu.enqueue_indirect_dma source(%dma_start3A_68 : memref<10000x112xf32, #tpu.memory_space<hbm>>) target(%arg13 : memref<80x112xf32, #tpu.memory_space<vmem>>) offsets(%dma_start3A_65 : memref<80xi32, #tpu.memory_space<vmem>>) semaphore(%arg19 : memref<!tpu.dma_semaphore, #tpu.memory_space<semaphore_mem>>)
        %scan3A_69 = arith.constant 0 : i32
        %scan3A_70 = arith.constant 0 : i32
        %scan3A_71 = arith.constant 12 : i32
        %scan3A_72 = arith.addi %scan3A_70, %scan3A_71 : i32
        %scan3A_73 = arith.constant 1 : i32
        scf.for %scan3A_128 = %scan3A_70 to %scan3A_72 step %scan3A_73  : i32 {
          %mul3A_129 = arith.constant 2 : i32
          %mul3A_130 = arith.muli %mul3A_129, %scan3A_128 : i32
          %gt3A = arith.constant 0 : i32
          %gt3A_131 = arith.cmpi sgt, %scan3A_128, %gt3A : i32
          %convert_element_type3A_132 = arith.extui %gt3A_131 : i1 to i32
          %cond3A_133 = arith.constant 0 : i32
          %cond3A_134 = arith.cmpi ne, %convert_element_type3A_132, %cond3A_133 : i32
          scf.if %cond3A_134 {
            %sub3A = arith.constant 1 : i32
            %sub3A_230 = arith.subi %mul3A_130, %sub3A : i32
            %dma_wait3A_231 = arith.constant 0 : i32
            %dma_wait3A_232 = arith.constant 0 : i32
            %dma_wait3A_233 = tpu.memref_slice %arg11[%sub3A_230, %dma_wait3A_231, %dma_wait3A_232] : memref<25x2x80xi32, #tpu.memory_space<vmem>> -> memref<1x1x80xi32, #tpu.memory_space<vmem>>
            %dma_wait3A_234 = tpu.memref_squeeze %dma_wait3A_233 : memref<1x1x80xi32, #tpu.memory_space<vmem>> -> memref<80xi32, #tpu.memory_space<vmem>>
            %dma_wait3A_235 = arith.constant 0 : i32
            %dma_wait3A_236 = arith.constant 0 : i32
            %dma_wait3A_237 = tpu.memref_slice %arg10[%dma_wait3A_235, %dma_wait3A_236] : memref<10000x112xf32, #tpu.memory_space<vmem_shared>> -> memref<10000x112xf32, #tpu.memory_space<vmem_shared>>
            tpu.wait_indirect_dma semaphore(%arg22 : memref<!tpu.dma_semaphore, #tpu.memory_space<semaphore_mem>>) src(%arg17 : memref<80x112xf32, #tpu.memory_space<vmem>>) dst(%dma_wait3A_237 : memref<10000x112xf32, #tpu.memory_space<vmem_shared>>)
          } else {
          }
          %add3A_135 = arith.constant 1 : i32
          %add3A_136 = arith.addi %mul3A_130, %add3A_135 : i32
          %dma_start3A_137 = arith.constant 0 : i32
          %dma_start3A_138 = arith.constant 0 : i32
          %dma_start3A_139 = tpu.memref_slice %arg11[%add3A_136, %dma_start3A_137, %dma_start3A_138] : memref<25x2x80xi32, #tpu.memory_space<vmem>> -> memref<1x1x80xi32, #tpu.memory_space<vmem>>
          %dma_start3A_140 = tpu.memref_squeeze %dma_start3A_139 : memref<1x1x80xi32, #tpu.memory_space<vmem>> -> memref<80xi32, #tpu.memory_space<vmem>>
          %dma_start3A_141 = arith.constant 0 : i32
          %dma_start3A_142 = arith.constant 0 : i32
          %dma_start3A_143 = tpu.memref_slice %arg2[%dma_start3A_141, %dma_start3A_142] : memref<10000x112xf32, #tpu.memory_space<hbm>> -> memref<10000x112xf32, #tpu.memory_space<hbm>>
          tpu.enqueue_indirect_dma source(%dma_start3A_143 : memref<10000x112xf32, #tpu.memory_space<hbm>>) target(%arg15 : memref<80x112xf32, #tpu.memory_space<vmem>>) offsets(%dma_start3A_140 : memref<80xi32, #tpu.memory_space<vmem>>) semaphore(%arg21 : memref<!tpu.dma_semaphore, #tpu.memory_space<semaphore_mem>>)
          %dma_start3A_144 = arith.constant 1 : i32
          %dma_start3A_145 = arith.constant 0 : i32
          %dma_start3A_146 = tpu.memref_slice %arg11[%add3A_136, %dma_start3A_144, %dma_start3A_145] : memref<25x2x80xi32, #tpu.memory_space<vmem>> -> memref<1x1x80xi32, #tpu.memory_space<vmem>>
          %dma_start3A_147 = tpu.memref_squeeze %dma_start3A_146 : memref<1x1x80xi32, #tpu.memory_space<vmem>> -> memref<80xi32, #tpu.memory_space<vmem>>
          %dma_start3A_148 = arith.constant 0 : i32
          %dma_start3A_149 = arith.constant 0 : i32
          %dma_start3A_150 = tpu.memref_slice %arg4[%dma_start3A_148, %dma_start3A_149] : memref<10000x112xf32, #tpu.memory_space<hbm>> -> memref<10000x112xf32, #tpu.memory_space<hbm>>
          tpu.enqueue_indirect_dma source(%dma_start3A_150 : memref<10000x112xf32, #tpu.memory_space<hbm>>) target(%arg16 : memref<80x112xf32, #tpu.memory_space<vmem>>) offsets(%dma_start3A_147 : memref<80xi32, #tpu.memory_space<vmem>>) semaphore(%arg21 : memref<!tpu.dma_semaphore, #tpu.memory_space<semaphore_mem>>)
          %gt3A_151 = arith.constant 0 : i32
          %gt3A_152 = arith.cmpi sgt, %scan3A_128, %gt3A_151 : i32
          %convert_element_type3A_153 = arith.extui %gt3A_152 : i1 to i32
          %cond3A_154 = arith.constant 0 : i32
          %cond3A_155 = arith.cmpi ne, %convert_element_type3A_153, %cond3A_154 : i32
          scf.if %cond3A_155 {
            %sub3A = arith.constant 2 : i32
            %sub3A_230 = arith.subi %mul3A_130, %sub3A : i32
            %dma_wait3A_231 = arith.constant 0 : i32
            %dma_wait3A_232 = arith.constant 0 : i32
            %dma_wait3A_233 = tpu.memref_slice %arg11[%sub3A_230, %dma_wait3A_231, %dma_wait3A_232] : memref<25x2x80xi32, #tpu.memory_space<vmem>> -> memref<1x1x80xi32, #tpu.memory_space<vmem>>
            %dma_wait3A_234 = tpu.memref_squeeze %dma_wait3A_233 : memref<1x1x80xi32, #tpu.memory_space<vmem>> -> memref<80xi32, #tpu.memory_space<vmem>>
            %dma_wait3A_235 = arith.constant 0 : i32
            %dma_wait3A_236 = arith.constant 0 : i32
            %dma_wait3A_237 = tpu.memref_slice %arg10[%dma_wait3A_235, %dma_wait3A_236] : memref<10000x112xf32, #tpu.memory_space<vmem_shared>> -> memref<10000x112xf32, #tpu.memory_space<vmem_shared>>
            tpu.wait_indirect_dma semaphore(%arg20 : memref<!tpu.dma_semaphore, #tpu.memory_space<semaphore_mem>>) src(%arg14 : memref<80x112xf32, #tpu.memory_space<vmem>>) dst(%dma_wait3A_237 : memref<10000x112xf32, #tpu.memory_space<vmem_shared>>)
          } else {
          }
          %dma_wait3A_156 = arith.constant 0 : i32
          %dma_wait3A_157 = arith.constant 0 : i32
          %dma_wait3A_158 = tpu.memref_slice %arg11[%mul3A_130, %dma_wait3A_156, %dma_wait3A_157] : memref<25x2x80xi32, #tpu.memory_space<vmem>> -> memref<1x1x80xi32, #tpu.memory_space<vmem>>
          %dma_wait3A_159 = tpu.memref_squeeze %dma_wait3A_158 : memref<1x1x80xi32, #tpu.memory_space<vmem>> -> memref<80xi32, #tpu.memory_space<vmem>>
          %dma_wait3A_160 = arith.constant 0 : i32
          %dma_wait3A_161 = arith.constant 0 : i32
          %dma_wait3A_162 = tpu.memref_slice %arg2[%dma_wait3A_160, %dma_wait3A_161] : memref<10000x112xf32, #tpu.memory_space<hbm>> -> memref<10000x112xf32, #tpu.memory_space<hbm>>
          tpu.wait_indirect_dma semaphore(%arg19 : memref<!tpu.dma_semaphore, #tpu.memory_space<semaphore_mem>>) src(%dma_wait3A_162 : memref<10000x112xf32, #tpu.memory_space<hbm>>) dst(%arg12 : memref<80x112xf32, #tpu.memory_space<vmem>>)
          %dma_wait3A_163 = arith.constant 1 : i32
          %dma_wait3A_164 = arith.constant 0 : i32
          %dma_wait3A_165 = tpu.memref_slice %arg11[%mul3A_130, %dma_wait3A_163, %dma_wait3A_164] : memref<25x2x80xi32, #tpu.memory_space<vmem>> -> memref<1x1x80xi32, #tpu.memory_space<vmem>>
          %dma_wait3A_166 = tpu.memref_squeeze %dma_wait3A_165 : memref<1x1x80xi32, #tpu.memory_space<vmem>> -> memref<80xi32, #tpu.memory_space<vmem>>
          %dma_wait3A_167 = arith.constant 0 : i32
          %dma_wait3A_168 = arith.constant 0 : i32
          %dma_wait3A_169 = tpu.memref_slice %arg4[%dma_wait3A_167, %dma_wait3A_168] : memref<10000x112xf32, #tpu.memory_space<hbm>> -> memref<10000x112xf32, #tpu.memory_space<hbm>>
          tpu.wait_indirect_dma semaphore(%arg19 : memref<!tpu.dma_semaphore, #tpu.memory_space<semaphore_mem>>) src(%dma_wait3A_169 : memref<10000x112xf32, #tpu.memory_space<hbm>>) dst(%arg13 : memref<80x112xf32, #tpu.memory_space<vmem>>)
          %scan3A_170 = arith.constant 0 : i32
          %scan3A_171 = arith.constant 0 : i32
          %scan3A_172 = arith.constant 80 : i32
          %scan3A_173 = arith.addi %scan3A_171, %scan3A_172 : i32
          %scan3A_174 = arith.constant 1 : i32
          scf.for %scan3A_230 = %scan3A_171 to %scan3A_173 step %scan3A_174  : i32 {
            %get3A_231 = arith.index_cast %scan3A_230 : i32 to index
            %get3A_232 = arith.constant 96 : index
            %get3A_233 = tpu.vector_load %arg12[%get3A_231, %get3A_232] {strides = array<i32>} : memref<80x112xf32, #tpu.memory_space<vmem>>, vector<16xf32>,
            %get3A_234 = arith.index_cast %scan3A_230 : i32 to index
            %get3A_235 = arith.constant 96 : index
            %get3A_236 = tpu.vector_load %arg13[%get3A_234, %get3A_235] {strides = array<i32>} : memref<80x112xf32, #tpu.memory_space<vmem>>, vector<16xf32>,
            %sub3A = arith.subf %get3A_233, %get3A_236 : vector<16xf32>
            %mul3A_237 = arith.mulf %sub3A, %sub3A : vector<16xf32>
            %slice3A = vector.extract_strided_slice %mul3A_237 {offsets = [0], sizes = [1], strides = [1]} : vector<16xf32> to vector<1xf32>
            %squeeze3A = vector.extract %slice3A[0] : f32 from vector<1xf32>
            %slice3A_238 = vector.extract_strided_slice %mul3A_237 {offsets = [1], sizes = [1], strides = [1]} : vector<16xf32> to vector<1xf32>
            %squeeze3A_239 = vector.extract %slice3A_238[0] : f32 from vector<1xf32>
            %add3A_240 = arith.addf %squeeze3A, %squeeze3A_239 : f32
            %slice3A_241 = vector.extract_strided_slice %mul3A_237 {offsets = [2], sizes = [1], strides = [1]} : vector<16xf32> to vector<1xf32>
            %squeeze3A_242 = vector.extract %slice3A_241[0] : f32 from vector<1xf32>
            %add3A_243 = arith.addf %add3A_240, %squeeze3A_242 : f32
            %broadcast_in_dim3A_244 = vector.broadcast %add3A_243 : f32 to vector<16xf32>
            %bitcast3A = vector.bitcast %broadcast_in_dim3A_244 : vector<16xf32> to vector<16xi32>
            %shift_right_arithmetic3A = arith.constant 1 : i32
            %shift_right_arithmetic3A_245 = vector.broadcast %shift_right_arithmetic3A : i32 to vector<16xi32>
            %shift_right_arithmetic3A_246 = arith.shrsi %bitcast3A, %shift_right_arithmetic3A_245 : vector<16xi32>
            %sub3A_247 = arith.constant 1597463007 : i32
            %sub3A_248 = vector.broadcast %sub3A_247 : i32 to vector<16xi32>
            %sub3A_249 = arith.subi %sub3A_248, %shift_right_arithmetic3A_246 : vector<16xi32>
            %bitcast3A_250 = vector.bitcast %sub3A_249 : vector<16xi32> to vector<16xf32>
            %mul3A_251 = arith.constant 5.000000e-01 : f32
            %mul3A_252 = vector.broadcast %mul3A_251 : f32 to vector<16xf32>
            %mul3A_253 = arith.mulf %mul3A_252, %broadcast_in_dim3A_244 : vector<16xf32>
            %mul3A_254 = arith.mulf %mul3A_253, %bitcast3A_250 : vector<16xf32>
            %mul3A_255 = arith.mulf %mul3A_254, %bitcast3A_250 : vector<16xf32>
            %sub3A_256 = arith.constant 1.500000e+00 : f32
            %sub3A_257 = vector.broadcast %sub3A_256 : f32 to vector<16xf32>
            %sub3A_258 = arith.subf %sub3A_257, %mul3A_255 : vector<16xf32>
            %mul3A_259 = arith.mulf %bitcast3A_250, %sub3A_258 : vector<16xf32>
            %mul3A_260 = arith.constant 5.000000e-01 : f32
            %mul3A_261 = vector.broadcast %mul3A_260 : f32 to vector<16xf32>
            %mul3A_262 = arith.mulf %mul3A_261, %broadcast_in_dim3A_244 : vector<16xf32>
            %mul3A_263 = arith.mulf %mul3A_262, %mul3A_259 : vector<16xf32>
            %mul3A_264 = arith.mulf %mul3A_263, %mul3A_259 : vector<16xf32>
            %sub3A_265 = arith.constant 1.500000e+00 : f32
            %sub3A_266 = vector.broadcast %sub3A_265 : f32 to vector<16xf32>
            %sub3A_267 = arith.subf %sub3A_266, %mul3A_264 : vector<16xf32>
            %mul3A_268 = arith.mulf %mul3A_259, %sub3A_267 : vector<16xf32>
            %mul3A_269 = arith.constant 5.000000e-01 : f32
            %mul3A_270 = vector.broadcast %mul3A_269 : f32 to vector<16xf32>
            %mul3A_271 = arith.mulf %mul3A_270, %broadcast_in_dim3A_244 : vector<16xf32>
            %mul3A_272 = arith.mulf %mul3A_271, %mul3A_268 : vector<16xf32>
            %mul3A_273 = arith.mulf %mul3A_272, %mul3A_268 : vector<16xf32>
            %sub3A_274 = arith.constant 1.500000e+00 : f32
            %sub3A_275 = vector.broadcast %sub3A_274 : f32 to vector<16xf32>
            %sub3A_276 = arith.subf %sub3A_275, %mul3A_273 : vector<16xf32>
            %mul3A_277 = arith.mulf %mul3A_268, %sub3A_276 : vector<16xf32>
            %gt3A_278 = arith.constant 0.000000e+00 : f32
            %gt3A_279 = vector.broadcast %gt3A_278 : f32 to vector<16xf32>
            %gt3A_280 = arith.cmpf ogt, %broadcast_in_dim3A_244, %gt3A_279 : vector<16xf32>
            %mul3A_281 = arith.mulf %broadcast_in_dim3A_244, %mul3A_277 : vector<16xf32>
            %jit3A = arith.constant 0.000000e+00 : f32
            %broadcast_in_dim3A_282 = vector.broadcast %jit3A : f32 to vector<16xf32>
            %select_n3A_283 = arith.select %gt3A_280, %mul3A_281, %broadcast_in_dim3A_282 : vector<16xi1>, vector<16xf32>
            %bitcast3A_284 = vector.bitcast %select_n3A_283 : vector<16xf32> to vector<16xi32>
            %add3A_285 = arith.constant 32767 : i32
            %add3A_286 = vector.broadcast %add3A_285 : i32 to vector<16xi32>
            %add3A_287 = arith.addi %bitcast3A_284, %add3A_286 : vector<16xi32>
            %shift_right_arithmetic3A_288 = arith.constant 16 : i32
            %shift_right_arithmetic3A_289 = vector.broadcast %shift_right_arithmetic3A_288 : i32 to vector<16xi32>
            %shift_right_arithmetic3A_290 = arith.shrsi %bitcast3A_284, %shift_right_arithmetic3A_289 : vector<16xi32>
            %and3A = arith.constant 1 : i32
            %and3A_291 = vector.broadcast %and3A : i32 to vector<16xi32>
            %and3A_292 = arith.andi %shift_right_arithmetic3A_290, %and3A_291 : vector<16xi32>
            %add3A_293 = arith.addi %add3A_287, %and3A_292 : vector<16xi32>
            %and3A_294 = arith.constant -65536 : i32
            %and3A_295 = vector.broadcast %and3A_294 : i32 to vector<16xi32>
            %and3A_296 = arith.andi %add3A_293, %and3A_295 : vector<16xi32>
            %bitcast3A_297 = vector.bitcast %and3A_296 : vector<16xi32> to vector<16xf32>
            %get3A_298 = arith.index_cast %scan3A_230 : i32 to index
            %get3A_299 = arith.constant 0 : index
            %get3A_300 = tpu.vector_load %arg12[%get3A_298, %get3A_299] {strides = array<i32>} : memref<80x112xf32, #tpu.memory_space<vmem>>, vector<16xf32>,
            %get3A_301 = arith.index_cast %scan3A_230 : i32 to index
            %get3A_302 = arith.constant 0 : index
            %get3A_303 = tpu.vector_load %arg13[%get3A_301, %get3A_302] {strides = array<i32>} : memref<80x112xf32, #tpu.memory_space<vmem>>, vector<16xf32>,
            %add3A_304 = arith.addf %get3A_300, %get3A_303 : vector<16xf32>
            %mul3A_305 = arith.mulf %bitcast3A_297, %get3A_21 : vector<16xf32>
            %add3A_306 = arith.addf %add3A_304, %mul3A_305 : vector<16xf32>
            %max3A = arith.constant 0.000000e+00 : f32
            %max3A_307 = vector.broadcast %max3A : f32 to vector<16xf32>
            %max3A_308 = arith.maximumf %add3A_306, %max3A_307 : vector<16xf32>
            %swap3A = arith.index_cast %scan3A_230 : i32 to index
            %swap3A_309 = arith.constant 0 : index
            %swap3A_310 = tpu.vector_load %arg14[%swap3A, %swap3A_309] {strides = array<i32>} : memref<80x112xf32, #tpu.memory_space<vmem>>, vector<16xf32>,
            tpu.vector_store %arg14[%swap3A, %swap3A_309], %max3A_308 {strides = array<i32>} : memref<80x112xf32, #tpu.memory_space<vmem>>, vector<16xf32>,
            %get3A_311 = arith.index_cast %scan3A_230 : i32 to index
            %get3A_312 = arith.constant 16 : index
            %get3A_313 = tpu.vector_load %arg12[%get3A_311, %get3A_312] {strides = array<i32>} : memref<80x112xf32, #tpu.memory_space<vmem>>, vector<16xf32>,
            %get3A_314 = arith.index_cast %scan3A_230 : i32 to index
            %get3A_315 = arith.constant 16 : index
            %get3A_316 = tpu.vector_load %arg13[%get3A_314, %get3A_315] {strides = array<i32>} : memref<80x112xf32, #tpu.memory_space<vmem>>, vector<16xf32>,
            %add3A_317 = arith.addf %get3A_313, %get3A_316 : vector<16xf32>
            %mul3A_318 = arith.mulf %bitcast3A_297, %get3A_23 : vector<16xf32>
            %add3A_319 = arith.addf %add3A_317, %mul3A_318 : vector<16xf32>
            %max3A_320 = arith.constant 0.000000e+00 : f32
            %max3A_321 = vector.broadcast %max3A_320 : f32 to vector<16xf32>
            %max3A_322 = arith.maximumf %add3A_319, %max3A_321 : vector<16xf32>
            %swap3A_323 = arith.index_cast %scan3A_230 : i32 to index
            %swap3A_324 = arith.constant 16 : index
            %swap3A_325 = tpu.vector_load %arg14[%swap3A_323, %swap3A_324] {strides = array<i32>} : memref<80x112xf32, #tpu.memory_space<vmem>>, vector<16xf32>,
            tpu.vector_store %arg14[%swap3A_323, %swap3A_324], %max3A_322 {strides = array<i32>} : memref<80x112xf32, #tpu.memory_space<vmem>>, vector<16xf32>,
            %get3A_326 = arith.index_cast %scan3A_230 : i32 to index
            %get3A_327 = arith.constant 32 : index
            %get3A_328 = tpu.vector_load %arg12[%get3A_326, %get3A_327] {strides = array<i32>} : memref<80x112xf32, #tpu.memory_space<vmem>>, vector<16xf32>,
            %get3A_329 = arith.index_cast %scan3A_230 : i32 to index
            %get3A_330 = arith.constant 32 : index
            %get3A_331 = tpu.vector_load %arg13[%get3A_329, %get3A_330] {strides = array<i32>} : memref<80x112xf32, #tpu.memory_space<vmem>>, vector<16xf32>,
            %add3A_332 = arith.addf %get3A_328, %get3A_331 : vector<16xf32>
            %mul3A_333 = arith.mulf %bitcast3A_297, %get3A_25 : vector<16xf32>
            %add3A_334 = arith.addf %add3A_332, %mul3A_333 : vector<16xf32>
            %max3A_335 = arith.constant 0.000000e+00 : f32
            %max3A_336 = vector.broadcast %max3A_335 : f32 to vector<16xf32>
            %max3A_337 = arith.maximumf %add3A_334, %max3A_336 : vector<16xf32>
            %swap3A_338 = arith.index_cast %scan3A_230 : i32 to index
            %swap3A_339 = arith.constant 32 : index
            %swap3A_340 = tpu.vector_load %arg14[%swap3A_338, %swap3A_339] {strides = array<i32>} : memref<80x112xf32, #tpu.memory_space<vmem>>, vector<16xf32>,
            tpu.vector_store %arg14[%swap3A_338, %swap3A_339], %max3A_337 {strides = array<i32>} : memref<80x112xf32, #tpu.memory_space<vmem>>, vector<16xf32>,
            %get3A_341 = arith.index_cast %scan3A_230 : i32 to index
            %get3A_342 = arith.constant 48 : index
            %get3A_343 = tpu.vector_load %arg12[%get3A_341, %get3A_342] {strides = array<i32>} : memref<80x112xf32, #tpu.memory_space<vmem>>, vector<16xf32>,
            %get3A_344 = arith.index_cast %scan3A_230 : i32 to index
            %get3A_345 = arith.constant 48 : index
            %get3A_346 = tpu.vector_load %arg13[%get3A_344, %get3A_345] {strides = array<i32>} : memref<80x112xf32, #tpu.memory_space<vmem>>, vector<16xf32>,
            %add3A_347 = arith.addf %get3A_343, %get3A_346 : vector<16xf32>
            %mul3A_348 = arith.mulf %bitcast3A_297, %get3A_27 : vector<16xf32>
            %add3A_349 = arith.addf %add3A_347, %mul3A_348 : vector<16xf32>
            %max3A_350 = arith.constant 0.000000e+00 : f32
            %max3A_351 = vector.broadcast %max3A_350 : f32 to vector<16xf32>
            %max3A_352 = arith.maximumf %add3A_349, %max3A_351 : vector<16xf32>
            %swap3A_353 = arith.index_cast %scan3A_230 : i32 to index
            %swap3A_354 = arith.constant 48 : index
            %swap3A_355 = tpu.vector_load %arg14[%swap3A_353, %swap3A_354] {strides = array<i32>} : memref<80x112xf32, #tpu.memory_space<vmem>>, vector<16xf32>,
            tpu.vector_store %arg14[%swap3A_353, %swap3A_354], %max3A_352 {strides = array<i32>} : memref<80x112xf32, #tpu.memory_space<vmem>>, vector<16xf32>,
            %get3A_356 = arith.index_cast %scan3A_230 : i32 to index
            %get3A_357 = arith.constant 64 : index
            %get3A_358 = tpu.vector_load %arg12[%get3A_356, %get3A_357] {strides = array<i32>} : memref<80x112xf32, #tpu.memory_space<vmem>>, vector<16xf32>,
            %get3A_359 = arith.index_cast %scan3A_230 : i32 to index
            %get3A_360 = arith.constant 64 : index
            %get3A_361 = tpu.vector_load %arg13[%get3A_359, %get3A_360] {strides = array<i32>} : memref<80x112xf32, #tpu.memory_space<vmem>>, vector<16xf32>,
            %add3A_362 = arith.addf %get3A_358, %get3A_361 : vector<16xf32>
            %mul3A_363 = arith.mulf %bitcast3A_297, %get3A_29 : vector<16xf32>
            %add3A_364 = arith.addf %add3A_362, %mul3A_363 : vector<16xf32>
            %max3A_365 = arith.constant 0.000000e+00 : f32
            %max3A_366 = vector.broadcast %max3A_365 : f32 to vector<16xf32>
            %max3A_367 = arith.maximumf %add3A_364, %max3A_366 : vector<16xf32>
            %swap3A_368 = arith.index_cast %scan3A_230 : i32 to index
            %swap3A_369 = arith.constant 64 : index
            %swap3A_370 = tpu.vector_load %arg14[%swap3A_368, %swap3A_369] {strides = array<i32>} : memref<80x112xf32, #tpu.memory_space<vmem>>, vector<16xf32>,
            tpu.vector_store %arg14[%swap3A_368, %swap3A_369], %max3A_367 {strides = array<i32>} : memref<80x112xf32, #tpu.memory_space<vmem>>, vector<16xf32>,
            %get3A_371 = arith.index_cast %scan3A_230 : i32 to index
            %get3A_372 = arith.constant 80 : index
            %get3A_373 = tpu.vector_load %arg12[%get3A_371, %get3A_372] {strides = array<i32>} : memref<80x112xf32, #tpu.memory_space<vmem>>, vector<16xf32>,
            %get3A_374 = arith.index_cast %scan3A_230 : i32 to index
            %get3A_375 = arith.constant 80 : index
            %get3A_376 = tpu.vector_load %arg13[%get3A_374, %get3A_375] {strides = array<i32>} : memref<80x112xf32, #tpu.memory_space<vmem>>, vector<16xf32>,
            %add3A_377 = arith.addf %get3A_373, %get3A_376 : vector<16xf32>
            %mul3A_378 = arith.mulf %bitcast3A_297, %get3A_31 : vector<16xf32>
            %add3A_379 = arith.addf %add3A_377, %mul3A_378 : vector<16xf32>
            %max3A_380 = arith.constant 0.000000e+00 : f32
            %max3A_381 = vector.broadcast %max3A_380 : f32 to vector<16xf32>
            %max3A_382 = arith.maximumf %add3A_379, %max3A_381 : vector<16xf32>
            %swap3A_383 = arith.index_cast %scan3A_230 : i32 to index
            %swap3A_384 = arith.constant 80 : index
            %swap3A_385 = tpu.vector_load %arg14[%swap3A_383, %swap3A_384] {strides = array<i32>} : memref<80x112xf32, #tpu.memory_space<vmem>>, vector<16xf32>,
            tpu.vector_store %arg14[%swap3A_383, %swap3A_384], %max3A_382 {strides = array<i32>} : memref<80x112xf32, #tpu.memory_space<vmem>>, vector<16xf32>,
          }
          %scan3A_175 = arith.constant 80 : i32
          %dma_start3A_176 = arith.constant 0 : i32
          %dma_start3A_177 = arith.constant 0 : i32
          %dma_start3A_178 = tpu.memref_slice %arg11[%mul3A_130, %dma_start3A_176, %dma_start3A_177] : memref<25x2x80xi32, #tpu.memory_space<vmem>> -> memref<1x1x80xi32, #tpu.memory_space<vmem>>
          %dma_start3A_179 = tpu.memref_squeeze %dma_start3A_178 : memref<1x1x80xi32, #tpu.memory_space<vmem>> -> memref<80xi32, #tpu.memory_space<vmem>>
          %dma_start3A_180 = arith.constant 0 : i32
          %dma_start3A_181 = arith.constant 0 : i32
          %dma_start3A_182 = tpu.memref_slice %arg10[%dma_start3A_180, %dma_start3A_181] : memref<10000x112xf32, #tpu.memory_space<vmem_shared>> -> memref<10000x112xf32, #tpu.memory_space<vmem_shared>>
          tpu.enqueue_indirect_dma source(%arg14 : memref<80x112xf32, #tpu.memory_space<vmem>>) target(%dma_start3A_182 : memref<10000x112xf32, #tpu.memory_space<vmem_shared>>) offsets(%dma_start3A_179 : memref<80xi32, #tpu.memory_space<vmem>>) semaphore(%arg20 : memref<!tpu.dma_semaphore, #tpu.memory_space<semaphore_mem>>) {add = true}
          %add3A_183 = arith.constant 2 : i32
          %add3A_184 = arith.addi %mul3A_130, %add3A_183 : i32
          %dma_start3A_185 = arith.constant 0 : i32
          %dma_start3A_186 = arith.constant 0 : i32
          %dma_start3A_187 = tpu.memref_slice %arg11[%add3A_184, %dma_start3A_185, %dma_start3A_186] : memref<25x2x80xi32, #tpu.memory_space<vmem>> -> memref<1x1x80xi32, #tpu.memory_space<vmem>>
          %dma_start3A_188 = tpu.memref_squeeze %dma_start3A_187 : memref<1x1x80xi32, #tpu.memory_space<vmem>> -> memref<80xi32, #tpu.memory_space<vmem>>
          %dma_start3A_189 = arith.constant 0 : i32
          %dma_start3A_190 = arith.constant 0 : i32
          %dma_start3A_191 = tpu.memref_slice %arg2[%dma_start3A_189, %dma_start3A_190] : memref<10000x112xf32, #tpu.memory_space<hbm>> -> memref<10000x112xf32, #tpu.memory_space<hbm>>
          tpu.enqueue_indirect_dma source(%dma_start3A_191 : memref<10000x112xf32, #tpu.memory_space<hbm>>) target(%arg12 : memref<80x112xf32, #tpu.memory_space<vmem>>) offsets(%dma_start3A_188 : memref<80xi32, #tpu.memory_space<vmem>>) semaphore(%arg19 : memref<!tpu.dma_semaphore, #tpu.memory_space<semaphore_mem>>)
          %dma_start3A_192 = arith.constant 1 : i32
          %dma_start3A_193 = arith.constant 0 : i32
          %dma_start3A_194 = tpu.memref_slice %arg11[%add3A_184, %dma_start3A_192, %dma_start3A_193] : memref<25x2x80xi32, #tpu.memory_space<vmem>> -> memref<1x1x80xi32, #tpu.memory_space<vmem>>
          %dma_start3A_195 = tpu.memref_squeeze %dma_start3A_194 : memref<1x1x80xi32, #tpu.memory_space<vmem>> -> memref<80xi32, #tpu.memory_space<vmem>>
          %dma_start3A_196 = arith.constant 0 : i32
          %dma_start3A_197 = arith.constant 0 : i32
          %dma_start3A_198 = tpu.memref_slice %arg4[%dma_start3A_196, %dma_start3A_197] : memref<10000x112xf32, #tpu.memory_space<hbm>> -> memref<10000x112xf32, #tpu.memory_space<hbm>>
          tpu.enqueue_indirect_dma source(%dma_start3A_198 : memref<10000x112xf32, #tpu.memory_space<hbm>>) target(%arg13 : memref<80x112xf32, #tpu.memory_space<vmem>>) offsets(%dma_start3A_195 : memref<80xi32, #tpu.memory_space<vmem>>) semaphore(%arg19 : memref<!tpu.dma_semaphore, #tpu.memory_space<semaphore_mem>>)
          %add3A_199 = arith.constant 1 : i32
          %add3A_200 = arith.addi %mul3A_130, %add3A_199 : i32
          %dma_wait3A_201 = arith.constant 0 : i32
          %dma_wait3A_202 = arith.constant 0 : i32
          %dma_wait3A_203 = tpu.memref_slice %arg11[%add3A_200, %dma_wait3A_201, %dma_wait3A_202] : memref<25x2x80xi32, #tpu.memory_space<vmem>> -> memref<1x1x80xi32, #tpu.memory_space<vmem>>
          %dma_wait3A_204 = tpu.memref_squeeze %dma_wait3A_203 : memref<1x1x80xi32, #tpu.memory_space<vmem>> -> memref<80xi32, #tpu.memory_space<vmem>>
          %dma_wait3A_205 = arith.constant 0 : i32
          %dma_wait3A_206 = arith.constant 0 : i32
          %dma_wait3A_207 = tpu.memref_slice %arg2[%dma_wait3A_205, %dma_wait3A_206] : memref<10000x112xf32, #tpu.memory_space<hbm>> -> memref<10000x112xf32, #tpu.memory_space<hbm>>
          tpu.wait_indirect_dma semaphore(%arg21 : memref<!tpu.dma_semaphore, #tpu.memory_space<semaphore_mem>>) src(%dma_wait3A_207 : memref<10000x112xf32, #tpu.memory_space<hbm>>) dst(%arg15 : memref<80x112xf32, #tpu.memory_space<vmem>>)
          %dma_wait3A_208 = arith.constant 1 : i32
          %dma_wait3A_209 = arith.constant 0 : i32
          %dma_wait3A_210 = tpu.memref_slice %arg11[%add3A_200, %dma_wait3A_208, %dma_wait3A_209] : memref<25x2x80xi32, #tpu.memory_space<vmem>> -> memref<1x1x80xi32, #tpu.memory_space<vmem>>
          %dma_wait3A_211 = tpu.memref_squeeze %dma_wait3A_210 : memref<1x1x80xi32, #tpu.memory_space<vmem>> -> memref<80xi32, #tpu.memory_space<vmem>>
          %dma_wait3A_212 = arith.constant 0 : i32
          %dma_wait3A_213 = arith.constant 0 : i32
          %dma_wait3A_214 = tpu.memref_slice %arg4[%dma_wait3A_212, %dma_wait3A_213] : memref<10000x112xf32, #tpu.memory_space<hbm>> -> memref<10000x112xf32, #tpu.memory_space<hbm>>
          tpu.wait_indirect_dma semaphore(%arg21 : memref<!tpu.dma_semaphore, #tpu.memory_space<semaphore_mem>>) src(%dma_wait3A_214 : memref<10000x112xf32, #tpu.memory_space<hbm>>) dst(%arg16 : memref<80x112xf32, #tpu.memory_space<vmem>>)
          %scan3A_215 = arith.constant 0 : i32
          %scan3A_216 = arith.constant 0 : i32
          %scan3A_217 = arith.constant 80 : i32
          %scan3A_218 = arith.addi %scan3A_216, %scan3A_217 : i32
          %scan3A_219 = arith.constant 1 : i32
          scf.for %scan3A_230 = %scan3A_216 to %scan3A_218 step %scan3A_219  : i32 {
            %get3A_231 = arith.index_cast %scan3A_230 : i32 to index
            %get3A_232 = arith.constant 96 : index
            %get3A_233 = tpu.vector_load %arg15[%get3A_231, %get3A_232] {strides = array<i32>} : memref<80x112xf32, #tpu.memory_space<vmem>>, vector<16xf32>,
            %get3A_234 = arith.index_cast %scan3A_230 : i32 to index
            %get3A_235 = arith.constant 96 : index
            %get3A_236 = tpu.vector_load %arg16[%get3A_234, %get3A_235] {strides = array<i32>} : memref<80x112xf32, #tpu.memory_space<vmem>>, vector<16xf32>,
            %sub3A = arith.subf %get3A_233, %get3A_236 : vector<16xf32>
            %mul3A_237 = arith.mulf %sub3A, %sub3A : vector<16xf32>
            %slice3A = vector.extract_strided_slice %mul3A_237 {offsets = [0], sizes = [1], strides = [1]} : vector<16xf32> to vector<1xf32>
            %squeeze3A = vector.extract %slice3A[0] : f32 from vector<1xf32>
            %slice3A_238 = vector.extract_strided_slice %mul3A_237 {offsets = [1], sizes = [1], strides = [1]} : vector<16xf32> to vector<1xf32>
            %squeeze3A_239 = vector.extract %slice3A_238[0] : f32 from vector<1xf32>
            %add3A_240 = arith.addf %squeeze3A, %squeeze3A_239 : f32
            %slice3A_241 = vector.extract_strided_slice %mul3A_237 {offsets = [2], sizes = [1], strides = [1]} : vector<16xf32> to vector<1xf32>
            %squeeze3A_242 = vector.extract %slice3A_241[0] : f32 from vector<1xf32>
            %add3A_243 = arith.addf %add3A_240, %squeeze3A_242 : f32
            %broadcast_in_dim3A_244 = vector.broadcast %add3A_243 : f32 to vector<16xf32>
            %bitcast3A = vector.bitcast %broadcast_in_dim3A_244 : vector<16xf32> to vector<16xi32>
            %shift_right_arithmetic3A = arith.constant 1 : i32
            %shift_right_arithmetic3A_245 = vector.broadcast %shift_right_arithmetic3A : i32 to vector<16xi32>
            %shift_right_arithmetic3A_246 = arith.shrsi %bitcast3A, %shift_right_arithmetic3A_245 : vector<16xi32>
            %sub3A_247 = arith.constant 1597463007 : i32
            %sub3A_248 = vector.broadcast %sub3A_247 : i32 to vector<16xi32>
            %sub3A_249 = arith.subi %sub3A_248, %shift_right_arithmetic3A_246 : vector<16xi32>
            %bitcast3A_250 = vector.bitcast %sub3A_249 : vector<16xi32> to vector<16xf32>
            %mul3A_251 = arith.constant 5.000000e-01 : f32
            %mul3A_252 = vector.broadcast %mul3A_251 : f32 to vector<16xf32>
            %mul3A_253 = arith.mulf %mul3A_252, %broadcast_in_dim3A_244 : vector<16xf32>
            %mul3A_254 = arith.mulf %mul3A_253, %bitcast3A_250 : vector<16xf32>
            %mul3A_255 = arith.mulf %mul3A_254, %bitcast3A_250 : vector<16xf32>
            %sub3A_256 = arith.constant 1.500000e+00 : f32
            %sub3A_257 = vector.broadcast %sub3A_256 : f32 to vector<16xf32>
            %sub3A_258 = arith.subf %sub3A_257, %mul3A_255 : vector<16xf32>
            %mul3A_259 = arith.mulf %bitcast3A_250, %sub3A_258 : vector<16xf32>
            %mul3A_260 = arith.constant 5.000000e-01 : f32
            %mul3A_261 = vector.broadcast %mul3A_260 : f32 to vector<16xf32>
            %mul3A_262 = arith.mulf %mul3A_261, %broadcast_in_dim3A_244 : vector<16xf32>
            %mul3A_263 = arith.mulf %mul3A_262, %mul3A_259 : vector<16xf32>
            %mul3A_264 = arith.mulf %mul3A_263, %mul3A_259 : vector<16xf32>
            %sub3A_265 = arith.constant 1.500000e+00 : f32
            %sub3A_266 = vector.broadcast %sub3A_265 : f32 to vector<16xf32>
            %sub3A_267 = arith.subf %sub3A_266, %mul3A_264 : vector<16xf32>
            %mul3A_268 = arith.mulf %mul3A_259, %sub3A_267 : vector<16xf32>
            %mul3A_269 = arith.constant 5.000000e-01 : f32
            %mul3A_270 = vector.broadcast %mul3A_269 : f32 to vector<16xf32>
            %mul3A_271 = arith.mulf %mul3A_270, %broadcast_in_dim3A_244 : vector<16xf32>
            %mul3A_272 = arith.mulf %mul3A_271, %mul3A_268 : vector<16xf32>
            %mul3A_273 = arith.mulf %mul3A_272, %mul3A_268 : vector<16xf32>
            %sub3A_274 = arith.constant 1.500000e+00 : f32
            %sub3A_275 = vector.broadcast %sub3A_274 : f32 to vector<16xf32>
            %sub3A_276 = arith.subf %sub3A_275, %mul3A_273 : vector<16xf32>
            %mul3A_277 = arith.mulf %mul3A_268, %sub3A_276 : vector<16xf32>
            %gt3A_278 = arith.constant 0.000000e+00 : f32
            %gt3A_279 = vector.broadcast %gt3A_278 : f32 to vector<16xf32>
            %gt3A_280 = arith.cmpf ogt, %broadcast_in_dim3A_244, %gt3A_279 : vector<16xf32>
            %mul3A_281 = arith.mulf %broadcast_in_dim3A_244, %mul3A_277 : vector<16xf32>
            %jit3A = arith.constant 0.000000e+00 : f32
            %broadcast_in_dim3A_282 = vector.broadcast %jit3A : f32 to vector<16xf32>
            %select_n3A_283 = arith.select %gt3A_280, %mul3A_281, %broadcast_in_dim3A_282 : vector<16xi1>, vector<16xf32>
            %bitcast3A_284 = vector.bitcast %select_n3A_283 : vector<16xf32> to vector<16xi32>
            %add3A_285 = arith.constant 32767 : i32
            %add3A_286 = vector.broadcast %add3A_285 : i32 to vector<16xi32>
            %add3A_287 = arith.addi %bitcast3A_284, %add3A_286 : vector<16xi32>
            %shift_right_arithmetic3A_288 = arith.constant 16 : i32
            %shift_right_arithmetic3A_289 = vector.broadcast %shift_right_arithmetic3A_288 : i32 to vector<16xi32>
            %shift_right_arithmetic3A_290 = arith.shrsi %bitcast3A_284, %shift_right_arithmetic3A_289 : vector<16xi32>
            %and3A = arith.constant 1 : i32
            %and3A_291 = vector.broadcast %and3A : i32 to vector<16xi32>
            %and3A_292 = arith.andi %shift_right_arithmetic3A_290, %and3A_291 : vector<16xi32>
            %add3A_293 = arith.addi %add3A_287, %and3A_292 : vector<16xi32>
            %and3A_294 = arith.constant -65536 : i32
            %and3A_295 = vector.broadcast %and3A_294 : i32 to vector<16xi32>
            %and3A_296 = arith.andi %add3A_293, %and3A_295 : vector<16xi32>
            %bitcast3A_297 = vector.bitcast %and3A_296 : vector<16xi32> to vector<16xf32>
            %get3A_298 = arith.index_cast %scan3A_230 : i32 to index
            %get3A_299 = arith.constant 0 : index
            %get3A_300 = tpu.vector_load %arg15[%get3A_298, %get3A_299] {strides = array<i32>} : memref<80x112xf32, #tpu.memory_space<vmem>>, vector<16xf32>,
            %get3A_301 = arith.index_cast %scan3A_230 : i32 to index
            %get3A_302 = arith.constant 0 : index
            %get3A_303 = tpu.vector_load %arg16[%get3A_301, %get3A_302] {strides = array<i32>} : memref<80x112xf32, #tpu.memory_space<vmem>>, vector<16xf32>,
            %add3A_304 = arith.addf %get3A_300, %get3A_303 : vector<16xf32>
            %mul3A_305 = arith.mulf %bitcast3A_297, %get3A_21 : vector<16xf32>
            %add3A_306 = arith.addf %add3A_304, %mul3A_305 : vector<16xf32>
            %max3A = arith.constant 0.000000e+00 : f32
            %max3A_307 = vector.broadcast %max3A : f32 to vector<16xf32>
            %max3A_308 = arith.maximumf %add3A_306, %max3A_307 : vector<16xf32>
            %swap3A = arith.index_cast %scan3A_230 : i32 to index
            %swap3A_309 = arith.constant 0 : index
            %swap3A_310 = tpu.vector_load %arg17[%swap3A, %swap3A_309] {strides = array<i32>} : memref<80x112xf32, #tpu.memory_space<vmem>>, vector<16xf32>,
            tpu.vector_store %arg17[%swap3A, %swap3A_309], %max3A_308 {strides = array<i32>} : memref<80x112xf32, #tpu.memory_space<vmem>>, vector<16xf32>,
            %get3A_311 = arith.index_cast %scan3A_230 : i32 to index
            %get3A_312 = arith.constant 16 : index
            %get3A_313 = tpu.vector_load %arg15[%get3A_311, %get3A_312] {strides = array<i32>} : memref<80x112xf32, #tpu.memory_space<vmem>>, vector<16xf32>,
            %get3A_314 = arith.index_cast %scan3A_230 : i32 to index
            %get3A_315 = arith.constant 16 : index
            %get3A_316 = tpu.vector_load %arg16[%get3A_314, %get3A_315] {strides = array<i32>} : memref<80x112xf32, #tpu.memory_space<vmem>>, vector<16xf32>,
            %add3A_317 = arith.addf %get3A_313, %get3A_316 : vector<16xf32>
            %mul3A_318 = arith.mulf %bitcast3A_297, %get3A_23 : vector<16xf32>
            %add3A_319 = arith.addf %add3A_317, %mul3A_318 : vector<16xf32>
            %max3A_320 = arith.constant 0.000000e+00 : f32
            %max3A_321 = vector.broadcast %max3A_320 : f32 to vector<16xf32>
            %max3A_322 = arith.maximumf %add3A_319, %max3A_321 : vector<16xf32>
            %swap3A_323 = arith.index_cast %scan3A_230 : i32 to index
            %swap3A_324 = arith.constant 16 : index
            %swap3A_325 = tpu.vector_load %arg17[%swap3A_323, %swap3A_324] {strides = array<i32>} : memref<80x112xf32, #tpu.memory_space<vmem>>, vector<16xf32>,
            tpu.vector_store %arg17[%swap3A_323, %swap3A_324], %max3A_322 {strides = array<i32>} : memref<80x112xf32, #tpu.memory_space<vmem>>, vector<16xf32>,
            %get3A_326 = arith.index_cast %scan3A_230 : i32 to index
            %get3A_327 = arith.constant 32 : index
            %get3A_328 = tpu.vector_load %arg15[%get3A_326, %get3A_327] {strides = array<i32>} : memref<80x112xf32, #tpu.memory_space<vmem>>, vector<16xf32>,
            %get3A_329 = arith.index_cast %scan3A_230 : i32 to index
            %get3A_330 = arith.constant 32 : index
            %get3A_331 = tpu.vector_load %arg16[%get3A_329, %get3A_330] {strides = array<i32>} : memref<80x112xf32, #tpu.memory_space<vmem>>, vector<16xf32>,
            %add3A_332 = arith.addf %get3A_328, %get3A_331 : vector<16xf32>
            %mul3A_333 = arith.mulf %bitcast3A_297, %get3A_25 : vector<16xf32>
            %add3A_334 = arith.addf %add3A_332, %mul3A_333 : vector<16xf32>
            %max3A_335 = arith.constant 0.000000e+00 : f32
            %max3A_336 = vector.broadcast %max3A_335 : f32 to vector<16xf32>
            %max3A_337 = arith.maximumf %add3A_334, %max3A_336 : vector<16xf32>
            %swap3A_338 = arith.index_cast %scan3A_230 : i32 to index
            %swap3A_339 = arith.constant 32 : index
            %swap3A_340 = tpu.vector_load %arg17[%swap3A_338, %swap3A_339] {strides = array<i32>} : memref<80x112xf32, #tpu.memory_space<vmem>>, vector<16xf32>,
            tpu.vector_store %arg17[%swap3A_338, %swap3A_339], %max3A_337 {strides = array<i32>} : memref<80x112xf32, #tpu.memory_space<vmem>>, vector<16xf32>,
            %get3A_341 = arith.index_cast %scan3A_230 : i32 to index
            %get3A_342 = arith.constant 48 : index
            %get3A_343 = tpu.vector_load %arg15[%get3A_341, %get3A_342] {strides = array<i32>} : memref<80x112xf32, #tpu.memory_space<vmem>>, vector<16xf32>,
            %get3A_344 = arith.index_cast %scan3A_230 : i32 to index
            %get3A_345 = arith.constant 48 : index
            %get3A_346 = tpu.vector_load %arg16[%get3A_344, %get3A_345] {strides = array<i32>} : memref<80x112xf32, #tpu.memory_space<vmem>>, vector<16xf32>,
            %add3A_347 = arith.addf %get3A_343, %get3A_346 : vector<16xf32>
            %mul3A_348 = arith.mulf %bitcast3A_297, %get3A_27 : vector<16xf32>
            %add3A_349 = arith.addf %add3A_347, %mul3A_348 : vector<16xf32>
            %max3A_350 = arith.constant 0.000000e+00 : f32
            %max3A_351 = vector.broadcast %max3A_350 : f32 to vector<16xf32>
            %max3A_352 = arith.maximumf %add3A_349, %max3A_351 : vector<16xf32>
            %swap3A_353 = arith.index_cast %scan3A_230 : i32 to index
            %swap3A_354 = arith.constant 48 : index
            %swap3A_355 = tpu.vector_load %arg17[%swap3A_353, %swap3A_354] {strides = array<i32>} : memref<80x112xf32, #tpu.memory_space<vmem>>, vector<16xf32>,
            tpu.vector_store %arg17[%swap3A_353, %swap3A_354], %max3A_352 {strides = array<i32>} : memref<80x112xf32, #tpu.memory_space<vmem>>, vector<16xf32>,
            %get3A_356 = arith.index_cast %scan3A_230 : i32 to index
            %get3A_357 = arith.constant 64 : index
            %get3A_358 = tpu.vector_load %arg15[%get3A_356, %get3A_357] {strides = array<i32>} : memref<80x112xf32, #tpu.memory_space<vmem>>, vector<16xf32>,
            %get3A_359 = arith.index_cast %scan3A_230 : i32 to index
            %get3A_360 = arith.constant 64 : index
            %get3A_361 = tpu.vector_load %arg16[%get3A_359, %get3A_360] {strides = array<i32>} : memref<80x112xf32, #tpu.memory_space<vmem>>, vector<16xf32>,
            %add3A_362 = arith.addf %get3A_358, %get3A_361 : vector<16xf32>
            %mul3A_363 = arith.mulf %bitcast3A_297, %get3A_29 : vector<16xf32>
            %add3A_364 = arith.addf %add3A_362, %mul3A_363 : vector<16xf32>
            %max3A_365 = arith.constant 0.000000e+00 : f32
            %max3A_366 = vector.broadcast %max3A_365 : f32 to vector<16xf32>
            %max3A_367 = arith.maximumf %add3A_364, %max3A_366 : vector<16xf32>
            %swap3A_368 = arith.index_cast %scan3A_230 : i32 to index
            %swap3A_369 = arith.constant 64 : index
            %swap3A_370 = tpu.vector_load %arg17[%swap3A_368, %swap3A_369] {strides = array<i32>} : memref<80x112xf32, #tpu.memory_space<vmem>>, vector<16xf32>,
            tpu.vector_store %arg17[%swap3A_368, %swap3A_369], %max3A_367 {strides = array<i32>} : memref<80x112xf32, #tpu.memory_space<vmem>>, vector<16xf32>,
            %get3A_371 = arith.index_cast %scan3A_230 : i32 to index
            %get3A_372 = arith.constant 80 : index
            %get3A_373 = tpu.vector_load %arg15[%get3A_371, %get3A_372] {strides = array<i32>} : memref<80x112xf32, #tpu.memory_space<vmem>>, vector<16xf32>,
            %get3A_374 = arith.index_cast %scan3A_230 : i32 to index
            %get3A_375 = arith.constant 80 : index
            %get3A_376 = tpu.vector_load %arg16[%get3A_374, %get3A_375] {strides = array<i32>} : memref<80x112xf32, #tpu.memory_space<vmem>>, vector<16xf32>,
            %add3A_377 = arith.addf %get3A_373, %get3A_376 : vector<16xf32>
            %mul3A_378 = arith.mulf %bitcast3A_297, %get3A_31 : vector<16xf32>
            %add3A_379 = arith.addf %add3A_377, %mul3A_378 : vector<16xf32>
            %max3A_380 = arith.constant 0.000000e+00 : f32
            %max3A_381 = vector.broadcast %max3A_380 : f32 to vector<16xf32>
            %max3A_382 = arith.maximumf %add3A_379, %max3A_381 : vector<16xf32>
            %swap3A_383 = arith.index_cast %scan3A_230 : i32 to index
            %swap3A_384 = arith.constant 80 : index
            %swap3A_385 = tpu.vector_load %arg17[%swap3A_383, %swap3A_384] {strides = array<i32>} : memref<80x112xf32, #tpu.memory_space<vmem>>, vector<16xf32>,
            tpu.vector_store %arg17[%swap3A_383, %swap3A_384], %max3A_382 {strides = array<i32>} : memref<80x112xf32, #tpu.memory_space<vmem>>, vector<16xf32>,
          }
          %scan3A_220 = arith.constant 80 : i32
          %add3A_221 = arith.constant 1 : i32
          %add3A_222 = arith.addi %mul3A_130, %add3A_221 : i32
          %dma_start3A_223 = arith.constant 0 : i32
          %dma_start3A_224 = arith.constant 0 : i32
          %dma_start3A_225 = tpu.memref_slice %arg11[%add3A_222, %dma_start3A_223, %dma_start3A_224] : memref<25x2x80xi32, #tpu.memory_space<vmem>> -> memref<1x1x80xi32, #tpu.memory_space<vmem>>
          %dma_start3A_226 = tpu.memref_squeeze %dma_start3A_225 : memref<1x1x80xi32, #tpu.memory_space<vmem>> -> memref<80xi32, #tpu.memory_space<vmem>>
          %dma_start3A_227 = arith.constant 0 : i32
          %dma_start3A_228 = arith.constant 0 : i32
          %dma_start3A_229 = tpu.memref_slice %arg10[%dma_start3A_227, %dma_start3A_228] : memref<10000x112xf32, #tpu.memory_space<vmem_shared>> -> memref<10000x112xf32, #tpu.memory_space<vmem_shared>>
          tpu.enqueue_indirect_dma source(%arg17 : memref<80x112xf32, #tpu.memory_space<vmem>>) target(%dma_start3A_229 : memref<10000x112xf32, #tpu.memory_space<vmem_shared>>) offsets(%dma_start3A_226 : memref<80xi32, #tpu.memory_space<vmem>>) semaphore(%arg22 : memref<!tpu.dma_semaphore, #tpu.memory_space<semaphore_mem>>) {add = true}
        }
        %scan3A_74 = arith.constant 12 : i32
        %dma_wait3A = arith.constant 22 : i32
        %dma_wait3A_75 = arith.constant 0 : i32
        %dma_wait3A_76 = arith.constant 0 : i32
        %dma_wait3A_77 = tpu.memref_slice %arg11[%dma_wait3A, %dma_wait3A_75, %dma_wait3A_76] : memref<25x2x80xi32, #tpu.memory_space<vmem>> -> memref<1x1x80xi32, #tpu.memory_space<vmem>>
        %dma_wait3A_78 = tpu.memref_squeeze %dma_wait3A_77 : memref<1x1x80xi32, #tpu.memory_space<vmem>> -> memref<80xi32, #tpu.memory_space<vmem>>
        %dma_wait3A_79 = arith.constant 0 : i32
        %dma_wait3A_80 = arith.constant 0 : i32
        %dma_wait3A_81 = tpu.memref_slice %arg10[%dma_wait3A_79, %dma_wait3A_80] : memref<10000x112xf32, #tpu.memory_space<vmem_shared>> -> memref<10000x112xf32, #tpu.memory_space<vmem_shared>>
        tpu.wait_indirect_dma semaphore(%arg20 : memref<!tpu.dma_semaphore, #tpu.memory_space<semaphore_mem>>) src(%arg14 : memref<80x112xf32, #tpu.memory_space<vmem>>) dst(%dma_wait3A_81 : memref<10000x112xf32, #tpu.memory_space<vmem_shared>>)
        %dma_wait3A_82 = arith.constant 24 : i32
        %dma_wait3A_83 = arith.constant 0 : i32
        %dma_wait3A_84 = arith.constant 0 : i32
        %dma_wait3A_85 = tpu.memref_slice %arg11[%dma_wait3A_82, %dma_wait3A_83, %dma_wait3A_84] : memref<25x2x80xi32, #tpu.memory_space<vmem>> -> memref<1x1x80xi32, #tpu.memory_space<vmem>>
        %dma_wait3A_86 = tpu.memref_squeeze %dma_wait3A_85 : memref<1x1x80xi32, #tpu.memory_space<vmem>> -> memref<80xi32, #tpu.memory_space<vmem>>
        %dma_wait3A_87 = arith.constant 0 : i32
        %dma_wait3A_88 = arith.constant 0 : i32
        %dma_wait3A_89 = tpu.memref_slice %arg2[%dma_wait3A_87, %dma_wait3A_88] : memref<10000x112xf32, #tpu.memory_space<hbm>> -> memref<10000x112xf32, #tpu.memory_space<hbm>>
        tpu.wait_indirect_dma semaphore(%arg19 : memref<!tpu.dma_semaphore, #tpu.memory_space<semaphore_mem>>) src(%dma_wait3A_89 : memref<10000x112xf32, #tpu.memory_space<hbm>>) dst(%arg12 : memref<80x112xf32, #tpu.memory_space<vmem>>)
        %dma_wait3A_90 = arith.constant 24 : i32
        %dma_wait3A_91 = arith.constant 1 : i32
        %dma_wait3A_92 = arith.constant 0 : i32
        %dma_wait3A_93 = tpu.memref_slice %arg11[%dma_wait3A_90, %dma_wait3A_91, %dma_wait3A_92] : memref<25x2x80xi32, #tpu.memory_space<vmem>> -> memref<1x1x80xi32, #tpu.memory_space<vmem>>
        %dma_wait3A_94 = tpu.memref_squeeze %dma_wait3A_93 : memref<1x1x80xi32, #tpu.memory_space<vmem>> -> memref<80xi32, #tpu.memory_space<vmem>>
        %dma_wait3A_95 = arith.constant 0 : i32
        %dma_wait3A_96 = arith.constant 0 : i32
        %dma_wait3A_97 = tpu.memref_slice %arg4[%dma_wait3A_95, %dma_wait3A_96] : memref<10000x112xf32, #tpu.memory_space<hbm>> -> memref<10000x112xf32, #tpu.memory_space<hbm>>
        tpu.wait_indirect_dma semaphore(%arg19 : memref<!tpu.dma_semaphore, #tpu.memory_space<semaphore_mem>>) src(%dma_wait3A_97 : memref<10000x112xf32, #tpu.memory_space<hbm>>) dst(%arg13 : memref<80x112xf32, #tpu.memory_space<vmem>>)
        %scan3A_98 = arith.constant 0 : i32
        %scan3A_99 = arith.constant 0 : i32
        %scan3A_100 = arith.constant 80 : i32
        %scan3A_101 = arith.addi %scan3A_99, %scan3A_100 : i32
        %scan3A_102 = arith.constant 1 : i32
        scf.for %scan3A_128 = %scan3A_99 to %scan3A_101 step %scan3A_102  : i32 {
          %get3A_129 = arith.index_cast %scan3A_128 : i32 to index
          %get3A_130 = arith.constant 96 : index
          %get3A_131 = tpu.vector_load %arg12[%get3A_129, %get3A_130] {strides = array<i32>} : memref<80x112xf32, #tpu.memory_space<vmem>>, vector<16xf32>,
          %get3A_132 = arith.index_cast %scan3A_128 : i32 to index
          %get3A_133 = arith.constant 96 : index
          %get3A_134 = tpu.vector_load %arg13[%get3A_132, %get3A_133] {strides = array<i32>} : memref<80x112xf32, #tpu.memory_space<vmem>>, vector<16xf32>,
          %sub3A = arith.subf %get3A_131, %get3A_134 : vector<16xf32>
          %mul3A_135 = arith.mulf %sub3A, %sub3A : vector<16xf32>
          %slice3A = vector.extract_strided_slice %mul3A_135 {offsets = [0], sizes = [1], strides = [1]} : vector<16xf32> to vector<1xf32>
          %squeeze3A = vector.extract %slice3A[0] : f32 from vector<1xf32>
          %slice3A_136 = vector.extract_strided_slice %mul3A_135 {offsets = [1], sizes = [1], strides = [1]} : vector<16xf32> to vector<1xf32>
          %squeeze3A_137 = vector.extract %slice3A_136[0] : f32 from vector<1xf32>
          %add3A_138 = arith.addf %squeeze3A, %squeeze3A_137 : f32
          %slice3A_139 = vector.extract_strided_slice %mul3A_135 {offsets = [2], sizes = [1], strides = [1]} : vector<16xf32> to vector<1xf32>
          %squeeze3A_140 = vector.extract %slice3A_139[0] : f32 from vector<1xf32>
          %add3A_141 = arith.addf %add3A_138, %squeeze3A_140 : f32
          %broadcast_in_dim3A_142 = vector.broadcast %add3A_141 : f32 to vector<16xf32>
          %bitcast3A = vector.bitcast %broadcast_in_dim3A_142 : vector<16xf32> to vector<16xi32>
          %shift_right_arithmetic3A = arith.constant 1 : i32
          %shift_right_arithmetic3A_143 = vector.broadcast %shift_right_arithmetic3A : i32 to vector<16xi32>
          %shift_right_arithmetic3A_144 = arith.shrsi %bitcast3A, %shift_right_arithmetic3A_143 : vector<16xi32>
          %sub3A_145 = arith.constant 1597463007 : i32
          %sub3A_146 = vector.broadcast %sub3A_145 : i32 to vector<16xi32>
          %sub3A_147 = arith.subi %sub3A_146, %shift_right_arithmetic3A_144 : vector<16xi32>
          %bitcast3A_148 = vector.bitcast %sub3A_147 : vector<16xi32> to vector<16xf32>
          %mul3A_149 = arith.constant 5.000000e-01 : f32
          %mul3A_150 = vector.broadcast %mul3A_149 : f32 to vector<16xf32>
          %mul3A_151 = arith.mulf %mul3A_150, %broadcast_in_dim3A_142 : vector<16xf32>
          %mul3A_152 = arith.mulf %mul3A_151, %bitcast3A_148 : vector<16xf32>
          %mul3A_153 = arith.mulf %mul3A_152, %bitcast3A_148 : vector<16xf32>
          %sub3A_154 = arith.constant 1.500000e+00 : f32
          %sub3A_155 = vector.broadcast %sub3A_154 : f32 to vector<16xf32>
          %sub3A_156 = arith.subf %sub3A_155, %mul3A_153 : vector<16xf32>
          %mul3A_157 = arith.mulf %bitcast3A_148, %sub3A_156 : vector<16xf32>
          %mul3A_158 = arith.constant 5.000000e-01 : f32
          %mul3A_159 = vector.broadcast %mul3A_158 : f32 to vector<16xf32>
          %mul3A_160 = arith.mulf %mul3A_159, %broadcast_in_dim3A_142 : vector<16xf32>
          %mul3A_161 = arith.mulf %mul3A_160, %mul3A_157 : vector<16xf32>
          %mul3A_162 = arith.mulf %mul3A_161, %mul3A_157 : vector<16xf32>
          %sub3A_163 = arith.constant 1.500000e+00 : f32
          %sub3A_164 = vector.broadcast %sub3A_163 : f32 to vector<16xf32>
          %sub3A_165 = arith.subf %sub3A_164, %mul3A_162 : vector<16xf32>
          %mul3A_166 = arith.mulf %mul3A_157, %sub3A_165 : vector<16xf32>
          %mul3A_167 = arith.constant 5.000000e-01 : f32
          %mul3A_168 = vector.broadcast %mul3A_167 : f32 to vector<16xf32>
          %mul3A_169 = arith.mulf %mul3A_168, %broadcast_in_dim3A_142 : vector<16xf32>
          %mul3A_170 = arith.mulf %mul3A_169, %mul3A_166 : vector<16xf32>
          %mul3A_171 = arith.mulf %mul3A_170, %mul3A_166 : vector<16xf32>
          %sub3A_172 = arith.constant 1.500000e+00 : f32
          %sub3A_173 = vector.broadcast %sub3A_172 : f32 to vector<16xf32>
          %sub3A_174 = arith.subf %sub3A_173, %mul3A_171 : vector<16xf32>
          %mul3A_175 = arith.mulf %mul3A_166, %sub3A_174 : vector<16xf32>
          %gt3A = arith.constant 0.000000e+00 : f32
          %gt3A_176 = vector.broadcast %gt3A : f32 to vector<16xf32>
          %gt3A_177 = arith.cmpf ogt, %broadcast_in_dim3A_142, %gt3A_176 : vector<16xf32>
          %mul3A_178 = arith.mulf %broadcast_in_dim3A_142, %mul3A_175 : vector<16xf32>
          %jit3A = arith.constant 0.000000e+00 : f32
          %broadcast_in_dim3A_179 = vector.broadcast %jit3A : f32 to vector<16xf32>
          %select_n3A_180 = arith.select %gt3A_177, %mul3A_178, %broadcast_in_dim3A_179 : vector<16xi1>, vector<16xf32>
          %bitcast3A_181 = vector.bitcast %select_n3A_180 : vector<16xf32> to vector<16xi32>
          %add3A_182 = arith.constant 32767 : i32
          %add3A_183 = vector.broadcast %add3A_182 : i32 to vector<16xi32>
          %add3A_184 = arith.addi %bitcast3A_181, %add3A_183 : vector<16xi32>
          %shift_right_arithmetic3A_185 = arith.constant 16 : i32
          %shift_right_arithmetic3A_186 = vector.broadcast %shift_right_arithmetic3A_185 : i32 to vector<16xi32>
          %shift_right_arithmetic3A_187 = arith.shrsi %bitcast3A_181, %shift_right_arithmetic3A_186 : vector<16xi32>
          %and3A = arith.constant 1 : i32
          %and3A_188 = vector.broadcast %and3A : i32 to vector<16xi32>
          %and3A_189 = arith.andi %shift_right_arithmetic3A_187, %and3A_188 : vector<16xi32>
          %add3A_190 = arith.addi %add3A_184, %and3A_189 : vector<16xi32>
          %and3A_191 = arith.constant -65536 : i32
          %and3A_192 = vector.broadcast %and3A_191 : i32 to vector<16xi32>
          %and3A_193 = arith.andi %add3A_190, %and3A_192 : vector<16xi32>
          %bitcast3A_194 = vector.bitcast %and3A_193 : vector<16xi32> to vector<16xf32>
          %get3A_195 = arith.index_cast %scan3A_128 : i32 to index
          %get3A_196 = arith.constant 0 : index
          %get3A_197 = tpu.vector_load %arg12[%get3A_195, %get3A_196] {strides = array<i32>} : memref<80x112xf32, #tpu.memory_space<vmem>>, vector<16xf32>,
          %get3A_198 = arith.index_cast %scan3A_128 : i32 to index
          %get3A_199 = arith.constant 0 : index
          %get3A_200 = tpu.vector_load %arg13[%get3A_198, %get3A_199] {strides = array<i32>} : memref<80x112xf32, #tpu.memory_space<vmem>>, vector<16xf32>,
          %add3A_201 = arith.addf %get3A_197, %get3A_200 : vector<16xf32>
          %mul3A_202 = arith.mulf %bitcast3A_194, %get3A_21 : vector<16xf32>
          %add3A_203 = arith.addf %add3A_201, %mul3A_202 : vector<16xf32>
          %max3A = arith.constant 0.000000e+00 : f32
          %max3A_204 = vector.broadcast %max3A : f32 to vector<16xf32>
          %max3A_205 = arith.maximumf %add3A_203, %max3A_204 : vector<16xf32>
          %swap3A = arith.index_cast %scan3A_128 : i32 to index
          %swap3A_206 = arith.constant 0 : index
          %swap3A_207 = tpu.vector_load %arg14[%swap3A, %swap3A_206] {strides = array<i32>} : memref<80x112xf32, #tpu.memory_space<vmem>>, vector<16xf32>,
          tpu.vector_store %arg14[%swap3A, %swap3A_206], %max3A_205 {strides = array<i32>} : memref<80x112xf32, #tpu.memory_space<vmem>>, vector<16xf32>,
          %get3A_208 = arith.index_cast %scan3A_128 : i32 to index
          %get3A_209 = arith.constant 16 : index
          %get3A_210 = tpu.vector_load %arg12[%get3A_208, %get3A_209] {strides = array<i32>} : memref<80x112xf32, #tpu.memory_space<vmem>>, vector<16xf32>,
          %get3A_211 = arith.index_cast %scan3A_128 : i32 to index
          %get3A_212 = arith.constant 16 : index
          %get3A_213 = tpu.vector_load %arg13[%get3A_211, %get3A_212] {strides = array<i32>} : memref<80x112xf32, #tpu.memory_space<vmem>>, vector<16xf32>,
          %add3A_214 = arith.addf %get3A_210, %get3A_213 : vector<16xf32>
          %mul3A_215 = arith.mulf %bitcast3A_194, %get3A_23 : vector<16xf32>
          %add3A_216 = arith.addf %add3A_214, %mul3A_215 : vector<16xf32>
          %max3A_217 = arith.constant 0.000000e+00 : f32
          %max3A_218 = vector.broadcast %max3A_217 : f32 to vector<16xf32>
          %max3A_219 = arith.maximumf %add3A_216, %max3A_218 : vector<16xf32>
          %swap3A_220 = arith.index_cast %scan3A_128 : i32 to index
          %swap3A_221 = arith.constant 16 : index
          %swap3A_222 = tpu.vector_load %arg14[%swap3A_220, %swap3A_221] {strides = array<i32>} : memref<80x112xf32, #tpu.memory_space<vmem>>, vector<16xf32>,
          tpu.vector_store %arg14[%swap3A_220, %swap3A_221], %max3A_219 {strides = array<i32>} : memref<80x112xf32, #tpu.memory_space<vmem>>, vector<16xf32>,
          %get3A_223 = arith.index_cast %scan3A_128 : i32 to index
          %get3A_224 = arith.constant 32 : index
          %get3A_225 = tpu.vector_load %arg12[%get3A_223, %get3A_224] {strides = array<i32>} : memref<80x112xf32, #tpu.memory_space<vmem>>, vector<16xf32>,
          %get3A_226 = arith.index_cast %scan3A_128 : i32 to index
          %get3A_227 = arith.constant 32 : index
          %get3A_228 = tpu.vector_load %arg13[%get3A_226, %get3A_227] {strides = array<i32>} : memref<80x112xf32, #tpu.memory_space<vmem>>, vector<16xf32>,
          %add3A_229 = arith.addf %get3A_225, %get3A_228 : vector<16xf32>
          %mul3A_230 = arith.mulf %bitcast3A_194, %get3A_25 : vector<16xf32>
          %add3A_231 = arith.addf %add3A_229, %mul3A_230 : vector<16xf32>
          %max3A_232 = arith.constant 0.000000e+00 : f32
          %max3A_233 = vector.broadcast %max3A_232 : f32 to vector<16xf32>
          %max3A_234 = arith.maximumf %add3A_231, %max3A_233 : vector<16xf32>
          %swap3A_235 = arith.index_cast %scan3A_128 : i32 to index
          %swap3A_236 = arith.constant 32 : index
          %swap3A_237 = tpu.vector_load %arg14[%swap3A_235, %swap3A_236] {strides = array<i32>} : memref<80x112xf32, #tpu.memory_space<vmem>>, vector<16xf32>,
          tpu.vector_store %arg14[%swap3A_235, %swap3A_236], %max3A_234 {strides = array<i32>} : memref<80x112xf32, #tpu.memory_space<vmem>>, vector<16xf32>,
          %get3A_238 = arith.index_cast %scan3A_128 : i32 to index
          %get3A_239 = arith.constant 48 : index
          %get3A_240 = tpu.vector_load %arg12[%get3A_238, %get3A_239] {strides = array<i32>} : memref<80x112xf32, #tpu.memory_space<vmem>>, vector<16xf32>,
          %get3A_241 = arith.index_cast %scan3A_128 : i32 to index
          %get3A_242 = arith.constant 48 : index
          %get3A_243 = tpu.vector_load %arg13[%get3A_241, %get3A_242] {strides = array<i32>} : memref<80x112xf32, #tpu.memory_space<vmem>>, vector<16xf32>,
          %add3A_244 = arith.addf %get3A_240, %get3A_243 : vector<16xf32>
          %mul3A_245 = arith.mulf %bitcast3A_194, %get3A_27 : vector<16xf32>
          %add3A_246 = arith.addf %add3A_244, %mul3A_245 : vector<16xf32>
          %max3A_247 = arith.constant 0.000000e+00 : f32
          %max3A_248 = vector.broadcast %max3A_247 : f32 to vector<16xf32>
          %max3A_249 = arith.maximumf %add3A_246, %max3A_248 : vector<16xf32>
          %swap3A_250 = arith.index_cast %scan3A_128 : i32 to index
          %swap3A_251 = arith.constant 48 : index
          %swap3A_252 = tpu.vector_load %arg14[%swap3A_250, %swap3A_251] {strides = array<i32>} : memref<80x112xf32, #tpu.memory_space<vmem>>, vector<16xf32>,
          tpu.vector_store %arg14[%swap3A_250, %swap3A_251], %max3A_249 {strides = array<i32>} : memref<80x112xf32, #tpu.memory_space<vmem>>, vector<16xf32>,
          %get3A_253 = arith.index_cast %scan3A_128 : i32 to index
          %get3A_254 = arith.constant 64 : index
          %get3A_255 = tpu.vector_load %arg12[%get3A_253, %get3A_254] {strides = array<i32>} : memref<80x112xf32, #tpu.memory_space<vmem>>, vector<16xf32>,
          %get3A_256 = arith.index_cast %scan3A_128 : i32 to index
          %get3A_257 = arith.constant 64 : index
          %get3A_258 = tpu.vector_load %arg13[%get3A_256, %get3A_257] {strides = array<i32>} : memref<80x112xf32, #tpu.memory_space<vmem>>, vector<16xf32>,
          %add3A_259 = arith.addf %get3A_255, %get3A_258 : vector<16xf32>
          %mul3A_260 = arith.mulf %bitcast3A_194, %get3A_29 : vector<16xf32>
          %add3A_261 = arith.addf %add3A_259, %mul3A_260 : vector<16xf32>
          %max3A_262 = arith.constant 0.000000e+00 : f32
          %max3A_263 = vector.broadcast %max3A_262 : f32 to vector<16xf32>
          %max3A_264 = arith.maximumf %add3A_261, %max3A_263 : vector<16xf32>
          %swap3A_265 = arith.index_cast %scan3A_128 : i32 to index
          %swap3A_266 = arith.constant 64 : index
          %swap3A_267 = tpu.vector_load %arg14[%swap3A_265, %swap3A_266] {strides = array<i32>} : memref<80x112xf32, #tpu.memory_space<vmem>>, vector<16xf32>,
          tpu.vector_store %arg14[%swap3A_265, %swap3A_266], %max3A_264 {strides = array<i32>} : memref<80x112xf32, #tpu.memory_space<vmem>>, vector<16xf32>,
          %get3A_268 = arith.index_cast %scan3A_128 : i32 to index
          %get3A_269 = arith.constant 80 : index
          %get3A_270 = tpu.vector_load %arg12[%get3A_268, %get3A_269] {strides = array<i32>} : memref<80x112xf32, #tpu.memory_space<vmem>>, vector<16xf32>,
          %get3A_271 = arith.index_cast %scan3A_128 : i32 to index
          %get3A_272 = arith.constant 80 : index
          %get3A_273 = tpu.vector_load %arg13[%get3A_271, %get3A_272] {strides = array<i32>} : memref<80x112xf32, #tpu.memory_space<vmem>>, vector<16xf32>,
          %add3A_274 = arith.addf %get3A_270, %get3A_273 : vector<16xf32>
          %mul3A_275 = arith.mulf %bitcast3A_194, %get3A_31 : vector<16xf32>
          %add3A_276 = arith.addf %add3A_274, %mul3A_275 : vector<16xf32>
          %max3A_277 = arith.constant 0.000000e+00 : f32
          %max3A_278 = vector.broadcast %max3A_277 : f32 to vector<16xf32>
          %max3A_279 = arith.maximumf %add3A_276, %max3A_278 : vector<16xf32>
          %swap3A_280 = arith.index_cast %scan3A_128 : i32 to index
          %swap3A_281 = arith.constant 80 : index
          %swap3A_282 = tpu.vector_load %arg14[%swap3A_280, %swap3A_281] {strides = array<i32>} : memref<80x112xf32, #tpu.memory_space<vmem>>, vector<16xf32>,
          tpu.vector_store %arg14[%swap3A_280, %swap3A_281], %max3A_279 {strides = array<i32>} : memref<80x112xf32, #tpu.memory_space<vmem>>, vector<16xf32>,
        }
        %scan3A_103 = arith.constant 80 : i32
        %dma_start3A_104 = arith.constant 24 : i32
        %dma_start3A_105 = arith.constant 0 : i32
        %dma_start3A_106 = arith.constant 0 : i32
        %dma_start3A_107 = tpu.memref_slice %arg11[%dma_start3A_104, %dma_start3A_105, %dma_start3A_106] : memref<25x2x80xi32, #tpu.memory_space<vmem>> -> memref<1x1x80xi32, #tpu.memory_space<vmem>>
        %dma_start3A_108 = tpu.memref_squeeze %dma_start3A_107 : memref<1x1x80xi32, #tpu.memory_space<vmem>> -> memref<80xi32, #tpu.memory_space<vmem>>
        %dma_start3A_109 = arith.constant 0 : i32
        %dma_start3A_110 = arith.constant 0 : i32
        %dma_start3A_111 = tpu.memref_slice %arg10[%dma_start3A_109, %dma_start3A_110] : memref<10000x112xf32, #tpu.memory_space<vmem_shared>> -> memref<10000x112xf32, #tpu.memory_space<vmem_shared>>
        tpu.enqueue_indirect_dma source(%arg14 : memref<80x112xf32, #tpu.memory_space<vmem>>) target(%dma_start3A_111 : memref<10000x112xf32, #tpu.memory_space<vmem_shared>>) offsets(%dma_start3A_108 : memref<80xi32, #tpu.memory_space<vmem>>) semaphore(%arg20 : memref<!tpu.dma_semaphore, #tpu.memory_space<semaphore_mem>>) {add = true}
        %dma_wait3A_112 = arith.constant 23 : i32
        %dma_wait3A_113 = arith.constant 0 : i32
        %dma_wait3A_114 = arith.constant 0 : i32
        %dma_wait3A_115 = tpu.memref_slice %arg11[%dma_wait3A_112, %dma_wait3A_113, %dma_wait3A_114] : memref<25x2x80xi32, #tpu.memory_space<vmem>> -> memref<1x1x80xi32, #tpu.memory_space<vmem>>
        %dma_wait3A_116 = tpu.memref_squeeze %dma_wait3A_115 : memref<1x1x80xi32, #tpu.memory_space<vmem>> -> memref<80xi32, #tpu.memory_space<vmem>>
        %dma_wait3A_117 = arith.constant 0 : i32
        %dma_wait3A_118 = arith.constant 0 : i32
        %dma_wait3A_119 = tpu.memref_slice %arg10[%dma_wait3A_117, %dma_wait3A_118] : memref<10000x112xf32, #tpu.memory_space<vmem_shared>> -> memref<10000x112xf32, #tpu.memory_space<vmem_shared>>
        tpu.wait_indirect_dma semaphore(%arg22 : memref<!tpu.dma_semaphore, #tpu.memory_space<semaphore_mem>>) src(%arg17 : memref<80x112xf32, #tpu.memory_space<vmem>>) dst(%dma_wait3A_119 : memref<10000x112xf32, #tpu.memory_space<vmem_shared>>)
        %dma_wait3A_120 = arith.constant 24 : i32
        %dma_wait3A_121 = arith.constant 0 : i32
        %dma_wait3A_122 = arith.constant 0 : i32
        %dma_wait3A_123 = tpu.memref_slice %arg11[%dma_wait3A_120, %dma_wait3A_121, %dma_wait3A_122] : memref<25x2x80xi32, #tpu.memory_space<vmem>> -> memref<1x1x80xi32, #tpu.memory_space<vmem>>
        %dma_wait3A_124 = tpu.memref_squeeze %dma_wait3A_123 : memref<1x1x80xi32, #tpu.memory_space<vmem>> -> memref<80xi32, #tpu.memory_space<vmem>>
        %dma_wait3A_125 = arith.constant 0 : i32
        %dma_wait3A_126 = arith.constant 0 : i32
        %dma_wait3A_127 = tpu.memref_slice %arg10[%dma_wait3A_125, %dma_wait3A_126] : memref<10000x112xf32, #tpu.memory_space<vmem_shared>> -> memref<10000x112xf32, #tpu.memory_space<vmem_shared>>
        tpu.wait_indirect_dma semaphore(%arg20 : memref<!tpu.dma_semaphore, #tpu.memory_space<semaphore_mem>>) src(%arg14 : memref<80x112xf32, #tpu.memory_space<vmem>>) dst(%dma_wait3A_127 : memref<10000x112xf32, #tpu.memory_space<vmem_shared>>)
      }
      %scan3A_50 = arith.constant 10 : i32
    } else {
    }
    %eq3A_5 = arith.constant 1 : i32
    %eq3A_6 = arith.cmpi eq, %arg0, %eq3A_5 : i32
    %convert_element_type3A_7 = arith.extui %eq3A_6 : i1 to i32
    %cond3A_8 = arith.constant 0 : i32
    %cond3A_9 = arith.cmpi ne, %convert_element_type3A_7, %cond3A_8 : i32
    scf.if %cond3A_9 {
      %iota3A = tpu.iota {dimensions = array<i32: 0>} : vector<16xi32>
      %eq3A_15 = arith.constant 0 : i32
      %eq3A_16 = vector.broadcast %eq3A_15 : i32 to vector<16xi32>
      %eq3A_17 = arith.cmpi eq, %iota3A, %eq3A_16 : vector<16xi32>
      %broadcast_in_dim3A = arith.constant 1.000000e+00 : f32
      %broadcast_in_dim3A_18 = vector.broadcast %broadcast_in_dim3A : f32 to vector<16xf32>
      %broadcast_in_dim3A_19 = arith.constant 0.000000e+00 : f32
      %broadcast_in_dim3A_20 = vector.broadcast %broadcast_in_dim3A_19 : f32 to vector<16xf32>
      %select_n3A = arith.select %eq3A_17, %broadcast_in_dim3A_18, %broadcast_in_dim3A_20 : vector<16xi1>, vector<16xf32>
      %get3A = arith.constant 0 : index
      %get3A_21 = tpu.vector_load %arg18[%get3A] {strides = array<i32>} : memref<112xf32, #tpu.memory_space<vmem>>, vector<16xf32>,
      %get3A_22 = arith.constant 16 : index
      %get3A_23 = tpu.vector_load %arg18[%get3A_22] {strides = array<i32>} : memref<112xf32, #tpu.memory_space<vmem>>, vector<16xf32>,
      %get3A_24 = arith.constant 32 : index
      %get3A_25 = tpu.vector_load %arg18[%get3A_24] {strides = array<i32>} : memref<112xf32, #tpu.memory_space<vmem>>, vector<16xf32>,
      %get3A_26 = arith.constant 48 : index
      %get3A_27 = tpu.vector_load %arg18[%get3A_26] {strides = array<i32>} : memref<112xf32, #tpu.memory_space<vmem>>, vector<16xf32>,
      %get3A_28 = arith.constant 64 : index
      %get3A_29 = tpu.vector_load %arg18[%get3A_28] {strides = array<i32>} : memref<112xf32, #tpu.memory_space<vmem>>, vector<16xf32>,
      %get3A_30 = arith.constant 80 : index
      %get3A_31 = tpu.vector_load %arg18[%get3A_30] {strides = array<i32>} : memref<112xf32, #tpu.memory_space<vmem>>, vector<16xf32>,
      %mul3A_32 = arith.constant 250 : i32
      %mul3A_33 = arith.muli %arg1, %mul3A_32 : i32
      %scan3A = arith.constant 0 : i32
      %scan3A_34 = arith.constant 0 : i32
      %scan3A_35 = arith.constant 80 : i32
      %scan3A_36 = arith.addi %scan3A_34, %scan3A_35 : i32
      %scan3A_37 = arith.constant 1 : i32
      scf.for %scan3A_51 = %scan3A_34 to %scan3A_36 step %scan3A_37  : i32 {
        %swap3A = arith.index_cast %scan3A_51 : i32 to index
        %swap3A_52 = arith.constant 96 : index
        %swap3A_53 = tpu.vector_load %arg14[%swap3A, %swap3A_52] {strides = array<i32>} : memref<80x112xf32, #tpu.memory_space<vmem>>, vector<16xf32>,
        tpu.vector_store %arg14[%swap3A, %swap3A_52], %select_n3A {strides = array<i32>} : memref<80x112xf32, #tpu.memory_space<vmem>>, vector<16xf32>,
      }
      %scan3A_38 = arith.constant 80 : i32
      %scan3A_39 = arith.constant 0 : i32
      %scan3A_40 = arith.constant 0 : i32
      %scan3A_41 = arith.constant 80 : i32
      %scan3A_42 = arith.addi %scan3A_40, %scan3A_41 : i32
      %scan3A_43 = arith.constant 1 : i32
      scf.for %scan3A_51 = %scan3A_40 to %scan3A_42 step %scan3A_43  : i32 {
        %swap3A = arith.index_cast %scan3A_51 : i32 to index
        %swap3A_52 = arith.constant 96 : index
        %swap3A_53 = tpu.vector_load %arg17[%swap3A, %swap3A_52] {strides = array<i32>} : memref<80x112xf32, #tpu.memory_space<vmem>>, vector<16xf32>,
        tpu.vector_store %arg17[%swap3A, %swap3A_52], %select_n3A {strides = array<i32>} : memref<80x112xf32, #tpu.memory_space<vmem>>, vector<16xf32>,
      }
      %scan3A_44 = arith.constant 80 : i32
      %scan3A_45 = arith.constant 0 : i32
      %scan3A_46 = arith.constant 0 : i32
      %scan3A_47 = arith.constant 10 : i32
      %scan3A_48 = arith.addi %scan3A_46, %scan3A_47 : i32
      %scan3A_49 = arith.constant 1 : i32
      scf.for %scan3A_51 = %scan3A_46 to %scan3A_48 step %scan3A_49  : i32 {
        %mul3A_52 = arith.constant 25 : i32
        %mul3A_53 = arith.muli %scan3A_51, %mul3A_52 : i32
        %add3A = arith.addi %mul3A_33, %mul3A_53 : i32
        "tpu.region"() ({
          %run_scoped3A = tpu.sem_alloc : memref<!tpu.dma_semaphore, #tpu.memory_space<semaphore_mem>>
          %dma_start3A_128 = arith.constant 0 : i32
          %dma_start3A_129 = arith.constant 0 : i32
          %dma_start3A_130 = tpu.memref_slice %arg6[%add3A, %dma_start3A_128, %dma_start3A_129] : memref<4000x2x80xi32, #tpu.memory_space<hbm>> -> memref<25x2x80xi32, #tpu.memory_space<hbm>>
          %dma_start3A_131 = arith.constant 0 : i32
          %dma_start3A_132 = arith.constant 0 : i32
          %dma_start3A_133 = tpu.memref_slice %arg6[%add3A, %dma_start3A_131, %dma_start3A_132] : memref<4000x2x80xi32, #tpu.memory_space<hbm>> -> memref<25x2x80xi32, #tpu.memory_space<hbm>>
          tpu.enqueue_dma source(%dma_start3A_133 : memref<25x2x80xi32, #tpu.memory_space<hbm>>) target(%arg11 : memref<25x2x80xi32, #tpu.memory_space<vmem>>) target_semaphore(%run_scoped3A : memref<!tpu.dma_semaphore, #tpu.memory_space<semaphore_mem>>)
          %dma_wait3A_134 = arith.constant 0 : i32
          %dma_wait3A_135 = arith.constant 0 : i32
          %dma_wait3A_136 = tpu.memref_slice %arg6[%add3A, %dma_wait3A_134, %dma_wait3A_135] : memref<4000x2x80xi32, #tpu.memory_space<hbm>> -> memref<25x2x80xi32, #tpu.memory_space<hbm>>
          %dma_wait3A_137 = arith.constant 0 : i32
          %dma_wait3A_138 = arith.constant 0 : i32
          %dma_wait3A_139 = tpu.memref_slice %arg6[%add3A, %dma_wait3A_137, %dma_wait3A_138] : memref<4000x2x80xi32, #tpu.memory_space<hbm>> -> memref<25x2x80xi32, #tpu.memory_space<hbm>>
          tpu.wait_dma2 semaphore(%run_scoped3A : memref<!tpu.dma_semaphore, #tpu.memory_space<semaphore_mem>>) src(%dma_wait3A_139 : memref<25x2x80xi32, #tpu.memory_space<hbm>>) dst(%arg11 : memref<25x2x80xi32, #tpu.memory_space<vmem>>)
          tpu.yield
        }) : () -> ()
        %dma_start3A = arith.constant 0 : i32
        %dma_start3A_54 = arith.constant 0 : i32
        %dma_start3A_55 = arith.constant 0 : i32
        %dma_start3A_56 = tpu.memref_slice %arg11[%dma_start3A, %dma_start3A_54, %dma_start3A_55] : memref<25x2x80xi32, #tpu.memory_space<vmem>> -> memref<1x1x80xi32, #tpu.memory_space<vmem>>
        %dma_start3A_57 = tpu.memref_squeeze %dma_start3A_56 : memref<1x1x80xi32, #tpu.memory_space<vmem>> -> memref<80xi32, #tpu.memory_space<vmem>>
        %dma_start3A_58 = arith.constant 0 : i32
        %dma_start3A_59 = arith.constant 0 : i32
        %dma_start3A_60 = tpu.memref_slice %arg3[%dma_start3A_58, %dma_start3A_59] : memref<10000x112xf32, #tpu.memory_space<hbm>> -> memref<10000x112xf32, #tpu.memory_space<hbm>>
        tpu.enqueue_indirect_dma source(%dma_start3A_60 : memref<10000x112xf32, #tpu.memory_space<hbm>>) target(%arg12 : memref<80x112xf32, #tpu.memory_space<vmem>>) offsets(%dma_start3A_57 : memref<80xi32, #tpu.memory_space<vmem>>) semaphore(%arg19 : memref<!tpu.dma_semaphore, #tpu.memory_space<semaphore_mem>>)
        %dma_start3A_61 = arith.constant 0 : i32
        %dma_start3A_62 = arith.constant 1 : i32
        %dma_start3A_63 = arith.constant 0 : i32
        %dma_start3A_64 = tpu.memref_slice %arg11[%dma_start3A_61, %dma_start3A_62, %dma_start3A_63] : memref<25x2x80xi32, #tpu.memory_space<vmem>> -> memref<1x1x80xi32, #tpu.memory_space<vmem>>
        %dma_start3A_65 = tpu.memref_squeeze %dma_start3A_64 : memref<1x1x80xi32, #tpu.memory_space<vmem>> -> memref<80xi32, #tpu.memory_space<vmem>>
        %dma_start3A_66 = arith.constant 0 : i32
        %dma_start3A_67 = arith.constant 0 : i32
        %dma_start3A_68 = tpu.memref_slice %arg5[%dma_start3A_66, %dma_start3A_67] : memref<10000x112xf32, #tpu.memory_space<hbm>> -> memref<10000x112xf32, #tpu.memory_space<hbm>>
        tpu.enqueue_indirect_dma source(%dma_start3A_68 : memref<10000x112xf32, #tpu.memory_space<hbm>>) target(%arg13 : memref<80x112xf32, #tpu.memory_space<vmem>>) offsets(%dma_start3A_65 : memref<80xi32, #tpu.memory_space<vmem>>) semaphore(%arg19 : memref<!tpu.dma_semaphore, #tpu.memory_space<semaphore_mem>>)
        %scan3A_69 = arith.constant 0 : i32
        %scan3A_70 = arith.constant 0 : i32
        %scan3A_71 = arith.constant 12 : i32
        %scan3A_72 = arith.addi %scan3A_70, %scan3A_71 : i32
        %scan3A_73 = arith.constant 1 : i32
        scf.for %scan3A_128 = %scan3A_70 to %scan3A_72 step %scan3A_73  : i32 {
          %mul3A_129 = arith.constant 2 : i32
          %mul3A_130 = arith.muli %mul3A_129, %scan3A_128 : i32
          %gt3A = arith.constant 0 : i32
          %gt3A_131 = arith.cmpi sgt, %scan3A_128, %gt3A : i32
          %convert_element_type3A_132 = arith.extui %gt3A_131 : i1 to i32
          %cond3A_133 = arith.constant 0 : i32
          %cond3A_134 = arith.cmpi ne, %convert_element_type3A_132, %cond3A_133 : i32
          scf.if %cond3A_134 {
            %sub3A = arith.constant 1 : i32
            %sub3A_230 = arith.subi %mul3A_130, %sub3A : i32
            %dma_wait3A_231 = arith.constant 0 : i32
            %dma_wait3A_232 = arith.constant 0 : i32
            %dma_wait3A_233 = tpu.memref_slice %arg11[%sub3A_230, %dma_wait3A_231, %dma_wait3A_232] : memref<25x2x80xi32, #tpu.memory_space<vmem>> -> memref<1x1x80xi32, #tpu.memory_space<vmem>>
            %dma_wait3A_234 = tpu.memref_squeeze %dma_wait3A_233 : memref<1x1x80xi32, #tpu.memory_space<vmem>> -> memref<80xi32, #tpu.memory_space<vmem>>
            %dma_wait3A_235 = arith.constant 0 : i32
            %dma_wait3A_236 = arith.constant 0 : i32
            %dma_wait3A_237 = tpu.memref_slice %arg10[%dma_wait3A_235, %dma_wait3A_236] : memref<10000x112xf32, #tpu.memory_space<vmem_shared>> -> memref<10000x112xf32, #tpu.memory_space<vmem_shared>>
            tpu.wait_indirect_dma semaphore(%arg22 : memref<!tpu.dma_semaphore, #tpu.memory_space<semaphore_mem>>) src(%arg17 : memref<80x112xf32, #tpu.memory_space<vmem>>) dst(%dma_wait3A_237 : memref<10000x112xf32, #tpu.memory_space<vmem_shared>>)
          } else {
          }
          %add3A_135 = arith.constant 1 : i32
          %add3A_136 = arith.addi %mul3A_130, %add3A_135 : i32
          %dma_start3A_137 = arith.constant 0 : i32
          %dma_start3A_138 = arith.constant 0 : i32
          %dma_start3A_139 = tpu.memref_slice %arg11[%add3A_136, %dma_start3A_137, %dma_start3A_138] : memref<25x2x80xi32, #tpu.memory_space<vmem>> -> memref<1x1x80xi32, #tpu.memory_space<vmem>>
          %dma_start3A_140 = tpu.memref_squeeze %dma_start3A_139 : memref<1x1x80xi32, #tpu.memory_space<vmem>> -> memref<80xi32, #tpu.memory_space<vmem>>
          %dma_start3A_141 = arith.constant 0 : i32
          %dma_start3A_142 = arith.constant 0 : i32
          %dma_start3A_143 = tpu.memref_slice %arg3[%dma_start3A_141, %dma_start3A_142] : memref<10000x112xf32, #tpu.memory_space<hbm>> -> memref<10000x112xf32, #tpu.memory_space<hbm>>
          tpu.enqueue_indirect_dma source(%dma_start3A_143 : memref<10000x112xf32, #tpu.memory_space<hbm>>) target(%arg15 : memref<80x112xf32, #tpu.memory_space<vmem>>) offsets(%dma_start3A_140 : memref<80xi32, #tpu.memory_space<vmem>>) semaphore(%arg21 : memref<!tpu.dma_semaphore, #tpu.memory_space<semaphore_mem>>)
          %dma_start3A_144 = arith.constant 1 : i32
          %dma_start3A_145 = arith.constant 0 : i32
          %dma_start3A_146 = tpu.memref_slice %arg11[%add3A_136, %dma_start3A_144, %dma_start3A_145] : memref<25x2x80xi32, #tpu.memory_space<vmem>> -> memref<1x1x80xi32, #tpu.memory_space<vmem>>
          %dma_start3A_147 = tpu.memref_squeeze %dma_start3A_146 : memref<1x1x80xi32, #tpu.memory_space<vmem>> -> memref<80xi32, #tpu.memory_space<vmem>>
          %dma_start3A_148 = arith.constant 0 : i32
          %dma_start3A_149 = arith.constant 0 : i32
          %dma_start3A_150 = tpu.memref_slice %arg5[%dma_start3A_148, %dma_start3A_149] : memref<10000x112xf32, #tpu.memory_space<hbm>> -> memref<10000x112xf32, #tpu.memory_space<hbm>>
          tpu.enqueue_indirect_dma source(%dma_start3A_150 : memref<10000x112xf32, #tpu.memory_space<hbm>>) target(%arg16 : memref<80x112xf32, #tpu.memory_space<vmem>>) offsets(%dma_start3A_147 : memref<80xi32, #tpu.memory_space<vmem>>) semaphore(%arg21 : memref<!tpu.dma_semaphore, #tpu.memory_space<semaphore_mem>>)
          %gt3A_151 = arith.constant 0 : i32
          %gt3A_152 = arith.cmpi sgt, %scan3A_128, %gt3A_151 : i32
          %convert_element_type3A_153 = arith.extui %gt3A_152 : i1 to i32
          %cond3A_154 = arith.constant 0 : i32
          %cond3A_155 = arith.cmpi ne, %convert_element_type3A_153, %cond3A_154 : i32
          scf.if %cond3A_155 {
            %sub3A = arith.constant 2 : i32
            %sub3A_230 = arith.subi %mul3A_130, %sub3A : i32
            %dma_wait3A_231 = arith.constant 0 : i32
            %dma_wait3A_232 = arith.constant 0 : i32
            %dma_wait3A_233 = tpu.memref_slice %arg11[%sub3A_230, %dma_wait3A_231, %dma_wait3A_232] : memref<25x2x80xi32, #tpu.memory_space<vmem>> -> memref<1x1x80xi32, #tpu.memory_space<vmem>>
            %dma_wait3A_234 = tpu.memref_squeeze %dma_wait3A_233 : memref<1x1x80xi32, #tpu.memory_space<vmem>> -> memref<80xi32, #tpu.memory_space<vmem>>
            %dma_wait3A_235 = arith.constant 0 : i32
            %dma_wait3A_236 = arith.constant 0 : i32
            %dma_wait3A_237 = tpu.memref_slice %arg10[%dma_wait3A_235, %dma_wait3A_236] : memref<10000x112xf32, #tpu.memory_space<vmem_shared>> -> memref<10000x112xf32, #tpu.memory_space<vmem_shared>>
            tpu.wait_indirect_dma semaphore(%arg20 : memref<!tpu.dma_semaphore, #tpu.memory_space<semaphore_mem>>) src(%arg14 : memref<80x112xf32, #tpu.memory_space<vmem>>) dst(%dma_wait3A_237 : memref<10000x112xf32, #tpu.memory_space<vmem_shared>>)
          } else {
          }
          %dma_wait3A_156 = arith.constant 0 : i32
          %dma_wait3A_157 = arith.constant 0 : i32
          %dma_wait3A_158 = tpu.memref_slice %arg11[%mul3A_130, %dma_wait3A_156, %dma_wait3A_157] : memref<25x2x80xi32, #tpu.memory_space<vmem>> -> memref<1x1x80xi32, #tpu.memory_space<vmem>>
          %dma_wait3A_159 = tpu.memref_squeeze %dma_wait3A_158 : memref<1x1x80xi32, #tpu.memory_space<vmem>> -> memref<80xi32, #tpu.memory_space<vmem>>
          %dma_wait3A_160 = arith.constant 0 : i32
          %dma_wait3A_161 = arith.constant 0 : i32
          %dma_wait3A_162 = tpu.memref_slice %arg3[%dma_wait3A_160, %dma_wait3A_161] : memref<10000x112xf32, #tpu.memory_space<hbm>> -> memref<10000x112xf32, #tpu.memory_space<hbm>>
          tpu.wait_indirect_dma semaphore(%arg19 : memref<!tpu.dma_semaphore, #tpu.memory_space<semaphore_mem>>) src(%dma_wait3A_162 : memref<10000x112xf32, #tpu.memory_space<hbm>>) dst(%arg12 : memref<80x112xf32, #tpu.memory_space<vmem>>)
          %dma_wait3A_163 = arith.constant 1 : i32
          %dma_wait3A_164 = arith.constant 0 : i32
          %dma_wait3A_165 = tpu.memref_slice %arg11[%mul3A_130, %dma_wait3A_163, %dma_wait3A_164] : memref<25x2x80xi32, #tpu.memory_space<vmem>> -> memref<1x1x80xi32, #tpu.memory_space<vmem>>
          %dma_wait3A_166 = tpu.memref_squeeze %dma_wait3A_165 : memref<1x1x80xi32, #tpu.memory_space<vmem>> -> memref<80xi32, #tpu.memory_space<vmem>>
          %dma_wait3A_167 = arith.constant 0 : i32
          %dma_wait3A_168 = arith.constant 0 : i32
          %dma_wait3A_169 = tpu.memref_slice %arg5[%dma_wait3A_167, %dma_wait3A_168] : memref<10000x112xf32, #tpu.memory_space<hbm>> -> memref<10000x112xf32, #tpu.memory_space<hbm>>
          tpu.wait_indirect_dma semaphore(%arg19 : memref<!tpu.dma_semaphore, #tpu.memory_space<semaphore_mem>>) src(%dma_wait3A_169 : memref<10000x112xf32, #tpu.memory_space<hbm>>) dst(%arg13 : memref<80x112xf32, #tpu.memory_space<vmem>>)
          %scan3A_170 = arith.constant 0 : i32
          %scan3A_171 = arith.constant 0 : i32
          %scan3A_172 = arith.constant 80 : i32
          %scan3A_173 = arith.addi %scan3A_171, %scan3A_172 : i32
          %scan3A_174 = arith.constant 1 : i32
          scf.for %scan3A_230 = %scan3A_171 to %scan3A_173 step %scan3A_174  : i32 {
            %get3A_231 = arith.index_cast %scan3A_230 : i32 to index
            %get3A_232 = arith.constant 96 : index
            %get3A_233 = tpu.vector_load %arg12[%get3A_231, %get3A_232] {strides = array<i32>} : memref<80x112xf32, #tpu.memory_space<vmem>>, vector<16xf32>,
            %get3A_234 = arith.index_cast %scan3A_230 : i32 to index
            %get3A_235 = arith.constant 96 : index
            %get3A_236 = tpu.vector_load %arg13[%get3A_234, %get3A_235] {strides = array<i32>} : memref<80x112xf32, #tpu.memory_space<vmem>>, vector<16xf32>,
            %sub3A = arith.subf %get3A_233, %get3A_236 : vector<16xf32>
            %mul3A_237 = arith.mulf %sub3A, %sub3A : vector<16xf32>
            %slice3A = vector.extract_strided_slice %mul3A_237 {offsets = [0], sizes = [1], strides = [1]} : vector<16xf32> to vector<1xf32>
            %squeeze3A = vector.extract %slice3A[0] : f32 from vector<1xf32>
            %slice3A_238 = vector.extract_strided_slice %mul3A_237 {offsets = [1], sizes = [1], strides = [1]} : vector<16xf32> to vector<1xf32>
            %squeeze3A_239 = vector.extract %slice3A_238[0] : f32 from vector<1xf32>
            %add3A_240 = arith.addf %squeeze3A, %squeeze3A_239 : f32
            %slice3A_241 = vector.extract_strided_slice %mul3A_237 {offsets = [2], sizes = [1], strides = [1]} : vector<16xf32> to vector<1xf32>
            %squeeze3A_242 = vector.extract %slice3A_241[0] : f32 from vector<1xf32>
            %add3A_243 = arith.addf %add3A_240, %squeeze3A_242 : f32
            %broadcast_in_dim3A_244 = vector.broadcast %add3A_243 : f32 to vector<16xf32>
            %bitcast3A = vector.bitcast %broadcast_in_dim3A_244 : vector<16xf32> to vector<16xi32>
            %shift_right_arithmetic3A = arith.constant 1 : i32
            %shift_right_arithmetic3A_245 = vector.broadcast %shift_right_arithmetic3A : i32 to vector<16xi32>
            %shift_right_arithmetic3A_246 = arith.shrsi %bitcast3A, %shift_right_arithmetic3A_245 : vector<16xi32>
            %sub3A_247 = arith.constant 1597463007 : i32
            %sub3A_248 = vector.broadcast %sub3A_247 : i32 to vector<16xi32>
            %sub3A_249 = arith.subi %sub3A_248, %shift_right_arithmetic3A_246 : vector<16xi32>
            %bitcast3A_250 = vector.bitcast %sub3A_249 : vector<16xi32> to vector<16xf32>
            %mul3A_251 = arith.constant 5.000000e-01 : f32
            %mul3A_252 = vector.broadcast %mul3A_251 : f32 to vector<16xf32>
            %mul3A_253 = arith.mulf %mul3A_252, %broadcast_in_dim3A_244 : vector<16xf32>
            %mul3A_254 = arith.mulf %mul3A_253, %bitcast3A_250 : vector<16xf32>
            %mul3A_255 = arith.mulf %mul3A_254, %bitcast3A_250 : vector<16xf32>
            %sub3A_256 = arith.constant 1.500000e+00 : f32
            %sub3A_257 = vector.broadcast %sub3A_256 : f32 to vector<16xf32>
            %sub3A_258 = arith.subf %sub3A_257, %mul3A_255 : vector<16xf32>
            %mul3A_259 = arith.mulf %bitcast3A_250, %sub3A_258 : vector<16xf32>
            %mul3A_260 = arith.constant 5.000000e-01 : f32
            %mul3A_261 = vector.broadcast %mul3A_260 : f32 to vector<16xf32>
            %mul3A_262 = arith.mulf %mul3A_261, %broadcast_in_dim3A_244 : vector<16xf32>
            %mul3A_263 = arith.mulf %mul3A_262, %mul3A_259 : vector<16xf32>
            %mul3A_264 = arith.mulf %mul3A_263, %mul3A_259 : vector<16xf32>
            %sub3A_265 = arith.constant 1.500000e+00 : f32
            %sub3A_266 = vector.broadcast %sub3A_265 : f32 to vector<16xf32>
            %sub3A_267 = arith.subf %sub3A_266, %mul3A_264 : vector<16xf32>
            %mul3A_268 = arith.mulf %mul3A_259, %sub3A_267 : vector<16xf32>
            %mul3A_269 = arith.constant 5.000000e-01 : f32
            %mul3A_270 = vector.broadcast %mul3A_269 : f32 to vector<16xf32>
            %mul3A_271 = arith.mulf %mul3A_270, %broadcast_in_dim3A_244 : vector<16xf32>
            %mul3A_272 = arith.mulf %mul3A_271, %mul3A_268 : vector<16xf32>
            %mul3A_273 = arith.mulf %mul3A_272, %mul3A_268 : vector<16xf32>
            %sub3A_274 = arith.constant 1.500000e+00 : f32
            %sub3A_275 = vector.broadcast %sub3A_274 : f32 to vector<16xf32>
            %sub3A_276 = arith.subf %sub3A_275, %mul3A_273 : vector<16xf32>
            %mul3A_277 = arith.mulf %mul3A_268, %sub3A_276 : vector<16xf32>
            %gt3A_278 = arith.constant 0.000000e+00 : f32
            %gt3A_279 = vector.broadcast %gt3A_278 : f32 to vector<16xf32>
            %gt3A_280 = arith.cmpf ogt, %broadcast_in_dim3A_244, %gt3A_279 : vector<16xf32>
            %mul3A_281 = arith.mulf %broadcast_in_dim3A_244, %mul3A_277 : vector<16xf32>
            %jit3A = arith.constant 0.000000e+00 : f32
            %broadcast_in_dim3A_282 = vector.broadcast %jit3A : f32 to vector<16xf32>
            %select_n3A_283 = arith.select %gt3A_280, %mul3A_281, %broadcast_in_dim3A_282 : vector<16xi1>, vector<16xf32>
            %bitcast3A_284 = vector.bitcast %select_n3A_283 : vector<16xf32> to vector<16xi32>
            %add3A_285 = arith.constant 32767 : i32
            %add3A_286 = vector.broadcast %add3A_285 : i32 to vector<16xi32>
            %add3A_287 = arith.addi %bitcast3A_284, %add3A_286 : vector<16xi32>
            %shift_right_arithmetic3A_288 = arith.constant 16 : i32
            %shift_right_arithmetic3A_289 = vector.broadcast %shift_right_arithmetic3A_288 : i32 to vector<16xi32>
            %shift_right_arithmetic3A_290 = arith.shrsi %bitcast3A_284, %shift_right_arithmetic3A_289 : vector<16xi32>
            %and3A = arith.constant 1 : i32
            %and3A_291 = vector.broadcast %and3A : i32 to vector<16xi32>
            %and3A_292 = arith.andi %shift_right_arithmetic3A_290, %and3A_291 : vector<16xi32>
            %add3A_293 = arith.addi %add3A_287, %and3A_292 : vector<16xi32>
            %and3A_294 = arith.constant -65536 : i32
            %and3A_295 = vector.broadcast %and3A_294 : i32 to vector<16xi32>
            %and3A_296 = arith.andi %add3A_293, %and3A_295 : vector<16xi32>
            %bitcast3A_297 = vector.bitcast %and3A_296 : vector<16xi32> to vector<16xf32>
            %get3A_298 = arith.index_cast %scan3A_230 : i32 to index
            %get3A_299 = arith.constant 0 : index
            %get3A_300 = tpu.vector_load %arg12[%get3A_298, %get3A_299] {strides = array<i32>} : memref<80x112xf32, #tpu.memory_space<vmem>>, vector<16xf32>,
            %get3A_301 = arith.index_cast %scan3A_230 : i32 to index
            %get3A_302 = arith.constant 0 : index
            %get3A_303 = tpu.vector_load %arg13[%get3A_301, %get3A_302] {strides = array<i32>} : memref<80x112xf32, #tpu.memory_space<vmem>>, vector<16xf32>,
            %add3A_304 = arith.addf %get3A_300, %get3A_303 : vector<16xf32>
            %mul3A_305 = arith.mulf %bitcast3A_297, %get3A_21 : vector<16xf32>
            %add3A_306 = arith.addf %add3A_304, %mul3A_305 : vector<16xf32>
            %max3A = arith.constant 0.000000e+00 : f32
            %max3A_307 = vector.broadcast %max3A : f32 to vector<16xf32>
            %max3A_308 = arith.maximumf %add3A_306, %max3A_307 : vector<16xf32>
            %swap3A = arith.index_cast %scan3A_230 : i32 to index
            %swap3A_309 = arith.constant 0 : index
            %swap3A_310 = tpu.vector_load %arg14[%swap3A, %swap3A_309] {strides = array<i32>} : memref<80x112xf32, #tpu.memory_space<vmem>>, vector<16xf32>,
            tpu.vector_store %arg14[%swap3A, %swap3A_309], %max3A_308 {strides = array<i32>} : memref<80x112xf32, #tpu.memory_space<vmem>>, vector<16xf32>,
            %get3A_311 = arith.index_cast %scan3A_230 : i32 to index
            %get3A_312 = arith.constant 16 : index
            %get3A_313 = tpu.vector_load %arg12[%get3A_311, %get3A_312] {strides = array<i32>} : memref<80x112xf32, #tpu.memory_space<vmem>>, vector<16xf32>,
            %get3A_314 = arith.index_cast %scan3A_230 : i32 to index
            %get3A_315 = arith.constant 16 : index
            %get3A_316 = tpu.vector_load %arg13[%get3A_314, %get3A_315] {strides = array<i32>} : memref<80x112xf32, #tpu.memory_space<vmem>>, vector<16xf32>,
            %add3A_317 = arith.addf %get3A_313, %get3A_316 : vector<16xf32>
            %mul3A_318 = arith.mulf %bitcast3A_297, %get3A_23 : vector<16xf32>
            %add3A_319 = arith.addf %add3A_317, %mul3A_318 : vector<16xf32>
            %max3A_320 = arith.constant 0.000000e+00 : f32
            %max3A_321 = vector.broadcast %max3A_320 : f32 to vector<16xf32>
            %max3A_322 = arith.maximumf %add3A_319, %max3A_321 : vector<16xf32>
            %swap3A_323 = arith.index_cast %scan3A_230 : i32 to index
            %swap3A_324 = arith.constant 16 : index
            %swap3A_325 = tpu.vector_load %arg14[%swap3A_323, %swap3A_324] {strides = array<i32>} : memref<80x112xf32, #tpu.memory_space<vmem>>, vector<16xf32>,
            tpu.vector_store %arg14[%swap3A_323, %swap3A_324], %max3A_322 {strides = array<i32>} : memref<80x112xf32, #tpu.memory_space<vmem>>, vector<16xf32>,
            %get3A_326 = arith.index_cast %scan3A_230 : i32 to index
            %get3A_327 = arith.constant 32 : index
            %get3A_328 = tpu.vector_load %arg12[%get3A_326, %get3A_327] {strides = array<i32>} : memref<80x112xf32, #tpu.memory_space<vmem>>, vector<16xf32>,
            %get3A_329 = arith.index_cast %scan3A_230 : i32 to index
            %get3A_330 = arith.constant 32 : index
            %get3A_331 = tpu.vector_load %arg13[%get3A_329, %get3A_330] {strides = array<i32>} : memref<80x112xf32, #tpu.memory_space<vmem>>, vector<16xf32>,
            %add3A_332 = arith.addf %get3A_328, %get3A_331 : vector<16xf32>
            %mul3A_333 = arith.mulf %bitcast3A_297, %get3A_25 : vector<16xf32>
            %add3A_334 = arith.addf %add3A_332, %mul3A_333 : vector<16xf32>
            %max3A_335 = arith.constant 0.000000e+00 : f32
            %max3A_336 = vector.broadcast %max3A_335 : f32 to vector<16xf32>
            %max3A_337 = arith.maximumf %add3A_334, %max3A_336 : vector<16xf32>
            %swap3A_338 = arith.index_cast %scan3A_230 : i32 to index
            %swap3A_339 = arith.constant 32 : index
            %swap3A_340 = tpu.vector_load %arg14[%swap3A_338, %swap3A_339] {strides = array<i32>} : memref<80x112xf32, #tpu.memory_space<vmem>>, vector<16xf32>,
            tpu.vector_store %arg14[%swap3A_338, %swap3A_339], %max3A_337 {strides = array<i32>} : memref<80x112xf32, #tpu.memory_space<vmem>>, vector<16xf32>,
            %get3A_341 = arith.index_cast %scan3A_230 : i32 to index
            %get3A_342 = arith.constant 48 : index
            %get3A_343 = tpu.vector_load %arg12[%get3A_341, %get3A_342] {strides = array<i32>} : memref<80x112xf32, #tpu.memory_space<vmem>>, vector<16xf32>,
            %get3A_344 = arith.index_cast %scan3A_230 : i32 to index
            %get3A_345 = arith.constant 48 : index
            %get3A_346 = tpu.vector_load %arg13[%get3A_344, %get3A_345] {strides = array<i32>} : memref<80x112xf32, #tpu.memory_space<vmem>>, vector<16xf32>,
            %add3A_347 = arith.addf %get3A_343, %get3A_346 : vector<16xf32>
            %mul3A_348 = arith.mulf %bitcast3A_297, %get3A_27 : vector<16xf32>
            %add3A_349 = arith.addf %add3A_347, %mul3A_348 : vector<16xf32>
            %max3A_350 = arith.constant 0.000000e+00 : f32
            %max3A_351 = vector.broadcast %max3A_350 : f32 to vector<16xf32>
            %max3A_352 = arith.maximumf %add3A_349, %max3A_351 : vector<16xf32>
            %swap3A_353 = arith.index_cast %scan3A_230 : i32 to index
            %swap3A_354 = arith.constant 48 : index
            %swap3A_355 = tpu.vector_load %arg14[%swap3A_353, %swap3A_354] {strides = array<i32>} : memref<80x112xf32, #tpu.memory_space<vmem>>, vector<16xf32>,
            tpu.vector_store %arg14[%swap3A_353, %swap3A_354], %max3A_352 {strides = array<i32>} : memref<80x112xf32, #tpu.memory_space<vmem>>, vector<16xf32>,
            %get3A_356 = arith.index_cast %scan3A_230 : i32 to index
            %get3A_357 = arith.constant 64 : index
            %get3A_358 = tpu.vector_load %arg12[%get3A_356, %get3A_357] {strides = array<i32>} : memref<80x112xf32, #tpu.memory_space<vmem>>, vector<16xf32>,
            %get3A_359 = arith.index_cast %scan3A_230 : i32 to index
            %get3A_360 = arith.constant 64 : index
            %get3A_361 = tpu.vector_load %arg13[%get3A_359, %get3A_360] {strides = array<i32>} : memref<80x112xf32, #tpu.memory_space<vmem>>, vector<16xf32>,
            %add3A_362 = arith.addf %get3A_358, %get3A_361 : vector<16xf32>
            %mul3A_363 = arith.mulf %bitcast3A_297, %get3A_29 : vector<16xf32>
            %add3A_364 = arith.addf %add3A_362, %mul3A_363 : vector<16xf32>
            %max3A_365 = arith.constant 0.000000e+00 : f32
            %max3A_366 = vector.broadcast %max3A_365 : f32 to vector<16xf32>
            %max3A_367 = arith.maximumf %add3A_364, %max3A_366 : vector<16xf32>
            %swap3A_368 = arith.index_cast %scan3A_230 : i32 to index
            %swap3A_369 = arith.constant 64 : index
            %swap3A_370 = tpu.vector_load %arg14[%swap3A_368, %swap3A_369] {strides = array<i32>} : memref<80x112xf32, #tpu.memory_space<vmem>>, vector<16xf32>,
            tpu.vector_store %arg14[%swap3A_368, %swap3A_369], %max3A_367 {strides = array<i32>} : memref<80x112xf32, #tpu.memory_space<vmem>>, vector<16xf32>,
            %get3A_371 = arith.index_cast %scan3A_230 : i32 to index
            %get3A_372 = arith.constant 80 : index
            %get3A_373 = tpu.vector_load %arg12[%get3A_371, %get3A_372] {strides = array<i32>} : memref<80x112xf32, #tpu.memory_space<vmem>>, vector<16xf32>,
            %get3A_374 = arith.index_cast %scan3A_230 : i32 to index
            %get3A_375 = arith.constant 80 : index
            %get3A_376 = tpu.vector_load %arg13[%get3A_374, %get3A_375] {strides = array<i32>} : memref<80x112xf32, #tpu.memory_space<vmem>>, vector<16xf32>,
            %add3A_377 = arith.addf %get3A_373, %get3A_376 : vector<16xf32>
            %mul3A_378 = arith.mulf %bitcast3A_297, %get3A_31 : vector<16xf32>
            %add3A_379 = arith.addf %add3A_377, %mul3A_378 : vector<16xf32>
            %max3A_380 = arith.constant 0.000000e+00 : f32
            %max3A_381 = vector.broadcast %max3A_380 : f32 to vector<16xf32>
            %max3A_382 = arith.maximumf %add3A_379, %max3A_381 : vector<16xf32>
            %swap3A_383 = arith.index_cast %scan3A_230 : i32 to index
            %swap3A_384 = arith.constant 80 : index
            %swap3A_385 = tpu.vector_load %arg14[%swap3A_383, %swap3A_384] {strides = array<i32>} : memref<80x112xf32, #tpu.memory_space<vmem>>, vector<16xf32>,
            tpu.vector_store %arg14[%swap3A_383, %swap3A_384], %max3A_382 {strides = array<i32>} : memref<80x112xf32, #tpu.memory_space<vmem>>, vector<16xf32>,
          }
          %scan3A_175 = arith.constant 80 : i32
          %dma_start3A_176 = arith.constant 0 : i32
          %dma_start3A_177 = arith.constant 0 : i32
          %dma_start3A_178 = tpu.memref_slice %arg11[%mul3A_130, %dma_start3A_176, %dma_start3A_177] : memref<25x2x80xi32, #tpu.memory_space<vmem>> -> memref<1x1x80xi32, #tpu.memory_space<vmem>>
          %dma_start3A_179 = tpu.memref_squeeze %dma_start3A_178 : memref<1x1x80xi32, #tpu.memory_space<vmem>> -> memref<80xi32, #tpu.memory_space<vmem>>
          %dma_start3A_180 = arith.constant 0 : i32
          %dma_start3A_181 = arith.constant 0 : i32
          %dma_start3A_182 = tpu.memref_slice %arg10[%dma_start3A_180, %dma_start3A_181] : memref<10000x112xf32, #tpu.memory_space<vmem_shared>> -> memref<10000x112xf32, #tpu.memory_space<vmem_shared>>
          tpu.enqueue_indirect_dma source(%arg14 : memref<80x112xf32, #tpu.memory_space<vmem>>) target(%dma_start3A_182 : memref<10000x112xf32, #tpu.memory_space<vmem_shared>>) offsets(%dma_start3A_179 : memref<80xi32, #tpu.memory_space<vmem>>) semaphore(%arg20 : memref<!tpu.dma_semaphore, #tpu.memory_space<semaphore_mem>>) {add = true}
          %add3A_183 = arith.constant 2 : i32
          %add3A_184 = arith.addi %mul3A_130, %add3A_183 : i32
          %dma_start3A_185 = arith.constant 0 : i32
          %dma_start3A_186 = arith.constant 0 : i32
          %dma_start3A_187 = tpu.memref_slice %arg11[%add3A_184, %dma_start3A_185, %dma_start3A_186] : memref<25x2x80xi32, #tpu.memory_space<vmem>> -> memref<1x1x80xi32, #tpu.memory_space<vmem>>
          %dma_start3A_188 = tpu.memref_squeeze %dma_start3A_187 : memref<1x1x80xi32, #tpu.memory_space<vmem>> -> memref<80xi32, #tpu.memory_space<vmem>>
          %dma_start3A_189 = arith.constant 0 : i32
          %dma_start3A_190 = arith.constant 0 : i32
          %dma_start3A_191 = tpu.memref_slice %arg3[%dma_start3A_189, %dma_start3A_190] : memref<10000x112xf32, #tpu.memory_space<hbm>> -> memref<10000x112xf32, #tpu.memory_space<hbm>>
          tpu.enqueue_indirect_dma source(%dma_start3A_191 : memref<10000x112xf32, #tpu.memory_space<hbm>>) target(%arg12 : memref<80x112xf32, #tpu.memory_space<vmem>>) offsets(%dma_start3A_188 : memref<80xi32, #tpu.memory_space<vmem>>) semaphore(%arg19 : memref<!tpu.dma_semaphore, #tpu.memory_space<semaphore_mem>>)
          %dma_start3A_192 = arith.constant 1 : i32
          %dma_start3A_193 = arith.constant 0 : i32
          %dma_start3A_194 = tpu.memref_slice %arg11[%add3A_184, %dma_start3A_192, %dma_start3A_193] : memref<25x2x80xi32, #tpu.memory_space<vmem>> -> memref<1x1x80xi32, #tpu.memory_space<vmem>>
          %dma_start3A_195 = tpu.memref_squeeze %dma_start3A_194 : memref<1x1x80xi32, #tpu.memory_space<vmem>> -> memref<80xi32, #tpu.memory_space<vmem>>
          %dma_start3A_196 = arith.constant 0 : i32
          %dma_start3A_197 = arith.constant 0 : i32
          %dma_start3A_198 = tpu.memref_slice %arg5[%dma_start3A_196, %dma_start3A_197] : memref<10000x112xf32, #tpu.memory_space<hbm>> -> memref<10000x112xf32, #tpu.memory_space<hbm>>
          tpu.enqueue_indirect_dma source(%dma_start3A_198 : memref<10000x112xf32, #tpu.memory_space<hbm>>) target(%arg13 : memref<80x112xf32, #tpu.memory_space<vmem>>) offsets(%dma_start3A_195 : memref<80xi32, #tpu.memory_space<vmem>>) semaphore(%arg19 : memref<!tpu.dma_semaphore, #tpu.memory_space<semaphore_mem>>)
          %add3A_199 = arith.constant 1 : i32
          %add3A_200 = arith.addi %mul3A_130, %add3A_199 : i32
          %dma_wait3A_201 = arith.constant 0 : i32
          %dma_wait3A_202 = arith.constant 0 : i32
          %dma_wait3A_203 = tpu.memref_slice %arg11[%add3A_200, %dma_wait3A_201, %dma_wait3A_202] : memref<25x2x80xi32, #tpu.memory_space<vmem>> -> memref<1x1x80xi32, #tpu.memory_space<vmem>>
          %dma_wait3A_204 = tpu.memref_squeeze %dma_wait3A_203 : memref<1x1x80xi32, #tpu.memory_space<vmem>> -> memref<80xi32, #tpu.memory_space<vmem>>
          %dma_wait3A_205 = arith.constant 0 : i32
          %dma_wait3A_206 = arith.constant 0 : i32
          %dma_wait3A_207 = tpu.memref_slice %arg3[%dma_wait3A_205, %dma_wait3A_206] : memref<10000x112xf32, #tpu.memory_space<hbm>> -> memref<10000x112xf32, #tpu.memory_space<hbm>>
          tpu.wait_indirect_dma semaphore(%arg21 : memref<!tpu.dma_semaphore, #tpu.memory_space<semaphore_mem>>) src(%dma_wait3A_207 : memref<10000x112xf32, #tpu.memory_space<hbm>>) dst(%arg15 : memref<80x112xf32, #tpu.memory_space<vmem>>)
          %dma_wait3A_208 = arith.constant 1 : i32
          %dma_wait3A_209 = arith.constant 0 : i32
          %dma_wait3A_210 = tpu.memref_slice %arg11[%add3A_200, %dma_wait3A_208, %dma_wait3A_209] : memref<25x2x80xi32, #tpu.memory_space<vmem>> -> memref<1x1x80xi32, #tpu.memory_space<vmem>>
          %dma_wait3A_211 = tpu.memref_squeeze %dma_wait3A_210 : memref<1x1x80xi32, #tpu.memory_space<vmem>> -> memref<80xi32, #tpu.memory_space<vmem>>
          %dma_wait3A_212 = arith.constant 0 : i32
          %dma_wait3A_213 = arith.constant 0 : i32
          %dma_wait3A_214 = tpu.memref_slice %arg5[%dma_wait3A_212, %dma_wait3A_213] : memref<10000x112xf32, #tpu.memory_space<hbm>> -> memref<10000x112xf32, #tpu.memory_space<hbm>>
          tpu.wait_indirect_dma semaphore(%arg21 : memref<!tpu.dma_semaphore, #tpu.memory_space<semaphore_mem>>) src(%dma_wait3A_214 : memref<10000x112xf32, #tpu.memory_space<hbm>>) dst(%arg16 : memref<80x112xf32, #tpu.memory_space<vmem>>)
          %scan3A_215 = arith.constant 0 : i32
          %scan3A_216 = arith.constant 0 : i32
          %scan3A_217 = arith.constant 80 : i32
          %scan3A_218 = arith.addi %scan3A_216, %scan3A_217 : i32
          %scan3A_219 = arith.constant 1 : i32
          scf.for %scan3A_230 = %scan3A_216 to %scan3A_218 step %scan3A_219  : i32 {
            %get3A_231 = arith.index_cast %scan3A_230 : i32 to index
            %get3A_232 = arith.constant 96 : index
            %get3A_233 = tpu.vector_load %arg15[%get3A_231, %get3A_232] {strides = array<i32>} : memref<80x112xf32, #tpu.memory_space<vmem>>, vector<16xf32>,
            %get3A_234 = arith.index_cast %scan3A_230 : i32 to index
            %get3A_235 = arith.constant 96 : index
            %get3A_236 = tpu.vector_load %arg16[%get3A_234, %get3A_235] {strides = array<i32>} : memref<80x112xf32, #tpu.memory_space<vmem>>, vector<16xf32>,
            %sub3A = arith.subf %get3A_233, %get3A_236 : vector<16xf32>
            %mul3A_237 = arith.mulf %sub3A, %sub3A : vector<16xf32>
            %slice3A = vector.extract_strided_slice %mul3A_237 {offsets = [0], sizes = [1], strides = [1]} : vector<16xf32> to vector<1xf32>
            %squeeze3A = vector.extract %slice3A[0] : f32 from vector<1xf32>
            %slice3A_238 = vector.extract_strided_slice %mul3A_237 {offsets = [1], sizes = [1], strides = [1]} : vector<16xf32> to vector<1xf32>
            %squeeze3A_239 = vector.extract %slice3A_238[0] : f32 from vector<1xf32>
            %add3A_240 = arith.addf %squeeze3A, %squeeze3A_239 : f32
            %slice3A_241 = vector.extract_strided_slice %mul3A_237 {offsets = [2], sizes = [1], strides = [1]} : vector<16xf32> to vector<1xf32>
            %squeeze3A_242 = vector.extract %slice3A_241[0] : f32 from vector<1xf32>
            %add3A_243 = arith.addf %add3A_240, %squeeze3A_242 : f32
            %broadcast_in_dim3A_244 = vector.broadcast %add3A_243 : f32 to vector<16xf32>
            %bitcast3A = vector.bitcast %broadcast_in_dim3A_244 : vector<16xf32> to vector<16xi32>
            %shift_right_arithmetic3A = arith.constant 1 : i32
            %shift_right_arithmetic3A_245 = vector.broadcast %shift_right_arithmetic3A : i32 to vector<16xi32>
            %shift_right_arithmetic3A_246 = arith.shrsi %bitcast3A, %shift_right_arithmetic3A_245 : vector<16xi32>
            %sub3A_247 = arith.constant 1597463007 : i32
            %sub3A_248 = vector.broadcast %sub3A_247 : i32 to vector<16xi32>
            %sub3A_249 = arith.subi %sub3A_248, %shift_right_arithmetic3A_246 : vector<16xi32>
            %bitcast3A_250 = vector.bitcast %sub3A_249 : vector<16xi32> to vector<16xf32>
            %mul3A_251 = arith.constant 5.000000e-01 : f32
            %mul3A_252 = vector.broadcast %mul3A_251 : f32 to vector<16xf32>
            %mul3A_253 = arith.mulf %mul3A_252, %broadcast_in_dim3A_244 : vector<16xf32>
            %mul3A_254 = arith.mulf %mul3A_253, %bitcast3A_250 : vector<16xf32>
            %mul3A_255 = arith.mulf %mul3A_254, %bitcast3A_250 : vector<16xf32>
            %sub3A_256 = arith.constant 1.500000e+00 : f32
            %sub3A_257 = vector.broadcast %sub3A_256 : f32 to vector<16xf32>
            %sub3A_258 = arith.subf %sub3A_257, %mul3A_255 : vector<16xf32>
            %mul3A_259 = arith.mulf %bitcast3A_250, %sub3A_258 : vector<16xf32>
            %mul3A_260 = arith.constant 5.000000e-01 : f32
            %mul3A_261 = vector.broadcast %mul3A_260 : f32 to vector<16xf32>
            %mul3A_262 = arith.mulf %mul3A_261, %broadcast_in_dim3A_244 : vector<16xf32>
            %mul3A_263 = arith.mulf %mul3A_262, %mul3A_259 : vector<16xf32>
            %mul3A_264 = arith.mulf %mul3A_263, %mul3A_259 : vector<16xf32>
            %sub3A_265 = arith.constant 1.500000e+00 : f32
            %sub3A_266 = vector.broadcast %sub3A_265 : f32 to vector<16xf32>
            %sub3A_267 = arith.subf %sub3A_266, %mul3A_264 : vector<16xf32>
            %mul3A_268 = arith.mulf %mul3A_259, %sub3A_267 : vector<16xf32>
            %mul3A_269 = arith.constant 5.000000e-01 : f32
            %mul3A_270 = vector.broadcast %mul3A_269 : f32 to vector<16xf32>
            %mul3A_271 = arith.mulf %mul3A_270, %broadcast_in_dim3A_244 : vector<16xf32>
            %mul3A_272 = arith.mulf %mul3A_271, %mul3A_268 : vector<16xf32>
            %mul3A_273 = arith.mulf %mul3A_272, %mul3A_268 : vector<16xf32>
            %sub3A_274 = arith.constant 1.500000e+00 : f32
            %sub3A_275 = vector.broadcast %sub3A_274 : f32 to vector<16xf32>
            %sub3A_276 = arith.subf %sub3A_275, %mul3A_273 : vector<16xf32>
            %mul3A_277 = arith.mulf %mul3A_268, %sub3A_276 : vector<16xf32>
            %gt3A_278 = arith.constant 0.000000e+00 : f32
            %gt3A_279 = vector.broadcast %gt3A_278 : f32 to vector<16xf32>
            %gt3A_280 = arith.cmpf ogt, %broadcast_in_dim3A_244, %gt3A_279 : vector<16xf32>
            %mul3A_281 = arith.mulf %broadcast_in_dim3A_244, %mul3A_277 : vector<16xf32>
            %jit3A = arith.constant 0.000000e+00 : f32
            %broadcast_in_dim3A_282 = vector.broadcast %jit3A : f32 to vector<16xf32>
            %select_n3A_283 = arith.select %gt3A_280, %mul3A_281, %broadcast_in_dim3A_282 : vector<16xi1>, vector<16xf32>
            %bitcast3A_284 = vector.bitcast %select_n3A_283 : vector<16xf32> to vector<16xi32>
            %add3A_285 = arith.constant 32767 : i32
            %add3A_286 = vector.broadcast %add3A_285 : i32 to vector<16xi32>
            %add3A_287 = arith.addi %bitcast3A_284, %add3A_286 : vector<16xi32>
            %shift_right_arithmetic3A_288 = arith.constant 16 : i32
            %shift_right_arithmetic3A_289 = vector.broadcast %shift_right_arithmetic3A_288 : i32 to vector<16xi32>
            %shift_right_arithmetic3A_290 = arith.shrsi %bitcast3A_284, %shift_right_arithmetic3A_289 : vector<16xi32>
            %and3A = arith.constant 1 : i32
            %and3A_291 = vector.broadcast %and3A : i32 to vector<16xi32>
            %and3A_292 = arith.andi %shift_right_arithmetic3A_290, %and3A_291 : vector<16xi32>
            %add3A_293 = arith.addi %add3A_287, %and3A_292 : vector<16xi32>
            %and3A_294 = arith.constant -65536 : i32
            %and3A_295 = vector.broadcast %and3A_294 : i32 to vector<16xi32>
            %and3A_296 = arith.andi %add3A_293, %and3A_295 : vector<16xi32>
            %bitcast3A_297 = vector.bitcast %and3A_296 : vector<16xi32> to vector<16xf32>
            %get3A_298 = arith.index_cast %scan3A_230 : i32 to index
            %get3A_299 = arith.constant 0 : index
            %get3A_300 = tpu.vector_load %arg15[%get3A_298, %get3A_299] {strides = array<i32>} : memref<80x112xf32, #tpu.memory_space<vmem>>, vector<16xf32>,
            %get3A_301 = arith.index_cast %scan3A_230 : i32 to index
            %get3A_302 = arith.constant 0 : index
            %get3A_303 = tpu.vector_load %arg16[%get3A_301, %get3A_302] {strides = array<i32>} : memref<80x112xf32, #tpu.memory_space<vmem>>, vector<16xf32>,
            %add3A_304 = arith.addf %get3A_300, %get3A_303 : vector<16xf32>
            %mul3A_305 = arith.mulf %bitcast3A_297, %get3A_21 : vector<16xf32>
            %add3A_306 = arith.addf %add3A_304, %mul3A_305 : vector<16xf32>
            %max3A = arith.constant 0.000000e+00 : f32
            %max3A_307 = vector.broadcast %max3A : f32 to vector<16xf32>
            %max3A_308 = arith.maximumf %add3A_306, %max3A_307 : vector<16xf32>
            %swap3A = arith.index_cast %scan3A_230 : i32 to index
            %swap3A_309 = arith.constant 0 : index
            %swap3A_310 = tpu.vector_load %arg17[%swap3A, %swap3A_309] {strides = array<i32>} : memref<80x112xf32, #tpu.memory_space<vmem>>, vector<16xf32>,
            tpu.vector_store %arg17[%swap3A, %swap3A_309], %max3A_308 {strides = array<i32>} : memref<80x112xf32, #tpu.memory_space<vmem>>, vector<16xf32>,
            %get3A_311 = arith.index_cast %scan3A_230 : i32 to index
            %get3A_312 = arith.constant 16 : index
            %get3A_313 = tpu.vector_load %arg15[%get3A_311, %get3A_312] {strides = array<i32>} : memref<80x112xf32, #tpu.memory_space<vmem>>, vector<16xf32>,
            %get3A_314 = arith.index_cast %scan3A_230 : i32 to index
            %get3A_315 = arith.constant 16 : index
            %get3A_316 = tpu.vector_load %arg16[%get3A_314, %get3A_315] {strides = array<i32>} : memref<80x112xf32, #tpu.memory_space<vmem>>, vector<16xf32>,
            %add3A_317 = arith.addf %get3A_313, %get3A_316 : vector<16xf32>
            %mul3A_318 = arith.mulf %bitcast3A_297, %get3A_23 : vector<16xf32>
            %add3A_319 = arith.addf %add3A_317, %mul3A_318 : vector<16xf32>
            %max3A_320 = arith.constant 0.000000e+00 : f32
            %max3A_321 = vector.broadcast %max3A_320 : f32 to vector<16xf32>
            %max3A_322 = arith.maximumf %add3A_319, %max3A_321 : vector<16xf32>
            %swap3A_323 = arith.index_cast %scan3A_230 : i32 to index
            %swap3A_324 = arith.constant 16 : index
            %swap3A_325 = tpu.vector_load %arg17[%swap3A_323, %swap3A_324] {strides = array<i32>} : memref<80x112xf32, #tpu.memory_space<vmem>>, vector<16xf32>,
            tpu.vector_store %arg17[%swap3A_323, %swap3A_324], %max3A_322 {strides = array<i32>} : memref<80x112xf32, #tpu.memory_space<vmem>>, vector<16xf32>,
            %get3A_326 = arith.index_cast %scan3A_230 : i32 to index
            %get3A_327 = arith.constant 32 : index
            %get3A_328 = tpu.vector_load %arg15[%get3A_326, %get3A_327] {strides = array<i32>} : memref<80x112xf32, #tpu.memory_space<vmem>>, vector<16xf32>,
            %get3A_329 = arith.index_cast %scan3A_230 : i32 to index
            %get3A_330 = arith.constant 32 : index
            %get3A_331 = tpu.vector_load %arg16[%get3A_329, %get3A_330] {strides = array<i32>} : memref<80x112xf32, #tpu.memory_space<vmem>>, vector<16xf32>,
            %add3A_332 = arith.addf %get3A_328, %get3A_331 : vector<16xf32>
            %mul3A_333 = arith.mulf %bitcast3A_297, %get3A_25 : vector<16xf32>
            %add3A_334 = arith.addf %add3A_332, %mul3A_333 : vector<16xf32>
            %max3A_335 = arith.constant 0.000000e+00 : f32
            %max3A_336 = vector.broadcast %max3A_335 : f32 to vector<16xf32>
            %max3A_337 = arith.maximumf %add3A_334, %max3A_336 : vector<16xf32>
            %swap3A_338 = arith.index_cast %scan3A_230 : i32 to index
            %swap3A_339 = arith.constant 32 : index
            %swap3A_340 = tpu.vector_load %arg17[%swap3A_338, %swap3A_339] {strides = array<i32>} : memref<80x112xf32, #tpu.memory_space<vmem>>, vector<16xf32>,
            tpu.vector_store %arg17[%swap3A_338, %swap3A_339], %max3A_337 {strides = array<i32>} : memref<80x112xf32, #tpu.memory_space<vmem>>, vector<16xf32>,
            %get3A_341 = arith.index_cast %scan3A_230 : i32 to index
            %get3A_342 = arith.constant 48 : index
            %get3A_343 = tpu.vector_load %arg15[%get3A_341, %get3A_342] {strides = array<i32>} : memref<80x112xf32, #tpu.memory_space<vmem>>, vector<16xf32>,
            %get3A_344 = arith.index_cast %scan3A_230 : i32 to index
            %get3A_345 = arith.constant 48 : index
            %get3A_346 = tpu.vector_load %arg16[%get3A_344, %get3A_345] {strides = array<i32>} : memref<80x112xf32, #tpu.memory_space<vmem>>, vector<16xf32>,
            %add3A_347 = arith.addf %get3A_343, %get3A_346 : vector<16xf32>
            %mul3A_348 = arith.mulf %bitcast3A_297, %get3A_27 : vector<16xf32>
            %add3A_349 = arith.addf %add3A_347, %mul3A_348 : vector<16xf32>
            %max3A_350 = arith.constant 0.000000e+00 : f32
            %max3A_351 = vector.broadcast %max3A_350 : f32 to vector<16xf32>
            %max3A_352 = arith.maximumf %add3A_349, %max3A_351 : vector<16xf32>
            %swap3A_353 = arith.index_cast %scan3A_230 : i32 to index
            %swap3A_354 = arith.constant 48 : index
            %swap3A_355 = tpu.vector_load %arg17[%swap3A_353, %swap3A_354] {strides = array<i32>} : memref<80x112xf32, #tpu.memory_space<vmem>>, vector<16xf32>,
            tpu.vector_store %arg17[%swap3A_353, %swap3A_354], %max3A_352 {strides = array<i32>} : memref<80x112xf32, #tpu.memory_space<vmem>>, vector<16xf32>,
            %get3A_356 = arith.index_cast %scan3A_230 : i32 to index
            %get3A_357 = arith.constant 64 : index
            %get3A_358 = tpu.vector_load %arg15[%get3A_356, %get3A_357] {strides = array<i32>} : memref<80x112xf32, #tpu.memory_space<vmem>>, vector<16xf32>,
            %get3A_359 = arith.index_cast %scan3A_230 : i32 to index
            %get3A_360 = arith.constant 64 : index
            %get3A_361 = tpu.vector_load %arg16[%get3A_359, %get3A_360] {strides = array<i32>} : memref<80x112xf32, #tpu.memory_space<vmem>>, vector<16xf32>,
            %add3A_362 = arith.addf %get3A_358, %get3A_361 : vector<16xf32>
            %mul3A_363 = arith.mulf %bitcast3A_297, %get3A_29 : vector<16xf32>
            %add3A_364 = arith.addf %add3A_362, %mul3A_363 : vector<16xf32>
            %max3A_365 = arith.constant 0.000000e+00 : f32
            %max3A_366 = vector.broadcast %max3A_365 : f32 to vector<16xf32>
            %max3A_367 = arith.maximumf %add3A_364, %max3A_366 : vector<16xf32>
            %swap3A_368 = arith.index_cast %scan3A_230 : i32 to index
            %swap3A_369 = arith.constant 64 : index
            %swap3A_370 = tpu.vector_load %arg17[%swap3A_368, %swap3A_369] {strides = array<i32>} : memref<80x112xf32, #tpu.memory_space<vmem>>, vector<16xf32>,
            tpu.vector_store %arg17[%swap3A_368, %swap3A_369], %max3A_367 {strides = array<i32>} : memref<80x112xf32, #tpu.memory_space<vmem>>, vector<16xf32>,
            %get3A_371 = arith.index_cast %scan3A_230 : i32 to index
            %get3A_372 = arith.constant 80 : index
            %get3A_373 = tpu.vector_load %arg15[%get3A_371, %get3A_372] {strides = array<i32>} : memref<80x112xf32, #tpu.memory_space<vmem>>, vector<16xf32>,
            %get3A_374 = arith.index_cast %scan3A_230 : i32 to index
            %get3A_375 = arith.constant 80 : index
            %get3A_376 = tpu.vector_load %arg16[%get3A_374, %get3A_375] {strides = array<i32>} : memref<80x112xf32, #tpu.memory_space<vmem>>, vector<16xf32>,
            %add3A_377 = arith.addf %get3A_373, %get3A_376 : vector<16xf32>
            %mul3A_378 = arith.mulf %bitcast3A_297, %get3A_31 : vector<16xf32>
            %add3A_379 = arith.addf %add3A_377, %mul3A_378 : vector<16xf32>
            %max3A_380 = arith.constant 0.000000e+00 : f32
            %max3A_381 = vector.broadcast %max3A_380 : f32 to vector<16xf32>
            %max3A_382 = arith.maximumf %add3A_379, %max3A_381 : vector<16xf32>
            %swap3A_383 = arith.index_cast %scan3A_230 : i32 to index
            %swap3A_384 = arith.constant 80 : index
            %swap3A_385 = tpu.vector_load %arg17[%swap3A_383, %swap3A_384] {strides = array<i32>} : memref<80x112xf32, #tpu.memory_space<vmem>>, vector<16xf32>,
            tpu.vector_store %arg17[%swap3A_383, %swap3A_384], %max3A_382 {strides = array<i32>} : memref<80x112xf32, #tpu.memory_space<vmem>>, vector<16xf32>,
          }
          %scan3A_220 = arith.constant 80 : i32
          %add3A_221 = arith.constant 1 : i32
          %add3A_222 = arith.addi %mul3A_130, %add3A_221 : i32
          %dma_start3A_223 = arith.constant 0 : i32
          %dma_start3A_224 = arith.constant 0 : i32
          %dma_start3A_225 = tpu.memref_slice %arg11[%add3A_222, %dma_start3A_223, %dma_start3A_224] : memref<25x2x80xi32, #tpu.memory_space<vmem>> -> memref<1x1x80xi32, #tpu.memory_space<vmem>>
          %dma_start3A_226 = tpu.memref_squeeze %dma_start3A_225 : memref<1x1x80xi32, #tpu.memory_space<vmem>> -> memref<80xi32, #tpu.memory_space<vmem>>
          %dma_start3A_227 = arith.constant 0 : i32
          %dma_start3A_228 = arith.constant 0 : i32
          %dma_start3A_229 = tpu.memref_slice %arg10[%dma_start3A_227, %dma_start3A_228] : memref<10000x112xf32, #tpu.memory_space<vmem_shared>> -> memref<10000x112xf32, #tpu.memory_space<vmem_shared>>
          tpu.enqueue_indirect_dma source(%arg17 : memref<80x112xf32, #tpu.memory_space<vmem>>) target(%dma_start3A_229 : memref<10000x112xf32, #tpu.memory_space<vmem_shared>>) offsets(%dma_start3A_226 : memref<80xi32, #tpu.memory_space<vmem>>) semaphore(%arg22 : memref<!tpu.dma_semaphore, #tpu.memory_space<semaphore_mem>>) {add = true}
        }
        %scan3A_74 = arith.constant 12 : i32
        %dma_wait3A = arith.constant 22 : i32
        %dma_wait3A_75 = arith.constant 0 : i32
        %dma_wait3A_76 = arith.constant 0 : i32
        %dma_wait3A_77 = tpu.memref_slice %arg11[%dma_wait3A, %dma_wait3A_75, %dma_wait3A_76] : memref<25x2x80xi32, #tpu.memory_space<vmem>> -> memref<1x1x80xi32, #tpu.memory_space<vmem>>
        %dma_wait3A_78 = tpu.memref_squeeze %dma_wait3A_77 : memref<1x1x80xi32, #tpu.memory_space<vmem>> -> memref<80xi32, #tpu.memory_space<vmem>>
        %dma_wait3A_79 = arith.constant 0 : i32
        %dma_wait3A_80 = arith.constant 0 : i32
        %dma_wait3A_81 = tpu.memref_slice %arg10[%dma_wait3A_79, %dma_wait3A_80] : memref<10000x112xf32, #tpu.memory_space<vmem_shared>> -> memref<10000x112xf32, #tpu.memory_space<vmem_shared>>
        tpu.wait_indirect_dma semaphore(%arg20 : memref<!tpu.dma_semaphore, #tpu.memory_space<semaphore_mem>>) src(%arg14 : memref<80x112xf32, #tpu.memory_space<vmem>>) dst(%dma_wait3A_81 : memref<10000x112xf32, #tpu.memory_space<vmem_shared>>)
        %dma_wait3A_82 = arith.constant 24 : i32
        %dma_wait3A_83 = arith.constant 0 : i32
        %dma_wait3A_84 = arith.constant 0 : i32
        %dma_wait3A_85 = tpu.memref_slice %arg11[%dma_wait3A_82, %dma_wait3A_83, %dma_wait3A_84] : memref<25x2x80xi32, #tpu.memory_space<vmem>> -> memref<1x1x80xi32, #tpu.memory_space<vmem>>
        %dma_wait3A_86 = tpu.memref_squeeze %dma_wait3A_85 : memref<1x1x80xi32, #tpu.memory_space<vmem>> -> memref<80xi32, #tpu.memory_space<vmem>>
        %dma_wait3A_87 = arith.constant 0 : i32
        %dma_wait3A_88 = arith.constant 0 : i32
        %dma_wait3A_89 = tpu.memref_slice %arg3[%dma_wait3A_87, %dma_wait3A_88] : memref<10000x112xf32, #tpu.memory_space<hbm>> -> memref<10000x112xf32, #tpu.memory_space<hbm>>
        tpu.wait_indirect_dma semaphore(%arg19 : memref<!tpu.dma_semaphore, #tpu.memory_space<semaphore_mem>>) src(%dma_wait3A_89 : memref<10000x112xf32, #tpu.memory_space<hbm>>) dst(%arg12 : memref<80x112xf32, #tpu.memory_space<vmem>>)
        %dma_wait3A_90 = arith.constant 24 : i32
        %dma_wait3A_91 = arith.constant 1 : i32
        %dma_wait3A_92 = arith.constant 0 : i32
        %dma_wait3A_93 = tpu.memref_slice %arg11[%dma_wait3A_90, %dma_wait3A_91, %dma_wait3A_92] : memref<25x2x80xi32, #tpu.memory_space<vmem>> -> memref<1x1x80xi32, #tpu.memory_space<vmem>>
        %dma_wait3A_94 = tpu.memref_squeeze %dma_wait3A_93 : memref<1x1x80xi32, #tpu.memory_space<vmem>> -> memref<80xi32, #tpu.memory_space<vmem>>
        %dma_wait3A_95 = arith.constant 0 : i32
        %dma_wait3A_96 = arith.constant 0 : i32
        %dma_wait3A_97 = tpu.memref_slice %arg5[%dma_wait3A_95, %dma_wait3A_96] : memref<10000x112xf32, #tpu.memory_space<hbm>> -> memref<10000x112xf32, #tpu.memory_space<hbm>>
        tpu.wait_indirect_dma semaphore(%arg19 : memref<!tpu.dma_semaphore, #tpu.memory_space<semaphore_mem>>) src(%dma_wait3A_97 : memref<10000x112xf32, #tpu.memory_space<hbm>>) dst(%arg13 : memref<80x112xf32, #tpu.memory_space<vmem>>)
        %scan3A_98 = arith.constant 0 : i32
        %scan3A_99 = arith.constant 0 : i32
        %scan3A_100 = arith.constant 80 : i32
        %scan3A_101 = arith.addi %scan3A_99, %scan3A_100 : i32
        %scan3A_102 = arith.constant 1 : i32
        scf.for %scan3A_128 = %scan3A_99 to %scan3A_101 step %scan3A_102  : i32 {
          %get3A_129 = arith.index_cast %scan3A_128 : i32 to index
          %get3A_130 = arith.constant 96 : index
          %get3A_131 = tpu.vector_load %arg12[%get3A_129, %get3A_130] {strides = array<i32>} : memref<80x112xf32, #tpu.memory_space<vmem>>, vector<16xf32>,
          %get3A_132 = arith.index_cast %scan3A_128 : i32 to index
          %get3A_133 = arith.constant 96 : index
          %get3A_134 = tpu.vector_load %arg13[%get3A_132, %get3A_133] {strides = array<i32>} : memref<80x112xf32, #tpu.memory_space<vmem>>, vector<16xf32>,
          %sub3A = arith.subf %get3A_131, %get3A_134 : vector<16xf32>
          %mul3A_135 = arith.mulf %sub3A, %sub3A : vector<16xf32>
          %slice3A = vector.extract_strided_slice %mul3A_135 {offsets = [0], sizes = [1], strides = [1]} : vector<16xf32> to vector<1xf32>
          %squeeze3A = vector.extract %slice3A[0] : f32 from vector<1xf32>
          %slice3A_136 = vector.extract_strided_slice %mul3A_135 {offsets = [1], sizes = [1], strides = [1]} : vector<16xf32> to vector<1xf32>
          %squeeze3A_137 = vector.extract %slice3A_136[0] : f32 from vector<1xf32>
          %add3A_138 = arith.addf %squeeze3A, %squeeze3A_137 : f32
          %slice3A_139 = vector.extract_strided_slice %mul3A_135 {offsets = [2], sizes = [1], strides = [1]} : vector<16xf32> to vector<1xf32>
          %squeeze3A_140 = vector.extract %slice3A_139[0] : f32 from vector<1xf32>
          %add3A_141 = arith.addf %add3A_138, %squeeze3A_140 : f32
          %broadcast_in_dim3A_142 = vector.broadcast %add3A_141 : f32 to vector<16xf32>
          %bitcast3A = vector.bitcast %broadcast_in_dim3A_142 : vector<16xf32> to vector<16xi32>
          %shift_right_arithmetic3A = arith.constant 1 : i32
          %shift_right_arithmetic3A_143 = vector.broadcast %shift_right_arithmetic3A : i32 to vector<16xi32>
          %shift_right_arithmetic3A_144 = arith.shrsi %bitcast3A, %shift_right_arithmetic3A_143 : vector<16xi32>
          %sub3A_145 = arith.constant 1597463007 : i32
          %sub3A_146 = vector.broadcast %sub3A_145 : i32 to vector<16xi32>
          %sub3A_147 = arith.subi %sub3A_146, %shift_right_arithmetic3A_144 : vector<16xi32>
          %bitcast3A_148 = vector.bitcast %sub3A_147 : vector<16xi32> to vector<16xf32>
          %mul3A_149 = arith.constant 5.000000e-01 : f32
          %mul3A_150 = vector.broadcast %mul3A_149 : f32 to vector<16xf32>
          %mul3A_151 = arith.mulf %mul3A_150, %broadcast_in_dim3A_142 : vector<16xf32>
          %mul3A_152 = arith.mulf %mul3A_151, %bitcast3A_148 : vector<16xf32>
          %mul3A_153 = arith.mulf %mul3A_152, %bitcast3A_148 : vector<16xf32>
          %sub3A_154 = arith.constant 1.500000e+00 : f32
          %sub3A_155 = vector.broadcast %sub3A_154 : f32 to vector<16xf32>
          %sub3A_156 = arith.subf %sub3A_155, %mul3A_153 : vector<16xf32>
          %mul3A_157 = arith.mulf %bitcast3A_148, %sub3A_156 : vector<16xf32>
          %mul3A_158 = arith.constant 5.000000e-01 : f32
          %mul3A_159 = vector.broadcast %mul3A_158 : f32 to vector<16xf32>
          %mul3A_160 = arith.mulf %mul3A_159, %broadcast_in_dim3A_142 : vector<16xf32>
          %mul3A_161 = arith.mulf %mul3A_160, %mul3A_157 : vector<16xf32>
          %mul3A_162 = arith.mulf %mul3A_161, %mul3A_157 : vector<16xf32>
          %sub3A_163 = arith.constant 1.500000e+00 : f32
          %sub3A_164 = vector.broadcast %sub3A_163 : f32 to vector<16xf32>
          %sub3A_165 = arith.subf %sub3A_164, %mul3A_162 : vector<16xf32>
          %mul3A_166 = arith.mulf %mul3A_157, %sub3A_165 : vector<16xf32>
          %mul3A_167 = arith.constant 5.000000e-01 : f32
          %mul3A_168 = vector.broadcast %mul3A_167 : f32 to vector<16xf32>
          %mul3A_169 = arith.mulf %mul3A_168, %broadcast_in_dim3A_142 : vector<16xf32>
          %mul3A_170 = arith.mulf %mul3A_169, %mul3A_166 : vector<16xf32>
          %mul3A_171 = arith.mulf %mul3A_170, %mul3A_166 : vector<16xf32>
          %sub3A_172 = arith.constant 1.500000e+00 : f32
          %sub3A_173 = vector.broadcast %sub3A_172 : f32 to vector<16xf32>
          %sub3A_174 = arith.subf %sub3A_173, %mul3A_171 : vector<16xf32>
          %mul3A_175 = arith.mulf %mul3A_166, %sub3A_174 : vector<16xf32>
          %gt3A = arith.constant 0.000000e+00 : f32
          %gt3A_176 = vector.broadcast %gt3A : f32 to vector<16xf32>
          %gt3A_177 = arith.cmpf ogt, %broadcast_in_dim3A_142, %gt3A_176 : vector<16xf32>
          %mul3A_178 = arith.mulf %broadcast_in_dim3A_142, %mul3A_175 : vector<16xf32>
          %jit3A = arith.constant 0.000000e+00 : f32
          %broadcast_in_dim3A_179 = vector.broadcast %jit3A : f32 to vector<16xf32>
          %select_n3A_180 = arith.select %gt3A_177, %mul3A_178, %broadcast_in_dim3A_179 : vector<16xi1>, vector<16xf32>
          %bitcast3A_181 = vector.bitcast %select_n3A_180 : vector<16xf32> to vector<16xi32>
          %add3A_182 = arith.constant 32767 : i32
          %add3A_183 = vector.broadcast %add3A_182 : i32 to vector<16xi32>
          %add3A_184 = arith.addi %bitcast3A_181, %add3A_183 : vector<16xi32>
          %shift_right_arithmetic3A_185 = arith.constant 16 : i32
          %shift_right_arithmetic3A_186 = vector.broadcast %shift_right_arithmetic3A_185 : i32 to vector<16xi32>
          %shift_right_arithmetic3A_187 = arith.shrsi %bitcast3A_181, %shift_right_arithmetic3A_186 : vector<16xi32>
          %and3A = arith.constant 1 : i32
          %and3A_188 = vector.broadcast %and3A : i32 to vector<16xi32>
          %and3A_189 = arith.andi %shift_right_arithmetic3A_187, %and3A_188 : vector<16xi32>
          %add3A_190 = arith.addi %add3A_184, %and3A_189 : vector<16xi32>
          %and3A_191 = arith.constant -65536 : i32
          %and3A_192 = vector.broadcast %and3A_191 : i32 to vector<16xi32>
          %and3A_193 = arith.andi %add3A_190, %and3A_192 : vector<16xi32>
          %bitcast3A_194 = vector.bitcast %and3A_193 : vector<16xi32> to vector<16xf32>
          %get3A_195 = arith.index_cast %scan3A_128 : i32 to index
          %get3A_196 = arith.constant 0 : index
          %get3A_197 = tpu.vector_load %arg12[%get3A_195, %get3A_196] {strides = array<i32>} : memref<80x112xf32, #tpu.memory_space<vmem>>, vector<16xf32>,
          %get3A_198 = arith.index_cast %scan3A_128 : i32 to index
          %get3A_199 = arith.constant 0 : index
          %get3A_200 = tpu.vector_load %arg13[%get3A_198, %get3A_199] {strides = array<i32>} : memref<80x112xf32, #tpu.memory_space<vmem>>, vector<16xf32>,
          %add3A_201 = arith.addf %get3A_197, %get3A_200 : vector<16xf32>
          %mul3A_202 = arith.mulf %bitcast3A_194, %get3A_21 : vector<16xf32>
          %add3A_203 = arith.addf %add3A_201, %mul3A_202 : vector<16xf32>
          %max3A = arith.constant 0.000000e+00 : f32
          %max3A_204 = vector.broadcast %max3A : f32 to vector<16xf32>
          %max3A_205 = arith.maximumf %add3A_203, %max3A_204 : vector<16xf32>
          %swap3A = arith.index_cast %scan3A_128 : i32 to index
          %swap3A_206 = arith.constant 0 : index
          %swap3A_207 = tpu.vector_load %arg14[%swap3A, %swap3A_206] {strides = array<i32>} : memref<80x112xf32, #tpu.memory_space<vmem>>, vector<16xf32>,
          tpu.vector_store %arg14[%swap3A, %swap3A_206], %max3A_205 {strides = array<i32>} : memref<80x112xf32, #tpu.memory_space<vmem>>, vector<16xf32>,
          %get3A_208 = arith.index_cast %scan3A_128 : i32 to index
          %get3A_209 = arith.constant 16 : index
          %get3A_210 = tpu.vector_load %arg12[%get3A_208, %get3A_209] {strides = array<i32>} : memref<80x112xf32, #tpu.memory_space<vmem>>, vector<16xf32>,
          %get3A_211 = arith.index_cast %scan3A_128 : i32 to index
          %get3A_212 = arith.constant 16 : index
          %get3A_213 = tpu.vector_load %arg13[%get3A_211, %get3A_212] {strides = array<i32>} : memref<80x112xf32, #tpu.memory_space<vmem>>, vector<16xf32>,
          %add3A_214 = arith.addf %get3A_210, %get3A_213 : vector<16xf32>
          %mul3A_215 = arith.mulf %bitcast3A_194, %get3A_23 : vector<16xf32>
          %add3A_216 = arith.addf %add3A_214, %mul3A_215 : vector<16xf32>
          %max3A_217 = arith.constant 0.000000e+00 : f32
          %max3A_218 = vector.broadcast %max3A_217 : f32 to vector<16xf32>
          %max3A_219 = arith.maximumf %add3A_216, %max3A_218 : vector<16xf32>
          %swap3A_220 = arith.index_cast %scan3A_128 : i32 to index
          %swap3A_221 = arith.constant 16 : index
          %swap3A_222 = tpu.vector_load %arg14[%swap3A_220, %swap3A_221] {strides = array<i32>} : memref<80x112xf32, #tpu.memory_space<vmem>>, vector<16xf32>,
          tpu.vector_store %arg14[%swap3A_220, %swap3A_221], %max3A_219 {strides = array<i32>} : memref<80x112xf32, #tpu.memory_space<vmem>>, vector<16xf32>,
          %get3A_223 = arith.index_cast %scan3A_128 : i32 to index
          %get3A_224 = arith.constant 32 : index
          %get3A_225 = tpu.vector_load %arg12[%get3A_223, %get3A_224] {strides = array<i32>} : memref<80x112xf32, #tpu.memory_space<vmem>>, vector<16xf32>,
          %get3A_226 = arith.index_cast %scan3A_128 : i32 to index
          %get3A_227 = arith.constant 32 : index
          %get3A_228 = tpu.vector_load %arg13[%get3A_226, %get3A_227] {strides = array<i32>} : memref<80x112xf32, #tpu.memory_space<vmem>>, vector<16xf32>,
          %add3A_229 = arith.addf %get3A_225, %get3A_228 : vector<16xf32>
          %mul3A_230 = arith.mulf %bitcast3A_194, %get3A_25 : vector<16xf32>
          %add3A_231 = arith.addf %add3A_229, %mul3A_230 : vector<16xf32>
          %max3A_232 = arith.constant 0.000000e+00 : f32
          %max3A_233 = vector.broadcast %max3A_232 : f32 to vector<16xf32>
          %max3A_234 = arith.maximumf %add3A_231, %max3A_233 : vector<16xf32>
          %swap3A_235 = arith.index_cast %scan3A_128 : i32 to index
          %swap3A_236 = arith.constant 32 : index
          %swap3A_237 = tpu.vector_load %arg14[%swap3A_235, %swap3A_236] {strides = array<i32>} : memref<80x112xf32, #tpu.memory_space<vmem>>, vector<16xf32>,
          tpu.vector_store %arg14[%swap3A_235, %swap3A_236], %max3A_234 {strides = array<i32>} : memref<80x112xf32, #tpu.memory_space<vmem>>, vector<16xf32>,
          %get3A_238 = arith.index_cast %scan3A_128 : i32 to index
          %get3A_239 = arith.constant 48 : index
          %get3A_240 = tpu.vector_load %arg12[%get3A_238, %get3A_239] {strides = array<i32>} : memref<80x112xf32, #tpu.memory_space<vmem>>, vector<16xf32>,
          %get3A_241 = arith.index_cast %scan3A_128 : i32 to index
          %get3A_242 = arith.constant 48 : index
          %get3A_243 = tpu.vector_load %arg13[%get3A_241, %get3A_242] {strides = array<i32>} : memref<80x112xf32, #tpu.memory_space<vmem>>, vector<16xf32>,
          %add3A_244 = arith.addf %get3A_240, %get3A_243 : vector<16xf32>
          %mul3A_245 = arith.mulf %bitcast3A_194, %get3A_27 : vector<16xf32>
          %add3A_246 = arith.addf %add3A_244, %mul3A_245 : vector<16xf32>
          %max3A_247 = arith.constant 0.000000e+00 : f32
          %max3A_248 = vector.broadcast %max3A_247 : f32 to vector<16xf32>
          %max3A_249 = arith.maximumf %add3A_246, %max3A_248 : vector<16xf32>
          %swap3A_250 = arith.index_cast %scan3A_128 : i32 to index
          %swap3A_251 = arith.constant 48 : index
          %swap3A_252 = tpu.vector_load %arg14[%swap3A_250, %swap3A_251] {strides = array<i32>} : memref<80x112xf32, #tpu.memory_space<vmem>>, vector<16xf32>,
          tpu.vector_store %arg14[%swap3A_250, %swap3A_251], %max3A_249 {strides = array<i32>} : memref<80x112xf32, #tpu.memory_space<vmem>>, vector<16xf32>,
          %get3A_253 = arith.index_cast %scan3A_128 : i32 to index
          %get3A_254 = arith.constant 64 : index
          %get3A_255 = tpu.vector_load %arg12[%get3A_253, %get3A_254] {strides = array<i32>} : memref<80x112xf32, #tpu.memory_space<vmem>>, vector<16xf32>,
          %get3A_256 = arith.index_cast %scan3A_128 : i32 to index
          %get3A_257 = arith.constant 64 : index
          %get3A_258 = tpu.vector_load %arg13[%get3A_256, %get3A_257] {strides = array<i32>} : memref<80x112xf32, #tpu.memory_space<vmem>>, vector<16xf32>,
          %add3A_259 = arith.addf %get3A_255, %get3A_258 : vector<16xf32>
          %mul3A_260 = arith.mulf %bitcast3A_194, %get3A_29 : vector<16xf32>
          %add3A_261 = arith.addf %add3A_259, %mul3A_260 : vector<16xf32>
          %max3A_262 = arith.constant 0.000000e+00 : f32
          %max3A_263 = vector.broadcast %max3A_262 : f32 to vector<16xf32>
          %max3A_264 = arith.maximumf %add3A_261, %max3A_263 : vector<16xf32>
          %swap3A_265 = arith.index_cast %scan3A_128 : i32 to index
          %swap3A_266 = arith.constant 64 : index
          %swap3A_267 = tpu.vector_load %arg14[%swap3A_265, %swap3A_266] {strides = array<i32>} : memref<80x112xf32, #tpu.memory_space<vmem>>, vector<16xf32>,
          tpu.vector_store %arg14[%swap3A_265, %swap3A_266], %max3A_264 {strides = array<i32>} : memref<80x112xf32, #tpu.memory_space<vmem>>, vector<16xf32>,
          %get3A_268 = arith.index_cast %scan3A_128 : i32 to index
          %get3A_269 = arith.constant 80 : index
          %get3A_270 = tpu.vector_load %arg12[%get3A_268, %get3A_269] {strides = array<i32>} : memref<80x112xf32, #tpu.memory_space<vmem>>, vector<16xf32>,
          %get3A_271 = arith.index_cast %scan3A_128 : i32 to index
          %get3A_272 = arith.constant 80 : index
          %get3A_273 = tpu.vector_load %arg13[%get3A_271, %get3A_272] {strides = array<i32>} : memref<80x112xf32, #tpu.memory_space<vmem>>, vector<16xf32>,
          %add3A_274 = arith.addf %get3A_270, %get3A_273 : vector<16xf32>
          %mul3A_275 = arith.mulf %bitcast3A_194, %get3A_31 : vector<16xf32>
          %add3A_276 = arith.addf %add3A_274, %mul3A_275 : vector<16xf32>
          %max3A_277 = arith.constant 0.000000e+00 : f32
          %max3A_278 = vector.broadcast %max3A_277 : f32 to vector<16xf32>
          %max3A_279 = arith.maximumf %add3A_276, %max3A_278 : vector<16xf32>
          %swap3A_280 = arith.index_cast %scan3A_128 : i32 to index
          %swap3A_281 = arith.constant 80 : index
          %swap3A_282 = tpu.vector_load %arg14[%swap3A_280, %swap3A_281] {strides = array<i32>} : memref<80x112xf32, #tpu.memory_space<vmem>>, vector<16xf32>,
          tpu.vector_store %arg14[%swap3A_280, %swap3A_281], %max3A_279 {strides = array<i32>} : memref<80x112xf32, #tpu.memory_space<vmem>>, vector<16xf32>,
        }
        %scan3A_103 = arith.constant 80 : i32
        %dma_start3A_104 = arith.constant 24 : i32
        %dma_start3A_105 = arith.constant 0 : i32
        %dma_start3A_106 = arith.constant 0 : i32
        %dma_start3A_107 = tpu.memref_slice %arg11[%dma_start3A_104, %dma_start3A_105, %dma_start3A_106] : memref<25x2x80xi32, #tpu.memory_space<vmem>> -> memref<1x1x80xi32, #tpu.memory_space<vmem>>
        %dma_start3A_108 = tpu.memref_squeeze %dma_start3A_107 : memref<1x1x80xi32, #tpu.memory_space<vmem>> -> memref<80xi32, #tpu.memory_space<vmem>>
        %dma_start3A_109 = arith.constant 0 : i32
        %dma_start3A_110 = arith.constant 0 : i32
        %dma_start3A_111 = tpu.memref_slice %arg10[%dma_start3A_109, %dma_start3A_110] : memref<10000x112xf32, #tpu.memory_space<vmem_shared>> -> memref<10000x112xf32, #tpu.memory_space<vmem_shared>>
        tpu.enqueue_indirect_dma source(%arg14 : memref<80x112xf32, #tpu.memory_space<vmem>>) target(%dma_start3A_111 : memref<10000x112xf32, #tpu.memory_space<vmem_shared>>) offsets(%dma_start3A_108 : memref<80xi32, #tpu.memory_space<vmem>>) semaphore(%arg20 : memref<!tpu.dma_semaphore, #tpu.memory_space<semaphore_mem>>) {add = true}
        %dma_wait3A_112 = arith.constant 23 : i32
        %dma_wait3A_113 = arith.constant 0 : i32
        %dma_wait3A_114 = arith.constant 0 : i32
        %dma_wait3A_115 = tpu.memref_slice %arg11[%dma_wait3A_112, %dma_wait3A_113, %dma_wait3A_114] : memref<25x2x80xi32, #tpu.memory_space<vmem>> -> memref<1x1x80xi32, #tpu.memory_space<vmem>>
        %dma_wait3A_116 = tpu.memref_squeeze %dma_wait3A_115 : memref<1x1x80xi32, #tpu.memory_space<vmem>> -> memref<80xi32, #tpu.memory_space<vmem>>
        %dma_wait3A_117 = arith.constant 0 : i32
        %dma_wait3A_118 = arith.constant 0 : i32
        %dma_wait3A_119 = tpu.memref_slice %arg10[%dma_wait3A_117, %dma_wait3A_118] : memref<10000x112xf32, #tpu.memory_space<vmem_shared>> -> memref<10000x112xf32, #tpu.memory_space<vmem_shared>>
        tpu.wait_indirect_dma semaphore(%arg22 : memref<!tpu.dma_semaphore, #tpu.memory_space<semaphore_mem>>) src(%arg17 : memref<80x112xf32, #tpu.memory_space<vmem>>) dst(%dma_wait3A_119 : memref<10000x112xf32, #tpu.memory_space<vmem_shared>>)
        %dma_wait3A_120 = arith.constant 24 : i32
        %dma_wait3A_121 = arith.constant 0 : i32
        %dma_wait3A_122 = arith.constant 0 : i32
        %dma_wait3A_123 = tpu.memref_slice %arg11[%dma_wait3A_120, %dma_wait3A_121, %dma_wait3A_122] : memref<25x2x80xi32, #tpu.memory_space<vmem>> -> memref<1x1x80xi32, #tpu.memory_space<vmem>>
        %dma_wait3A_124 = tpu.memref_squeeze %dma_wait3A_123 : memref<1x1x80xi32, #tpu.memory_space<vmem>> -> memref<80xi32, #tpu.memory_space<vmem>>
        %dma_wait3A_125 = arith.constant 0 : i32
        %dma_wait3A_126 = arith.constant 0 : i32
        %dma_wait3A_127 = tpu.memref_slice %arg10[%dma_wait3A_125, %dma_wait3A_126] : memref<10000x112xf32, #tpu.memory_space<vmem_shared>> -> memref<10000x112xf32, #tpu.memory_space<vmem_shared>>
        tpu.wait_indirect_dma semaphore(%arg20 : memref<!tpu.dma_semaphore, #tpu.memory_space<semaphore_mem>>) src(%arg14 : memref<80x112xf32, #tpu.memory_space<vmem>>) dst(%dma_wait3A_127 : memref<10000x112xf32, #tpu.memory_space<vmem_shared>>)
      }
      %scan3A_50 = arith.constant 10 : i32
    } else {
    }
    %barrier3A_10 = arith.constant 0 : index
    tpu.barrier barrier_id(%barrier3A_10)
    %mul3A_11 = arith.constant 624 : i32
    %mul3A_12 = arith.muli %arg1, %mul3A_11 : i32
    %mul3A_13 = arith.constant 624 : i32
    %mul3A_14 = arith.muli %arg1, %mul3A_13 : i32
    "tpu.region"() ({
      %run_scoped3A = tpu.sem_alloc : memref<!tpu.dma_semaphore, #tpu.memory_space<semaphore_mem>>
      %dma_start3A = arith.constant 0 : i32
      %dma_start3A_15 = tpu.memref_slice %arg9[%arg0, %mul3A_14, %dma_start3A] : memref<2x10000x112xf32, #tpu.memory_space<hbm>> -> memref<1x640x112xf32, #tpu.memory_space<hbm>>
      %dma_start3A_16 = tpu.memref_squeeze %dma_start3A_15 : memref<1x640x112xf32, #tpu.memory_space<hbm>> -> memref<640x112xf32, #tpu.memory_space<hbm>>
      %dma_start3A_17 = arith.constant 0 : i32
      %dma_start3A_18 = tpu.memref_slice %arg10[%mul3A_12, %dma_start3A_17] : memref<10000x112xf32, #tpu.memory_space<vmem_shared>> -> memref<640x112xf32, #tpu.memory_space<vmem_shared>>
      tpu.enqueue_dma source(%dma_start3A_18 : memref<640x112xf32, #tpu.memory_space<vmem_shared>>) target(%dma_start3A_16 : memref<640x112xf32, #tpu.memory_space<hbm>>) target_semaphore(%run_scoped3A : memref<!tpu.dma_semaphore, #tpu.memory_space<semaphore_mem>>)
      %dma_wait3A = arith.constant 0 : i32
      %dma_wait3A_19 = tpu.memref_slice %arg9[%arg0, %mul3A_14, %dma_wait3A] : memref<2x10000x112xf32, #tpu.memory_space<hbm>> -> memref<1x640x112xf32, #tpu.memory_space<hbm>>
      %dma_wait3A_20 = tpu.memref_squeeze %dma_wait3A_19 : memref<1x640x112xf32, #tpu.memory_space<hbm>> -> memref<640x112xf32, #tpu.memory_space<hbm>>
      %dma_wait3A_21 = arith.constant 0 : i32
      %dma_wait3A_22 = tpu.memref_slice %arg10[%mul3A_12, %dma_wait3A_21] : memref<10000x112xf32, #tpu.memory_space<vmem_shared>> -> memref<640x112xf32, #tpu.memory_space<vmem_shared>>
      tpu.wait_dma2 semaphore(%run_scoped3A : memref<!tpu.dma_semaphore, #tpu.memory_space<semaphore_mem>>) src(%dma_wait3A_22 : memref<640x112xf32, #tpu.memory_space<vmem_shared>>) dst(%dma_wait3A_20 : memref<640x112xf32, #tpu.memory_space<hbm>>)
      tpu.yield
    }) : () -> ()
    return
  }
}

module attributes {stable_mosaic.version = 14 : i64} {
  func.func @_tc_pre_body(%arg0: memref<10000x128xf32, #tpu.memory_space<vmem>>, %arg1: memref<128x128xf32, #tpu.memory_space<vmem>>, %arg2: memref<1x128xf32, #tpu.memory_space<vmem>>, %arg3: memref<128x384xf32, #tpu.memory_space<vmem>>, %arg4: memref<10000x16xf32, #tpu.memory_space<vmem>>, %arg5: memref<1x192xf32, #tpu.memory_space<vmem>>, %arg6: memref<10000x128xf32, #tpu.memory_space<vmem>>, %arg7: memref<10000x112xf32, #tpu.memory_space<vmem>>, %arg8: memref<10000x112xf32, #tpu.memory_space<vmem>>, %arg9: memref<10000x112xf32, #tpu.memory_space<vmem>>, %arg10: memref<10000x112xf32, #tpu.memory_space<vmem>>) attributes {dimension_semantics = [], scalar_prefetch = 0 : i64, scratch_operands = 0 : i64, tpu.core_type = #tpu.core_type<tc>} {
    %get3A = arith.constant 0 : index
    %get3A_0 = arith.constant 0 : index
    %get3A_1 = vector.load %arg0[%get3A, %get3A_0] : memref<10000x128xf32, #tpu.memory_space<vmem>>, vector<10000x128xf32>
    %get3A_2 = arith.constant 0 : index
    %get3A_3 = arith.constant 0 : index
    %get3A_4 = vector.load %arg1[%get3A_2, %get3A_3] : memref<128x128xf32, #tpu.memory_space<vmem>>, vector<128x128xf32>
    %dot_general3A = arith.constant dense<0.000000e+00> : vector<10000x128xf32>
    %dot_general3A_5 = tpu.matmul %get3A_1, %get3A_4, %dot_general3A {dimension_numbers = #tpu.dot_dimension_numbers<[1], [0], [0], [1], [0, 0, 1, 1], [], []>, transpose_lhs_hint = false} : vector<10000x128xf32>, vector<128x128xf32>, vector<10000x128xf32> -> vector<10000x128xf32>
    %get3A_6 = arith.constant 0 : index
    %get3A_7 = arith.constant 0 : index
    %get3A_8 = vector.load %arg2[%get3A_6, %get3A_7] : memref<1x128xf32, #tpu.memory_space<vmem>>, vector<1x128xf32>
    %add3A = vector.broadcast %get3A_8 : vector<1x128xf32> to vector<10000x128xf32>
    %add3A_9 = arith.addf %dot_general3A_5, %add3A : vector<10000x128xf32>
    %max3A = arith.constant 0.000000e+00 : f32
    %max3A_10 = vector.broadcast %max3A : f32 to vector<10000x128xf32>
    %max3A_11 = arith.maximumf %add3A_9, %max3A_10 : vector<10000x128xf32>
    %swap3A = arith.constant 0 : index
    %swap3A_12 = arith.constant 0 : index
    %swap3A_13 = vector.load %arg6[%swap3A, %swap3A_12] : memref<10000x128xf32, #tpu.memory_space<vmem>>, vector<10000x128xf32>
    tpu.vector_store %arg6[%swap3A, %swap3A_12], %max3A_11 {strides = array<i32>} : memref<10000x128xf32, #tpu.memory_space<vmem>>, vector<10000x128xf32>,
    %get3A_14 = arith.constant 0 : index
    %get3A_15 = arith.constant 0 : index
    %get3A_16 = vector.load %arg3[%get3A_14, %get3A_15] : memref<128x384xf32, #tpu.memory_space<vmem>>, vector<128x384xf32>
    %dot_general3A_17 = arith.constant dense<0.000000e+00> : vector<10000x384xf32>
    %dot_general3A_18 = tpu.matmul %max3A_11, %get3A_16, %dot_general3A_17 {dimension_numbers = #tpu.dot_dimension_numbers<[1], [0], [0], [1], [0, 0, 1, 1], [], []>, transpose_lhs_hint = false} : vector<10000x128xf32>, vector<128x384xf32>, vector<10000x384xf32> -> vector<10000x384xf32>
    %get3A_19 = arith.constant 0 : index
    %get3A_20 = arith.constant 0 : index
    %get3A_21 = vector.load %arg4[%get3A_19, %get3A_20] : memref<10000x16xf32, #tpu.memory_space<vmem>>, vector<10000x16xf32>
    %get3A_22 = arith.constant 0 : index
    %get3A_23 = arith.constant 0 : index
    %get3A_24 = vector.load %arg5[%get3A_22, %get3A_23] : memref<1x192xf32, #tpu.memory_space<vmem>>, vector<1x192xf32>
    %slice3A = vector.extract_strided_slice %dot_general3A_18 {offsets = [0, 0], sizes = [10000, 96], strides = [1, 1]} : vector<10000x384xf32> to vector<10000x96xf32>
    %slice3A_25 = vector.extract_strided_slice %get3A_24 {offsets = [0, 0], sizes = [1, 96], strides = [1, 1]} : vector<1x192xf32> to vector<1x96xf32>
    %add3A_26 = vector.broadcast %slice3A_25 : vector<1x96xf32> to vector<10000x96xf32>
    %add3A_27 = arith.addf %slice3A, %add3A_26 : vector<10000x96xf32>
    %concatenate3A = tpu.concatenate %add3A_27, %get3A_21 in 1 : vector<10000x96xf32>, vector<10000x16xf32> -> vector<10000x112xf32>
    %swap3A_28 = arith.constant 0 : index
    %swap3A_29 = arith.constant 0 : index
    %swap3A_30 = vector.load %arg7[%swap3A_28, %swap3A_29] : memref<10000x112xf32, #tpu.memory_space<vmem>>, vector<10000x112xf32>
    tpu.vector_store %arg7[%swap3A_28, %swap3A_29], %concatenate3A {strides = array<i32>} : memref<10000x112xf32, #tpu.memory_space<vmem>>, vector<10000x112xf32>,
    %slice3A_31 = vector.extract_strided_slice %dot_general3A_18 {offsets = [0, 96], sizes = [10000, 96], strides = [1, 1]} : vector<10000x384xf32> to vector<10000x96xf32>
    %slice3A_32 = vector.extract_strided_slice %get3A_24 {offsets = [0, 96], sizes = [1, 96], strides = [1, 1]} : vector<1x192xf32> to vector<1x96xf32>
    %add3A_33 = vector.broadcast %slice3A_32 : vector<1x96xf32> to vector<10000x96xf32>
    %add3A_34 = arith.addf %slice3A_31, %add3A_33 : vector<10000x96xf32>
    %concatenate3A_35 = tpu.concatenate %add3A_34, %get3A_21 in 1 : vector<10000x96xf32>, vector<10000x16xf32> -> vector<10000x112xf32>
    %swap3A_36 = arith.constant 0 : index
    %swap3A_37 = arith.constant 0 : index
    %swap3A_38 = vector.load %arg8[%swap3A_36, %swap3A_37] : memref<10000x112xf32, #tpu.memory_space<vmem>>, vector<10000x112xf32>
    tpu.vector_store %arg8[%swap3A_36, %swap3A_37], %concatenate3A_35 {strides = array<i32>} : memref<10000x112xf32, #tpu.memory_space<vmem>>, vector<10000x112xf32>,
    %slice3A_39 = vector.extract_strided_slice %dot_general3A_18 {offsets = [0, 192], sizes = [10000, 96], strides = [1, 1]} : vector<10000x384xf32> to vector<10000x96xf32>
    %concatenate3A_40 = tpu.concatenate %slice3A_39, %get3A_21 in 1 : vector<10000x96xf32>, vector<10000x16xf32> -> vector<10000x112xf32>
    %swap3A_41 = arith.constant 0 : index
    %swap3A_42 = arith.constant 0 : index
    %swap3A_43 = vector.load %arg9[%swap3A_41, %swap3A_42] : memref<10000x112xf32, #tpu.memory_space<vmem>>, vector<10000x112xf32>
    tpu.vector_store %arg9[%swap3A_41, %swap3A_42], %concatenate3A_40 {strides = array<i32>} : memref<10000x112xf32, #tpu.memory_space<vmem>>, vector<10000x112xf32>,
    %slice3A_44 = vector.extract_strided_slice %dot_general3A_18 {offsets = [0, 288], sizes = [10000, 96], strides = [1, 1]} : vector<10000x384xf32> to vector<10000x96xf32>
    %concatenate3A_45 = tpu.concatenate %slice3A_44, %get3A_21 in 1 : vector<10000x96xf32>, vector<10000x16xf32> -> vector<10000x112xf32>
    %swap3A_46 = arith.constant 0 : index
    %swap3A_47 = arith.constant 0 : index
    %swap3A_48 = vector.load %arg10[%swap3A_46, %swap3A_47] : memref<10000x112xf32, #tpu.memory_space<vmem>>, vector<10000x112xf32>
    tpu.vector_store %arg10[%swap3A_46, %swap3A_47], %concatenate3A_45 {strides = array<i32>} : memref<10000x112xf32, #tpu.memory_space<vmem>>, vector<10000x112xf32>,
    return
  }
}

module attributes {stable_mosaic.version = 14 : i64} {
  func.func @_tc_post_body(%arg0: memref<10000x128xf32, #tpu.memory_space<vmem>>, %arg1: memref<2x10000x112xf32, #tpu.memory_space<vmem>>, %arg2: memref<1x10000xi32, #tpu.memory_space<vmem>>, %arg3: memref<3x128x64xf32, #tpu.memory_space<vmem>>, %arg4: memref<3x1x64xf32, #tpu.memory_space<vmem>>, %arg5: memref<3x64x64xf32, #tpu.memory_space<vmem>>, %arg6: memref<3x1x64xf32, #tpu.memory_space<vmem>>, %arg7: memref<192x64xf32, #tpu.memory_space<vmem>>, %arg8: memref<1x64xf32, #tpu.memory_space<vmem>>, %arg9: memref<64x1xf32, #tpu.memory_space<vmem>>, %arg10: memref<1x1xf32, #tpu.memory_space<vmem>>, %arg11: memref<192x64xf32, #tpu.memory_space<vmem>>, %arg12: memref<1x64xf32, #tpu.memory_space<vmem>>, %arg13: memref<64x1xf32, #tpu.memory_space<vmem>>, %arg14: memref<1x1xf32, #tpu.memory_space<vmem>>, %arg15: memref<16x1xf32, #tpu.memory_space<vmem>>, %arg16: memref<16x1xf32, #tpu.memory_space<vmem>>) attributes {dimension_semantics = [], scalar_prefetch = 0 : i64, scratch_operands = 0 : i64, tpu.core_type = #tpu.core_type<tc>} {
    %get3A = arith.constant 0 : index
    %get3A_0 = arith.constant 0 : index
    %get3A_1 = vector.load %arg0[%get3A, %get3A_0] : memref<10000x128xf32, #tpu.memory_space<vmem>>, vector<10000x128xf32>
    %slice3A = vector.extract_strided_slice %get3A_1 {offsets = [0, 0], sizes = [10000, 64], strides = [1, 1]} : vector<10000x128xf32> to vector<10000x64xf32>
    %get3A_2 = arith.constant 0 : index
    %get3A_3 = arith.constant 0 : index
    %get3A_4 = arith.constant 0 : index
    %get3A_5 = vector.load %arg1[%get3A_2, %get3A_3, %get3A_4] : memref<2x10000x112xf32, #tpu.memory_space<vmem>>, vector<1x10000x112xf32>
    %get3A_6 = vector.shape_cast %get3A_5 : vector<1x10000x112xf32> to vector<10000x112xf32>
    %slice3A_7 = vector.extract_strided_slice %get3A_6 {offsets = [0, 0], sizes = [10000, 96], strides = [1, 1]} : vector<10000x112xf32> to vector<10000x96xf32>
    %get3A_8 = arith.constant 1 : index
    %get3A_9 = arith.constant 0 : index
    %get3A_10 = arith.constant 0 : index
    %get3A_11 = vector.load %arg1[%get3A_8, %get3A_9, %get3A_10] : memref<2x10000x112xf32, #tpu.memory_space<vmem>>, vector<1x10000x112xf32>
    %get3A_12 = vector.shape_cast %get3A_11 : vector<1x10000x112xf32> to vector<10000x112xf32>
    %slice3A_13 = vector.extract_strided_slice %get3A_12 {offsets = [0, 0], sizes = [10000, 96], strides = [1, 1]} : vector<10000x112xf32> to vector<10000x96xf32>
    %concatenate3A = tpu.concatenate %slice3A_7, %slice3A_13 in 1 : vector<10000x96xf32>, vector<10000x96xf32> -> vector<10000x192xf32>
    %get3A_14 = arith.constant 0 : index
    %get3A_15 = arith.constant 0 : index
    %get3A_16 = arith.constant 0 : index
    %get3A_17 = vector.load %arg1[%get3A_14, %get3A_15, %get3A_16] : memref<2x10000x112xf32, #tpu.memory_space<vmem>>, vector<1x10000x112xf32>
    %get3A_18 = vector.shape_cast %get3A_17 : vector<1x10000x112xf32> to vector<10000x112xf32>
    %slice3A_19 = vector.extract_strided_slice %get3A_18 {offsets = [0, 96], sizes = [10000, 1], strides = [1, 1]} : vector<10000x112xf32> to vector<10000x1xf32>
    %max3A = arith.constant 1.000000e+00 : f32
    %max3A_20 = vector.broadcast %max3A : f32 to vector<10000x1xf32>
    %max3A_21 = arith.maximumf %slice3A_19, %max3A_20 : vector<10000x1xf32>
    %iota3A = tpu.iota {dimensions = array<i32: 0>} : vector<16x10000xi32>
    %get3A_22 = arith.constant 0 : index
    %get3A_23 = arith.constant 0 : index
    %get3A_24 = vector.load %arg2[%get3A_22, %get3A_23] : memref<1x10000xi32, #tpu.memory_space<vmem>>, vector<1x10000xi32>
    %eq3A = vector.broadcast %get3A_24 : vector<1x10000xi32> to vector<16x10000xi32>
    %eq3A_25 = arith.cmpi eq, %iota3A, %eq3A : vector<16x10000xi32>
    %convert_element_type3A = arith.extui %eq3A_25 : vector<16x10000xi1> to vector<16x10000xi32>
    %convert_element_type3A_26 = arith.sitofp %convert_element_type3A : vector<16x10000xi32> to vector<16x10000xf32>
    %broadcast_in_dim3A = arith.constant 1.000000e+00 : f32
    %broadcast_in_dim3A_27 = vector.broadcast %broadcast_in_dim3A : f32 to vector<10000x1xf32>
    %dot_general3A = arith.constant dense<0.000000e+00> : vector<16x1xf32>
    %dot_general3A_28 = tpu.matmul %convert_element_type3A_26, %broadcast_in_dim3A_27, %dot_general3A {dimension_numbers = #tpu.dot_dimension_numbers<[1], [0], [0], [1], [0, 0, 1, 1], [], []>, precision = #tpu.contract_precision<fp32>, transpose_lhs_hint = false} : vector<16x10000xf32>, vector<10000x1xf32>, vector<16x1xf32> -> vector<16x1xf32>
    %max3A_29 = arith.constant 1.000000e+00 : f32
    %max3A_30 = vector.broadcast %max3A_29 : f32 to vector<16x1xf32>
    %max3A_31 = arith.maximumf %dot_general3A_28, %max3A_30 : vector<16x1xf32>
    %slice3A_32 = vector.extract_strided_slice %concatenate3A {offsets = [0, 0], sizes = [10000, 64], strides = [1, 1]} : vector<10000x192xf32> to vector<10000x64xf32>
    %div3A = vector.broadcast %max3A_21 : vector<10000x1xf32> to vector<10000x64xf32>
    %div3A_33 = arith.divf %slice3A_32, %div3A : vector<10000x64xf32>
    %concatenate3A_34 = tpu.concatenate %slice3A, %div3A_33 in 1 : vector<10000x64xf32>, vector<10000x64xf32> -> vector<10000x128xf32>
    %get3A_35 = arith.constant 0 : index
    %get3A_36 = arith.constant 0 : index
    %get3A_37 = arith.constant 0 : index
    %get3A_38 = vector.load %arg3[%get3A_35, %get3A_36, %get3A_37] : memref<3x128x64xf32, #tpu.memory_space<vmem>>, vector<1x128x64xf32>
    %get3A_39 = vector.shape_cast %get3A_38 : vector<1x128x64xf32> to vector<128x64xf32>
    %dot_general3A_40 = arith.constant dense<0.000000e+00> : vector<10000x64xf32>
    %dot_general3A_41 = tpu.matmul %concatenate3A_34, %get3A_39, %dot_general3A_40 {dimension_numbers = #tpu.dot_dimension_numbers<[1], [0], [0], [1], [0, 0, 1, 1], [], []>, transpose_lhs_hint = false} : vector<10000x128xf32>, vector<128x64xf32>, vector<10000x64xf32> -> vector<10000x64xf32>
    %get3A_42 = arith.constant 0 : index
    %get3A_43 = arith.constant 0 : index
    %get3A_44 = arith.constant 0 : index
    %get3A_45 = vector.load %arg4[%get3A_42, %get3A_43, %get3A_44] : memref<3x1x64xf32, #tpu.memory_space<vmem>>, vector<1x1x64xf32>
    %get3A_46 = vector.shape_cast %get3A_45 : vector<1x1x64xf32> to vector<1x64xf32>
    %add3A = vector.broadcast %get3A_46 : vector<1x64xf32> to vector<10000x64xf32>
    %add3A_47 = arith.addf %dot_general3A_41, %add3A : vector<10000x64xf32>
    %max3A_48 = arith.constant 0.000000e+00 : f32
    %max3A_49 = vector.broadcast %max3A_48 : f32 to vector<10000x64xf32>
    %max3A_50 = arith.maximumf %add3A_47, %max3A_49 : vector<10000x64xf32>
    %dot_general3A_51 = arith.constant dense<0.000000e+00> : vector<16x64xf32>
    %dot_general3A_52 = tpu.matmul %convert_element_type3A_26, %max3A_50, %dot_general3A_51 {dimension_numbers = #tpu.dot_dimension_numbers<[1], [0], [0], [1], [0, 0, 1, 1], [], []>, precision = #tpu.contract_precision<fp32>, transpose_lhs_hint = false} : vector<16x10000xf32>, vector<10000x64xf32>, vector<16x64xf32> -> vector<16x64xf32>
    %div3A_53 = vector.broadcast %max3A_31 : vector<16x1xf32> to vector<16x64xf32>
    %div3A_54 = arith.divf %dot_general3A_52, %div3A_53 : vector<16x64xf32>
    %get3A_55 = arith.constant 0 : index
    %get3A_56 = arith.constant 0 : index
    %get3A_57 = arith.constant 0 : index
    %get3A_58 = vector.load %arg5[%get3A_55, %get3A_56, %get3A_57] : memref<3x64x64xf32, #tpu.memory_space<vmem>>, vector<1x64x64xf32>
    %get3A_59 = vector.shape_cast %get3A_58 : vector<1x64x64xf32> to vector<64x64xf32>
    %dot_general3A_60 = arith.constant dense<0.000000e+00> : vector<16x64xf32>
    %dot_general3A_61 = tpu.matmul %div3A_54, %get3A_59, %dot_general3A_60 {dimension_numbers = #tpu.dot_dimension_numbers<[1], [0], [0], [1], [0, 0, 1, 1], [], []>, transpose_lhs_hint = false} : vector<16x64xf32>, vector<64x64xf32>, vector<16x64xf32> -> vector<16x64xf32>
    %get3A_62 = arith.constant 0 : index
    %get3A_63 = arith.constant 0 : index
    %get3A_64 = arith.constant 0 : index
    %get3A_65 = vector.load %arg6[%get3A_62, %get3A_63, %get3A_64] : memref<3x1x64xf32, #tpu.memory_space<vmem>>, vector<1x1x64xf32>
    %get3A_66 = vector.shape_cast %get3A_65 : vector<1x1x64xf32> to vector<1x64xf32>
    %add3A_67 = vector.broadcast %get3A_66 : vector<1x64xf32> to vector<16x64xf32>
    %add3A_68 = arith.addf %dot_general3A_61, %add3A_67 : vector<16x64xf32>
    %max3A_69 = arith.constant 0.000000e+00 : f32
    %max3A_70 = vector.broadcast %max3A_69 : f32 to vector<16x64xf32>
    %max3A_71 = arith.maximumf %add3A_68, %max3A_70 : vector<16x64xf32>
    %slice3A_72 = vector.extract_strided_slice %concatenate3A {offsets = [0, 64], sizes = [10000, 64], strides = [1, 1]} : vector<10000x192xf32> to vector<10000x64xf32>
    %div3A_73 = vector.broadcast %max3A_21 : vector<10000x1xf32> to vector<10000x64xf32>
    %div3A_74 = arith.divf %slice3A_72, %div3A_73 : vector<10000x64xf32>
    %concatenate3A_75 = tpu.concatenate %slice3A, %div3A_74 in 1 : vector<10000x64xf32>, vector<10000x64xf32> -> vector<10000x128xf32>
    %get3A_76 = arith.constant 1 : index
    %get3A_77 = arith.constant 0 : index
    %get3A_78 = arith.constant 0 : index
    %get3A_79 = vector.load %arg3[%get3A_76, %get3A_77, %get3A_78] : memref<3x128x64xf32, #tpu.memory_space<vmem>>, vector<1x128x64xf32>
    %get3A_80 = vector.shape_cast %get3A_79 : vector<1x128x64xf32> to vector<128x64xf32>
    %dot_general3A_81 = arith.constant dense<0.000000e+00> : vector<10000x64xf32>
    %dot_general3A_82 = tpu.matmul %concatenate3A_75, %get3A_80, %dot_general3A_81 {dimension_numbers = #tpu.dot_dimension_numbers<[1], [0], [0], [1], [0, 0, 1, 1], [], []>, transpose_lhs_hint = false} : vector<10000x128xf32>, vector<128x64xf32>, vector<10000x64xf32> -> vector<10000x64xf32>
    %get3A_83 = arith.constant 1 : index
    %get3A_84 = arith.constant 0 : index
    %get3A_85 = arith.constant 0 : index
    %get3A_86 = vector.load %arg4[%get3A_83, %get3A_84, %get3A_85] : memref<3x1x64xf32, #tpu.memory_space<vmem>>, vector<1x1x64xf32>
    %get3A_87 = vector.shape_cast %get3A_86 : vector<1x1x64xf32> to vector<1x64xf32>
    %add3A_88 = vector.broadcast %get3A_87 : vector<1x64xf32> to vector<10000x64xf32>
    %add3A_89 = arith.addf %dot_general3A_82, %add3A_88 : vector<10000x64xf32>
    %max3A_90 = arith.constant 0.000000e+00 : f32
    %max3A_91 = vector.broadcast %max3A_90 : f32 to vector<10000x64xf32>
    %max3A_92 = arith.maximumf %add3A_89, %max3A_91 : vector<10000x64xf32>
    %dot_general3A_93 = arith.constant dense<0.000000e+00> : vector<16x64xf32>
    %dot_general3A_94 = tpu.matmul %convert_element_type3A_26, %max3A_92, %dot_general3A_93 {dimension_numbers = #tpu.dot_dimension_numbers<[1], [0], [0], [1], [0, 0, 1, 1], [], []>, precision = #tpu.contract_precision<fp32>, transpose_lhs_hint = false} : vector<16x10000xf32>, vector<10000x64xf32>, vector<16x64xf32> -> vector<16x64xf32>
    %div3A_95 = vector.broadcast %max3A_31 : vector<16x1xf32> to vector<16x64xf32>
    %div3A_96 = arith.divf %dot_general3A_94, %div3A_95 : vector<16x64xf32>
    %get3A_97 = arith.constant 1 : index
    %get3A_98 = arith.constant 0 : index
    %get3A_99 = arith.constant 0 : index
    %get3A_100 = vector.load %arg5[%get3A_97, %get3A_98, %get3A_99] : memref<3x64x64xf32, #tpu.memory_space<vmem>>, vector<1x64x64xf32>
    %get3A_101 = vector.shape_cast %get3A_100 : vector<1x64x64xf32> to vector<64x64xf32>
    %dot_general3A_102 = arith.constant dense<0.000000e+00> : vector<16x64xf32>
    %dot_general3A_103 = tpu.matmul %div3A_96, %get3A_101, %dot_general3A_102 {dimension_numbers = #tpu.dot_dimension_numbers<[1], [0], [0], [1], [0, 0, 1, 1], [], []>, transpose_lhs_hint = false} : vector<16x64xf32>, vector<64x64xf32>, vector<16x64xf32> -> vector<16x64xf32>
    %get3A_104 = arith.constant 1 : index
    %get3A_105 = arith.constant 0 : index
    %get3A_106 = arith.constant 0 : index
    %get3A_107 = vector.load %arg6[%get3A_104, %get3A_105, %get3A_106] : memref<3x1x64xf32, #tpu.memory_space<vmem>>, vector<1x1x64xf32>
    %get3A_108 = vector.shape_cast %get3A_107 : vector<1x1x64xf32> to vector<1x64xf32>
    %add3A_109 = vector.broadcast %get3A_108 : vector<1x64xf32> to vector<16x64xf32>
    %add3A_110 = arith.addf %dot_general3A_103, %add3A_109 : vector<16x64xf32>
    %max3A_111 = arith.constant 0.000000e+00 : f32
    %max3A_112 = vector.broadcast %max3A_111 : f32 to vector<16x64xf32>
    %max3A_113 = arith.maximumf %add3A_110, %max3A_112 : vector<16x64xf32>
    %slice3A_114 = vector.extract_strided_slice %concatenate3A {offsets = [0, 128], sizes = [10000, 64], strides = [1, 1]} : vector<10000x192xf32> to vector<10000x64xf32>
    %div3A_115 = vector.broadcast %max3A_21 : vector<10000x1xf32> to vector<10000x64xf32>
    %div3A_116 = arith.divf %slice3A_114, %div3A_115 : vector<10000x64xf32>
    %concatenate3A_117 = tpu.concatenate %slice3A, %div3A_116 in 1 : vector<10000x64xf32>, vector<10000x64xf32> -> vector<10000x128xf32>
    %get3A_118 = arith.constant 2 : index
    %get3A_119 = arith.constant 0 : index
    %get3A_120 = arith.constant 0 : index
    %get3A_121 = vector.load %arg3[%get3A_118, %get3A_119, %get3A_120] : memref<3x128x64xf32, #tpu.memory_space<vmem>>, vector<1x128x64xf32>
    %get3A_122 = vector.shape_cast %get3A_121 : vector<1x128x64xf32> to vector<128x64xf32>
    %dot_general3A_123 = arith.constant dense<0.000000e+00> : vector<10000x64xf32>
    %dot_general3A_124 = tpu.matmul %concatenate3A_117, %get3A_122, %dot_general3A_123 {dimension_numbers = #tpu.dot_dimension_numbers<[1], [0], [0], [1], [0, 0, 1, 1], [], []>, transpose_lhs_hint = false} : vector<10000x128xf32>, vector<128x64xf32>, vector<10000x64xf32> -> vector<10000x64xf32>
    %get3A_125 = arith.constant 2 : index
    %get3A_126 = arith.constant 0 : index
    %get3A_127 = arith.constant 0 : index
    %get3A_128 = vector.load %arg4[%get3A_125, %get3A_126, %get3A_127] : memref<3x1x64xf32, #tpu.memory_space<vmem>>, vector<1x1x64xf32>
    %get3A_129 = vector.shape_cast %get3A_128 : vector<1x1x64xf32> to vector<1x64xf32>
    %add3A_130 = vector.broadcast %get3A_129 : vector<1x64xf32> to vector<10000x64xf32>
    %add3A_131 = arith.addf %dot_general3A_124, %add3A_130 : vector<10000x64xf32>
    %max3A_132 = arith.constant 0.000000e+00 : f32
    %max3A_133 = vector.broadcast %max3A_132 : f32 to vector<10000x64xf32>
    %max3A_134 = arith.maximumf %add3A_131, %max3A_133 : vector<10000x64xf32>
    %dot_general3A_135 = arith.constant dense<0.000000e+00> : vector<16x64xf32>
    %dot_general3A_136 = tpu.matmul %convert_element_type3A_26, %max3A_134, %dot_general3A_135 {dimension_numbers = #tpu.dot_dimension_numbers<[1], [0], [0], [1], [0, 0, 1, 1], [], []>, precision = #tpu.contract_precision<fp32>, transpose_lhs_hint = false} : vector<16x10000xf32>, vector<10000x64xf32>, vector<16x64xf32> -> vector<16x64xf32>
    %div3A_137 = vector.broadcast %max3A_31 : vector<16x1xf32> to vector<16x64xf32>
    %div3A_138 = arith.divf %dot_general3A_136, %div3A_137 : vector<16x64xf32>
    %get3A_139 = arith.constant 2 : index
    %get3A_140 = arith.constant 0 : index
    %get3A_141 = arith.constant 0 : index
    %get3A_142 = vector.load %arg5[%get3A_139, %get3A_140, %get3A_141] : memref<3x64x64xf32, #tpu.memory_space<vmem>>, vector<1x64x64xf32>
    %get3A_143 = vector.shape_cast %get3A_142 : vector<1x64x64xf32> to vector<64x64xf32>
    %dot_general3A_144 = arith.constant dense<0.000000e+00> : vector<16x64xf32>
    %dot_general3A_145 = tpu.matmul %div3A_138, %get3A_143, %dot_general3A_144 {dimension_numbers = #tpu.dot_dimension_numbers<[1], [0], [0], [1], [0, 0, 1, 1], [], []>, transpose_lhs_hint = false} : vector<16x64xf32>, vector<64x64xf32>, vector<16x64xf32> -> vector<16x64xf32>
    %get3A_146 = arith.constant 2 : index
    %get3A_147 = arith.constant 0 : index
    %get3A_148 = arith.constant 0 : index
    %get3A_149 = vector.load %arg6[%get3A_146, %get3A_147, %get3A_148] : memref<3x1x64xf32, #tpu.memory_space<vmem>>, vector<1x1x64xf32>
    %get3A_150 = vector.shape_cast %get3A_149 : vector<1x1x64xf32> to vector<1x64xf32>
    %add3A_151 = vector.broadcast %get3A_150 : vector<1x64xf32> to vector<16x64xf32>
    %add3A_152 = arith.addf %dot_general3A_145, %add3A_151 : vector<16x64xf32>
    %max3A_153 = arith.constant 0.000000e+00 : f32
    %max3A_154 = vector.broadcast %max3A_153 : f32 to vector<16x64xf32>
    %max3A_155 = arith.maximumf %add3A_152, %max3A_154 : vector<16x64xf32>
    %concatenate3A_156 = tpu.concatenate %max3A_71, %max3A_113, %max3A_155 in 1 : vector<16x64xf32>, vector<16x64xf32>, vector<16x64xf32> -> vector<16x192xf32>
    %get3A_157 = arith.constant 0 : index
    %get3A_158 = arith.constant 0 : index
    %get3A_159 = vector.load %arg7[%get3A_157, %get3A_158] : memref<192x64xf32, #tpu.memory_space<vmem>>, vector<192x64xf32>
    %dot_general3A_160 = arith.constant dense<0.000000e+00> : vector<16x64xf32>
    %dot_general3A_161 = tpu.matmul %concatenate3A_156, %get3A_159, %dot_general3A_160 {dimension_numbers = #tpu.dot_dimension_numbers<[1], [0], [0], [1], [0, 0, 1, 1], [], []>, transpose_lhs_hint = false} : vector<16x192xf32>, vector<192x64xf32>, vector<16x64xf32> -> vector<16x64xf32>
    %get3A_162 = arith.constant 0 : index
    %get3A_163 = arith.constant 0 : index
    %get3A_164 = vector.load %arg8[%get3A_162, %get3A_163] : memref<1x64xf32, #tpu.memory_space<vmem>>, vector<1x64xf32>
    %add3A_165 = vector.broadcast %get3A_164 : vector<1x64xf32> to vector<16x64xf32>
    %add3A_166 = arith.addf %dot_general3A_161, %add3A_165 : vector<16x64xf32>
    %max3A_167 = arith.constant 0.000000e+00 : f32
    %max3A_168 = vector.broadcast %max3A_167 : f32 to vector<16x64xf32>
    %max3A_169 = arith.maximumf %add3A_166, %max3A_168 : vector<16x64xf32>
    %get3A_170 = arith.constant 0 : index
    %get3A_171 = arith.constant 0 : index
    %get3A_172 = vector.load %arg9[%get3A_170, %get3A_171] : memref<64x1xf32, #tpu.memory_space<vmem>>, vector<64x1xf32>
    %dot_general3A_173 = arith.constant dense<0.000000e+00> : vector<16x1xf32>
    %dot_general3A_174 = tpu.matmul %max3A_169, %get3A_172, %dot_general3A_173 {dimension_numbers = #tpu.dot_dimension_numbers<[1], [0], [0], [1], [0, 0, 1, 1], [], []>, transpose_lhs_hint = false} : vector<16x64xf32>, vector<64x1xf32>, vector<16x1xf32> -> vector<16x1xf32>
    %get3A_175 = arith.constant 0 : index
    %get3A_176 = arith.constant 0 : index
    %get3A_177 = vector.load %arg10[%get3A_175, %get3A_176] : memref<1x1xf32, #tpu.memory_space<vmem>>, vector<1x1xf32>
    %add3A_178 = vector.broadcast %get3A_177 : vector<1x1xf32> to vector<16x1xf32>
    %add3A_179 = arith.addf %dot_general3A_174, %add3A_178 : vector<16x1xf32>
    %swap3A = arith.constant 0 : index
    %swap3A_180 = arith.constant 0 : index
    %swap3A_181 = vector.load %arg15[%swap3A, %swap3A_180] : memref<16x1xf32, #tpu.memory_space<vmem>>, vector<16x1xf32>
    tpu.vector_store %arg15[%swap3A, %swap3A_180], %add3A_179 {strides = array<i32>} : memref<16x1xf32, #tpu.memory_space<vmem>>, vector<16x1xf32>,
    %get3A_182 = arith.constant 0 : index
    %get3A_183 = arith.constant 0 : index
    %get3A_184 = vector.load %arg11[%get3A_182, %get3A_183] : memref<192x64xf32, #tpu.memory_space<vmem>>, vector<192x64xf32>
    %dot_general3A_185 = arith.constant dense<0.000000e+00> : vector<16x64xf32>
    %dot_general3A_186 = tpu.matmul %concatenate3A_156, %get3A_184, %dot_general3A_185 {dimension_numbers = #tpu.dot_dimension_numbers<[1], [0], [0], [1], [0, 0, 1, 1], [], []>, transpose_lhs_hint = false} : vector<16x192xf32>, vector<192x64xf32>, vector<16x64xf32> -> vector<16x64xf32>
    %get3A_187 = arith.constant 0 : index
    %get3A_188 = arith.constant 0 : index
    %get3A_189 = vector.load %arg12[%get3A_187, %get3A_188] : memref<1x64xf32, #tpu.memory_space<vmem>>, vector<1x64xf32>
    %add3A_190 = vector.broadcast %get3A_189 : vector<1x64xf32> to vector<16x64xf32>
    %add3A_191 = arith.addf %dot_general3A_186, %add3A_190 : vector<16x64xf32>
    %max3A_192 = arith.constant 0.000000e+00 : f32
    %max3A_193 = vector.broadcast %max3A_192 : f32 to vector<16x64xf32>
    %max3A_194 = arith.maximumf %add3A_191, %max3A_193 : vector<16x64xf32>
    %get3A_195 = arith.constant 0 : index
    %get3A_196 = arith.constant 0 : index
    %get3A_197 = vector.load %arg13[%get3A_195, %get3A_196] : memref<64x1xf32, #tpu.memory_space<vmem>>, vector<64x1xf32>
    %dot_general3A_198 = arith.constant dense<0.000000e+00> : vector<16x1xf32>
    %dot_general3A_199 = tpu.matmul %max3A_194, %get3A_197, %dot_general3A_198 {dimension_numbers = #tpu.dot_dimension_numbers<[1], [0], [0], [1], [0, 0, 1, 1], [], []>, transpose_lhs_hint = false} : vector<16x64xf32>, vector<64x1xf32>, vector<16x1xf32> -> vector<16x1xf32>
    %get3A_200 = arith.constant 0 : index
    %get3A_201 = arith.constant 0 : index
    %get3A_202 = vector.load %arg14[%get3A_200, %get3A_201] : memref<1x1xf32, #tpu.memory_space<vmem>>, vector<1x1xf32>
    %add3A_203 = vector.broadcast %get3A_202 : vector<1x1xf32> to vector<16x1xf32>
    %add3A_204 = arith.addf %dot_general3A_199, %add3A_203 : vector<16x1xf32>
    %swap3A_205 = arith.constant 0 : index
    %swap3A_206 = arith.constant 0 : index
    %swap3A_207 = vector.load %arg16[%swap3A_205, %swap3A_206] : memref<16x1xf32, #tpu.memory_space<vmem>>, vector<16x1xf32>
    tpu.vector_store %arg16[%swap3A_205, %swap3A_206], %add3A_204 {strides = array<i32>} : memref<16x1xf32, #tpu.memory_space<vmem>>, vector<16x1xf32>,
    return
  }
}

</mosaic_0001>

<sc_bundles>
// kernel: kernel.5.cloned.1.call-start
scs
__scs_entry_jumppad:
0x0: {  	(pc) =	sbr.rel $0x88, $3  }
0x1: {  	(tag) =	ssettag $0x0;
	lr =	simm.s32 $0x1  }
0x2: {  	[smem:$0x3F81] =	sst lr;
	_ =	strace $0xD0000000  }
0x3: {  	_ = 	snop  }
0x4: {  	_ = 	snop  }
0x5: {  	_ = 	snop  }
0x6: {  	_ = 	snop  }
0x7: {  	_ = 	snop  }
__scs_overlays_trampoline_lowered:
0x8: {  	[smem:$0x3F90] =	sst s0  }
0x9: {  	[smem:$0x3F91] =	sst s1  }
0xa: {  	[smem:$0x3F92] =	sst s2  }
0xb: {  	[smem:$0x3F93] =	sst s3  }
0xc: {  	[smem:$0x3F94] =	sst s4  }
0xd: {  	[smem:$0x3F95] =	sst s5  }
0xe: {  	[smem:$0x3F96] =	sst s6  }
0xf: {  	[smem:$0x3F97] =	sst s7  }
0x10: {  	[smem:$0x3F98] =	sst s8  }
0x11: {  	[smem:$0x3F99] =	sst s9;
	s0 =	simm.s32 @!p0 $0x0  }
0x12: {  	s1 =	sld [smem:$0x3F7F];
	s0 =	simm.s32 @p0 $0x1  }
0x13: {  	[smem:$0x3F9A] =	sst s0;
	s0 =	simm.s32 @!p1 $0x0  }
0x14: {  	s2 =	sld [smem:$0x3F7E];
	s0 =	simm.s32 @p1 $0x1  }
0x15: {  	[smem:$0x3F9B] =	sst s0;
	s0 =	simm.s32 @!p2 $0x0  }
0x16: {  	s3 =	sld [smem:$0x3FDB];
	s0 =	simm.s32 @p2 $0x1  }
0x17: {  	s4 =	simm.s32 $0x1BF5;
	[smem:$0x3F9D] =	sst s0  }
0x18: {  	s0 =	sld [smem:$0x3F80];
	_ =	swait.ge [sflag:s4], $0x0  }
0x19: {  	s7 =	sld [smem:$0x3F81]  }
0x1a: {  	s8 =	sadd.s32 $0xFFFFE003, lr  }
0x1b: {  	s9 =	sadd.s32 $0xFFFFFEF7, lr;
	s5 =	simm.s32 $0xFFFFFFFF;
	p2 =	slt.u32 s8, $0xFFFFF086  }
0x1c: {  	p1 =	slt.u32 s9, $0xF7A;
	s5 =	simm.s32 @!p2 $0x0  }
0x1d: {  	s5 =	simm.s32 @p1 $0x1;
	p0 =	seq.s32 s7, s2  }
0x1e: {  	s7 =	smul.u32 @!p0 $0xF7A, s2;
	p2 =	seq.s32 @!p0 s5, $0x0  }
0x1f: {  	s9 =	smul.u32 $0xF7A, s1;
	s8 =	simm.s32 @!p0 $0x1BF5;
	p2 =	por !p2, p0  }
0x20: {  	[sflag:s8] =	ssyncset.s32 @!p0 $0xFFFFF086;
	s6 =	sadd.s32 @!p0 s3, s7;
	s7 =	simm.s32 @!p0 $0x108  }
0x21: {  	s3 =	sadd.s32 s3, s9;
	s6 =	sadd.s32 @!p0 $0x88, s6;
	s7 =	simm.s32 @p2 $0x1082  }
0x22: {  	[simem:s7], [sflag:s8] =	dma.local @!p0 [hbm:s6], $0xF7A  }
0x23: {  	s9 =	sor.u32 $0xD0000000, s2;
	s6 =	simm.s32 $0x108;
	_ =	swait.ge @!p0 [sflag:s8], $0x0  }
0x24: {  	s3 =	sadd.s32 $0x88, s3;
	s6 =	simm.s32 @!p1 $0x1082;
	[sflag:s4] =	ssyncset.s32 $0xFFFFF086  }
0x25: {  	[simem:s6], [sflag:s4] =	dma.local [hbm:s3], $0xF7A  }
0x26: {  	[smem:$0x3F81] =	sst s1;
	(tag) =	ssettag s2;
	_ =	strace s9  }
0x27: {  	s1 =	sld [smem:$0x3F91]  }
0x28: {  	s2 =	sld [smem:$0x3F92]  }
0x29: {  	s4 =	sld [smem:$0x3F94]  }
0x2a: {  	p0 =	seq.s32 s5, $0x0;
	s5 =	sld [smem:$0x3F95]  }
0x2b: {  	s6 =	sld [smem:$0x3F96]  }
0x2c: {  	s7 =	sld [smem:$0x3F97]  }
0x2d: {  	s3 =	simm.s32 $0x108;
	s8 =	sld [smem:$0x3F98]  }
0x2e: {  	s3 =	simm.s32 @!p0 $0x1082;
	s9 =	sld [smem:$0x3F99]  }
0x2f: {  	lr =	sadd.s32 s0, s3;
	s0 =	sld [smem:$0x3F90]  }
0x30: {  	s3 =	sld [smem:$0x3F93]  }
0x31: {  	[smem:$0x3F9C] =	sst s10  }
0x32: {  	s10 =	sld [smem:$0x3F9A];
	_ =	sdelay $0x3  }
0x33: {  	p0 =	seq.s32 s10, $0x1;
	s10 =	sld [smem:$0x3F9C];
	_ =	sdelay $0x3  }
0x34: {  	[smem:$0x3F9C] =	sst s10  }
0x35: {  	s10 =	sld [smem:$0x3F9B];
	_ =	sdelay $0x3  }
0x36: {  	p1 =	seq.s32 s10, $0x1;
	s10 =	sld [smem:$0x3F9C];
	_ =	sdelay $0x3  }
0x37: {  	[smem:$0x3F9C] =	sst s10  }
0x38: {  	s10 =	sld [smem:$0x3F9D]  }
0x39: {  	_ = 	snop;
	(pc) =	sbr.ind lr, $3  }
0x3a: {  	_ = 	snop  }
0x3b: {  	_ = 	snop  }
0x3c: {  	p2 =	seq.s32 s10, $0x1;
	s10 =	sld [smem:$0x3F9C]  }
0x3d: {  	_ =	shalt  }
0x3e: {  	_ =	shalt  }
0x3f: {  	_ =	shalt  }
0x40: {  	_ =	shalt  }
0x41: {  	_ =	shalt  }
0x42: {  	_ =	shalt  }
0x43: {  	_ =	shalt  }
0x44: {  	_ =	shalt  }
0x45: {  	_ =	shalt  }
0x46: {  	_ =	shalt  }
0x47: {  	_ =	shalt  }
0x48: {  	_ =	shalt  }
0x49: {  	_ =	shalt  }
0x4a: {  	_ =	shalt  }
0x4b: {  	_ =	shalt  }
0x4c: {  	_ =	shalt  }
0x4d: {  	_ =	shalt  }
0x4e: {  	_ =	shalt  }
0x4f: {  	_ =	shalt  }
0x50: {  	_ =	shalt  }
0x51: {  	_ =	shalt  }
0x52: {  	_ =	shalt  }
0x53: {  	_ =	shalt  }
0x54: {  	_ =	shalt  }
0x55: {  	_ =	shalt  }
0x56: {  	_ =	shalt  }
0x57: {  	_ =	shalt  }
0x58: {  	_ =	shalt  }
0x59: {  	_ =	shalt  }
0x5a: {  	_ =	shalt  }
0x5b: {  	_ =	shalt  }
0x5c: {  	_ =	shalt  }
0x5d: {  	_ =	shalt  }
0x5e: {  	_ =	shalt  }
0x5f: {  	_ =	shalt  }
0x60: {  	_ =	shalt  }
0x61: {  	_ =	shalt  }
0x62: {  	_ =	shalt  }
0x63: {  	_ =	shalt  }
0x64: {  	_ =	shalt  }
0x65: {  	_ =	shalt  }
0x66: {  	_ =	shalt  }
0x67: {  	_ =	shalt  }
0x68: {  	_ =	shalt  }
0x69: {  	_ =	shalt  }
0x6a: {  	_ =	shalt  }
0x6b: {  	_ =	shalt  }
0x6c: {  	_ =	shalt  }
0x6d: {  	_ =	shalt  }
0x6e: {  	_ =	shalt  }
0x6f: {  	_ =	shalt  }
0x70: {  	_ =	shalt  }
0x71: {  	_ =	shalt  }
0x72: {  	_ =	shalt  }
0x73: {  	_ =	shalt  }
0x74: {  	_ =	shalt  }
0x75: {  	_ =	shalt  }
0x76: {  	_ =	shalt  }
0x77: {  	_ =	shalt  }
0x78: {  	_ =	shalt  }
0x79: {  	_ =	shalt  }
0x7a: {  	_ =	shalt  }
0x7b: {  	_ =	shalt  }
0x7c: {  	_ =	shalt  }
0x7d: {  	_ =	shalt  }
0x7e: {  	_ =	shalt  }
0x7f: {  	_ =	shalt  }
0x80: {  	_ =	shalt  }
0x81: {  	_ =	shalt  }
0x82: {  	_ =	shalt  }
0x83: {  	_ =	shalt  }
0x84: {  	_ =	shalt  }
0x85: {  	_ =	shalt  }
0x86: {  	_ =	shalt  }
0x87: {  	_ =	shalt  }
.Lfunc_end0:
.L_simem_size_0:
called_computation_lowered:
.L_overlay_start_0:
0x88: {  	s2 =	sld [smem:$0x3FD9]  }
0x89: {  	s3 =	sld [smem:$0x3FFE];
	_ =	sdelay $0x1  }
0x8a: {  	s1 =	srdreg.scid  }
0x8b: {  	s0 =	sand.u32 $0x1, s1  }
0x8c: {  	s16 =	sshll.u32 s0, $0xA;
	s2 =	sadd.s32 s3, s2  }
0x8d: {  	s2 =	sadd.s32 s2, s16  }
0x8e: {  	[smem:$0x3FA8] =	sst s2  }
0x8f: {  	_ = 	snop  }
0x90: {  	(tm) =	ssettm $0x1  }
0x91: {  	s17 =	sld [smem:$0x3FFB];
	_ =	sdelay $0x3  }
0x92: {  	_ =	strace s17  }
0x93: {  	s2 =	sld [smem:$0x3FFC];
	_ =	sdelay $0x3  }
0x94: {  	_ =	strace s2  }
0x95: {  	s2 =	sld [smem:$0x3FFD];
	_ =	sdelay $0x3  }
0x96: {  	_ =	strace s2  }
0x97: {  	_ =	strace $0x8FFFFFFF  }
0x98: {  	s18 =	sld [smem:$0x3FDB];
	_ =	sdelay $0x1  }
0x99: {  	s19 =	simm.s32 $_scs_section_size  }
0x9a: {  	s4 =	simm.s32 $_size__tile_overlayer_lowered;
	s5 =	simm.s32 $_tile_overlayer_lowered  }
0x9b: {  	s22 =	simm.s32 $0x1BFF;
	s21 =	sshll.u32 s5, $0x1;
	s2 =	sadd.s32 s19, s18  }
0x9c: {  	s6 =	simm.s32 $0x0;
	s20 =	sshll.u32 s4, $0x1;
	s4 =	sadd.s32 s21, s2  }
0x9d: {  	[timem:s6], [sflag:s22] =	dma.local [hbm:s4], s20  }
0x9e: {  	_ =	swait.ge [sflag:s22], s20  }
0x9f: {  	s3 =	ssub.s32 $0x0, s20;
	[sflag:s22] =	ssyncset.done $0x0  }
0xa0: {  	[sflag:s22] =	ssyncadd.s32 s3;
	_ =	sdelay $0x1  }
0xa1: {  	s23 =	simm.s32 $0x1B8B  }
0xa2: {  	_ =	swait.ge [sflag:s23], $0x1  }
0xa3: {  	[sflag:s23] =	ssyncset.done $0x0  }
0xa4: {  	s25 =	simm.s32 $0x1B8E;
	s24 =	sld [smem:$0x3FFE];
	[sflag:s23] =	ssyncadd.s32 $0xFFFFFFFF  }
0xa5: {  	s26 =	simm.s32 $execute0_lowered;
	[smem:$0x3FD2] =	sst s25  }
0xa6: {  	s4 =	sshll.u32 s26, $0x1;
	_ =	strace $0x80000046;
	[dreg:$0x1] =	wrdreg $0xFFFFFFFF  }
0xa7: {  	s28 =	simm.s32 $_size_execute0_lowered;
	s2 =	sadd.s32 s2, s4;
	[dreg:$0x0] =	wrdreg $0x0  }
0xa8: {  	s4 =	sshll.u32 s28, $0x1;
	[dreg:$0x2] =	wrdreg s2  }
0xa9: {  	[dreg:$0x3] =	wrdreg s4  }
0xaa: {  	[dreg:$0x4] =	wrdreg $0xC0  }
0xab: {  	_ =	task [dreg:s6], $0x5FFFF  }
0xac: {  	[dreg:$0x1] =	wrdreg $0xFFFFFFFF  }
0xad: {  	[dreg:$0x0] =	wrdreg $0x60  }
0xae: {  	[dreg:$0x2] =	wrdreg s24  }
0xaf: {  	[dreg:$0x3] =	wrdreg $0x0  }
0xb0: {  	[dreg:$0x4] =	wrdreg $0x9  }
0xb1: {  	_ =	task.clear_ibuf [dreg:s6], $0x5FFFF;
	_ =	strace $0x90000046  }
0xb2: {  	s29 =	simm.s32 $0x9;
	_ =	strace $0x80000048  }
0xb3: {  	_ =	swait.ge [sflag:s29], $0x1  }
0xb4: {  	[sflag:s29] =	ssyncadd.s32 $0xFFFFFFFF  }
0xb5: {  	_ =	strace $0x90000048  }
0xb6: {  	_ =	sfence  }
0xb7: {  	s30 =	sld [smem:$0x0];
	_ =	sdelay $0x2  }
0xb8: {  	s31 =	sshll.u32 s1, $0xD;
	s1 =	sshrl.u32 s1, $0x2  }
0xb9: {  	s3 =	sand.u32 $0x4000, s31;
	s1 =	sadd.s32 s1, s30  }
0xba: {  	s0 =	sor.u32 s3, s0;
	s1 =	sshll.u32 s1, $0x11  }
0xbb: {  	s0 =	sor.u32 s1, s0  }
0xbc: {  	s0 =	sadd.s32 $0x8F2B, s0  }
0xbd: {  	[sflag:s0] =	ssyncadd.remote.s32 $0x1  }
0xbe: {  	_ =	sfence.sel $0xFFFF  }
0xbf: {  	[dreg:$0x0] =	wrdreg $0xFFFFFFFF;
	(pc) =	sbr.abs _section_cstart, $3  }
0xc0: {  	[dreg:$0x1] =	wrdreg $0xFFFFFFFF  }
0xc1: {  	_ =	task.clear_ibuf [dreg:s6], $0x2FFFF;
	_ =	strace $0x9FFFFFFF  }
0xc2: {  	(tm) =	ssettm $0x7FFFFFFF  }
0xc3: {  	_ =	shalt  }
tec
execute0_lowered:
.L_overlay_start_1:
0x0: {  	(tag) =	ssettag $0x1  }
0x1: {  	s0 =	rddreg [dreg:$0x0]  }
0x2: {  	s1 =	rddreg [dreg:$0x1];
	s3 =	simm.s32 $0x0  }
0x3: {  	s2 =	srdreg.scid;
	s14 =	stileid.u32;
	s16 =	simm.s32 $0x5  }
0x4: {  	s18 =	simm.s32 $0x11170;
	s19 =	simm.s32 $0x50;
	s20 =	simm.s32 $0x12110  }
0x5: {  	s22 =	simm.s32 $0x14410;
	s23 =	simm.s32 $0x1;
	s24 =	simm.s32 $0x16710  }
0x6: {  	s28 =	simm.s32 $0x2;
	s30 =	simm.s32 $0x4;
	[smem:$0x7FF] =	sst s3  }
0x7: {  	s2 =	sand.u32 $0x1, s2;
	s4 =	sadd.s32 $0x3800, s0;
	s9 =	smul.u32 $0x11100, s14  }
0x8: {  	s5 =	sadd.s32 $0x25C00, s0;
	s6 =	sadd.s32 $0x48000, s0;
	s7 =	sadd.s32 $0x6A400, s0  }
0x9: {  	s8 =	sadd.s32 $0x8C800, s0;
	s29 =	sshll.u32 s14, $0x6;
	s25 =	smul.u32 $0xE, s2  }
0xa: {  	_ =	strace $0x80000047;
	s10 =	smul.u32 $0x111700, s2;
	s12 =	ssub.s32 $0x2, s2  }
0xb: {  	p0 =	seq.s32 s2, $0x1;
	s11 =	sshrl.u32 s9, $0x3;
	s13 =	sshrl.u32 s12, $0x1  }
0xc: {  	s3 =	sadd.s32 s25, s0;
	s10 =	sadd.s32 s9, s10;
	s11 =	sadd.s32 s11, s0  }
0xd: {  	s26 =	ssub.s32 s12, s13;
	s9 =	sadd.s32 s9, s1;
	s11 =	sadd.s32 $0xA0200, s11  }
0xe: {  	s12 =	smul.u32 $0xFA, s14;
	s3 =	sadd.s32 $0x3400, s3;
	[dreg:$0x3] =	wrdreg s11  }
.Ltmp0:
0xf: {  	s31 =	smax.u32 s26, $0x1;
	[dreg:$0x5] =	wrdreg s3;
	(pc) =	sbr.rel .LBB2_1-.Ltmp0, $4  }
0x10: {  	s10 =	sshrl.u32 s10, $0x3;
	s2 =	sshrl.u32 s9, $0x3;
	[dreg:$0x7] =	wrdreg s31  }
0x11: {  	s0 =	sadd.s32 s10, s0;
	s11 =	sor.u32 $0x1C05, s29;
	[dreg:$0x8] =	wrdreg s2  }
0x12: {  	v0 =	vimm.f32 $0.0e+00;
	vm0 =	vcmask $0x300;
	s25 =	simm.s32 $0x3;
	s0 =	sadd.s32 $0xF0600, s0;
	[dreg:$0x4] =	wrdreg s11  }
0x13: {  	v0 =	vsel vm0, $0x3F800000, v0;
	s26 =	simm.s32 $0x1D010;
	s3 =	simm.s32 $0x0;
	[dreg:$0x6] =	wrdreg s0  }
.LBB2_28:
0x14: {  	[bflag:$0x0] =	sbarrier.arrive $0xFFFF  }
0x15: {  	s11 =	rddreg [dreg:$0x4]  }
0x16: {  	s0 =	rddreg [dreg:$0x6]  }
0x17: {  	s2 =	rddreg [dreg:$0x8]  }
0x18: {  	[hbm:s0], [sflag:s11] =	dma.local [spmem:s2], $0x2300  }
0x19: {  	_ =	swait.ge [sflag:s16], $0x2300  }
0x1a: {  	s3 =	rddreg [dreg:$0x9]  }
0x1b: {  	s31 =	rddreg [dreg:$0x7];
	s3 =	sadd.s32 $0x1, s3  }
0x1c: {  	p1 =	sne.s32 s3, s31  }
.Ltmp1:
0x1d: {  	_ = 	snop;
	(pc) =	sbr.rel @!p1 .LBB2_29-.Ltmp1, $3  }
0x1e: {  	_ =	sdelay $0x1  }
0x1f: {  	[sflag:s16] =	ssyncset.done $0x0  }
0x20: {  	[sflag:s16] =	ssyncadd.s32 $0xFFFFDD00  }
.LBB2_1:
0x21: {  	[dreg:$0x9] =	wrdreg s3  }
0x22: {  	s0 =	rddreg [dreg:$0x3]  }
0x23: {  	[spmem:s2], [sflag:s11] =	dma.local [hbm:s0], $0x2300  }
0x24: {  	_ =	swait.ge [sflag:s16], $0x2300  }
0x25: {  	s21 =	simm.s32 $0x0;
	[sflag:s16] =	ssyncset.done $0x0  }
0x26: {  	s31 =	simm.s32 $0x1F310;
	s29 =	rddreg [dreg:$0x5];
	[sflag:s16] =	ssyncadd.s32 $0xFFFFDD00  }
0x27: {  	[tilespmem:s31], [sflag:$0x5] =	stream.linear.gather [hbm4b:s29+s21], $0x70, $0x38;
	[tilespmem:$0x1F380] =	vst v63  }
0x28: {  	_ =	swait.ge [sflag:s16], $0x70  }
0x29: {  	[sflag:s16] =	ssyncset.done $0x0  }
0x2a: {  	[sflag:s16] =	ssyncadd.s32 $0xFFFFFF90  }
0x2b: {  	[bflag:$0x0] =	sbarrier.arrive $0xFFFF  }
0x2c: {  	v1 =	vld [tilespmem:$0x1F310]  }
.Ltmp2:
0x2d: {  	v2 =	vld [tilespmem:$0x1F320];
	(pc) =	sbr.rel @!p0 .LBB2_2-.Ltmp2, $4  }
0x2e: {  	v3 =	vld [tilespmem:$0x1F330]  }
0x2f: {  	v4 =	vld [tilespmem:$0x1F340]  }
0x30: {  	v5 =	vld [tilespmem:$0x1F350]  }
0x31: {  	s0 =	simm.s32 $0x340;
	s2 =	simm.s32 $0x60;
	v6 =	vld [tilespmem:$0x1F360]  }
.LBB2_15:
0x32: {  	p1 =	sne.s32 s0, $0x8BC0;
	[tilespmem:s2+$0x16710] =	vst v0;
	s2 =	smov.u32 s0;
	s0 =	sadd.s32 $0x1C0, s0  }
.Ltmp3:
0x33: {  	(pc) =	sbr.rel @p1 .LBB2_15-.Ltmp3, $2  }
0x34: {  	_ =	sdelay $0x2  }
0x35: {  	s2 =	sshra.s32 s2, $0x2  }
0x36: {  	[tilespmem:s2+$0x16710] =	vst v0;
	s0 =	simm.s32 $0x340;
	s2 =	simm.s32 $0x60  }
.LBB2_17:
0x37: {  	p1 =	sne.s32 s0, $0x8BC0;
	[tilespmem:s2+$0x1D010] =	vst v0;
	s2 =	smov.u32 s0;
	s0 =	sadd.s32 $0x1C0, s0  }
.Ltmp4:
0x38: {  	(pc) =	sbr.rel @p1 .LBB2_17-.Ltmp4, $2  }
0x39: {  	_ =	sdelay $0x2  }
0x3a: {  	s2 =	sshra.s32 s2, $0x2  }
0x3b: {  	[tilespmem:s2+$0x1D010] =	vst v0;
	s3 =	simm.s32 $0x0  }
.LBB2_19:
0x3c: {  	s2 =	smul.u32 $0x19, s3;
	_ =	sdelay $0x1  }
0x3d: {  	s2 =	sadd.s32 s12, s2  }
0x3e: {  	s2 =	smul.u32 $0x14, s2;
	_ =	sdelay $0x1  }
0x3f: {  	s0 =	simm.s32 $0x0;
	s2 =	sadd.s32 s8, s2  }
0x40: {  	[tilespmem:s18], [sflag:$0x5] =	stream.linear.gather [hbm4b:s2+s0], $0xFA0, $0x38;
	[tilespmem:$0x1F380] =	vst v63  }
0x41: {  	_ =	swait.ge [sflag:s16], $0xFA0  }
0x42: {  	[sflag:s16] =	ssyncset.done $0x0  }
0x43: {  	[sflag:s16] =	ssyncadd.s32 $0xFFFFF060  }
0x44: {  	[tilespmem:s20], [sflag:$0x1] =	stream.indirect.gather [hbm4b:s5+s19], $0x70, s18, s19, $0xb8;
	[tilespmem:$0x1F380] =	vst v63  }
0x45: {  	s31 =	simm.s32 $0x111C0;
	s17 =	simm.s32 $0x0  }
0x46: {  	[tilespmem:s22], [sflag:$0x1] =	stream.indirect.gather [hbm4b:s7+s19], $0x70, s31, s19, $0xb8;
	[tilespmem:$0x1F380] =	vst v63  }
.LBB2_20:
0x47: {  	p1 =	sne.s32 s17, $0x0  }
0x48: {  	s2 =	simm.s32 @p1 $0x4;
	s9 =	smul.u32 @p1 $0x500, s17  }
0x49: {  	_ =	swait.ge @p1 [sflag:s2], $0x2300  }
0x4a: {  	s10 =	simm.s32 @p1 $0x18A10;
	[sflag:s2] =	ssyncset.done @p1 $0x0;
	s14 =	sshra.s32 @p1 s9, $0x2  }
0x4b: {  	s9 =	simm.s32 @p1 $0x50;
	[sflag:s2] =	ssyncadd.s32 @p1 $0xFFFFDD00;
	s2 =	sadd.s32 @p1 $0x11210, s14  }
0x4c: {  	[tilespmem:s10], [sflag:$0x3] =	stream.indirect.gather @p1 [hbm4b:s5+s9], $0x70, s2, s9, $0xb8;
	[tilespmem:$0x1F380] =	vst v63  }
0x4d: {  	s11 =	simm.s32 @p1 $0x1AD10;
	s10 =	sadd.s32 @p1 $0x11260, s14  }
0x4e: {  	[tilespmem:s11], [sflag:$0x3] =	stream.indirect.gather @p1 [hbm4b:s7+s9], $0x70, s10, s9, $0xb8;
	[tilespmem:$0x1F380] =	vst v63  }
0x4f: {  	s9 =	simm.s32 @p1 $0x2  }
0x50: {  	_ =	swait.ge @p1 [sflag:s9], $0x2300  }
0x51: {  	s10 =	simm.s32 @!p1 $0x11210;
	[sflag:s9] =	ssyncset.done @p1 $0x0  }
0x52: {  	s11 =	simm.s32 @!p1 $0x18A10;
	[sflag:s9] =	ssyncadd.s32 @p1 $0xFFFFDD00;
	s9 =	simm.s32 @!p1 $0x50  }
0x53: {  	[tilespmem:s11], [sflag:$0x3] =	stream.indirect.gather @!p1 [hbm4b:s5+s9], $0x70, s10, s9, $0xb8;
	[tilespmem:$0x1F380] =	vst v63  }
0x54: {  	s10 =	simm.s32 @!p1 $0x11260;
	s11 =	simm.s32 @!p1 $0x1AD10  }
0x55: {  	[tilespmem:s11], [sflag:$0x3] =	stream.indirect.gather @!p1 [hbm4b:s7+s9], $0x70, s10, s9, $0xb8;
	[tilespmem:$0x1F380] =	vst v63  }
0x56: {  	_ =	swait.ge [sflag:s23], $0x2300  }
0x57: {  	[sflag:s23] =	ssyncset.done $0x0  }
0x58: {  	[sflag:s23] =	ssyncadd.s32 $0xFFFFDD00  }
0x59: {  	_ =	swait.ge [sflag:s23], $0x2300  }
0x5a: {  	[sflag:s23] =	ssyncset.done $0x0  }
0x5b: {  	s10 =	simm.s32 $0x0;
	[sflag:s23] =	ssyncadd.s32 $0xFFFFDD00  }
0x5c: {  	v7 =	vld [tilespmem:s10+$0x12170]  }
0x5d: {  	v8 =	vld [tilespmem:s10+$0x14470];
	_ =	sdelay $0x4  }
0x5e: {  	v7 =	vsub.f32 v7, v8;
	_ =	sdelay $0x1  }
0x5f: {  	v7 =	vmul.f32 v7, v7;
	_ =	sdelay $0x1  }
0x60: {  	(v2sf) =	vpush v7, $0x0  }
0x61: {  	(v2sf) =	vpush v7, $0x1;
	_ =	sdelay $0x1  }
0x62: {  	(v2sf) =	vpush v7, $0x2;
	_ =	sdelay $0x3  }
0x63: {  	s13 =	simm.s32 $0x70  }
0x64: {  	v8 =	vld [tilespmem:s13+$0x14470]  }
0x65: {  	v7 =	vld [tilespmem:s13+$0x12170];
	_ =	sdelay $0x3  }
0x66: {  	v9 =	vld [tilespmem:s10+$0x12110]  }
0x67: {  	v10 =	vld [tilespmem:s10+$0x14410];
	v7 =	vsub.f32 v7, v8  }
0x68: {  	v11 =	vld [tilespmem:s10+$0x12120];
	s11 =	spop (v2sf)  }
0x69: {  	v12 =	vld [tilespmem:s10+$0x14420];
	v7 =	vmul.f32 v7, v7;
	s15 =	spop (v2sf)  }
0x6a: {  	v13 =	vld [tilespmem:s10+$0x14430];
	s9 =	sadd.f32 s15, s11  }
0x6b: {  	v14 =	vld [tilespmem:s10+$0x12140];
	(v2sf) =	vpush v7, $0x0;
	s21 =	spop (v2sf)  }
0x6c: {  	v15 =	vld [tilespmem:s10+$0x14440];
	(v2sf) =	vpush v7, $0x1;
	s15 =	sadd.f32 s9, s21  }
0x6d: {  	v16 =	vld [tilespmem:s10+$0x12150]  }
0x6e: {  	v17 =	vld [tilespmem:s10+$0x14450];
	(v2sf) =	vpush v7, $0x2;
	v20 =	vmov s15  }
0x6f: {  	v18 =	vld [tilespmem:s13+$0x12110];
	v19 =	vshra.s32 v20, $0x1;
	v21 =	vmul.f32 $5.000000000e-01, v20  }
0x70: {  	v23 =	vld [tilespmem:s13+$0x12120];
	v19 =	vsub.s32 $0x5F3759DF, v19  }
0x71: {  	v27 =	vld [tilespmem:s13+$0x14420];
	s9 =	simm.s32 $0xE0;
	v22 =	vmul.f32 v19, v21  }
0x72: {  	v24 =	vld [tilespmem:s9+$0x12170]  }
0x73: {  	v25 =	vld [tilespmem:s9+$0x14470];
	v22 =	vmul.f32 v19, v22  }
0x74: {  	v30 =	vld [tilespmem:s13+$0x12140]  }
0x75: {  	v31 =	vld [tilespmem:s13+$0x14440];
	v22 =	vsub.f32 $1.500000000e+00, v22  }
0x76: {  	v28 =	vld [tilespmem:s13+$0x12130]  }
0x77: {  	v29 =	vld [tilespmem:s13+$0x14430];
	v19 =	vmul.f32 v19, v22  }
0x78: {  	v32 =	vld [tilespmem:s13+$0x12150];
	v22 =	vsub.f32 v24, v25  }
0x79: {  	v33 =	vld [tilespmem:s13+$0x14450];
	v24 =	vmul.f32 v19, v21  }
0x7a: {  	v26 =	vadd.f32 v17, v16;
	v16 =	vadd.f32 v31, v30;
	v30 =	vld [tilespmem:s10+$0x14460];
	s0 =	spop (v2sf);
	v22 =	vmul.f32 v22, v22  }
0x7b: {  	v8 =	vld [tilespmem:s10+$0x12130];
	s21 =	spop (v2sf);
	v24 =	vmul.f32 v24, v19  }
0x7c: {  	v7 =	vld [tilespmem:s13+$0x14410];
	s11 =	sadd.f32 s21, s0;
	(v2sf) =	vpush v22, $0x0  }
0x7d: {  	v34 =	vld [tilespmem:s9+$0x12110];
	s0 =	spop (v2sf);
	(v2sf) =	vpush v22, $0x1;
	v24 =	vsub.f32 $1.500000000e+00, v24  }
0x7e: {  	v35 =	vld [tilespmem:s9+$0x14410];
	s31 =	sadd.f32 s11, s0  }
0x7f: {  	v38 =	vld [tilespmem:s9+$0x12130];
	(v2sf) =	vpush v22, $0x2;
	v40 =	vmul.f32 v24, v19  }
0x80: {  	v44 =	vadd.f32 v10, v9;
	v39 =	vld [tilespmem:s9+$0x14430];
	v22 =	vmov s31  }
0x81: {  	v9 =	vld [tilespmem:s9+$0x12150];
	v43 =	vmul.f32 $5.000000000e-01, v22;
	v19 =	vshra.s32 v22, $0x1;
	v21 =	vmul.f32 v40, v21  }
0x82: {  	v45 =	vadd.f32 v12, v11;
	v46 =	vld [tilespmem:s9+$0x14450];
	v10 =	vsub.s32 $0x5F3759DF, v19  }
0x83: {  	vm0 =	vgt.f32 v20, $0.0e+00;
	v20 =	vld [tilespmem:s10+$0x12160];
	s11 =	simm.s32 $0x150;
	v11 =	vmul.f32 v10, v43;
	v12 =	vmul.f32 v21, v40  }
0x84: {  	v25 =	vadd.f32 v15, v14;
	v15 =	vld [tilespmem:s11+$0x14470]  }
0x85: {  	v24 =	vadd.f32 v13, v8;
	v8 =	vld [tilespmem:s11+$0x12170];
	v11 =	vmul.f32 v10, v11;
	v12 =	vsub.f32 $1.500000000e+00, v12  }
0x86: {  	v17 =	vld [tilespmem:s11+$0x12110];
	v19 =	vadd.f32 v7, v18  }
0x87: {  	v18 =	vadd.f32 v27, v23;
	v23 =	vld [tilespmem:s11+$0x12120];
	v7 =	vsub.f32 $1.500000000e+00, v11;
	v12 =	vmul.f32 v12, v40  }
0x88: {  	v9 =	vadd.f32 v46, v9;
	v20 =	vadd.f32 v30, v20;
	v21 =	vld [tilespmem:s11+$0x14410]  }
0x89: {  	v13 =	vadd.f32 v29, v28;
	v27 =	vld [tilespmem:s11+$0x14420];
	v29 =	vmul.f32 v10, v7;
	v10 =	vmul.f32 s15, v12  }
0x8a: {  	v36 =	vld [tilespmem:s9+$0x12120];
	v14 =	vadd.f32 v33, v32;
	v8 =	vsub.f32 v8, v15  }
0x8b: {  	v37 =	vld [tilespmem:s9+$0x14420];
	v11 =	vadd.f32 v35, v34;
	v15 =	vmul.f32 v29, v43;
	s21 =	spop (v2sf);
	v28 =	vnsel vm0, $0x0, v10  }
0x8c: {  	v41 =	vld [tilespmem:s9+$0x12140];
	v51 =	vmul.f32 v8, v8;
	v7 =	vadd.f32 v39, v38;
	s0 =	spop (v2sf);
	v31 =	vshrl.u32 v28, $0x10  }
0x8d: {  	v42 =	vld [tilespmem:s9+$0x14440];
	v8 =	vadd.f32 v21, v17;
	v53 =	vmul.f32 v15, v29;
	s15 =	sadd.f32 s0, s21;
	v31 =	vand.u32 $0x1, v31  }
0x8e: {  	v52 =	vld [tilespmem:s11+$0x12130];
	v15 =	vadd.f32 v27, v23;
	s0 =	spop (v2sf);
	(v2sf) =	vpush v51, $0x0;
	v21 =	vadd.s32 v31, v28  }
0x8f: {  	v56 =	vld [tilespmem:s11+$0x12150];
	v27 =	vsub.f32 $1.500000000e+00, v53;
	(v2sf) =	vpush v51, $0x1;
	s21 =	sadd.f32 s15, s0;
	v21 =	vadd.s32 $0x7FFF, v21  }
0x90: {  	v57 =	vld [tilespmem:s11+$0x14450];
	v12 =	vadd.f32 v37, v36;
	(v2sf) =	vpush v51, $0x2;
	v55 =	vand.u32 $0xFFFF0000, v21  }
0x91: {  	v17 =	vld [tilespmem:s11+$0x14430];
	v30 =	vmul.f32 v27, v29;
	v28 =	vmov s21;
	v21 =	vmul.f32 v55, v6  }
0x92: {  	v54 =	vld [tilespmem:s11+$0x14440];
	v10 =	vadd.f32 v42, v41;
	v29 =	vshra.s32 v28, $0x1;
	v58 =	vmul.f32 v55, v1  }
0x93: {  	v23 =	vld [tilespmem:s11+$0x12140];
	v60 =	vmul.f32 v30, v43;
	v27 =	vmul.f32 $5.000000000e-01, v28;
	v20 =	vadd.f32 v21, v20  }
0x94: {  	v59 =	vmul.f32 v55, v2;
	v32 =	vmul.f32 v55, v3;
	v29 =	vsub.s32 $0x5F3759DF, v29  }
0x95: {  	s15 =	simm.s32 $0x1C0;
	v61 =	vmul.f32 v60, v30;
	v63 =	vmul.f32 v29, v27;
	v62 =	vmax.f32 v20, $0.0e+00  }
0x96: {  	v33 =	vld [tilespmem:s15+$0x12170];
	v31 =	vmul.f32 v55, v4;
	v21 =	vadd.f32 v17, v52;
	v17 =	vadd.f32 v57, v56;
	[tilespmem:s10+$0x16760] =	vst v62  }
0x97: {  	s14 =	sadd.s32 @p1 $0x11170, s14;
	v37 =	vadd.f32 v58, v44;
	v38 =	vsub.f32 $1.500000000e+00, v61;
	v39 =	vmul.f32 v29, v63;
	v36 =	vld [tilespmem:s15+$0x14470]  }
0x98: {  	s29 =	simm.s32 $0x8C0;
	s2 =	simm.s32 @!p1 $0x11210;
	s14 =	simm.s32 @!p1 $0x11170;
	v34 =	vmul.f32 v55, v5;
	v35 =	vadd.f32 v59, v45;
	v20 =	vadd.f32 v54, v23;
	v23 =	vld [tilespmem:s15+$0x12110]  }
.LBB2_21:
0x99: {  	p1 =	sne.s32 s29, $0x8A40;
	v40 =	vld [tilespmem:s15+$0x14410];
	v39 =	vsub.f32 $1.500000000e+00, v39;
	v30 =	vmul.f32 v38, v30;
	v32 =	vadd.f32 v32, v24;
	v41 =	vmovc v18;
	v18 =	vmovc v12  }
0x9a: {  	v31 =	vadd.f32 v31, v25;
	v34 =	vadd.f32 v34, v26;
	v12 =	vmovc v15;
	v24 =	vmovc v13;
	v38 =	vld [tilespmem:s15+$0x12120];
	v37 =	vmax.f32 v37, $0.0e+00  }
0x9b: {  	v13 =	vmovc v7;
	v7 =	vmovc v21;
	v35 =	vmax.f32 v35, $0.0e+00;
	v15 =	vld [tilespmem:s15+$0x14420];
	v29 =	vmul.f32 v29, v39;
	v39 =	vmul.f32 s31, v30;
	[tilespmem:s10+$0x16710] =	vst v37;
	s31 =	smov.u32 s21  }
0x9c: {  	vm0 =	vgt.f32 v22, $0.0e+00;
	v22 =	vmovc v28;
	v25 =	vmovc v16;
	v32 =	vmax.f32 v32, $0.0e+00;
	v21 =	vsub.f32 v33, v36;
	v30 =	vld [tilespmem:s13+$0x12160];
	[tilespmem:s10+$0x16720] =	vst v35  }
0x9d: {  	v16 =	vmovc v10;
	v10 =	vmovc v20;
	v31 =	vmax.f32 v31, $0.0e+00;
	s21 =	spop (v2sf);
	v28 =	vmul.f32 v29, v27;
	v33 =	vnsel vm0, $0x0, v39;
	v35 =	vld [tilespmem:s13+$0x14460];
	[tilespmem:s10+$0x16730] =	vst v32  }
0x9e: {  	v26 =	vmovc v14;
	v20 =	vmul.f32 v21, v21;
	v40 =	vadd.f32 v40, v23;
	v21 =	vld [tilespmem:s15+$0x12130];
	s0 =	spop (v2sf);
	v23 =	vshrl.u32 v33, $0x10;
	[tilespmem:s10+$0x16740] =	vst v31  }
0x9f: {  	v14 =	vmovc v9;
	v9 =	vmovc v17;
	v31 =	vmax.f32 v34, $0.0e+00;
	v36 =	vld [tilespmem:s15+$0x14430];
	s0 =	sadd.f32 s0, s21;
	s21 =	spop (v2sf);
	v28 =	vmul.f32 v28, v29;
	v23 =	vand.u32 $0x1, v23  }
0xa0: {  	v15 =	vadd.f32 v15, v38;
	v17 =	vld [tilespmem:s15+$0x12140];
	(v2sf) =	vpush v20, $0x0;
	v23 =	vadd.s32 v23, v33;
	[tilespmem:s10+$0x16750] =	vst v31;
	s10 =	smov.u32 s13;
	s13 =	smov.u32 s9;
	s9 =	smov.u32 s11  }
0xa1: {  	s11 =	smov.u32 s15;
	v34 =	vld [tilespmem:s15+$0x14440];
	(v2sf) =	vpush v20, $0x1;
	s21 =	sadd.f32 s0, s21;
	v31 =	vsub.f32 $1.500000000e+00, v28;
	v23 =	vadd.s32 $0x7FFF, v23  }
0xa2: {  	v37 =	vld [tilespmem:s11+$0x12150];
	(v2sf) =	vpush v20, $0x2;
	v23 =	vand.u32 $0xFFFF0000, v23;
	v20 =	vadd.f32 v35, v30  }
0xa3: {  	v35 =	vld [tilespmem:s11+$0x14450];
	v28 =	vmov s21;
	v30 =	vmul.f32 v31, v29;
	v29 =	vmul.f32 v23, v6  }
0xa4: {  	v42 =	vmul.f32 v23, v1;
	v43 =	vmul.f32 v23, v2;
	v31 =	vshra.s32 v28, $0x1  }
0xa5: {  	v33 =	vmul.f32 v30, v27;
	v27 =	vmul.f32 $5.000000000e-01, v28;
	v20 =	vadd.f32 v29, v20  }
.Ltmp5:
0xa6: {  	v32 =	vmul.f32 v23, v3;
	v29 =	vsub.s32 $0x5F3759DF, v31;
	v31 =	vmul.f32 v23, v4;
	(pc) =	sbr.rel @p1 .LBB2_21-.Ltmp5, $4  }
0xa7: {  	s15 =	sshra.s32 s29, $0x2;
	v38 =	vmul.f32 v29, v27;
	v44 =	vmul.f32 v33, v30;
	v39 =	vmax.f32 v20, $0.0e+00  }
0xa8: {  	v21 =	vadd.f32 v36, v21;
	v20 =	vadd.f32 v34, v17;
	v34 =	vmul.f32 v23, v5;
	v33 =	vld [tilespmem:s15+$0x12170];
	[tilespmem:s10+$0x16760] =	vst v39  }
0xa9: {  	v17 =	vadd.f32 v35, v37;
	v36 =	vld [tilespmem:s15+$0x14470];
	v39 =	vmul.f32 v29, v38;
	v38 =	vsub.f32 $1.500000000e+00, v44  }
0xaa: {  	s29 =	sadd.s32 $0x1C0, s29;
	v37 =	vadd.f32 v42, v19;
	v35 =	vadd.f32 v43, v41;
	v19 =	vmovc v11;
	v11 =	vmovc v8;
	v8 =	vmov v40;
	v23 =	vld [tilespmem:s15+$0x12110]  }
0xab: {  	_ =	sdelay $0x2  }
0xac: {  	v33 =	vsub.f32 v33, v36;
	_ =	sdelay $0x1  }
0xad: {  	v33 =	vmul.f32 v33, v33  }
0xae: {  	v53 =	vsub.f32 $1.500000000e+00, v39  }
0xaf: {  	(v2sf) =	vpush v33, $0x0  }
0xb0: {  	v36 =	vmul.f32 v29, v53;
	s0 =	spop (v2sf);
	(v2sf) =	vpush v33, $0x1  }
0xb1: {  	s29 =	spop (v2sf)  }
0xb2: {  	v54 =	vmul.f32 v36, v27;
	s0 =	sadd.f32 s29, s0;
	(v2sf) =	vpush v33, $0x2  }
0xb3: {  	v38 =	vmul.f32 v38, v30;
	v32 =	vadd.f32 v32, v24;
	s29 =	spop (v2sf)  }
0xb4: {  	v30 =	vld [tilespmem:s15+$0x12120];
	v25 =	vadd.f32 v31, v25;
	v26 =	vadd.f32 v34, v26;
	v31 =	vmul.f32 v54, v36;
	s29 =	sadd.f32 s0, s29  }
0xb5: {  	v24 =	vld [tilespmem:s15+$0x14420];
	vm0 =	vgt.f32 v22, $0.0e+00;
	v37 =	vmax.f32 v37, $0.0e+00;
	v55 =	vmul.f32 s31, v38  }
0xb6: {  	v56 =	vmax.f32 v35, $0.0e+00;
	v29 =	vld [tilespmem:s15+$0x14410];
	[tilespmem:s10+$0x16710] =	vst v37;
	v31 =	vsub.f32 $1.500000000e+00, v31;
	v59 =	vmov s29  }
0xb7: {  	v57 =	vld [tilespmem:s13+$0x12160];
	[tilespmem:s10+$0x16720] =	vst v56;
	v58 =	vnsel vm0, $0x0, v55;
	v61 =	vshra.s32 v59, $0x1;
	v62 =	vmul.f32 $5.000000000e-01, v59  }
0xb8: {  	v34 =	vld [tilespmem:s13+$0x14460];
	v60 =	vshrl.u32 v58, $0x10;
	v31 =	vmul.f32 v31, v36;
	v63 =	vsub.s32 $0x5F3759DF, v61  }
0xb9: {  	v37 =	vand.u32 $0x1, v60;
	v42 =	vmul.f32 v63, v62  }
0xba: {  	v22 =	vmax.f32 v32, $0.0e+00;
	v32 =	vadd.s32 v37, v58;
	v27 =	vmul.f32 v31, v27  }
0xbb: {  	v25 =	vmax.f32 v25, $0.0e+00;
	[tilespmem:s10+$0x16730] =	vst v22;
	v32 =	vadd.s32 $0x7FFF, v32;
	v37 =	vmul.f32 v63, v42  }
0xbc: {  	v43 =	vmax.f32 v26, $0.0e+00;
	v22 =	vld [tilespmem:s15+$0x12130];
	[tilespmem:s10+$0x16740] =	vst v25;
	v32 =	vand.u32 $0xFFFF0000, v32;
	v27 =	vmul.f32 v27, v31  }
0xbd: {  	v25 =	vld [tilespmem:s15+$0x14430];
	v34 =	vadd.f32 v34, v57;
	v44 =	vmul.f32 v32, v6;
	v37 =	vsub.f32 $1.500000000e+00, v37  }
0xbe: {  	v26 =	vld [tilespmem:s15+$0x12140];
	[tilespmem:s10+$0x16750] =	vst v43;
	v45 =	vmul.f32 v32, v1;
	v27 =	vsub.f32 $1.500000000e+00, v27;
	s10 =	spop (v2sf)  }
0xbf: {  	v41 =	vmul.f32 v32, v2;
	v34 =	vadd.f32 v44, v34;
	v36 =	vmul.f32 v63, v37;
	s31 =	spop (v2sf)  }
0xc0: {  	v40 =	vld [tilespmem:s15+$0x14440];
	v19 =	vadd.f32 v45, v19;
	v27 =	vmul.f32 v27, v31;
	s0 =	sadd.f32 s31, s10  }
0xc1: {  	v46 =	vld [tilespmem:s15+$0x12150];
	v18 =	vadd.f32 v41, v18;
	v34 =	vmax.f32 v34, $0.0e+00;
	v31 =	vmul.f32 v36, v62;
	s31 =	spop (v2sf)  }
0xc2: {  	v47 =	vld [tilespmem:s15+$0x14450];
	v48 =	vmul.f32 v32, v3;
	v19 =	vmax.f32 v19, $0.0e+00;
	[tilespmem:s13+$0x16760] =	vst v34;
	v27 =	vmul.f32 s21, v27;
	s10 =	sadd.f32 s0, s31  }
0xc3: {  	vm12 =	vgt.f32 v28, $0.0e+00;
	v18 =	vmax.f32 v18, $0.0e+00;
	[tilespmem:s13+$0x16710] =	vst v19;
	v28 =	vmul.f32 v31, v36  }
0xc4: {  	v13 =	vadd.f32 v48, v13;
	v19 =	vld [tilespmem:s9+$0x12160];
	[tilespmem:s13+$0x16720] =	vst v18;
	v18 =	vnsel vm12, $0x0, v27;
	v27 =	vmov s10  }
0xc5: {  	v49 =	vld [tilespmem:s9+$0x14460];
	v28 =	vsub.f32 $1.500000000e+00, v28;
	v50 =	vshra.s32 v27, $0x1;
	v42 =	vmul.f32 $5.000000000e-01, v27  }
0xc6: {  	v31 =	vmul.f32 v32, v4;
	v43 =	vshrl.u32 v18, $0x10;
	v41 =	vsub.s32 $0x5F3759DF, v50  }
0xc7: {  	v43 =	vand.u32 $0x1, v43;
	v28 =	vmul.f32 v28, v36;
	v51 =	vmul.f32 v41, v42  }
0xc8: {  	v13 =	vmax.f32 v13, $0.0e+00;
	v16 =	vadd.f32 v31, v16;
	v18 =	vadd.s32 v43, v18  }
0xc9: {  	v18 =	vadd.s32 $0x7FFF, v18;
	v31 =	vmul.f32 v28, v62;
	v52 =	vmul.f32 v41, v51  }
0xca: {  	v19 =	vadd.f32 v49, v19;
	v32 =	vmul.f32 v32, v5;
	v18 =	vand.u32 $0xFFFF0000, v18  }
0xcb: {  	v53 =	vmul.f32 v18, v6;
	v31 =	vmul.f32 v31, v28;
	v34 =	vsub.f32 $1.500000000e+00, v52  }
0xcc: {  	v14 =	vadd.f32 v32, v14;
	v16 =	vmax.f32 v16, $0.0e+00;
	v54 =	vmul.f32 v18, v1  }
0xcd: {  	[tilespmem:s13+$0x16730] =	vst v13;
	v13 =	vadd.f32 v53, v19;
	v19 =	vsub.f32 $1.500000000e+00, v31;
	v31 =	vmul.f32 v41, v34  }
0xce: {  	v14 =	vmax.f32 v14, $0.0e+00;
	[tilespmem:s13+$0x16740] =	vst v16;
	v16 =	vmul.f32 v18, v2;
	v11 =	vadd.f32 v54, v11  }
0xcf: {  	[tilespmem:s13+$0x16750] =	vst v14;
	v13 =	vmax.f32 v13, $0.0e+00;
	v14 =	vmul.f32 v19, v28;
	v19 =	vmul.f32 v31, v42  }
0xd0: {  	v12 =	vadd.f32 v16, v12;
	v11 =	vmax.f32 v11, $0.0e+00;
	[tilespmem:s9+$0x16760] =	vst v13  }
0xd1: {  	[tilespmem:s9+$0x16710] =	vst v11;
	v13 =	vmul.f32 s29, v14;
	v11 =	vmul.f32 v19, v31  }
0xd2: {  	vm13 =	vgt.f32 v59, $0.0e+00;
	v12 =	vmax.f32 v12, $0.0e+00  }
0xd3: {  	v14 =	vld [tilespmem:s11+$0x12160];
	[tilespmem:s9+$0x16720] =	vst v12;
	v12 =	vnsel vm13, $0x0, v13;
	v11 =	vsub.f32 $1.500000000e+00, v11  }
0xd4: {  	v13 =	vld [tilespmem:s11+$0x14460];
	v16 =	vshrl.u32 v12, $0x10  }
0xd5: {  	v16 =	vand.u32 $0x1, v16;
	v11 =	vmul.f32 v11, v31  }
0xd6: {  	v28 =	vmul.f32 v18, v4;
	v19 =	vmul.f32 v18, v3;
	v12 =	vadd.s32 v16, v12  }
0xd7: {  	v16 =	vmul.f32 v18, v5;
	v12 =	vadd.s32 $0x7FFF, v12;
	v18 =	vmul.f32 v11, v42  }
0xd8: {  	v10 =	vadd.f32 v28, v10;
	v7 =	vadd.f32 v19, v7;
	v12 =	vand.u32 $0xFFFF0000, v12  }
0xd9: {  	v13 =	vadd.f32 v13, v14;
	v14 =	vmul.f32 v12, v6;
	v18 =	vmul.f32 v18, v11  }
0xda: {  	v9 =	vadd.f32 v16, v9;
	v7 =	vmax.f32 v7, $0.0e+00;
	v16 =	vmul.f32 v12, v1  }
0xdb: {  	[tilespmem:s9+$0x16730] =	vst v7;
	v7 =	vmax.f32 v10, $0.0e+00;
	v10 =	vadd.f32 v14, v13;
	v13 =	vsub.f32 $1.500000000e+00, v18  }
0xdc: {  	[tilespmem:s9+$0x16740] =	vst v7;
	v7 =	vmax.f32 v9, $0.0e+00;
	v9 =	vmul.f32 v12, v2  }
0xdd: {  	v8 =	vadd.f32 v16, v8;
	[tilespmem:s9+$0x16750] =	vst v7;
	v7 =	vmax.f32 v10, $0.0e+00;
	v10 =	vmul.f32 v13, v11  }
0xde: {  	[tilespmem:s11+$0x16760] =	vst v7;
	v7 =	vadd.f32 v9, v15  }
0xdf: {  	v8 =	vmax.f32 v8, $0.0e+00;
	v9 =	vmul.f32 s10, v10  }
0xe0: {  	vm14 =	vgt.f32 v27, $0.0e+00;
	[tilespmem:s11+$0x16710] =	vst v8;
	v7 =	vmax.f32 v7, $0.0e+00  }
0xe1: {  	v16 =	vmul.f32 v12, v3;
	v8 =	vld [tilespmem:s15+$0x12160];
	[tilespmem:s11+$0x16720] =	vst v7;
	v7 =	vnsel vm14, $0x0, v9  }
0xe2: {  	v10 =	vld [tilespmem:s15+$0x14460];
	v11 =	vshrl.u32 v7, $0x10  }
0xe3: {  	v16 =	vadd.f32 v16, v21;
	v18 =	vmul.f32 v12, v4;
	v11 =	vand.u32 $0x1, v11  }
0xe4: {  	v14 =	vadd.f32 v25, v22;
	v12 =	vmul.f32 v12, v5;
	v7 =	vadd.s32 v11, v7  }
0xe5: {  	v16 =	vmax.f32 v16, $0.0e+00;
	v18 =	vadd.f32 v18, v20;
	v7 =	vadd.s32 $0x7FFF, v7  }
0xe6: {  	v13 =	vadd.f32 v24, v30;
	v12 =	vadd.f32 v12, v17;
	v7 =	vand.u32 $0xFFFF0000, v7  }
0xe7: {  	[tilespmem:s11+$0x16730] =	vst v16;
	v16 =	vmax.f32 v18, $0.0e+00;
	v8 =	vadd.f32 v10, v8;
	v10 =	vmul.f32 v7, v6  }
0xe8: {  	v9 =	vadd.f32 v29, v23;
	v17 =	vmul.f32 v7, v1;
	v18 =	vmul.f32 v7, v2  }
0xe9: {  	v11 =	vadd.f32 v47, v46;
	v8 =	vadd.f32 v10, v8;
	v10 =	vmax.f32 v12, $0.0e+00  }
0xea: {  	[tilespmem:s11+$0x16740] =	vst v16;
	v12 =	vmul.f32 v7, v3;
	v9 =	vadd.f32 v17, v9;
	v13 =	vadd.f32 v18, v13  }
0xeb: {  	[tilespmem:s11+$0x16750] =	vst v10;
	v10 =	vmul.f32 v7, v4;
	v7 =	vmul.f32 v7, v5;
	v8 =	vmax.f32 v8, $0.0e+00  }
0xec: {  	v15 =	vadd.f32 v40, v26;
	v9 =	vmax.f32 v9, $0.0e+00;
	[tilespmem:s15+$0x16760] =	vst v8;
	v8 =	vadd.f32 v12, v14  }
0xed: {  	[tilespmem:s15+$0x16710] =	vst v9;
	v9 =	vmax.f32 v13, $0.0e+00;
	v7 =	vadd.f32 v7, v11  }
0xee: {  	s13 =	smul.u32 $0x500, s17;
	v10 =	vadd.f32 v10, v15;
	[tilespmem:s15+$0x16720] =	vst v9;
	v8 =	vmax.f32 v8, $0.0e+00  }
0xef: {  	v7 =	vmax.f32 v7, $0.0e+00;
	[tilespmem:s15+$0x16730] =	vst v8  }
0xf0: {  	s0 =	sshra.s32 s13, $0x2;
	v8 =	vmax.f32 v10, $0.0e+00;
	[tilespmem:s15+$0x16750] =	vst v7  }
0xf1: {  	s0 =	sadd.s32 $0x11170, s0;
	[tilespmem:s15+$0x16740] =	vst v8  }
0xf2: {  	[spmem:s1] =	stream.indirect.scatter.add.f32 [tilespmem:s24], [sflag:$0x2], $0x70, s0, s19, $0xb8;
	[tilespmem:$0x1F380] =	vst v63  }
0xf3: {  	s21 =	sadd.s32 $0x140, s14  }
0xf4: {  	[tilespmem:s20], [sflag:$0x1] =	stream.indirect.gather [hbm4b:s5+s19], $0x70, s21, s19, $0xb8;
	[tilespmem:$0x1F380] =	vst v63  }
0xf5: {  	s31 =	sadd.s32 $0x190, s14  }
0xf6: {  	[tilespmem:s22], [sflag:$0x1] =	stream.indirect.gather [hbm4b:s7+s19], $0x70, s31, s19, $0xb8;
	[tilespmem:$0x1F380] =	vst v63  }
0xf7: {  	_ =	swait.ge [sflag:s25], $0x2300  }
0xf8: {  	[sflag:s25] =	ssyncset.done $0x0  }
0xf9: {  	[sflag:s25] =	ssyncadd.s32 $0xFFFFDD00  }
0xfa: {  	_ =	swait.ge [sflag:s25], $0x2300  }
0xfb: {  	[sflag:s25] =	ssyncset.done $0x0  }
0xfc: {  	s10 =	simm.s32 $0x0;
	[sflag:s25] =	ssyncadd.s32 $0xFFFFDD00  }
0xfd: {  	v7 =	vld [tilespmem:s10+$0x18A70]  }
0xfe: {  	v8 =	vld [tilespmem:s10+$0x1AD70];
	_ =	sdelay $0x4  }
0xff: {  	v7 =	vsub.f32 v7, v8;
	_ =	sdelay $0x1  }
0x100: {  	v7 =	vmul.f32 v7, v7;
	_ =	sdelay $0x1  }
0x101: {  	(v2sf) =	vpush v7, $0x0  }
0x102: {  	(v2sf) =	vpush v7, $0x1;
	_ =	sdelay $0x1  }
0x103: {  	(v2sf) =	vpush v7, $0x2;
	_ =	sdelay $0x3  }
0x104: {  	s13 =	simm.s32 $0x70  }
0x105: {  	v8 =	vld [tilespmem:s13+$0x1AD70]  }
0x106: {  	v7 =	vld [tilespmem:s13+$0x18A70];
	_ =	sdelay $0x3  }
0x107: {  	v9 =	vld [tilespmem:s10+$0x18A10]  }
0x108: {  	v10 =	vld [tilespmem:s10+$0x1AD10];
	v7 =	vsub.f32 v7, v8  }
0x109: {  	v11 =	vld [tilespmem:s10+$0x18A20];
	s9 =	spop (v2sf)  }
0x10a: {  	v12 =	vld [tilespmem:s10+$0x1AD20];
	v7 =	vmul.f32 v7, v7;
	s11 =	spop (v2sf)  }
0x10b: {  	v13 =	vld [tilespmem:s10+$0x1AD30];
	s0 =	sadd.f32 s11, s9  }
0x10c: {  	v14 =	vld [tilespmem:s10+$0x18A40];
	(v2sf) =	vpush v7, $0x0;
	s14 =	spop (v2sf)  }
0x10d: {  	v15 =	vld [tilespmem:s10+$0x1AD40];
	(v2sf) =	vpush v7, $0x1;
	s14 =	sadd.f32 s0, s14  }
0x10e: {  	v16 =	vld [tilespmem:s10+$0x18A50]  }
0x10f: {  	v17 =	vld [tilespmem:s10+$0x1AD50];
	(v2sf) =	vpush v7, $0x2;
	v20 =	vmov s14  }
0x110: {  	v18 =	vld [tilespmem:s13+$0x18A10];
	v19 =	vshra.s32 v20, $0x1;
	v21 =	vmul.f32 $5.000000000e-01, v20  }
0x111: {  	v23 =	vld [tilespmem:s13+$0x18A20];
	v19 =	vsub.s32 $0x5F3759DF, v19  }
0x112: {  	v27 =	vld [tilespmem:s13+$0x1AD20];
	s9 =	simm.s32 $0xE0;
	v22 =	vmul.f32 v19, v21  }
0x113: {  	v24 =	vld [tilespmem:s9+$0x18A70]  }
0x114: {  	v25 =	vld [tilespmem:s9+$0x1AD70];
	v22 =	vmul.f32 v19, v22  }
0x115: {  	v28 =	vld [tilespmem:s13+$0x18A30]  }
0x116: {  	v29 =	vld [tilespmem:s13+$0x1AD30];
	v22 =	vsub.f32 $1.500000000e+00, v22  }
0x117: {  	v30 =	vld [tilespmem:s13+$0x18A40]  }
0x118: {  	v31 =	vld [tilespmem:s13+$0x1AD40];
	v19 =	vmul.f32 v19, v22  }
0x119: {  	v55 =	vld [tilespmem:s13+$0x18A50];
	v22 =	vsub.f32 v24, v25  }
0x11a: {  	v56 =	vld [tilespmem:s13+$0x1AD50];
	v24 =	vmul.f32 v19, v21  }
0x11b: {  	v8 =	vld [tilespmem:s10+$0x18A30];
	s15 =	spop (v2sf);
	v22 =	vmul.f32 v22, v22  }
0x11c: {  	v7 =	vld [tilespmem:s13+$0x1AD10];
	s21 =	spop (v2sf);
	v24 =	vmul.f32 v24, v19  }
0x11d: {  	v57 =	vld [tilespmem:s9+$0x18A10];
	s0 =	sadd.f32 s21, s15;
	(v2sf) =	vpush v22, $0x0  }
0x11e: {  	v58 =	vld [tilespmem:s9+$0x1AD10];
	s31 =	spop (v2sf);
	(v2sf) =	vpush v22, $0x1;
	v24 =	vsub.f32 $1.500000000e+00, v24  }
0x11f: {  	v61 =	vld [tilespmem:s9+$0x18A30];
	s15 =	sadd.f32 s0, s31  }
0x120: {  	v62 =	vld [tilespmem:s9+$0x1AD30];
	(v2sf) =	vpush v22, $0x2;
	v63 =	vmul.f32 v24, v19  }
0x121: {  	v44 =	vadd.f32 v10, v9;
	v9 =	vld [tilespmem:s9+$0x18A50];
	v22 =	vmov s15  }
0x122: {  	v46 =	vld [tilespmem:s9+$0x1AD50];
	v50 =	vmul.f32 $5.000000000e-01, v22;
	v19 =	vshra.s32 v22, $0x1;
	v21 =	vmul.f32 v63, v21  }
0x123: {  	v45 =	vadd.f32 v12, v11;
	s11 =	simm.s32 $0x150;
	vm15 =	vgt.f32 v20, $0.0e+00;
	v20 =	vld [tilespmem:s10+$0x18A60];
	v10 =	vsub.s32 $0x5F3759DF, v19  }
0x124: {  	v25 =	vadd.f32 v15, v14;
	v14 =	vld [tilespmem:s11+$0x1AD70];
	v11 =	vmul.f32 v10, v50;
	v12 =	vmul.f32 v21, v63  }
0x125: {  	v15 =	vadd.f32 v31, v30;
	v30 =	vld [tilespmem:s10+$0x1AD60]  }
0x126: {  	v24 =	vadd.f32 v13, v8;
	v8 =	vld [tilespmem:s11+$0x18A70];
	v11 =	vmul.f32 v10, v11;
	v12 =	vsub.f32 $1.500000000e+00, v12  }
0x127: {  	v26 =	vadd.f32 v17, v16;
	v17 =	vld [tilespmem:s11+$0x18A10];
	v19 =	vadd.f32 v7, v18  }
0x128: {  	v18 =	vadd.f32 v27, v23;
	v23 =	vld [tilespmem:s11+$0x18A20];
	v7 =	vsub.f32 $1.500000000e+00, v11;
	v12 =	vmul.f32 v12, v63  }
0x129: {  	v16 =	vadd.f32 v29, v28;
	v9 =	vadd.f32 v46, v9;
	v21 =	vld [tilespmem:s11+$0x1AD10]  }
0x12a: {  	v20 =	vadd.f32 v30, v20;
	v27 =	vld [tilespmem:s11+$0x1AD20];
	v29 =	vmul.f32 v10, v7;
	v10 =	vmul.f32 s14, v12  }
0x12b: {  	v59 =	vld [tilespmem:s9+$0x18A20];
	v13 =	vadd.f32 v56, v55;
	v8 =	vsub.f32 v8, v14  }
0x12c: {  	v60 =	vld [tilespmem:s9+$0x1AD20];
	v11 =	vadd.f32 v58, v57;
	v14 =	vmul.f32 v29, v50;
	s14 =	spop (v2sf);
	v28 =	vnsel vm15, $0x0, v10  }
0x12d: {  	v48 =	vld [tilespmem:s9+$0x18A40];
	v51 =	vmul.f32 v8, v8;
	v7 =	vadd.f32 v62, v61;
	s21 =	spop (v2sf);
	v31 =	vshrl.u32 v28, $0x10  }
0x12e: {  	v49 =	vld [tilespmem:s9+$0x1AD40];
	v8 =	vadd.f32 v21, v17;
	v53 =	vmul.f32 v14, v29;
	s0 =	sadd.f32 s21, s14;
	v31 =	vand.u32 $0x1, v31  }
0x12f: {  	v52 =	vld [tilespmem:s11+$0x18A30];
	v14 =	vadd.f32 v27, v23;
	s31 =	spop (v2sf);
	(v2sf) =	vpush v51, $0x0;
	v21 =	vadd.s32 v31, v28  }
0x130: {  	v56 =	vld [tilespmem:s11+$0x18A50];
	v27 =	vsub.f32 $1.500000000e+00, v53;
	(v2sf) =	vpush v51, $0x1;
	s21 =	sadd.f32 s0, s31;
	v21 =	vadd.s32 $0x7FFF, v21  }
0x131: {  	v57 =	vld [tilespmem:s11+$0x1AD50];
	v12 =	vadd.f32 v60, v59;
	(v2sf) =	vpush v51, $0x2;
	v55 =	vand.u32 $0xFFFF0000, v21  }
0x132: {  	v17 =	vld [tilespmem:s11+$0x1AD30];
	v30 =	vmul.f32 v27, v29;
	v28 =	vmov s21;
	v21 =	vmul.f32 v55, v6  }
0x133: {  	v54 =	vld [tilespmem:s11+$0x1AD40];
	v10 =	vadd.f32 v49, v48;
	v29 =	vshra.s32 v28, $0x1;
	v58 =	vmul.f32 v55, v1  }
0x134: {  	v23 =	vld [tilespmem:s11+$0x18A40];
	v60 =	vmul.f32 v30, v50;
	v27 =	vmul.f32 $5.000000000e-01, v28;
	v20 =	vadd.f32 v21, v20  }
0x135: {  	v59 =	vmul.f32 v55, v2;
	v32 =	vmul.f32 v55, v3;
	v29 =	vsub.s32 $0x5F3759DF, v29  }
0x136: {  	s14 =	simm.s32 $0x1C0;
	v61 =	vmul.f32 v60, v30;
	v63 =	vmul.f32 v29, v27;
	v62 =	vmax.f32 v20, $0.0e+00  }
0x137: {  	v33 =	vld [tilespmem:s14+$0x18A70];
	v31 =	vmul.f32 v55, v4;
	v21 =	vadd.f32 v17, v52;
	v17 =	vadd.f32 v57, v56;
	[tilespmem:s10+$0x1D060] =	vst v62  }
0x138: {  	v37 =	vadd.f32 v58, v44;
	v38 =	vsub.f32 $1.500000000e+00, v61;
	v39 =	vmul.f32 v29, v63;
	v36 =	vld [tilespmem:s14+$0x1AD70]  }
0x139: {  	s29 =	simm.s32 $0x8C0;
	v34 =	vmul.f32 v55, v5;
	v35 =	vadd.f32 v59, v45;
	v20 =	vadd.f32 v54, v23;
	v23 =	vld [tilespmem:s14+$0x18A10]  }
.LBB2_23:
0x13a: {  	p1 =	sne.s32 s29, $0x8A40;
	v40 =	vld [tilespmem:s14+$0x1AD10];
	v39 =	vsub.f32 $1.500000000e+00, v39;
	v30 =	vmul.f32 v38, v30;
	v32 =	vadd.f32 v32, v24;
	v41 =	vmovc v18;
	v18 =	vmovc v12  }
0x13b: {  	v31 =	vadd.f32 v31, v25;
	v34 =	vadd.f32 v34, v26;
	v12 =	vmovc v14;
	v24 =	vmovc v16;
	v38 =	vld [tilespmem:s14+$0x18A20];
	v37 =	vmax.f32 v37, $0.0e+00  }
0x13c: {  	v16 =	vmovc v7;
	v7 =	vmovc v21;
	v35 =	vmax.f32 v35, $0.0e+00;
	v14 =	vld [tilespmem:s14+$0x1AD20];
	v29 =	vmul.f32 v29, v39;
	v39 =	vmul.f32 s15, v30;
	[tilespmem:s10+$0x1D010] =	vst v37;
	s15 =	smov.u32 s21  }
0x13d: {  	vm0 =	vgt.f32 v22, $0.0e+00;
	v22 =	vmovc v28;
	v25 =	vmovc v15;
	v32 =	vmax.f32 v32, $0.0e+00;
	v21 =	vsub.f32 v33, v36;
	v30 =	vld [tilespmem:s13+$0x18A60];
	[tilespmem:s10+$0x1D020] =	vst v35  }
0x13e: {  	v15 =	vmovc v10;
	v10 =	vmovc v20;
	v31 =	vmax.f32 v31, $0.0e+00;
	s0 =	spop (v2sf);
	v28 =	vmul.f32 v29, v27;
	v33 =	vnsel vm0, $0x0, v39;
	v35 =	vld [tilespmem:s13+$0x1AD60];
	[tilespmem:s10+$0x1D030] =	vst v32  }
0x13f: {  	v26 =	vmovc v13;
	v20 =	vmul.f32 v21, v21;
	v40 =	vadd.f32 v40, v23;
	v21 =	vld [tilespmem:s14+$0x18A30];
	s21 =	spop (v2sf);
	v23 =	vshrl.u32 v33, $0x10;
	[tilespmem:s10+$0x1D040] =	vst v31  }
0x140: {  	v13 =	vmovc v9;
	v9 =	vmovc v17;
	v31 =	vmax.f32 v34, $0.0e+00;
	v36 =	vld [tilespmem:s14+$0x1AD30];
	s0 =	sadd.f32 s21, s0;
	s21 =	spop (v2sf);
	v28 =	vmul.f32 v28, v29;
	v23 =	vand.u32 $0x1, v23  }
0x141: {  	v14 =	vadd.f32 v14, v38;
	v17 =	vld [tilespmem:s14+$0x18A40];
	(v2sf) =	vpush v20, $0x0;
	v23 =	vadd.s32 v23, v33;
	[tilespmem:s10+$0x1D050] =	vst v31;
	s10 =	smov.u32 s13;
	s13 =	smov.u32 s9;
	s9 =	smov.u32 s11  }
0x142: {  	s11 =	smov.u32 s14;
	v34 =	vld [tilespmem:s14+$0x1AD40];
	(v2sf) =	vpush v20, $0x1;
	s21 =	sadd.f32 s0, s21;
	v31 =	vsub.f32 $1.500000000e+00, v28;
	v23 =	vadd.s32 $0x7FFF, v23  }
0x143: {  	v37 =	vld [tilespmem:s11+$0x18A50];
	(v2sf) =	vpush v20, $0x2;
	v23 =	vand.u32 $0xFFFF0000, v23;
	v20 =	vadd.f32 v35, v30  }
0x144: {  	v35 =	vld [tilespmem:s11+$0x1AD50];
	v28 =	vmov s21;
	v30 =	vmul.f32 v31, v29;
	v29 =	vmul.f32 v23, v6  }
0x145: {  	v42 =	vmul.f32 v23, v1;
	v43 =	vmul.f32 v23, v2;
	v31 =	vshra.s32 v28, $0x1  }
0x146: {  	v33 =	vmul.f32 v30, v27;
	v27 =	vmul.f32 $5.000000000e-01, v28;
	v20 =	vadd.f32 v29, v20  }
.Ltmp6:
0x147: {  	v32 =	vmul.f32 v23, v3;
	v29 =	vsub.s32 $0x5F3759DF, v31;
	v31 =	vmul.f32 v23, v4;
	(pc) =	sbr.rel @p1 .LBB2_23-.Ltmp6, $4  }
0x148: {  	s14 =	sshra.s32 s29, $0x2;
	v38 =	vmul.f32 v29, v27;
	v44 =	vmul.f32 v33, v30;
	v39 =	vmax.f32 v20, $0.0e+00  }
0x149: {  	v21 =	vadd.f32 v36, v21;
	v20 =	vadd.f32 v34, v17;
	v34 =	vmul.f32 v23, v5;
	v33 =	vld [tilespmem:s14+$0x18A70];
	[tilespmem:s10+$0x1D060] =	vst v39  }
0x14a: {  	v17 =	vadd.f32 v35, v37;
	v36 =	vld [tilespmem:s14+$0x1AD70];
	v39 =	vmul.f32 v29, v38;
	v38 =	vsub.f32 $1.500000000e+00, v44  }
0x14b: {  	s29 =	sadd.s32 $0x1C0, s29;
	v37 =	vadd.f32 v42, v19;
	v35 =	vadd.f32 v43, v41;
	v19 =	vmovc v11;
	v11 =	vmovc v8;
	v8 =	vmov v40;
	v23 =	vld [tilespmem:s14+$0x18A10]  }
0x14c: {  	_ =	sdelay $0x2  }
0x14d: {  	v33 =	vsub.f32 v33, v36;
	_ =	sdelay $0x1  }
0x14e: {  	v33 =	vmul.f32 v33, v33  }
0x14f: {  	v41 =	vsub.f32 $1.500000000e+00, v39  }
0x150: {  	(v2sf) =	vpush v33, $0x0  }
0x151: {  	v36 =	vmul.f32 v29, v41;
	s0 =	spop (v2sf);
	(v2sf) =	vpush v33, $0x1  }
0x152: {  	s29 =	spop (v2sf)  }
0x153: {  	v38 =	vmul.f32 v38, v30;
	v42 =	vmul.f32 v36, v27;
	s0 =	sadd.f32 s29, s0;
	(v2sf) =	vpush v33, $0x2  }
0x154: {  	s31 =	spop (v2sf)  }
0x155: {  	v43 =	vmul.f32 s15, v38;
	v44 =	vmul.f32 v42, v36;
	s15 =	sadd.f32 s0, s31  }
0x156: {  	v32 =	vadd.f32 v32, v24;
	v25 =	vadd.f32 v31, v25;
	vm0 =	vgt.f32 v22, $0.0e+00  }
0x157: {  	v30 =	vld [tilespmem:s14+$0x18A20];
	v37 =	vmax.f32 v37, $0.0e+00;
	v31 =	vsub.f32 $1.500000000e+00, v44;
	v33 =	vmov s15  }
0x158: {  	v24 =	vld [tilespmem:s14+$0x1AD20];
	v45 =	vmax.f32 v35, $0.0e+00;
	v50 =	vshra.s32 v33, $0x1;
	v51 =	vmul.f32 $5.000000000e-01, v33  }
0x159: {  	v29 =	vld [tilespmem:s14+$0x1AD10];
	[tilespmem:s10+$0x1D010] =	vst v37;
	v48 =	vnsel vm0, $0x0, v43;
	v31 =	vmul.f32 v31, v36;
	v52 =	vsub.s32 $0x5F3759DF, v50  }
0x15a: {  	v26 =	vadd.f32 v34, v26;
	v46 =	vld [tilespmem:s13+$0x18A60];
	[tilespmem:s10+$0x1D020] =	vst v45;
	v49 =	vshrl.u32 v48, $0x10;
	v53 =	vmul.f32 v52, v51  }
0x15b: {  	v47 =	vmax.f32 v32, $0.0e+00;
	v34 =	vld [tilespmem:s13+$0x1AD60];
	v37 =	vand.u32 $0x1, v49;
	v54 =	vmul.f32 v31, v27  }
0x15c: {  	v25 =	vmax.f32 v25, $0.0e+00;
	[tilespmem:s10+$0x1D030] =	vst v47;
	v32 =	vadd.s32 v37, v48;
	v37 =	vmul.f32 v52, v53  }
0x15d: {  	v22 =	vld [tilespmem:s14+$0x18A30];
	[tilespmem:s10+$0x1D040] =	vst v25;
	v32 =	vadd.s32 $0x7FFF, v32;
	v27 =	vmul.f32 v54, v31  }
0x15e: {  	v55 =	vmax.f32 v26, $0.0e+00;
	v25 =	vld [tilespmem:s14+$0x1AD30];
	v32 =	vand.u32 $0xFFFF0000, v32;
	v37 =	vsub.f32 $1.500000000e+00, v37  }
0x15f: {  	v26 =	vld [tilespmem:s14+$0x18A40];
	[tilespmem:s10+$0x1D050] =	vst v55;
	v56 =	vmul.f32 v32, v6;
	v27 =	vsub.f32 $1.500000000e+00, v27;
	s10 =	spop (v2sf)  }
0x160: {  	v34 =	vadd.f32 v34, v46;
	v57 =	vmul.f32 v32, v1;
	v36 =	vmul.f32 v52, v37;
	s29 =	spop (v2sf)  }
0x161: {  	vm13 =	vgt.f32 v28, $0.0e+00;
	v41 =	vmul.f32 v32, v2;
	v27 =	vmul.f32 v27, v31;
	s0 =	sadd.f32 s29, s10  }
0x162: {  	v34 =	vadd.f32 v56, v34;
	v19 =	vadd.f32 v57, v19;
	v58 =	vmul.f32 v36, v51;
	s31 =	spop (v2sf)  }
0x163: {  	v40 =	vld [tilespmem:s14+$0x1AD40];
	v59 =	vmul.f32 v32, v3;
	v18 =	vadd.f32 v41, v18;
	v27 =	vmul.f32 s21, v27;
	s10 =	sadd.f32 s0, s31  }
0x164: {  	v35 =	vld [tilespmem:s14+$0x18A50];
	v34 =	vmax.f32 v34, $0.0e+00;
	v19 =	vmax.f32 v19, $0.0e+00;
	v60 =	vmul.f32 v58, v36  }
0x165: {  	v18 =	vmax.f32 v18, $0.0e+00;
	v37 =	vld [tilespmem:s14+$0x1AD50];
	[tilespmem:s13+$0x1D060] =	vst v34;
	v62 =	vnsel vm13, $0x0, v27;
	v27 =	vmov s10  }
0x166: {  	[tilespmem:s13+$0x1D010] =	vst v19;
	v28 =	vsub.f32 $1.500000000e+00, v60;
	v45 =	vshra.s32 v27, $0x1;
	v42 =	vmul.f32 $5.000000000e-01, v27  }
0x167: {  	v61 =	vmul.f32 v32, v4;
	v32 =	vmul.f32 v32, v5;
	v19 =	vld [tilespmem:s9+$0x18A60];
	[tilespmem:s13+$0x1D020] =	vst v18;
	v41 =	vsub.s32 $0x5F3759DF, v45  }
0x168: {  	v63 =	vld [tilespmem:s9+$0x1AD60];
	v46 =	vshrl.u32 v62, $0x10;
	v28 =	vmul.f32 v28, v36;
	v47 =	vmul.f32 v41, v42  }
0x169: {  	v16 =	vadd.f32 v59, v16;
	v15 =	vadd.f32 v61, v15;
	v34 =	vand.u32 $0x1, v46  }
0x16a: {  	v18 =	vadd.s32 v34, v62;
	v48 =	vmul.f32 v28, v51;
	v49 =	vmul.f32 v41, v47  }
0x16b: {  	v13 =	vadd.f32 v32, v13;
	v16 =	vmax.f32 v16, $0.0e+00;
	v18 =	vadd.s32 $0x7FFF, v18  }
0x16c: {  	v18 =	vand.u32 $0xFFFF0000, v18;
	v31 =	vmul.f32 v48, v28;
	v34 =	vsub.f32 $1.500000000e+00, v49  }
0x16d: {  	v15 =	vmax.f32 v15, $0.0e+00;
	v19 =	vadd.f32 v63, v19;
	v50 =	vmul.f32 v18, v6  }
0x16e: {  	v51 =	vmul.f32 v18, v1;
	v53 =	vsub.f32 $1.500000000e+00, v31;
	v54 =	vmul.f32 v41, v34  }
0x16f: {  	v13 =	vmax.f32 v13, $0.0e+00;
	[tilespmem:s13+$0x1D030] =	vst v16;
	v55 =	vmul.f32 v18, v2;
	v52 =	vadd.f32 v50, v19  }
0x170: {  	[tilespmem:s13+$0x1D040] =	vst v15;
	v11 =	vadd.f32 v51, v11;
	v57 =	vmul.f32 v53, v28;
	v58 =	vmul.f32 v54, v42  }
0x171: {  	[tilespmem:s13+$0x1D050] =	vst v13;
	v12 =	vadd.f32 v55, v12;
	v56 =	vmax.f32 v52, $0.0e+00  }
0x172: {  	v11 =	vmax.f32 v11, $0.0e+00;
	[tilespmem:s9+$0x1D060] =	vst v56;
	v59 =	vmul.f32 s15, v57;
	v60 =	vmul.f32 v58, v54  }
0x173: {  	vm14 =	vgt.f32 v33, $0.0e+00;
	v12 =	vmax.f32 v12, $0.0e+00;
	[tilespmem:s9+$0x1D010] =	vst v11  }
0x174: {  	v61 =	vld [tilespmem:s11+$0x18A60];
	[tilespmem:s9+$0x1D020] =	vst v12;
	v62 =	vnsel vm14, $0x0, v59;
	v11 =	vsub.f32 $1.500000000e+00, v60  }
0x175: {  	v33 =	vmul.f32 v18, v3;
	v63 =	vld [tilespmem:s11+$0x1AD60];
	v32 =	vshrl.u32 v62, $0x10  }
0x176: {  	v16 =	vand.u32 $0x1, v32;
	v11 =	vmul.f32 v11, v54  }
0x177: {  	v7 =	vadd.f32 v33, v7;
	v34 =	vmul.f32 v18, v4;
	v12 =	vadd.s32 v16, v62  }
0x178: {  	v36 =	vmul.f32 v18, v5;
	v12 =	vadd.s32 $0x7FFF, v12;
	v38 =	vmul.f32 v11, v42  }
0x179: {  	v7 =	vmax.f32 v7, $0.0e+00;
	v10 =	vadd.f32 v34, v10;
	v12 =	vand.u32 $0xFFFF0000, v12  }
0x17a: {  	v13 =	vadd.f32 v63, v61;
	v39 =	vmul.f32 v12, v6;
	v18 =	vmul.f32 v38, v11  }
0x17b: {  	v9 =	vadd.f32 v36, v9;
	[tilespmem:s9+$0x1D030] =	vst v7;
	v7 =	vmax.f32 v10, $0.0e+00  }
0x17c: {  	v41 =	vmul.f32 v12, v1;
	v42 =	vadd.f32 v39, v13;
	v43 =	vsub.f32 $1.500000000e+00, v18  }
0x17d: {  	[tilespmem:s9+$0x1D040] =	vst v7;
	v7 =	vmax.f32 v9, $0.0e+00;
	v44 =	vmul.f32 v12, v2  }
0x17e: {  	[tilespmem:s9+$0x1D050] =	vst v7;
	v8 =	vadd.f32 v41, v8;
	v7 =	vmax.f32 v42, $0.0e+00;
	v45 =	vmul.f32 v43, v11  }
0x17f: {  	[tilespmem:s11+$0x1D060] =	vst v7;
	v7 =	vadd.f32 v44, v14  }
0x180: {  	v8 =	vmax.f32 v8, $0.0e+00;
	v46 =	vmul.f32 s10, v45  }
0x181: {  	vm15 =	vgt.f32 v27, $0.0e+00;
	[tilespmem:s11+$0x1D010] =	vst v8;
	v7 =	vmax.f32 v7, $0.0e+00  }
0x182: {  	v8 =	vld [tilespmem:s14+$0x18A60];
	[tilespmem:s11+$0x1D020] =	vst v7;
	v7 =	vnsel vm15, $0x0, v46  }
0x183: {  	v50 =	vadd.f32 v24, v30;
	v48 =	vld [tilespmem:s14+$0x1AD60];
	v49 =	vshrl.u32 v7, $0x10  }
0x184: {  	v47 =	vadd.f32 v29, v23;
	v53 =	vmul.f32 v12, v3;
	v11 =	vand.u32 $0x1, v49  }
0x185: {  	v55 =	vmul.f32 v12, v4;
	v12 =	vmul.f32 v12, v5;
	v7 =	vadd.s32 v11, v7  }
0x186: {  	v54 =	vadd.f32 v37, v35;
	v16 =	vadd.f32 v53, v21;
	v7 =	vadd.s32 $0x7FFF, v7  }
0x187: {  	v12 =	vadd.f32 v12, v17;
	v18 =	vadd.f32 v55, v20;
	v7 =	vand.u32 $0xFFFF0000, v7  }
0x188: {  	v16 =	vmax.f32 v16, $0.0e+00;
	v8 =	vadd.f32 v48, v8;
	v56 =	vmul.f32 v7, v6  }
0x189: {  	v60 =	vmax.f32 v12, $0.0e+00;
	v58 =	vmax.f32 v18, $0.0e+00;
	v57 =	vmul.f32 v7, v1  }
0x18a: {  	[tilespmem:s11+$0x1D030] =	vst v16;
	v59 =	vmul.f32 v7, v2;
	v61 =	vmul.f32 v7, v3;
	v8 =	vadd.f32 v56, v8  }
0x18b: {  	[tilespmem:s11+$0x1D040] =	vst v58;
	v62 =	vmul.f32 v7, v4;
	v7 =	vmul.f32 v7, v5;
	v9 =	vadd.f32 v57, v47  }
0x18c: {  	v51 =	vadd.f32 v25, v22;
	[tilespmem:s11+$0x1D050] =	vst v60;
	v13 =	vadd.f32 v59, v50;
	v8 =	vmax.f32 v8, $0.0e+00  }
0x18d: {  	s17 =	sadd.s32 $0x1, s17;
	v52 =	vadd.f32 v40, v26;
	v7 =	vadd.f32 v7, v54;
	v9 =	vmax.f32 v9, $0.0e+00;
	[tilespmem:s14+$0x1D060] =	vst v8  }
0x18e: {  	p1 =	sne.s32 s17, $0xC;
	v63 =	vmax.f32 v13, $0.0e+00;
	v8 =	vadd.f32 v61, v51;
	[tilespmem:s14+$0x1D010] =	vst v9  }
.Ltmp7:
0x18f: {  	v10 =	vadd.f32 v62, v52;
	v7 =	vmax.f32 v7, $0.0e+00;
	[tilespmem:s14+$0x1D020] =	vst v63;
	(pc) =	sbr.rel @p1 .LBB2_20-.Ltmp7, $4  }
0x190: {  	[tilespmem:s14+$0x1D050] =	vst v7;
	v8 =	vmax.f32 v8, $0.0e+00  }
0x191: {  	[tilespmem:s14+$0x1D030] =	vst v8;
	v8 =	vmax.f32 v10, $0.0e+00  }
0x192: {  	[tilespmem:s14+$0x1D040] =	vst v8  }
0x193: {  	[spmem:s1] =	stream.indirect.scatter.add.f32 [tilespmem:s26], [sflag:$0x4], $0x70, s2, s19, $0xb8;
	[tilespmem:$0x1F380] =	vst v63  }
0x194: {  	_ =	swait.ge [sflag:s28], $0x2300  }
0x195: {  	[sflag:s28] =	ssyncset.done $0x0  }
0x196: {  	[sflag:s28] =	ssyncadd.s32 $0xFFFFDD00  }
0x197: {  	_ =	swait.ge [sflag:s23], $0x2300  }
0x198: {  	[sflag:s23] =	ssyncset.done $0x0  }
0x199: {  	[sflag:s23] =	ssyncadd.s32 $0xFFFFDD00  }
0x19a: {  	_ =	swait.ge [sflag:s23], $0x2300  }
0x19b: {  	[sflag:s23] =	ssyncset.done $0x0  }
0x19c: {  	s10 =	simm.s32 $0x0;
	[sflag:s23] =	ssyncadd.s32 $0xFFFFDD00  }
0x19d: {  	v7 =	vld [tilespmem:s10+$0x12170]  }
0x19e: {  	v8 =	vld [tilespmem:s10+$0x14470];
	_ =	sdelay $0x4  }
0x19f: {  	v7 =	vsub.f32 v7, v8;
	_ =	sdelay $0x1  }
0x1a0: {  	v7 =	vmul.f32 v7, v7;
	_ =	sdelay $0x1  }
0x1a1: {  	(v2sf) =	vpush v7, $0x0  }
0x1a2: {  	(v2sf) =	vpush v7, $0x1;
	_ =	sdelay $0x1  }
0x1a3: {  	(v2sf) =	vpush v7, $0x2;
	_ =	sdelay $0x3  }
0x1a4: {  	s11 =	simm.s32 $0x70  }
0x1a5: {  	v8 =	vld [tilespmem:s11+$0x14470]  }
0x1a6: {  	v7 =	vld [tilespmem:s11+$0x12170];
	_ =	sdelay $0x3  }
0x1a7: {  	v9 =	vld [tilespmem:s10+$0x12110]  }
0x1a8: {  	v10 =	vld [tilespmem:s10+$0x14410];
	v7 =	vsub.f32 v7, v8  }
0x1a9: {  	v11 =	vld [tilespmem:s10+$0x12120];
	s0 =	spop (v2sf)  }
0x1aa: {  	v12 =	vld [tilespmem:s10+$0x14420];
	v7 =	vmul.f32 v7, v7;
	s2 =	spop (v2sf)  }
0x1ab: {  	v13 =	vld [tilespmem:s10+$0x14430];
	s0 =	sadd.f32 s2, s0  }
0x1ac: {  	v14 =	vld [tilespmem:s10+$0x12140];
	(v2sf) =	vpush v7, $0x0;
	s14 =	spop (v2sf)  }
0x1ad: {  	v15 =	vld [tilespmem:s10+$0x14440];
	(v2sf) =	vpush v7, $0x1;
	s13 =	sadd.f32 s0, s14  }
0x1ae: {  	v16 =	vld [tilespmem:s10+$0x12150]  }
0x1af: {  	v17 =	vld [tilespmem:s10+$0x14450];
	(v2sf) =	vpush v7, $0x2;
	v20 =	vmov s13  }
0x1b0: {  	v18 =	vld [tilespmem:s11+$0x12110];
	v19 =	vshra.s32 v20, $0x1;
	v21 =	vmul.f32 $5.000000000e-01, v20  }
0x1b1: {  	v23 =	vld [tilespmem:s11+$0x12120];
	v19 =	vsub.s32 $0x5F3759DF, v19  }
0x1b2: {  	v27 =	vld [tilespmem:s11+$0x14420];
	s2 =	simm.s32 $0xE0;
	v22 =	vmul.f32 v19, v21  }
0x1b3: {  	v24 =	vld [tilespmem:s2+$0x12170]  }
0x1b4: {  	v25 =	vld [tilespmem:s2+$0x14470];
	v22 =	vmul.f32 v19, v22  }
0x1b5: {  	v28 =	vld [tilespmem:s11+$0x12130]  }
0x1b6: {  	v29 =	vld [tilespmem:s11+$0x14430];
	v22 =	vsub.f32 $1.500000000e+00, v22  }
0x1b7: {  	v30 =	vld [tilespmem:s11+$0x12140]  }
0x1b8: {  	v31 =	vld [tilespmem:s11+$0x14440];
	v19 =	vmul.f32 v19, v22  }
0x1b9: {  	v32 =	vld [tilespmem:s11+$0x12150];
	v22 =	vsub.f32 v24, v25  }
0x1ba: {  	v33 =	vld [tilespmem:s11+$0x14450];
	v24 =	vmul.f32 v19, v21  }
0x1bb: {  	v8 =	vld [tilespmem:s10+$0x12130];
	s15 =	spop (v2sf);
	v22 =	vmul.f32 v22, v22  }
0x1bc: {  	v7 =	vld [tilespmem:s11+$0x14410];
	s9 =	spop (v2sf);
	v24 =	vmul.f32 v24, v19  }
0x1bd: {  	v34 =	vld [tilespmem:s2+$0x12110];
	s0 =	sadd.f32 s9, s15;
	(v2sf) =	vpush v22, $0x0  }
0x1be: {  	v35 =	vld [tilespmem:s2+$0x14410];
	s17 =	spop (v2sf);
	(v2sf) =	vpush v22, $0x1;
	v24 =	vsub.f32 $1.500000000e+00, v24  }
0x1bf: {  	v38 =	vld [tilespmem:s2+$0x12130];
	s14 =	sadd.f32 s0, s17  }
0x1c0: {  	v39 =	vld [tilespmem:s2+$0x14430];
	(v2sf) =	vpush v22, $0x2;
	v40 =	vmul.f32 v24, v19  }
0x1c1: {  	v44 =	vadd.f32 v10, v9;
	v45 =	vadd.f32 v12, v11;
	v9 =	vld [tilespmem:s2+$0x12150];
	v22 =	vmov s14  }
0x1c2: {  	v46 =	vld [tilespmem:s2+$0x14450];
	v43 =	vmul.f32 $5.000000000e-01, v22;
	v19 =	vshra.s32 v22, $0x1;
	v21 =	vmul.f32 v40, v21  }
0x1c3: {  	vm0 =	vgt.f32 v20, $0.0e+00;
	v20 =	vld [tilespmem:s10+$0x12160];
	v25 =	vadd.f32 v15, v14;
	v10 =	vsub.s32 $0x5F3759DF, v19  }
0x1c4: {  	v15 =	vadd.f32 v31, v30;
	v30 =	vld [tilespmem:s10+$0x14460];
	s9 =	simm.s32 $0x150;
	v11 =	vmul.f32 v10, v43;
	v12 =	vmul.f32 v21, v40  }
0x1c5: {  	v14 =	vld [tilespmem:s9+$0x14470]  }
0x1c6: {  	v24 =	vadd.f32 v13, v8;
	v8 =	vld [tilespmem:s9+$0x12170];
	v11 =	vmul.f32 v10, v11;
	v12 =	vsub.f32 $1.500000000e+00, v12  }
0x1c7: {  	v26 =	vadd.f32 v17, v16;
	v17 =	vld [tilespmem:s9+$0x12110];
	v19 =	vadd.f32 v7, v18  }
0x1c8: {  	v18 =	vadd.f32 v27, v23;
	v23 =	vld [tilespmem:s9+$0x12120];
	v7 =	vsub.f32 $1.500000000e+00, v11;
	v12 =	vmul.f32 v12, v40  }
0x1c9: {  	v16 =	vadd.f32 v29, v28;
	v9 =	vadd.f32 v46, v9;
	v21 =	vld [tilespmem:s9+$0x14410]  }
0x1ca: {  	v20 =	vadd.f32 v30, v20;
	v27 =	vld [tilespmem:s9+$0x14420];
	v29 =	vmul.f32 v10, v7;
	v10 =	vmul.f32 s13, v12  }
0x1cb: {  	v36 =	vld [tilespmem:s2+$0x12120];
	v13 =	vadd.f32 v33, v32;
	v8 =	vsub.f32 v8, v14  }
0x1cc: {  	v37 =	vld [tilespmem:s2+$0x14420];
	v11 =	vadd.f32 v35, v34;
	v14 =	vmul.f32 v29, v43;
	s21 =	spop (v2sf);
	v28 =	vnsel vm0, $0x0, v10  }
0x1cd: {  	v41 =	vld [tilespmem:s2+$0x12140];
	v51 =	vmul.f32 v8, v8;
	v7 =	vadd.f32 v39, v38;
	s29 =	spop (v2sf);
	v31 =	vshrl.u32 v28, $0x10  }
0x1ce: {  	v42 =	vld [tilespmem:s2+$0x14440];
	v8 =	vadd.f32 v21, v17;
	v53 =	vmul.f32 v14, v29;
	s0 =	sadd.f32 s29, s21;
	v31 =	vand.u32 $0x1, v31  }
0x1cf: {  	v52 =	vld [tilespmem:s9+$0x12130];
	v14 =	vadd.f32 v27, v23;
	s31 =	spop (v2sf);
	(v2sf) =	vpush v51, $0x0;
	v21 =	vadd.s32 v31, v28  }
0x1d0: {  	v56 =	vld [tilespmem:s9+$0x12150];
	v27 =	vsub.f32 $1.500000000e+00, v53;
	(v2sf) =	vpush v51, $0x1;
	s15 =	sadd.f32 s0, s31;
	v21 =	vadd.s32 $0x7FFF, v21  }
0x1d1: {  	v57 =	vld [tilespmem:s9+$0x14450];
	v12 =	vadd.f32 v37, v36;
	(v2sf) =	vpush v51, $0x2;
	v55 =	vand.u32 $0xFFFF0000, v21  }
0x1d2: {  	v17 =	vld [tilespmem:s9+$0x14430];
	v30 =	vmul.f32 v27, v29;
	v28 =	vmov s15;
	v21 =	vmul.f32 v55, v6  }
0x1d3: {  	v54 =	vld [tilespmem:s9+$0x14440];
	v10 =	vadd.f32 v42, v41;
	v29 =	vshra.s32 v28, $0x1;
	v58 =	vmul.f32 v55, v1  }
0x1d4: {  	v23 =	vld [tilespmem:s9+$0x12140];
	v60 =	vmul.f32 v30, v43;
	v27 =	vmul.f32 $5.000000000e-01, v28;
	v20 =	vadd.f32 v21, v20  }
0x1d5: {  	v59 =	vmul.f32 v55, v2;
	v32 =	vmul.f32 v55, v3;
	v29 =	vsub.s32 $0x5F3759DF, v29  }
0x1d6: {  	s13 =	simm.s32 $0x1C0;
	v61 =	vmul.f32 v60, v30;
	v63 =	vmul.f32 v29, v27;
	v62 =	vmax.f32 v20, $0.0e+00  }
0x1d7: {  	v33 =	vld [tilespmem:s13+$0x12170];
	v31 =	vmul.f32 v55, v4;
	v21 =	vadd.f32 v17, v52;
	v17 =	vadd.f32 v57, v56;
	[tilespmem:s10+$0x16760] =	vst v62  }
0x1d8: {  	v37 =	vadd.f32 v58, v44;
	v38 =	vsub.f32 $1.500000000e+00, v61;
	v39 =	vmul.f32 v29, v63;
	v36 =	vld [tilespmem:s13+$0x14470]  }
0x1d9: {  	s17 =	simm.s32 $0x8C0;
	v34 =	vmul.f32 v55, v5;
	v35 =	vadd.f32 v59, v45;
	v20 =	vadd.f32 v54, v23;
	v23 =	vld [tilespmem:s13+$0x12110]  }
.LBB2_26:
0x1da: {  	p1 =	sne.s32 s17, $0x8A40;
	v40 =	vld [tilespmem:s13+$0x14410];
	v39 =	vsub.f32 $1.500000000e+00, v39;
	v30 =	vmul.f32 v38, v30;
	v32 =	vadd.f32 v32, v24;
	v41 =	vmovc v18;
	v18 =	vmovc v12  }
0x1db: {  	v31 =	vadd.f32 v31, v25;
	v34 =	vadd.f32 v34, v26;
	v12 =	vmovc v14;
	v24 =	vmovc v16;
	v38 =	vld [tilespmem:s13+$0x12120];
	v37 =	vmax.f32 v37, $0.0e+00  }
0x1dc: {  	v16 =	vmovc v7;
	v7 =	vmovc v21;
	v35 =	vmax.f32 v35, $0.0e+00;
	v14 =	vld [tilespmem:s13+$0x14420];
	v29 =	vmul.f32 v29, v39;
	v39 =	vmul.f32 s14, v30;
	[tilespmem:s10+$0x16710] =	vst v37;
	s14 =	smov.u32 s15  }
0x1dd: {  	vm0 =	vgt.f32 v22, $0.0e+00;
	v22 =	vmovc v28;
	v25 =	vmovc v15;
	v32 =	vmax.f32 v32, $0.0e+00;
	v21 =	vsub.f32 v33, v36;
	v30 =	vld [tilespmem:s11+$0x12160];
	[tilespmem:s10+$0x16720] =	vst v35  }
0x1de: {  	v15 =	vmovc v10;
	v10 =	vmovc v20;
	v31 =	vmax.f32 v31, $0.0e+00;
	s0 =	spop (v2sf);
	v28 =	vmul.f32 v29, v27;
	v33 =	vnsel vm0, $0x0, v39;
	v35 =	vld [tilespmem:s11+$0x14460];
	[tilespmem:s10+$0x16730] =	vst v32  }
0x1df: {  	v26 =	vmovc v13;
	v20 =	vmul.f32 v21, v21;
	v40 =	vadd.f32 v40, v23;
	v21 =	vld [tilespmem:s13+$0x12130];
	s15 =	spop (v2sf);
	v23 =	vshrl.u32 v33, $0x10;
	[tilespmem:s10+$0x16740] =	vst v31  }
0x1e0: {  	v13 =	vmovc v9;
	v9 =	vmovc v17;
	v31 =	vmax.f32 v34, $0.0e+00;
	v36 =	vld [tilespmem:s13+$0x14430];
	s0 =	sadd.f32 s15, s0;
	s15 =	spop (v2sf);
	v28 =	vmul.f32 v28, v29;
	v23 =	vand.u32 $0x1, v23  }
0x1e1: {  	v14 =	vadd.f32 v14, v38;
	v17 =	vld [tilespmem:s13+$0x12140];
	(v2sf) =	vpush v20, $0x0;
	v23 =	vadd.s32 v23, v33;
	[tilespmem:s10+$0x16750] =	vst v31;
	s10 =	smov.u32 s11;
	s11 =	smov.u32 s2;
	s2 =	smov.u32 s9  }
0x1e2: {  	s9 =	smov.u32 s13;
	v34 =	vld [tilespmem:s13+$0x14440];
	(v2sf) =	vpush v20, $0x1;
	s15 =	sadd.f32 s0, s15;
	v31 =	vsub.f32 $1.500000000e+00, v28;
	v23 =	vadd.s32 $0x7FFF, v23  }
0x1e3: {  	v37 =	vld [tilespmem:s9+$0x12150];
	(v2sf) =	vpush v20, $0x2;
	v23 =	vand.u32 $0xFFFF0000, v23;
	v20 =	vadd.f32 v35, v30  }
0x1e4: {  	v35 =	vld [tilespmem:s9+$0x14450];
	v28 =	vmov s15;
	v30 =	vmul.f32 v31, v29;
	v29 =	vmul.f32 v23, v6  }
0x1e5: {  	v42 =	vmul.f32 v23, v1;
	v43 =	vmul.f32 v23, v2;
	v31 =	vshra.s32 v28, $0x1  }
0x1e6: {  	v33 =	vmul.f32 v30, v27;
	v27 =	vmul.f32 $5.000000000e-01, v28;
	v20 =	vadd.f32 v29, v20  }
.Ltmp8:
0x1e7: {  	v32 =	vmul.f32 v23, v3;
	v29 =	vsub.s32 $0x5F3759DF, v31;
	v31 =	vmul.f32 v23, v4;
	(pc) =	sbr.rel @p1 .LBB2_26-.Ltmp8, $4  }
0x1e8: {  	s13 =	sshra.s32 s17, $0x2;
	v38 =	vmul.f32 v29, v27;
	v44 =	vmul.f32 v33, v30;
	v39 =	vmax.f32 v20, $0.0e+00  }
0x1e9: {  	v21 =	vadd.f32 v36, v21;
	v20 =	vadd.f32 v34, v17;
	v34 =	vmul.f32 v23, v5;
	v33 =	vld [tilespmem:s13+$0x12170];
	[tilespmem:s10+$0x16760] =	vst v39  }
0x1ea: {  	v17 =	vadd.f32 v35, v37;
	v36 =	vld [tilespmem:s13+$0x14470];
	v39 =	vmul.f32 v29, v38;
	v38 =	vsub.f32 $1.500000000e+00, v44  }
0x1eb: {  	s17 =	sadd.s32 $0x1C0, s17;
	v37 =	vadd.f32 v42, v19;
	v35 =	vadd.f32 v43, v41;
	v19 =	vmovc v11;
	v11 =	vmovc v8;
	v8 =	vmov v40;
	v23 =	vld [tilespmem:s13+$0x12110]  }
0x1ec: {  	_ =	sdelay $0x2  }
0x1ed: {  	v33 =	vsub.f32 v33, v36;
	_ =	sdelay $0x1  }
0x1ee: {  	v33 =	vmul.f32 v33, v33  }
0x1ef: {  	v41 =	vsub.f32 $1.500000000e+00, v39  }
0x1f0: {  	(v2sf) =	vpush v33, $0x0  }
0x1f1: {  	v36 =	vmul.f32 v29, v41;
	s0 =	spop (v2sf);
	(v2sf) =	vpush v33, $0x1  }
0x1f2: {  	s17 =	spop (v2sf)  }
0x1f3: {  	v38 =	vmul.f32 v38, v30;
	v42 =	vmul.f32 v36, v27;
	s0 =	sadd.f32 s17, s0;
	(v2sf) =	vpush v33, $0x2  }
0x1f4: {  	s31 =	spop (v2sf)  }
0x1f5: {  	v43 =	vmul.f32 s14, v38;
	v44 =	vmul.f32 v42, v36;
	s14 =	sadd.f32 s0, s31  }
0x1f6: {  	v32 =	vadd.f32 v32, v24;
	v25 =	vadd.f32 v31, v25;
	vm0 =	vgt.f32 v22, $0.0e+00  }
0x1f7: {  	v30 =	vld [tilespmem:s13+$0x12120];
	v37 =	vmax.f32 v37, $0.0e+00;
	v31 =	vsub.f32 $1.500000000e+00, v44;
	v33 =	vmov s14  }
0x1f8: {  	v24 =	vld [tilespmem:s13+$0x14420];
	v45 =	vmax.f32 v35, $0.0e+00;
	v50 =	vshra.s32 v33, $0x1;
	v51 =	vmul.f32 $5.000000000e-01, v33  }
0x1f9: {  	v29 =	vld [tilespmem:s13+$0x14410];
	[tilespmem:s10+$0x16710] =	vst v37;
	v48 =	vnsel vm0, $0x0, v43;
	v31 =	vmul.f32 v31, v36;
	v52 =	vsub.s32 $0x5F3759DF, v50  }
0x1fa: {  	v46 =	vld [tilespmem:s11+$0x12160];
	[tilespmem:s10+$0x16720] =	vst v45;
	v49 =	vshrl.u32 v48, $0x10;
	v53 =	vmul.f32 v52, v51  }
0x1fb: {  	v26 =	vadd.f32 v34, v26;
	v34 =	vld [tilespmem:s11+$0x14460];
	v37 =	vand.u32 $0x1, v49;
	v54 =	vmul.f32 v31, v27  }
0x1fc: {  	v47 =	vmax.f32 v32, $0.0e+00;
	v32 =	vadd.s32 v37, v48;
	v37 =	vmul.f32 v52, v53  }
0x1fd: {  	v32 =	vadd.s32 $0x7FFF, v32;
	v27 =	vmul.f32 v54, v31  }
0x1fe: {  	vm13 =	vgt.f32 v28, $0.0e+00;
	v32 =	vand.u32 $0xFFFF0000, v32;
	v37 =	vsub.f32 $1.500000000e+00, v37  }
0x1ff: {  	v25 =	vmax.f32 v25, $0.0e+00;
	[tilespmem:s10+$0x16730] =	vst v47;
	v56 =	vmul.f32 v32, v6;
	v27 =	vsub.f32 $1.500000000e+00, v27;
	s17 =	spop (v2sf)  }
0x200: {  	v22 =	vld [tilespmem:s13+$0x12130];
	[tilespmem:s10+$0x16740] =	vst v25;
	v34 =	vadd.f32 v34, v46;
	v57 =	vmul.f32 v32, v1;
	v36 =	vmul.f32 v52, v37;
	s21 =	spop (v2sf)  }
0x201: {  	v55 =	vmax.f32 v26, $0.0e+00;
	v25 =	vld [tilespmem:s13+$0x14430];
	v41 =	vmul.f32 v32, v2;
	v27 =	vmul.f32 v27, v31;
	s0 =	sadd.f32 s21, s17  }
0x202: {  	v26 =	vld [tilespmem:s13+$0x12140];
	[tilespmem:s10+$0x16750] =	vst v55;
	v34 =	vadd.f32 v56, v34;
	v19 =	vadd.f32 v57, v19;
	v58 =	vmul.f32 v36, v51;
	s29 =	spop (v2sf)  }
0x203: {  	v40 =	vld [tilespmem:s13+$0x14440];
	v59 =	vmul.f32 v32, v3;
	v18 =	vadd.f32 v41, v18;
	v27 =	vmul.f32 s15, v27;
	s10 =	sadd.f32 s0, s29  }
0x204: {  	v35 =	vld [tilespmem:s13+$0x12150];
	v34 =	vmax.f32 v34, $0.0e+00;
	v19 =	vmax.f32 v19, $0.0e+00;
	v60 =	vmul.f32 v58, v36  }
0x205: {  	v18 =	vmax.f32 v18, $0.0e+00;
	v37 =	vld [tilespmem:s13+$0x14450];
	[tilespmem:s11+$0x16760] =	vst v34;
	v62 =	vnsel vm13, $0x0, v27;
	v27 =	vmov s10  }
0x206: {  	[tilespmem:s11+$0x16710] =	vst v19;
	v28 =	vsub.f32 $1.500000000e+00, v60;
	v45 =	vshra.s32 v27, $0x1;
	v42 =	vmul.f32 $5.000000000e-01, v27  }
0x207: {  	v61 =	vmul.f32 v32, v4;
	v32 =	vmul.f32 v32, v5;
	v19 =	vld [tilespmem:s2+$0x12160];
	[tilespmem:s11+$0x16720] =	vst v18;
	v41 =	vsub.s32 $0x5F3759DF, v45  }
0x208: {  	v63 =	vld [tilespmem:s2+$0x14460];
	v46 =	vshrl.u32 v62, $0x10;
	v28 =	vmul.f32 v28, v36;
	v47 =	vmul.f32 v41, v42  }
0x209: {  	v16 =	vadd.f32 v59, v16;
	v15 =	vadd.f32 v61, v15;
	v34 =	vand.u32 $0x1, v46  }
0x20a: {  	v18 =	vadd.s32 v34, v62;
	v48 =	vmul.f32 v28, v51;
	v49 =	vmul.f32 v41, v47  }
0x20b: {  	v13 =	vadd.f32 v32, v13;
	v16 =	vmax.f32 v16, $0.0e+00;
	v18 =	vadd.s32 $0x7FFF, v18  }
0x20c: {  	v18 =	vand.u32 $0xFFFF0000, v18;
	v31 =	vmul.f32 v48, v28;
	v34 =	vsub.f32 $1.500000000e+00, v49  }
0x20d: {  	v15 =	vmax.f32 v15, $0.0e+00;
	v19 =	vadd.f32 v63, v19;
	v50 =	vmul.f32 v18, v6  }
0x20e: {  	v51 =	vmul.f32 v18, v1;
	v53 =	vsub.f32 $1.500000000e+00, v31;
	v54 =	vmul.f32 v41, v34  }
0x20f: {  	v13 =	vmax.f32 v13, $0.0e+00;
	[tilespmem:s11+$0x16730] =	vst v16;
	v55 =	vmul.f32 v18, v2;
	v52 =	vadd.f32 v50, v19  }
0x210: {  	[tilespmem:s11+$0x16740] =	vst v15;
	v11 =	vadd.f32 v51, v11;
	v57 =	vmul.f32 v53, v28;
	v58 =	vmul.f32 v54, v42  }
0x211: {  	[tilespmem:s11+$0x16750] =	vst v13;
	v12 =	vadd.f32 v55, v12;
	v56 =	vmax.f32 v52, $0.0e+00  }
0x212: {  	v11 =	vmax.f32 v11, $0.0e+00;
	[tilespmem:s2+$0x16760] =	vst v56;
	v59 =	vmul.f32 s14, v57;
	v60 =	vmul.f32 v58, v54  }
0x213: {  	vm14 =	vgt.f32 v33, $0.0e+00;
	v12 =	vmax.f32 v12, $0.0e+00;
	[tilespmem:s2+$0x16710] =	vst v11  }
0x214: {  	v61 =	vld [tilespmem:s9+$0x12160];
	[tilespmem:s2+$0x16720] =	vst v12;
	v62 =	vnsel vm14, $0x0, v59;
	v11 =	vsub.f32 $1.500000000e+00, v60  }
0x215: {  	v33 =	vmul.f32 v18, v3;
	v63 =	vld [tilespmem:s9+$0x14460];
	v32 =	vshrl.u32 v62, $0x10  }
0x216: {  	v16 =	vand.u32 $0x1, v32;
	v11 =	vmul.f32 v11, v54  }
0x217: {  	v7 =	vadd.f32 v33, v7;
	v34 =	vmul.f32 v18, v4;
	v12 =	vadd.s32 v16, v62  }
0x218: {  	v36 =	vmul.f32 v18, v5;
	v12 =	vadd.s32 $0x7FFF, v12;
	v38 =	vmul.f32 v11, v42  }
0x219: {  	v7 =	vmax.f32 v7, $0.0e+00;
	v10 =	vadd.f32 v34, v10;
	v12 =	vand.u32 $0xFFFF0000, v12  }
0x21a: {  	v13 =	vadd.f32 v63, v61;
	v39 =	vmul.f32 v12, v6;
	v18 =	vmul.f32 v38, v11  }
0x21b: {  	v9 =	vadd.f32 v36, v9;
	[tilespmem:s2+$0x16730] =	vst v7;
	v7 =	vmax.f32 v10, $0.0e+00  }
0x21c: {  	v41 =	vmul.f32 v12, v1;
	v42 =	vadd.f32 v39, v13;
	v43 =	vsub.f32 $1.500000000e+00, v18  }
0x21d: {  	[tilespmem:s2+$0x16740] =	vst v7;
	v7 =	vmax.f32 v9, $0.0e+00;
	v44 =	vmul.f32 v12, v2  }
0x21e: {  	[tilespmem:s2+$0x16750] =	vst v7;
	v8 =	vadd.f32 v41, v8;
	v7 =	vmax.f32 v42, $0.0e+00;
	v45 =	vmul.f32 v43, v11  }
0x21f: {  	[tilespmem:s9+$0x16760] =	vst v7;
	v7 =	vadd.f32 v44, v14  }
0x220: {  	v8 =	vmax.f32 v8, $0.0e+00;
	v46 =	vmul.f32 s10, v45  }
0x221: {  	vm15 =	vgt.f32 v27, $0.0e+00;
	[tilespmem:s9+$0x16710] =	vst v8;
	v7 =	vmax.f32 v7, $0.0e+00  }
0x222: {  	v8 =	vld [tilespmem:s13+$0x12160];
	[tilespmem:s9+$0x16720] =	vst v7;
	v7 =	vnsel vm15, $0x0, v46  }
0x223: {  	v50 =	vadd.f32 v24, v30;
	v48 =	vld [tilespmem:s13+$0x14460];
	v49 =	vshrl.u32 v7, $0x10  }
0x224: {  	v47 =	vadd.f32 v29, v23;
	v53 =	vmul.f32 v12, v3;
	v11 =	vand.u32 $0x1, v49  }
0x225: {  	v55 =	vmul.f32 v12, v4;
	v12 =	vmul.f32 v12, v5;
	v7 =	vadd.s32 v11, v7  }
0x226: {  	v54 =	vadd.f32 v37, v35;
	v16 =	vadd.f32 v53, v21;
	v7 =	vadd.s32 $0x7FFF, v7  }
0x227: {  	v12 =	vadd.f32 v12, v17;
	v18 =	vadd.f32 v55, v20;
	v7 =	vand.u32 $0xFFFF0000, v7  }
0x228: {  	v16 =	vmax.f32 v16, $0.0e+00;
	v8 =	vadd.f32 v48, v8;
	v56 =	vmul.f32 v7, v6  }
0x229: {  	v60 =	vmax.f32 v12, $0.0e+00;
	v58 =	vmax.f32 v18, $0.0e+00;
	v57 =	vmul.f32 v7, v1  }
0x22a: {  	[tilespmem:s9+$0x16730] =	vst v16;
	v59 =	vmul.f32 v7, v2;
	v61 =	vmul.f32 v7, v3;
	v8 =	vadd.f32 v56, v8  }
0x22b: {  	[tilespmem:s9+$0x16740] =	vst v58;
	v62 =	vmul.f32 v7, v4;
	v7 =	vmul.f32 v7, v5;
	v9 =	vadd.f32 v57, v47  }
0x22c: {  	v51 =	vadd.f32 v25, v22;
	[tilespmem:s9+$0x16750] =	vst v60;
	v13 =	vadd.f32 v59, v50;
	v8 =	vmax.f32 v8, $0.0e+00  }
0x22d: {  	v52 =	vadd.f32 v40, v26;
	v7 =	vadd.f32 v7, v54;
	v9 =	vmax.f32 v9, $0.0e+00;
	[tilespmem:s13+$0x16760] =	vst v8  }
0x22e: {  	v63 =	vmax.f32 v13, $0.0e+00;
	v8 =	vadd.f32 v61, v51;
	[tilespmem:s13+$0x16710] =	vst v9  }
0x22f: {  	v10 =	vadd.f32 v62, v52;
	v7 =	vmax.f32 v7, $0.0e+00;
	[tilespmem:s13+$0x16720] =	vst v63  }
0x230: {  	[tilespmem:s13+$0x16750] =	vst v7;
	v8 =	vmax.f32 v8, $0.0e+00  }
0x231: {  	[tilespmem:s13+$0x16730] =	vst v8;
	v8 =	vmax.f32 v10, $0.0e+00  }
0x232: {  	s3 =	sadd.s32 $0x1, s3;
	s31 =	simm.s32 $0x12070;
	[tilespmem:s13+$0x16740] =	vst v8  }
0x233: {  	[spmem:s1] =	stream.indirect.scatter.add.f32 [tilespmem:s24], [sflag:$0x2], $0x70, s31, s19, $0xb8;
	[tilespmem:$0x1F380] =	vst v63  }
0x234: {  	p1 =	sne.s32 s3, $0xA;
	_ =	swait.ge [sflag:s30], $0x2300  }
.Ltmp9:
0x235: {  	[sflag:s30] =	ssyncset.done $0x0;
	(pc) =	sbr.rel @p1 .LBB2_19-.Ltmp9, $4  }
.Ltmp10:
0x236: {  	[sflag:s30] =	ssyncadd.s32 $0xFFFFDD00;
	(pc) =	sbr.rel @!p1 .LBB2_28-.Ltmp10, $4  }
0x237: {  	_ =	swait.ge [sflag:s28], $0x2300  }
0x238: {  	[sflag:s28] =	ssyncset.done $0x0  }
0x239: {  	[sflag:s28] =	ssyncadd.s32 $0xFFFFDD00  }
0x23a: {  	_ = 	snop  }
.LBB2_2:
0x23b: {  	p1 =	sne.s32 s0, $0x8BC0;
	[tilespmem:s2+$0x16710] =	vst v0;
	s2 =	smov.u32 s0;
	s0 =	sadd.s32 $0x1C0, s0  }
.Ltmp11:
0x23c: {  	(pc) =	sbr.rel @p1 .LBB2_2-.Ltmp11, $2  }
0x23d: {  	_ =	sdelay $0x2  }
0x23e: {  	s2 =	sshra.s32 s2, $0x2  }
0x23f: {  	[tilespmem:s2+$0x16710] =	vst v0;
	s0 =	simm.s32 $0x340;
	s2 =	simm.s32 $0x60  }
.LBB2_4:
0x240: {  	p1 =	sne.s32 s0, $0x8BC0;
	[tilespmem:s2+$0x1D010] =	vst v0;
	s2 =	smov.u32 s0;
	s0 =	sadd.s32 $0x1C0, s0  }
.Ltmp12:
0x241: {  	(pc) =	sbr.rel @p1 .LBB2_4-.Ltmp12, $2  }
0x242: {  	_ =	sdelay $0x2  }
0x243: {  	s2 =	sshra.s32 s2, $0x2  }
0x244: {  	[tilespmem:s2+$0x1D010] =	vst v0;
	s3 =	simm.s32 $0x0  }
.LBB2_6:
0x245: {  	s2 =	smul.u32 $0x19, s3;
	_ =	sdelay $0x1  }
0x246: {  	s2 =	sadd.s32 s12, s2  }
0x247: {  	s2 =	smul.u32 $0x14, s2;
	_ =	sdelay $0x1  }
0x248: {  	s0 =	simm.s32 $0x0;
	s2 =	sadd.s32 s8, s2  }
0x249: {  	[tilespmem:s18], [sflag:$0x5] =	stream.linear.gather [hbm4b:s2+s0], $0xFA0, $0x38;
	[tilespmem:$0x1F380] =	vst v63  }
0x24a: {  	_ =	swait.ge [sflag:s16], $0xFA0  }
0x24b: {  	[sflag:s16] =	ssyncset.done $0x0  }
0x24c: {  	[sflag:s16] =	ssyncadd.s32 $0xFFFFF060  }
0x24d: {  	[tilespmem:s20], [sflag:$0x1] =	stream.indirect.gather [hbm4b:s4+s19], $0x70, s18, s19, $0xb8;
	[tilespmem:$0x1F380] =	vst v63  }
0x24e: {  	s31 =	simm.s32 $0x111C0;
	s17 =	simm.s32 $0x0  }
0x24f: {  	[tilespmem:s22], [sflag:$0x1] =	stream.indirect.gather [hbm4b:s6+s19], $0x70, s31, s19, $0xb8;
	[tilespmem:$0x1F380] =	vst v63  }
.LBB2_7:
0x250: {  	p1 =	sne.s32 s17, $0x0  }
0x251: {  	s2 =	simm.s32 @p1 $0x4;
	s9 =	smul.u32 @p1 $0x500, s17  }
0x252: {  	_ =	swait.ge @p1 [sflag:s2], $0x2300  }
0x253: {  	s10 =	simm.s32 @p1 $0x18A10;
	[sflag:s2] =	ssyncset.done @p1 $0x0;
	s14 =	sshra.s32 @p1 s9, $0x2  }
0x254: {  	s9 =	simm.s32 @p1 $0x50;
	[sflag:s2] =	ssyncadd.s32 @p1 $0xFFFFDD00;
	s2 =	sadd.s32 @p1 $0x11210, s14  }
0x255: {  	[tilespmem:s10], [sflag:$0x3] =	stream.indirect.gather @p1 [hbm4b:s4+s9], $0x70, s2, s9, $0xb8;
	[tilespmem:$0x1F380] =	vst v63  }
0x256: {  	s11 =	simm.s32 @p1 $0x1AD10;
	s10 =	sadd.s32 @p1 $0x11260, s14  }
0x257: {  	[tilespmem:s11], [sflag:$0x3] =	stream.indirect.gather @p1 [hbm4b:s6+s9], $0x70, s10, s9, $0xb8;
	[tilespmem:$0x1F380] =	vst v63  }
0x258: {  	s9 =	simm.s32 @p1 $0x2  }
0x259: {  	_ =	swait.ge @p1 [sflag:s9], $0x2300  }
0x25a: {  	s10 =	simm.s32 @!p1 $0x11210;
	[sflag:s9] =	ssyncset.done @p1 $0x0  }
0x25b: {  	s11 =	simm.s32 @!p1 $0x18A10;
	[sflag:s9] =	ssyncadd.s32 @p1 $0xFFFFDD00;
	s9 =	simm.s32 @!p1 $0x50  }
0x25c: {  	[tilespmem:s11], [sflag:$0x3] =	stream.indirect.gather @!p1 [hbm4b:s4+s9], $0x70, s10, s9, $0xb8;
	[tilespmem:$0x1F380] =	vst v63  }
0x25d: {  	s10 =	simm.s32 @!p1 $0x11260;
	s11 =	simm.s32 @!p1 $0x1AD10  }
0x25e: {  	[tilespmem:s11], [sflag:$0x3] =	stream.indirect.gather @!p1 [hbm4b:s6+s9], $0x70, s10, s9, $0xb8;
	[tilespmem:$0x1F380] =	vst v63  }
0x25f: {  	_ =	swait.ge [sflag:s23], $0x2300  }
0x260: {  	[sflag:s23] =	ssyncset.done $0x0  }
0x261: {  	[sflag:s23] =	ssyncadd.s32 $0xFFFFDD00  }
0x262: {  	_ =	swait.ge [sflag:s23], $0x2300  }
0x263: {  	[sflag:s23] =	ssyncset.done $0x0  }
0x264: {  	s10 =	simm.s32 $0x0;
	[sflag:s23] =	ssyncadd.s32 $0xFFFFDD00  }
0x265: {  	v7 =	vld [tilespmem:s10+$0x12170]  }
0x266: {  	v8 =	vld [tilespmem:s10+$0x14470];
	_ =	sdelay $0x4  }
0x267: {  	v7 =	vsub.f32 v7, v8;
	_ =	sdelay $0x1  }
0x268: {  	v7 =	vmul.f32 v7, v7;
	_ =	sdelay $0x1  }
0x269: {  	(v2sf) =	vpush v7, $0x0  }
0x26a: {  	(v2sf) =	vpush v7, $0x1;
	_ =	sdelay $0x1  }
0x26b: {  	(v2sf) =	vpush v7, $0x2;
	_ =	sdelay $0x3  }
0x26c: {  	s13 =	simm.s32 $0x70  }
0x26d: {  	v8 =	vld [tilespmem:s13+$0x14470]  }
0x26e: {  	v7 =	vld [tilespmem:s13+$0x12170];
	_ =	sdelay $0x3  }
0x26f: {  	v9 =	vld [tilespmem:s10+$0x12110]  }
0x270: {  	v10 =	vld [tilespmem:s10+$0x14410];
	v7 =	vsub.f32 v7, v8  }
0x271: {  	v11 =	vld [tilespmem:s10+$0x12120];
	s11 =	spop (v2sf)  }
0x272: {  	v12 =	vld [tilespmem:s10+$0x14420];
	v7 =	vmul.f32 v7, v7;
	s15 =	spop (v2sf)  }
0x273: {  	v13 =	vld [tilespmem:s10+$0x14430];
	s9 =	sadd.f32 s15, s11  }
0x274: {  	v14 =	vld [tilespmem:s10+$0x12140];
	(v2sf) =	vpush v7, $0x0;
	s21 =	spop (v2sf)  }
0x275: {  	v15 =	vld [tilespmem:s10+$0x14440];
	(v2sf) =	vpush v7, $0x1;
	s15 =	sadd.f32 s9, s21  }
0x276: {  	v16 =	vld [tilespmem:s10+$0x12150]  }
0x277: {  	v17 =	vld [tilespmem:s10+$0x14450];
	(v2sf) =	vpush v7, $0x2;
	v20 =	vmov s15  }
0x278: {  	v18 =	vld [tilespmem:s13+$0x12110];
	v19 =	vshra.s32 v20, $0x1;
	v21 =	vmul.f32 $5.000000000e-01, v20  }
0x279: {  	v23 =	vld [tilespmem:s13+$0x12120];
	v19 =	vsub.s32 $0x5F3759DF, v19  }
0x27a: {  	v27 =	vld [tilespmem:s13+$0x14420];
	s9 =	simm.s32 $0xE0;
	v22 =	vmul.f32 v19, v21  }
0x27b: {  	v24 =	vld [tilespmem:s9+$0x12170]  }
0x27c: {  	v25 =	vld [tilespmem:s9+$0x14470];
	v22 =	vmul.f32 v19, v22  }
0x27d: {  	v30 =	vld [tilespmem:s13+$0x12140]  }
0x27e: {  	v31 =	vld [tilespmem:s13+$0x14440];
	v22 =	vsub.f32 $1.500000000e+00, v22  }
0x27f: {  	v28 =	vld [tilespmem:s13+$0x12130]  }
0x280: {  	v29 =	vld [tilespmem:s13+$0x14430];
	v19 =	vmul.f32 v19, v22  }
0x281: {  	v32 =	vld [tilespmem:s13+$0x12150];
	v22 =	vsub.f32 v24, v25  }
0x282: {  	v33 =	vld [tilespmem:s13+$0x14450];
	v24 =	vmul.f32 v19, v21  }
0x283: {  	v26 =	vadd.f32 v17, v16;
	v16 =	vadd.f32 v31, v30;
	v30 =	vld [tilespmem:s10+$0x14460];
	s0 =	spop (v2sf);
	v22 =	vmul.f32 v22, v22  }
0x284: {  	v8 =	vld [tilespmem:s10+$0x12130];
	s21 =	spop (v2sf);
	v24 =	vmul.f32 v24, v19  }
0x285: {  	v7 =	vld [tilespmem:s13+$0x14410];
	s11 =	sadd.f32 s21, s0;
	(v2sf) =	vpush v22, $0x0  }
0x286: {  	v34 =	vld [tilespmem:s9+$0x12110];
	s0 =	spop (v2sf);
	(v2sf) =	vpush v22, $0x1;
	v24 =	vsub.f32 $1.500000000e+00, v24  }
0x287: {  	v35 =	vld [tilespmem:s9+$0x14410];
	s31 =	sadd.f32 s11, s0  }
0x288: {  	v38 =	vld [tilespmem:s9+$0x12130];
	(v2sf) =	vpush v22, $0x2;
	v40 =	vmul.f32 v24, v19  }
0x289: {  	v44 =	vadd.f32 v10, v9;
	v39 =	vld [tilespmem:s9+$0x14430];
	v22 =	vmov s31  }
0x28a: {  	v9 =	vld [tilespmem:s9+$0x12150];
	v43 =	vmul.f32 $5.000000000e-01, v22;
	v19 =	vshra.s32 v22, $0x1;
	v21 =	vmul.f32 v40, v21  }
0x28b: {  	v45 =	vadd.f32 v12, v11;
	v46 =	vld [tilespmem:s9+$0x14450];
	v10 =	vsub.s32 $0x5F3759DF, v19  }
0x28c: {  	vm0 =	vgt.f32 v20, $0.0e+00;
	v20 =	vld [tilespmem:s10+$0x12160];
	s11 =	simm.s32 $0x150;
	v11 =	vmul.f32 v10, v43;
	v12 =	vmul.f32 v21, v40  }
0x28d: {  	v25 =	vadd.f32 v15, v14;
	v15 =	vld [tilespmem:s11+$0x14470]  }
0x28e: {  	v24 =	vadd.f32 v13, v8;
	v8 =	vld [tilespmem:s11+$0x12170];
	v11 =	vmul.f32 v10, v11;
	v12 =	vsub.f32 $1.500000000e+00, v12  }
0x28f: {  	v17 =	vld [tilespmem:s11+$0x12110];
	v19 =	vadd.f32 v7, v18  }
0x290: {  	v18 =	vadd.f32 v27, v23;
	v23 =	vld [tilespmem:s11+$0x12120];
	v7 =	vsub.f32 $1.500000000e+00, v11;
	v12 =	vmul.f32 v12, v40  }
0x291: {  	v9 =	vadd.f32 v46, v9;
	v20 =	vadd.f32 v30, v20;
	v21 =	vld [tilespmem:s11+$0x14410]  }
0x292: {  	v13 =	vadd.f32 v29, v28;
	v27 =	vld [tilespmem:s11+$0x14420];
	v29 =	vmul.f32 v10, v7;
	v10 =	vmul.f32 s15, v12  }
0x293: {  	v36 =	vld [tilespmem:s9+$0x12120];
	v14 =	vadd.f32 v33, v32;
	v8 =	vsub.f32 v8, v15  }
0x294: {  	v37 =	vld [tilespmem:s9+$0x14420];
	v11 =	vadd.f32 v35, v34;
	v15 =	vmul.f32 v29, v43;
	s21 =	spop (v2sf);
	v28 =	vnsel vm0, $0x0, v10  }
0x295: {  	v41 =	vld [tilespmem:s9+$0x12140];
	v51 =	vmul.f32 v8, v8;
	v7 =	vadd.f32 v39, v38;
	s0 =	spop (v2sf);
	v31 =	vshrl.u32 v28, $0x10  }
0x296: {  	v42 =	vld [tilespmem:s9+$0x14440];
	v8 =	vadd.f32 v21, v17;
	v53 =	vmul.f32 v15, v29;
	s15 =	sadd.f32 s0, s21;
	v31 =	vand.u32 $0x1, v31  }
0x297: {  	v52 =	vld [tilespmem:s11+$0x12130];
	v15 =	vadd.f32 v27, v23;
	s0 =	spop (v2sf);
	(v2sf) =	vpush v51, $0x0;
	v21 =	vadd.s32 v31, v28  }
0x298: {  	v56 =	vld [tilespmem:s11+$0x12150];
	v27 =	vsub.f32 $1.500000000e+00, v53;
	(v2sf) =	vpush v51, $0x1;
	s21 =	sadd.f32 s15, s0;
	v21 =	vadd.s32 $0x7FFF, v21  }
0x299: {  	v57 =	vld [tilespmem:s11+$0x14450];
	v12 =	vadd.f32 v37, v36;
	(v2sf) =	vpush v51, $0x2;
	v55 =	vand.u32 $0xFFFF0000, v21  }
0x29a: {  	v17 =	vld [tilespmem:s11+$0x14430];
	v30 =	vmul.f32 v27, v29;
	v28 =	vmov s21;
	v21 =	vmul.f32 v55, v6  }
0x29b: {  	v54 =	vld [tilespmem:s11+$0x14440];
	v10 =	vadd.f32 v42, v41;
	v29 =	vshra.s32 v28, $0x1;
	v58 =	vmul.f32 v55, v1  }
0x29c: {  	v23 =	vld [tilespmem:s11+$0x12140];
	v60 =	vmul.f32 v30, v43;
	v27 =	vmul.f32 $5.000000000e-01, v28;
	v20 =	vadd.f32 v21, v20  }
0x29d: {  	v59 =	vmul.f32 v55, v2;
	v32 =	vmul.f32 v55, v3;
	v29 =	vsub.s32 $0x5F3759DF, v29  }
0x29e: {  	s15 =	simm.s32 $0x1C0;
	v61 =	vmul.f32 v60, v30;
	v63 =	vmul.f32 v29, v27;
	v62 =	vmax.f32 v20, $0.0e+00  }
0x29f: {  	v33 =	vld [tilespmem:s15+$0x12170];
	v31 =	vmul.f32 v55, v4;
	v21 =	vadd.f32 v17, v52;
	v17 =	vadd.f32 v57, v56;
	[tilespmem:s10+$0x16760] =	vst v62  }
0x2a0: {  	s14 =	sadd.s32 @p1 $0x11170, s14;
	v37 =	vadd.f32 v58, v44;
	v38 =	vsub.f32 $1.500000000e+00, v61;
	v39 =	vmul.f32 v29, v63;
	v36 =	vld [tilespmem:s15+$0x14470]  }
0x2a1: {  	s29 =	simm.s32 $0x8C0;
	s2 =	simm.s32 @!p1 $0x11210;
	s14 =	simm.s32 @!p1 $0x11170;
	v34 =	vmul.f32 v55, v5;
	v35 =	vadd.f32 v59, v45;
	v20 =	vadd.f32 v54, v23;
	v23 =	vld [tilespmem:s15+$0x12110]  }
.LBB2_8:
0x2a2: {  	p1 =	sne.s32 s29, $0x8A40;
	v40 =	vld [tilespmem:s15+$0x14410];
	v39 =	vsub.f32 $1.500000000e+00, v39;
	v30 =	vmul.f32 v38, v30;
	v32 =	vadd.f32 v32, v24;
	v41 =	vmovc v18;
	v18 =	vmovc v12  }
0x2a3: {  	v31 =	vadd.f32 v31, v25;
	v34 =	vadd.f32 v34, v26;
	v12 =	vmovc v15;
	v24 =	vmovc v13;
	v38 =	vld [tilespmem:s15+$0x12120];
	v37 =	vmax.f32 v37, $0.0e+00  }
0x2a4: {  	v13 =	vmovc v7;
	v7 =	vmovc v21;
	v35 =	vmax.f32 v35, $0.0e+00;
	v15 =	vld [tilespmem:s15+$0x14420];
	v29 =	vmul.f32 v29, v39;
	v39 =	vmul.f32 s31, v30;
	[tilespmem:s10+$0x16710] =	vst v37;
	s31 =	smov.u32 s21  }
0x2a5: {  	vm0 =	vgt.f32 v22, $0.0e+00;
	v22 =	vmovc v28;
	v25 =	vmovc v16;
	v32 =	vmax.f32 v32, $0.0e+00;
	v21 =	vsub.f32 v33, v36;
	v30 =	vld [tilespmem:s13+$0x12160];
	[tilespmem:s10+$0x16720] =	vst v35  }
0x2a6: {  	v16 =	vmovc v10;
	v10 =	vmovc v20;
	v31 =	vmax.f32 v31, $0.0e+00;
	s21 =	spop (v2sf);
	v28 =	vmul.f32 v29, v27;
	v33 =	vnsel vm0, $0x0, v39;
	v35 =	vld [tilespmem:s13+$0x14460];
	[tilespmem:s10+$0x16730] =	vst v32  }
0x2a7: {  	v26 =	vmovc v14;
	v20 =	vmul.f32 v21, v21;
	v40 =	vadd.f32 v40, v23;
	v21 =	vld [tilespmem:s15+$0x12130];
	s0 =	spop (v2sf);
	v23 =	vshrl.u32 v33, $0x10;
	[tilespmem:s10+$0x16740] =	vst v31  }
0x2a8: {  	v14 =	vmovc v9;
	v9 =	vmovc v17;
	v31 =	vmax.f32 v34, $0.0e+00;
	v36 =	vld [tilespmem:s15+$0x14430];
	s0 =	sadd.f32 s0, s21;
	s21 =	spop (v2sf);
	v28 =	vmul.f32 v28, v29;
	v23 =	vand.u32 $0x1, v23  }
0x2a9: {  	v15 =	vadd.f32 v15, v38;
	v17 =	vld [tilespmem:s15+$0x12140];
	(v2sf) =	vpush v20, $0x0;
	v23 =	vadd.s32 v23, v33;
	[tilespmem:s10+$0x16750] =	vst v31;
	s10 =	smov.u32 s13;
	s13 =	smov.u32 s9;
	s9 =	smov.u32 s11  }
0x2aa: {  	s11 =	smov.u32 s15;
	v34 =	vld [tilespmem:s15+$0x14440];
	(v2sf) =	vpush v20, $0x1;
	s21 =	sadd.f32 s0, s21;
	v31 =	vsub.f32 $1.500000000e+00, v28;
	v23 =	vadd.s32 $0x7FFF, v23  }
0x2ab: {  	v37 =	vld [tilespmem:s11+$0x12150];
	(v2sf) =	vpush v20, $0x2;
	v23 =	vand.u32 $0xFFFF0000, v23;
	v20 =	vadd.f32 v35, v30  }
0x2ac: {  	v35 =	vld [tilespmem:s11+$0x14450];
	v28 =	vmov s21;
	v30 =	vmul.f32 v31, v29;
	v29 =	vmul.f32 v23, v6  }
0x2ad: {  	v42 =	vmul.f32 v23, v1;
	v43 =	vmul.f32 v23, v2;
	v31 =	vshra.s32 v28, $0x1  }
0x2ae: {  	v33 =	vmul.f32 v30, v27;
	v27 =	vmul.f32 $5.000000000e-01, v28;
	v20 =	vadd.f32 v29, v20  }
.Ltmp13:
0x2af: {  	v32 =	vmul.f32 v23, v3;
	v29 =	vsub.s32 $0x5F3759DF, v31;
	v31 =	vmul.f32 v23, v4;
	(pc) =	sbr.rel @p1 .LBB2_8-.Ltmp13, $4  }
0x2b0: {  	s15 =	sshra.s32 s29, $0x2;
	v38 =	vmul.f32 v29, v27;
	v44 =	vmul.f32 v33, v30;
	v39 =	vmax.f32 v20, $0.0e+00  }
0x2b1: {  	v21 =	vadd.f32 v36, v21;
	v20 =	vadd.f32 v34, v17;
	v34 =	vmul.f32 v23, v5;
	v33 =	vld [tilespmem:s15+$0x12170];
	[tilespmem:s10+$0x16760] =	vst v39  }
0x2b2: {  	v17 =	vadd.f32 v35, v37;
	v36 =	vld [tilespmem:s15+$0x14470];
	v39 =	vmul.f32 v29, v38;
	v38 =	vsub.f32 $1.500000000e+00, v44  }
0x2b3: {  	s29 =	sadd.s32 $0x1C0, s29;
	v37 =	vadd.f32 v42, v19;
	v35 =	vadd.f32 v43, v41;
	v19 =	vmovc v11;
	v11 =	vmovc v8;
	v8 =	vmov v40;
	v23 =	vld [tilespmem:s15+$0x12110]  }
0x2b4: {  	_ =	sdelay $0x2  }
0x2b5: {  	v33 =	vsub.f32 v33, v36;
	_ =	sdelay $0x1  }
0x2b6: {  	v33 =	vmul.f32 v33, v33  }
0x2b7: {  	v53 =	vsub.f32 $1.500000000e+00, v39  }
0x2b8: {  	(v2sf) =	vpush v33, $0x0  }
0x2b9: {  	v36 =	vmul.f32 v29, v53;
	s0 =	spop (v2sf);
	(v2sf) =	vpush v33, $0x1  }
0x2ba: {  	s29 =	spop (v2sf)  }
0x2bb: {  	v54 =	vmul.f32 v36, v27;
	s0 =	sadd.f32 s29, s0;
	(v2sf) =	vpush v33, $0x2  }
0x2bc: {  	v38 =	vmul.f32 v38, v30;
	v32 =	vadd.f32 v32, v24;
	s29 =	spop (v2sf)  }
0x2bd: {  	v30 =	vld [tilespmem:s15+$0x12120];
	v25 =	vadd.f32 v31, v25;
	v26 =	vadd.f32 v34, v26;
	v31 =	vmul.f32 v54, v36;
	s29 =	sadd.f32 s0, s29  }
0x2be: {  	v24 =	vld [tilespmem:s15+$0x14420];
	vm0 =	vgt.f32 v22, $0.0e+00;
	v37 =	vmax.f32 v37, $0.0e+00;
	v55 =	vmul.f32 s31, v38  }
0x2bf: {  	v56 =	vmax.f32 v35, $0.0e+00;
	v29 =	vld [tilespmem:s15+$0x14410];
	[tilespmem:s10+$0x16710] =	vst v37;
	v31 =	vsub.f32 $1.500000000e+00, v31;
	v59 =	vmov s29  }
0x2c0: {  	v57 =	vld [tilespmem:s13+$0x12160];
	[tilespmem:s10+$0x16720] =	vst v56;
	v58 =	vnsel vm0, $0x0, v55;
	v61 =	vshra.s32 v59, $0x1;
	v62 =	vmul.f32 $5.000000000e-01, v59  }
0x2c1: {  	v34 =	vld [tilespmem:s13+$0x14460];
	v60 =	vshrl.u32 v58, $0x10;
	v31 =	vmul.f32 v31, v36;
	v63 =	vsub.s32 $0x5F3759DF, v61  }
0x2c2: {  	v37 =	vand.u32 $0x1, v60;
	v42 =	vmul.f32 v63, v62  }
0x2c3: {  	v22 =	vmax.f32 v32, $0.0e+00;
	v32 =	vadd.s32 v37, v58;
	v27 =	vmul.f32 v31, v27  }
0x2c4: {  	v25 =	vmax.f32 v25, $0.0e+00;
	[tilespmem:s10+$0x16730] =	vst v22;
	v32 =	vadd.s32 $0x7FFF, v32;
	v37 =	vmul.f32 v63, v42  }
0x2c5: {  	v43 =	vmax.f32 v26, $0.0e+00;
	v22 =	vld [tilespmem:s15+$0x12130];
	[tilespmem:s10+$0x16740] =	vst v25;
	v32 =	vand.u32 $0xFFFF0000, v32;
	v27 =	vmul.f32 v27, v31  }
0x2c6: {  	v25 =	vld [tilespmem:s15+$0x14430];
	v34 =	vadd.f32 v34, v57;
	v44 =	vmul.f32 v32, v6;
	v37 =	vsub.f32 $1.500000000e+00, v37  }
0x2c7: {  	v26 =	vld [tilespmem:s15+$0x12140];
	[tilespmem:s10+$0x16750] =	vst v43;
	v45 =	vmul.f32 v32, v1;
	v27 =	vsub.f32 $1.500000000e+00, v27;
	s10 =	spop (v2sf)  }
0x2c8: {  	v41 =	vmul.f32 v32, v2;
	v34 =	vadd.f32 v44, v34;
	v36 =	vmul.f32 v63, v37;
	s31 =	spop (v2sf)  }
0x2c9: {  	v40 =	vld [tilespmem:s15+$0x14440];
	v19 =	vadd.f32 v45, v19;
	v27 =	vmul.f32 v27, v31;
	s0 =	sadd.f32 s31, s10  }
0x2ca: {  	v46 =	vld [tilespmem:s15+$0x12150];
	v18 =	vadd.f32 v41, v18;
	v34 =	vmax.f32 v34, $0.0e+00;
	v31 =	vmul.f32 v36, v62;
	s31 =	spop (v2sf)  }
0x2cb: {  	v47 =	vld [tilespmem:s15+$0x14450];
	v48 =	vmul.f32 v32, v3;
	v19 =	vmax.f32 v19, $0.0e+00;
	[tilespmem:s13+$0x16760] =	vst v34;
	v27 =	vmul.f32 s21, v27;
	s10 =	sadd.f32 s0, s31  }
0x2cc: {  	vm12 =	vgt.f32 v28, $0.0e+00;
	v18 =	vmax.f32 v18, $0.0e+00;
	[tilespmem:s13+$0x16710] =	vst v19;
	v28 =	vmul.f32 v31, v36  }
0x2cd: {  	v13 =	vadd.f32 v48, v13;
	v19 =	vld [tilespmem:s9+$0x12160];
	[tilespmem:s13+$0x16720] =	vst v18;
	v18 =	vnsel vm12, $0x0, v27;
	v27 =	vmov s10  }
0x2ce: {  	v49 =	vld [tilespmem:s9+$0x14460];
	v28 =	vsub.f32 $1.500000000e+00, v28;
	v50 =	vshra.s32 v27, $0x1;
	v42 =	vmul.f32 $5.000000000e-01, v27  }
0x2cf: {  	v31 =	vmul.f32 v32, v4;
	v43 =	vshrl.u32 v18, $0x10;
	v41 =	vsub.s32 $0x5F3759DF, v50  }
0x2d0: {  	v43 =	vand.u32 $0x1, v43;
	v28 =	vmul.f32 v28, v36;
	v51 =	vmul.f32 v41, v42  }
0x2d1: {  	v13 =	vmax.f32 v13, $0.0e+00;
	v16 =	vadd.f32 v31, v16;
	v18 =	vadd.s32 v43, v18  }
0x2d2: {  	v18 =	vadd.s32 $0x7FFF, v18;
	v31 =	vmul.f32 v28, v62;
	v52 =	vmul.f32 v41, v51  }
0x2d3: {  	v19 =	vadd.f32 v49, v19;
	v32 =	vmul.f32 v32, v5;
	v18 =	vand.u32 $0xFFFF0000, v18  }
0x2d4: {  	v53 =	vmul.f32 v18, v6;
	v31 =	vmul.f32 v31, v28;
	v34 =	vsub.f32 $1.500000000e+00, v52  }
0x2d5: {  	v14 =	vadd.f32 v32, v14;
	v16 =	vmax.f32 v16, $0.0e+00;
	v54 =	vmul.f32 v18, v1  }
0x2d6: {  	[tilespmem:s13+$0x16730] =	vst v13;
	v13 =	vadd.f32 v53, v19;
	v19 =	vsub.f32 $1.500000000e+00, v31;
	v31 =	vmul.f32 v41, v34  }
0x2d7: {  	v14 =	vmax.f32 v14, $0.0e+00;
	[tilespmem:s13+$0x16740] =	vst v16;
	v16 =	vmul.f32 v18, v2;
	v11 =	vadd.f32 v54, v11  }
0x2d8: {  	[tilespmem:s13+$0x16750] =	vst v14;
	v13 =	vmax.f32 v13, $0.0e+00;
	v14 =	vmul.f32 v19, v28;
	v19 =	vmul.f32 v31, v42  }
0x2d9: {  	v12 =	vadd.f32 v16, v12;
	v11 =	vmax.f32 v11, $0.0e+00;
	[tilespmem:s9+$0x16760] =	vst v13  }
0x2da: {  	[tilespmem:s9+$0x16710] =	vst v11;
	v13 =	vmul.f32 s29, v14;
	v11 =	vmul.f32 v19, v31  }
0x2db: {  	vm13 =	vgt.f32 v59, $0.0e+00;
	v12 =	vmax.f32 v12, $0.0e+00  }
0x2dc: {  	v14 =	vld [tilespmem:s11+$0x12160];
	[tilespmem:s9+$0x16720] =	vst v12;
	v12 =	vnsel vm13, $0x0, v13;
	v11 =	vsub.f32 $1.500000000e+00, v11  }
0x2dd: {  	v13 =	vld [tilespmem:s11+$0x14460];
	v16 =	vshrl.u32 v12, $0x10  }
0x2de: {  	v16 =	vand.u32 $0x1, v16;
	v11 =	vmul.f32 v11, v31  }
0x2df: {  	v28 =	vmul.f32 v18, v4;
	v19 =	vmul.f32 v18, v3;
	v12 =	vadd.s32 v16, v12  }
0x2e0: {  	v16 =	vmul.f32 v18, v5;
	v12 =	vadd.s32 $0x7FFF, v12;
	v18 =	vmul.f32 v11, v42  }
0x2e1: {  	v10 =	vadd.f32 v28, v10;
	v7 =	vadd.f32 v19, v7;
	v12 =	vand.u32 $0xFFFF0000, v12  }
0x2e2: {  	v13 =	vadd.f32 v13, v14;
	v14 =	vmul.f32 v12, v6;
	v18 =	vmul.f32 v18, v11  }
0x2e3: {  	v9 =	vadd.f32 v16, v9;
	v7 =	vmax.f32 v7, $0.0e+00;
	v16 =	vmul.f32 v12, v1  }
0x2e4: {  	[tilespmem:s9+$0x16730] =	vst v7;
	v7 =	vmax.f32 v10, $0.0e+00;
	v10 =	vadd.f32 v14, v13;
	v13 =	vsub.f32 $1.500000000e+00, v18  }
0x2e5: {  	[tilespmem:s9+$0x16740] =	vst v7;
	v7 =	vmax.f32 v9, $0.0e+00;
	v9 =	vmul.f32 v12, v2  }
0x2e6: {  	v8 =	vadd.f32 v16, v8;
	[tilespmem:s9+$0x16750] =	vst v7;
	v7 =	vmax.f32 v10, $0.0e+00;
	v10 =	vmul.f32 v13, v11  }
0x2e7: {  	[tilespmem:s11+$0x16760] =	vst v7;
	v7 =	vadd.f32 v9, v15  }
0x2e8: {  	v8 =	vmax.f32 v8, $0.0e+00;
	v9 =	vmul.f32 s10, v10  }
0x2e9: {  	vm14 =	vgt.f32 v27, $0.0e+00;
	[tilespmem:s11+$0x16710] =	vst v8;
	v7 =	vmax.f32 v7, $0.0e+00  }
0x2ea: {  	v16 =	vmul.f32 v12, v3;
	v8 =	vld [tilespmem:s15+$0x12160];
	[tilespmem:s11+$0x16720] =	vst v7;
	v7 =	vnsel vm14, $0x0, v9  }
0x2eb: {  	v10 =	vld [tilespmem:s15+$0x14460];
	v11 =	vshrl.u32 v7, $0x10  }
0x2ec: {  	v16 =	vadd.f32 v16, v21;
	v18 =	vmul.f32 v12, v4;
	v11 =	vand.u32 $0x1, v11  }
0x2ed: {  	v14 =	vadd.f32 v25, v22;
	v12 =	vmul.f32 v12, v5;
	v7 =	vadd.s32 v11, v7  }
0x2ee: {  	v16 =	vmax.f32 v16, $0.0e+00;
	v18 =	vadd.f32 v18, v20;
	v7 =	vadd.s32 $0x7FFF, v7  }
0x2ef: {  	v13 =	vadd.f32 v24, v30;
	v12 =	vadd.f32 v12, v17;
	v7 =	vand.u32 $0xFFFF0000, v7  }
0x2f0: {  	[tilespmem:s11+$0x16730] =	vst v16;
	v16 =	vmax.f32 v18, $0.0e+00;
	v8 =	vadd.f32 v10, v8;
	v10 =	vmul.f32 v7, v6  }
0x2f1: {  	v9 =	vadd.f32 v29, v23;
	v17 =	vmul.f32 v7, v1;
	v18 =	vmul.f32 v7, v2  }
0x2f2: {  	v11 =	vadd.f32 v47, v46;
	v8 =	vadd.f32 v10, v8;
	v10 =	vmax.f32 v12, $0.0e+00  }
0x2f3: {  	[tilespmem:s11+$0x16740] =	vst v16;
	v12 =	vmul.f32 v7, v3;
	v9 =	vadd.f32 v17, v9;
	v13 =	vadd.f32 v18, v13  }
0x2f4: {  	[tilespmem:s11+$0x16750] =	vst v10;
	v10 =	vmul.f32 v7, v4;
	v7 =	vmul.f32 v7, v5;
	v8 =	vmax.f32 v8, $0.0e+00  }
0x2f5: {  	v15 =	vadd.f32 v40, v26;
	v9 =	vmax.f32 v9, $0.0e+00;
	[tilespmem:s15+$0x16760] =	vst v8;
	v8 =	vadd.f32 v12, v14  }
0x2f6: {  	[tilespmem:s15+$0x16710] =	vst v9;
	v9 =	vmax.f32 v13, $0.0e+00;
	v7 =	vadd.f32 v7, v11  }
0x2f7: {  	s13 =	smul.u32 $0x500, s17;
	v10 =	vadd.f32 v10, v15;
	[tilespmem:s15+$0x16720] =	vst v9;
	v8 =	vmax.f32 v8, $0.0e+00  }
0x2f8: {  	v7 =	vmax.f32 v7, $0.0e+00;
	[tilespmem:s15+$0x16730] =	vst v8  }
0x2f9: {  	s0 =	sshra.s32 s13, $0x2;
	v8 =	vmax.f32 v10, $0.0e+00;
	[tilespmem:s15+$0x16750] =	vst v7  }
0x2fa: {  	s0 =	sadd.s32 $0x11170, s0;
	[tilespmem:s15+$0x16740] =	vst v8  }
0x2fb: {  	[spmem:s1] =	stream.indirect.scatter.add.f32 [tilespmem:s24], [sflag:$0x2], $0x70, s0, s19, $0xb8;
	[tilespmem:$0x1F380] =	vst v63  }
0x2fc: {  	s21 =	sadd.s32 $0x140, s14  }
0x2fd: {  	[tilespmem:s20], [sflag:$0x1] =	stream.indirect.gather [hbm4b:s4+s19], $0x70, s21, s19, $0xb8;
	[tilespmem:$0x1F380] =	vst v63  }
0x2fe: {  	s31 =	sadd.s32 $0x190, s14  }
0x2ff: {  	[tilespmem:s22], [sflag:$0x1] =	stream.indirect.gather [hbm4b:s6+s19], $0x70, s31, s19, $0xb8;
	[tilespmem:$0x1F380] =	vst v63  }
0x300: {  	_ =	swait.ge [sflag:s25], $0x2300  }
0x301: {  	[sflag:s25] =	ssyncset.done $0x0  }
0x302: {  	[sflag:s25] =	ssyncadd.s32 $0xFFFFDD00  }
0x303: {  	_ =	swait.ge [sflag:s25], $0x2300  }
0x304: {  	[sflag:s25] =	ssyncset.done $0x0  }
0x305: {  	s10 =	simm.s32 $0x0;
	[sflag:s25] =	ssyncadd.s32 $0xFFFFDD00  }
0x306: {  	v7 =	vld [tilespmem:s10+$0x18A70]  }
0x307: {  	v8 =	vld [tilespmem:s10+$0x1AD70];
	_ =	sdelay $0x4  }
0x308: {  	v7 =	vsub.f32 v7, v8;
	_ =	sdelay $0x1  }
0x309: {  	v7 =	vmul.f32 v7, v7;
	_ =	sdelay $0x1  }
0x30a: {  	(v2sf) =	vpush v7, $0x0  }
0x30b: {  	(v2sf) =	vpush v7, $0x1;
	_ =	sdelay $0x1  }
0x30c: {  	(v2sf) =	vpush v7, $0x2;
	_ =	sdelay $0x3  }
0x30d: {  	s13 =	simm.s32 $0x70  }
0x30e: {  	v8 =	vld [tilespmem:s13+$0x1AD70]  }
0x30f: {  	v7 =	vld [tilespmem:s13+$0x18A70];
	_ =	sdelay $0x3  }
0x310: {  	v9 =	vld [tilespmem:s10+$0x18A10]  }
0x311: {  	v10 =	vld [tilespmem:s10+$0x1AD10];
	v7 =	vsub.f32 v7, v8  }
0x312: {  	v11 =	vld [tilespmem:s10+$0x18A20];
	s9 =	spop (v2sf)  }
0x313: {  	v12 =	vld [tilespmem:s10+$0x1AD20];
	v7 =	vmul.f32 v7, v7;
	s11 =	spop (v2sf)  }
0x314: {  	v13 =	vld [tilespmem:s10+$0x1AD30];
	s0 =	sadd.f32 s11, s9  }
0x315: {  	v14 =	vld [tilespmem:s10+$0x18A40];
	(v2sf) =	vpush v7, $0x0;
	s14 =	spop (v2sf)  }
0x316: {  	v15 =	vld [tilespmem:s10+$0x1AD40];
	(v2sf) =	vpush v7, $0x1;
	s14 =	sadd.f32 s0, s14  }
0x317: {  	v16 =	vld [tilespmem:s10+$0x18A50]  }
0x318: {  	v17 =	vld [tilespmem:s10+$0x1AD50];
	(v2sf) =	vpush v7, $0x2;
	v20 =	vmov s14  }
0x319: {  	v18 =	vld [tilespmem:s13+$0x18A10];
	v19 =	vshra.s32 v20, $0x1;
	v21 =	vmul.f32 $5.000000000e-01, v20  }
0x31a: {  	v23 =	vld [tilespmem:s13+$0x18A20];
	v19 =	vsub.s32 $0x5F3759DF, v19  }
0x31b: {  	v27 =	vld [tilespmem:s13+$0x1AD20];
	s9 =	simm.s32 $0xE0;
	v22 =	vmul.f32 v19, v21  }
0x31c: {  	v24 =	vld [tilespmem:s9+$0x18A70]  }
0x31d: {  	v25 =	vld [tilespmem:s9+$0x1AD70];
	v22 =	vmul.f32 v19, v22  }
0x31e: {  	v28 =	vld [tilespmem:s13+$0x18A30]  }
0x31f: {  	v29 =	vld [tilespmem:s13+$0x1AD30];
	v22 =	vsub.f32 $1.500000000e+00, v22  }
0x320: {  	v30 =	vld [tilespmem:s13+$0x18A40]  }
0x321: {  	v31 =	vld [tilespmem:s13+$0x1AD40];
	v19 =	vmul.f32 v19, v22  }
0x322: {  	v55 =	vld [tilespmem:s13+$0x18A50];
	v22 =	vsub.f32 v24, v25  }
0x323: {  	v56 =	vld [tilespmem:s13+$0x1AD50];
	v24 =	vmul.f32 v19, v21  }
0x324: {  	v8 =	vld [tilespmem:s10+$0x18A30];
	s15 =	spop (v2sf);
	v22 =	vmul.f32 v22, v22  }
0x325: {  	v7 =	vld [tilespmem:s13+$0x1AD10];
	s21 =	spop (v2sf);
	v24 =	vmul.f32 v24, v19  }
0x326: {  	v57 =	vld [tilespmem:s9+$0x18A10];
	s0 =	sadd.f32 s21, s15;
	(v2sf) =	vpush v22, $0x0  }
0x327: {  	v58 =	vld [tilespmem:s9+$0x1AD10];
	s31 =	spop (v2sf);
	(v2sf) =	vpush v22, $0x1;
	v24 =	vsub.f32 $1.500000000e+00, v24  }
0x328: {  	v61 =	vld [tilespmem:s9+$0x18A30];
	s15 =	sadd.f32 s0, s31  }
0x329: {  	v62 =	vld [tilespmem:s9+$0x1AD30];
	(v2sf) =	vpush v22, $0x2;
	v63 =	vmul.f32 v24, v19  }
0x32a: {  	v44 =	vadd.f32 v10, v9;
	v9 =	vld [tilespmem:s9+$0x18A50];
	v22 =	vmov s15  }
0x32b: {  	v46 =	vld [tilespmem:s9+$0x1AD50];
	v50 =	vmul.f32 $5.000000000e-01, v22;
	v19 =	vshra.s32 v22, $0x1;
	v21 =	vmul.f32 v63, v21  }
0x32c: {  	v45 =	vadd.f32 v12, v11;
	s11 =	simm.s32 $0x150;
	vm15 =	vgt.f32 v20, $0.0e+00;
	v20 =	vld [tilespmem:s10+$0x18A60];
	v10 =	vsub.s32 $0x5F3759DF, v19  }
0x32d: {  	v25 =	vadd.f32 v15, v14;
	v14 =	vld [tilespmem:s11+$0x1AD70];
	v11 =	vmul.f32 v10, v50;
	v12 =	vmul.f32 v21, v63  }
0x32e: {  	v15 =	vadd.f32 v31, v30;
	v30 =	vld [tilespmem:s10+$0x1AD60]  }
0x32f: {  	v24 =	vadd.f32 v13, v8;
	v8 =	vld [tilespmem:s11+$0x18A70];
	v11 =	vmul.f32 v10, v11;
	v12 =	vsub.f32 $1.500000000e+00, v12  }
0x330: {  	v26 =	vadd.f32 v17, v16;
	v17 =	vld [tilespmem:s11+$0x18A10];
	v19 =	vadd.f32 v7, v18  }
0x331: {  	v18 =	vadd.f32 v27, v23;
	v23 =	vld [tilespmem:s11+$0x18A20];
	v7 =	vsub.f32 $1.500000000e+00, v11;
	v12 =	vmul.f32 v12, v63  }
0x332: {  	v16 =	vadd.f32 v29, v28;
	v9 =	vadd.f32 v46, v9;
	v21 =	vld [tilespmem:s11+$0x1AD10]  }
0x333: {  	v20 =	vadd.f32 v30, v20;
	v27 =	vld [tilespmem:s11+$0x1AD20];
	v29 =	vmul.f32 v10, v7;
	v10 =	vmul.f32 s14, v12  }
0x334: {  	v59 =	vld [tilespmem:s9+$0x18A20];
	v13 =	vadd.f32 v56, v55;
	v8 =	vsub.f32 v8, v14  }
0x335: {  	v60 =	vld [tilespmem:s9+$0x1AD20];
	v11 =	vadd.f32 v58, v57;
	v14 =	vmul.f32 v29, v50;
	s14 =	spop (v2sf);
	v28 =	vnsel vm15, $0x0, v10  }
0x336: {  	v48 =	vld [tilespmem:s9+$0x18A40];
	v51 =	vmul.f32 v8, v8;
	v7 =	vadd.f32 v62, v61;
	s21 =	spop (v2sf);
	v31 =	vshrl.u32 v28, $0x10  }
0x337: {  	v49 =	vld [tilespmem:s9+$0x1AD40];
	v8 =	vadd.f32 v21, v17;
	v53 =	vmul.f32 v14, v29;
	s0 =	sadd.f32 s21, s14;
	v31 =	vand.u32 $0x1, v31  }
0x338: {  	v52 =	vld [tilespmem:s11+$0x18A30];
	v14 =	vadd.f32 v27, v23;
	s31 =	spop (v2sf);
	(v2sf) =	vpush v51, $0x0;
	v21 =	vadd.s32 v31, v28  }
0x339: {  	v56 =	vld [tilespmem:s11+$0x18A50];
	v27 =	vsub.f32 $1.500000000e+00, v53;
	(v2sf) =	vpush v51, $0x1;
	s21 =	sadd.f32 s0, s31;
	v21 =	vadd.s32 $0x7FFF, v21  }
0x33a: {  	v57 =	vld [tilespmem:s11+$0x1AD50];
	v12 =	vadd.f32 v60, v59;
	(v2sf) =	vpush v51, $0x2;
	v55 =	vand.u32 $0xFFFF0000, v21  }
0x33b: {  	v17 =	vld [tilespmem:s11+$0x1AD30];
	v30 =	vmul.f32 v27, v29;
	v28 =	vmov s21;
	v21 =	vmul.f32 v55, v6  }
0x33c: {  	v54 =	vld [tilespmem:s11+$0x1AD40];
	v10 =	vadd.f32 v49, v48;
	v29 =	vshra.s32 v28, $0x1;
	v58 =	vmul.f32 v55, v1  }
0x33d: {  	v23 =	vld [tilespmem:s11+$0x18A40];
	v60 =	vmul.f32 v30, v50;
	v27 =	vmul.f32 $5.000000000e-01, v28;
	v20 =	vadd.f32 v21, v20  }
0x33e: {  	v59 =	vmul.f32 v55, v2;
	v32 =	vmul.f32 v55, v3;
	v29 =	vsub.s32 $0x5F3759DF, v29  }
0x33f: {  	s14 =	simm.s32 $0x1C0;
	v61 =	vmul.f32 v60, v30;
	v63 =	vmul.f32 v29, v27;
	v62 =	vmax.f32 v20, $0.0e+00  }
0x340: {  	v33 =	vld [tilespmem:s14+$0x18A70];
	v31 =	vmul.f32 v55, v4;
	v21 =	vadd.f32 v17, v52;
	v17 =	vadd.f32 v57, v56;
	[tilespmem:s10+$0x1D060] =	vst v62  }
0x341: {  	v37 =	vadd.f32 v58, v44;
	v38 =	vsub.f32 $1.500000000e+00, v61;
	v39 =	vmul.f32 v29, v63;
	v36 =	vld [tilespmem:s14+$0x1AD70]  }
0x342: {  	s29 =	simm.s32 $0x8C0;
	v34 =	vmul.f32 v55, v5;
	v35 =	vadd.f32 v59, v45;
	v20 =	vadd.f32 v54, v23;
	v23 =	vld [tilespmem:s14+$0x18A10]  }
.LBB2_10:
0x343: {  	p1 =	sne.s32 s29, $0x8A40;
	v40 =	vld [tilespmem:s14+$0x1AD10];
	v39 =	vsub.f32 $1.500000000e+00, v39;
	v30 =	vmul.f32 v38, v30;
	v32 =	vadd.f32 v32, v24;
	v41 =	vmovc v18;
	v18 =	vmovc v12  }
0x344: {  	v31 =	vadd.f32 v31, v25;
	v34 =	vadd.f32 v34, v26;
	v12 =	vmovc v14;
	v24 =	vmovc v16;
	v38 =	vld [tilespmem:s14+$0x18A20];
	v37 =	vmax.f32 v37, $0.0e+00  }
0x345: {  	v16 =	vmovc v7;
	v7 =	vmovc v21;
	v35 =	vmax.f32 v35, $0.0e+00;
	v14 =	vld [tilespmem:s14+$0x1AD20];
	v29 =	vmul.f32 v29, v39;
	v39 =	vmul.f32 s15, v30;
	[tilespmem:s10+$0x1D010] =	vst v37;
	s15 =	smov.u32 s21  }
0x346: {  	vm0 =	vgt.f32 v22, $0.0e+00;
	v22 =	vmovc v28;
	v25 =	vmovc v15;
	v32 =	vmax.f32 v32, $0.0e+00;
	v21 =	vsub.f32 v33, v36;
	v30 =	vld [tilespmem:s13+$0x18A60];
	[tilespmem:s10+$0x1D020] =	vst v35  }
0x347: {  	v15 =	vmovc v10;
	v10 =	vmovc v20;
	v31 =	vmax.f32 v31, $0.0e+00;
	s0 =	spop (v2sf);
	v28 =	vmul.f32 v29, v27;
	v33 =	vnsel vm0, $0x0, v39;
	v35 =	vld [tilespmem:s13+$0x1AD60];
	[tilespmem:s10+$0x1D030] =	vst v32  }
0x348: {  	v26 =	vmovc v13;
	v20 =	vmul.f32 v21, v21;
	v40 =	vadd.f32 v40, v23;
	v21 =	vld [tilespmem:s14+$0x18A30];
	s21 =	spop (v2sf);
	v23 =	vshrl.u32 v33, $0x10;
	[tilespmem:s10+$0x1D040] =	vst v31  }
0x349: {  	v13 =	vmovc v9;
	v9 =	vmovc v17;
	v31 =	vmax.f32 v34, $0.0e+00;
	v36 =	vld [tilespmem:s14+$0x1AD30];
	s0 =	sadd.f32 s21, s0;
	s21 =	spop (v2sf);
	v28 =	vmul.f32 v28, v29;
	v23 =	vand.u32 $0x1, v23  }
0x34a: {  	v14 =	vadd.f32 v14, v38;
	v17 =	vld [tilespmem:s14+$0x18A40];
	(v2sf) =	vpush v20, $0x0;
	v23 =	vadd.s32 v23, v33;
	[tilespmem:s10+$0x1D050] =	vst v31;
	s10 =	smov.u32 s13;
	s13 =	smov.u32 s9;
	s9 =	smov.u32 s11  }
0x34b: {  	s11 =	smov.u32 s14;
	v34 =	vld [tilespmem:s14+$0x1AD40];
	(v2sf) =	vpush v20, $0x1;
	s21 =	sadd.f32 s0, s21;
	v31 =	vsub.f32 $1.500000000e+00, v28;
	v23 =	vadd.s32 $0x7FFF, v23  }
0x34c: {  	v37 =	vld [tilespmem:s11+$0x18A50];
	(v2sf) =	vpush v20, $0x2;
	v23 =	vand.u32 $0xFFFF0000, v23;
	v20 =	vadd.f32 v35, v30  }
0x34d: {  	v35 =	vld [tilespmem:s11+$0x1AD50];
	v28 =	vmov s21;
	v30 =	vmul.f32 v31, v29;
	v29 =	vmul.f32 v23, v6  }
0x34e: {  	v42 =	vmul.f32 v23, v1;
	v43 =	vmul.f32 v23, v2;
	v31 =	vshra.s32 v28, $0x1  }
0x34f: {  	v33 =	vmul.f32 v30, v27;
	v27 =	vmul.f32 $5.000000000e-01, v28;
	v20 =	vadd.f32 v29, v20  }
.Ltmp14:
0x350: {  	v32 =	vmul.f32 v23, v3;
	v29 =	vsub.s32 $0x5F3759DF, v31;
	v31 =	vmul.f32 v23, v4;
	(pc) =	sbr.rel @p1 .LBB2_10-.Ltmp14, $4  }
0x351: {  	s14 =	sshra.s32 s29, $0x2;
	v38 =	vmul.f32 v29, v27;
	v44 =	vmul.f32 v33, v30;
	v39 =	vmax.f32 v20, $0.0e+00  }
0x352: {  	v21 =	vadd.f32 v36, v21;
	v20 =	vadd.f32 v34, v17;
	v34 =	vmul.f32 v23, v5;
	v33 =	vld [tilespmem:s14+$0x18A70];
	[tilespmem:s10+$0x1D060] =	vst v39  }
0x353: {  	v17 =	vadd.f32 v35, v37;
	v36 =	vld [tilespmem:s14+$0x1AD70];
	v39 =	vmul.f32 v29, v38;
	v38 =	vsub.f32 $1.500000000e+00, v44  }
0x354: {  	s29 =	sadd.s32 $0x1C0, s29;
	v37 =	vadd.f32 v42, v19;
	v35 =	vadd.f32 v43, v41;
	v19 =	vmovc v11;
	v11 =	vmovc v8;
	v8 =	vmov v40;
	v23 =	vld [tilespmem:s14+$0x18A10]  }
0x355: {  	_ =	sdelay $0x2  }
0x356: {  	v33 =	vsub.f32 v33, v36;
	_ =	sdelay $0x1  }
0x357: {  	v33 =	vmul.f32 v33, v33  }
0x358: {  	v41 =	vsub.f32 $1.500000000e+00, v39  }
0x359: {  	(v2sf) =	vpush v33, $0x0  }
0x35a: {  	v36 =	vmul.f32 v29, v41;
	s0 =	spop (v2sf);
	(v2sf) =	vpush v33, $0x1  }
0x35b: {  	s29 =	spop (v2sf)  }
0x35c: {  	v38 =	vmul.f32 v38, v30;
	v42 =	vmul.f32 v36, v27;
	s0 =	sadd.f32 s29, s0;
	(v2sf) =	vpush v33, $0x2  }
0x35d: {  	s31 =	spop (v2sf)  }
0x35e: {  	v43 =	vmul.f32 s15, v38;
	v44 =	vmul.f32 v42, v36;
	s15 =	sadd.f32 s0, s31  }
0x35f: {  	v32 =	vadd.f32 v32, v24;
	v25 =	vadd.f32 v31, v25;
	vm0 =	vgt.f32 v22, $0.0e+00  }
0x360: {  	v30 =	vld [tilespmem:s14+$0x18A20];
	v37 =	vmax.f32 v37, $0.0e+00;
	v31 =	vsub.f32 $1.500000000e+00, v44;
	v33 =	vmov s15  }
0x361: {  	v24 =	vld [tilespmem:s14+$0x1AD20];
	v45 =	vmax.f32 v35, $0.0e+00;
	v50 =	vshra.s32 v33, $0x1;
	v51 =	vmul.f32 $5.000000000e-01, v33  }
0x362: {  	v29 =	vld [tilespmem:s14+$0x1AD10];
	[tilespmem:s10+$0x1D010] =	vst v37;
	v48 =	vnsel vm0, $0x0, v43;
	v31 =	vmul.f32 v31, v36;
	v52 =	vsub.s32 $0x5F3759DF, v50  }
0x363: {  	v26 =	vadd.f32 v34, v26;
	v46 =	vld [tilespmem:s13+$0x18A60];
	[tilespmem:s10+$0x1D020] =	vst v45;
	v49 =	vshrl.u32 v48, $0x10;
	v53 =	vmul.f32 v52, v51  }
0x364: {  	v47 =	vmax.f32 v32, $0.0e+00;
	v34 =	vld [tilespmem:s13+$0x1AD60];
	v37 =	vand.u32 $0x1, v49;
	v54 =	vmul.f32 v31, v27  }
0x365: {  	v25 =	vmax.f32 v25, $0.0e+00;
	[tilespmem:s10+$0x1D030] =	vst v47;
	v32 =	vadd.s32 v37, v48;
	v37 =	vmul.f32 v52, v53  }
0x366: {  	v22 =	vld [tilespmem:s14+$0x18A30];
	[tilespmem:s10+$0x1D040] =	vst v25;
	v32 =	vadd.s32 $0x7FFF, v32;
	v27 =	vmul.f32 v54, v31  }
0x367: {  	v55 =	vmax.f32 v26, $0.0e+00;
	v25 =	vld [tilespmem:s14+$0x1AD30];
	v32 =	vand.u32 $0xFFFF0000, v32;
	v37 =	vsub.f32 $1.500000000e+00, v37  }
0x368: {  	v26 =	vld [tilespmem:s14+$0x18A40];
	[tilespmem:s10+$0x1D050] =	vst v55;
	v56 =	vmul.f32 v32, v6;
	v27 =	vsub.f32 $1.500000000e+00, v27;
	s10 =	spop (v2sf)  }
0x369: {  	v34 =	vadd.f32 v34, v46;
	v57 =	vmul.f32 v32, v1;
	v36 =	vmul.f32 v52, v37;
	s29 =	spop (v2sf)  }
0x36a: {  	vm13 =	vgt.f32 v28, $0.0e+00;
	v41 =	vmul.f32 v32, v2;
	v27 =	vmul.f32 v27, v31;
	s0 =	sadd.f32 s29, s10  }
0x36b: {  	v34 =	vadd.f32 v56, v34;
	v19 =	vadd.f32 v57, v19;
	v58 =	vmul.f32 v36, v51;
	s31 =	spop (v2sf)  }
0x36c: {  	v40 =	vld [tilespmem:s14+$0x1AD40];
	v59 =	vmul.f32 v32, v3;
	v18 =	vadd.f32 v41, v18;
	v27 =	vmul.f32 s21, v27;
	s10 =	sadd.f32 s0, s31  }
0x36d: {  	v35 =	vld [tilespmem:s14+$0x18A50];
	v34 =	vmax.f32 v34, $0.0e+00;
	v19 =	vmax.f32 v19, $0.0e+00;
	v60 =	vmul.f32 v58, v36  }
0x36e: {  	v18 =	vmax.f32 v18, $0.0e+00;
	v37 =	vld [tilespmem:s14+$0x1AD50];
	[tilespmem:s13+$0x1D060] =	vst v34;
	v62 =	vnsel vm13, $0x0, v27;
	v27 =	vmov s10  }
0x36f: {  	[tilespmem:s13+$0x1D010] =	vst v19;
	v28 =	vsub.f32 $1.500000000e+00, v60;
	v45 =	vshra.s32 v27, $0x1;
	v42 =	vmul.f32 $5.000000000e-01, v27  }
0x370: {  	v61 =	vmul.f32 v32, v4;
	v32 =	vmul.f32 v32, v5;
	v19 =	vld [tilespmem:s9+$0x18A60];
	[tilespmem:s13+$0x1D020] =	vst v18;
	v41 =	vsub.s32 $0x5F3759DF, v45  }
0x371: {  	v63 =	vld [tilespmem:s9+$0x1AD60];
	v46 =	vshrl.u32 v62, $0x10;
	v28 =	vmul.f32 v28, v36;
	v47 =	vmul.f32 v41, v42  }
0x372: {  	v16 =	vadd.f32 v59, v16;
	v15 =	vadd.f32 v61, v15;
	v34 =	vand.u32 $0x1, v46  }
0x373: {  	v18 =	vadd.s32 v34, v62;
	v48 =	vmul.f32 v28, v51;
	v49 =	vmul.f32 v41, v47  }
0x374: {  	v13 =	vadd.f32 v32, v13;
	v16 =	vmax.f32 v16, $0.0e+00;
	v18 =	vadd.s32 $0x7FFF, v18  }
0x375: {  	v18 =	vand.u32 $0xFFFF0000, v18;
	v31 =	vmul.f32 v48, v28;
	v34 =	vsub.f32 $1.500000000e+00, v49  }
0x376: {  	v15 =	vmax.f32 v15, $0.0e+00;
	v19 =	vadd.f32 v63, v19;
	v50 =	vmul.f32 v18, v6  }
0x377: {  	v51 =	vmul.f32 v18, v1;
	v53 =	vsub.f32 $1.500000000e+00, v31;
	v54 =	vmul.f32 v41, v34  }
0x378: {  	v13 =	vmax.f32 v13, $0.0e+00;
	[tilespmem:s13+$0x1D030] =	vst v16;
	v55 =	vmul.f32 v18, v2;
	v52 =	vadd.f32 v50, v19  }
0x379: {  	[tilespmem:s13+$0x1D040] =	vst v15;
	v11 =	vadd.f32 v51, v11;
	v57 =	vmul.f32 v53, v28;
	v58 =	vmul.f32 v54, v42  }
0x37a: {  	[tilespmem:s13+$0x1D050] =	vst v13;
	v12 =	vadd.f32 v55, v12;
	v56 =	vmax.f32 v52, $0.0e+00  }
0x37b: {  	v11 =	vmax.f32 v11, $0.0e+00;
	[tilespmem:s9+$0x1D060] =	vst v56;
	v59 =	vmul.f32 s15, v57;
	v60 =	vmul.f32 v58, v54  }
0x37c: {  	vm14 =	vgt.f32 v33, $0.0e+00;
	v12 =	vmax.f32 v12, $0.0e+00;
	[tilespmem:s9+$0x1D010] =	vst v11  }
0x37d: {  	v61 =	vld [tilespmem:s11+$0x18A60];
	[tilespmem:s9+$0x1D020] =	vst v12;
	v62 =	vnsel vm14, $0x0, v59;
	v11 =	vsub.f32 $1.500000000e+00, v60  }
0x37e: {  	v33 =	vmul.f32 v18, v3;
	v63 =	vld [tilespmem:s11+$0x1AD60];
	v32 =	vshrl.u32 v62, $0x10  }
0x37f: {  	v16 =	vand.u32 $0x1, v32;
	v11 =	vmul.f32 v11, v54  }
0x380: {  	v7 =	vadd.f32 v33, v7;
	v34 =	vmul.f32 v18, v4;
	v12 =	vadd.s32 v16, v62  }
0x381: {  	v36 =	vmul.f32 v18, v5;
	v12 =	vadd.s32 $0x7FFF, v12;
	v38 =	vmul.f32 v11, v42  }
0x382: {  	v7 =	vmax.f32 v7, $0.0e+00;
	v10 =	vadd.f32 v34, v10;
	v12 =	vand.u32 $0xFFFF0000, v12  }
0x383: {  	v13 =	vadd.f32 v63, v61;
	v39 =	vmul.f32 v12, v6;
	v18 =	vmul.f32 v38, v11  }
0x384: {  	v9 =	vadd.f32 v36, v9;
	[tilespmem:s9+$0x1D030] =	vst v7;
	v7 =	vmax.f32 v10, $0.0e+00  }
0x385: {  	v41 =	vmul.f32 v12, v1;
	v42 =	vadd.f32 v39, v13;
	v43 =	vsub.f32 $1.500000000e+00, v18  }
0x386: {  	[tilespmem:s9+$0x1D040] =	vst v7;
	v7 =	vmax.f32 v9, $0.0e+00;
	v44 =	vmul.f32 v12, v2  }
0x387: {  	[tilespmem:s9+$0x1D050] =	vst v7;
	v8 =	vadd.f32 v41, v8;
	v7 =	vmax.f32 v42, $0.0e+00;
	v45 =	vmul.f32 v43, v11  }
0x388: {  	[tilespmem:s11+$0x1D060] =	vst v7;
	v7 =	vadd.f32 v44, v14  }
0x389: {  	v8 =	vmax.f32 v8, $0.0e+00;
	v46 =	vmul.f32 s10, v45  }
0x38a: {  	vm15 =	vgt.f32 v27, $0.0e+00;
	[tilespmem:s11+$0x1D010] =	vst v8;
	v7 =	vmax.f32 v7, $0.0e+00  }
0x38b: {  	v8 =	vld [tilespmem:s14+$0x18A60];
	[tilespmem:s11+$0x1D020] =	vst v7;
	v7 =	vnsel vm15, $0x0, v46  }
0x38c: {  	v50 =	vadd.f32 v24, v30;
	v48 =	vld [tilespmem:s14+$0x1AD60];
	v49 =	vshrl.u32 v7, $0x10  }
0x38d: {  	v47 =	vadd.f32 v29, v23;
	v53 =	vmul.f32 v12, v3;
	v11 =	vand.u32 $0x1, v49  }
0x38e: {  	v55 =	vmul.f32 v12, v4;
	v12 =	vmul.f32 v12, v5;
	v7 =	vadd.s32 v11, v7  }
0x38f: {  	v54 =	vadd.f32 v37, v35;
	v16 =	vadd.f32 v53, v21;
	v7 =	vadd.s32 $0x7FFF, v7  }
0x390: {  	v12 =	vadd.f32 v12, v17;
	v18 =	vadd.f32 v55, v20;
	v7 =	vand.u32 $0xFFFF0000, v7  }
0x391: {  	v16 =	vmax.f32 v16, $0.0e+00;
	v8 =	vadd.f32 v48, v8;
	v56 =	vmul.f32 v7, v6  }
0x392: {  	v60 =	vmax.f32 v12, $0.0e+00;
	v58 =	vmax.f32 v18, $0.0e+00;
	v57 =	vmul.f32 v7, v1  }
0x393: {  	[tilespmem:s11+$0x1D030] =	vst v16;
	v59 =	vmul.f32 v7, v2;
	v61 =	vmul.f32 v7, v3;
	v8 =	vadd.f32 v56, v8  }
0x394: {  	[tilespmem:s11+$0x1D040] =	vst v58;
	v62 =	vmul.f32 v7, v4;
	v7 =	vmul.f32 v7, v5;
	v9 =	vadd.f32 v57, v47  }
0x395: {  	v51 =	vadd.f32 v25, v22;
	[tilespmem:s11+$0x1D050] =	vst v60;
	v13 =	vadd.f32 v59, v50;
	v8 =	vmax.f32 v8, $0.0e+00  }
0x396: {  	s17 =	sadd.s32 $0x1, s17;
	v52 =	vadd.f32 v40, v26;
	v7 =	vadd.f32 v7, v54;
	v9 =	vmax.f32 v9, $0.0e+00;
	[tilespmem:s14+$0x1D060] =	vst v8  }
0x397: {  	p1 =	sne.s32 s17, $0xC;
	v63 =	vmax.f32 v13, $0.0e+00;
	v8 =	vadd.f32 v61, v51;
	[tilespmem:s14+$0x1D010] =	vst v9  }
.Ltmp15:
0x398: {  	v10 =	vadd.f32 v62, v52;
	v7 =	vmax.f32 v7, $0.0e+00;
	[tilespmem:s14+$0x1D020] =	vst v63;
	(pc) =	sbr.rel @p1 .LBB2_7-.Ltmp15, $4  }
0x399: {  	[tilespmem:s14+$0x1D050] =	vst v7;
	v8 =	vmax.f32 v8, $0.0e+00  }
0x39a: {  	[tilespmem:s14+$0x1D030] =	vst v8;
	v8 =	vmax.f32 v10, $0.0e+00  }
0x39b: {  	[tilespmem:s14+$0x1D040] =	vst v8  }
0x39c: {  	[spmem:s1] =	stream.indirect.scatter.add.f32 [tilespmem:s26], [sflag:$0x4], $0x70, s2, s19, $0xb8;
	[tilespmem:$0x1F380] =	vst v63  }
0x39d: {  	_ =	swait.ge [sflag:s28], $0x2300  }
0x39e: {  	[sflag:s28] =	ssyncset.done $0x0  }
0x39f: {  	[sflag:s28] =	ssyncadd.s32 $0xFFFFDD00  }
0x3a0: {  	_ =	swait.ge [sflag:s23], $0x2300  }
0x3a1: {  	[sflag:s23] =	ssyncset.done $0x0  }
0x3a2: {  	[sflag:s23] =	ssyncadd.s32 $0xFFFFDD00  }
0x3a3: {  	_ =	swait.ge [sflag:s23], $0x2300  }
0x3a4: {  	[sflag:s23] =	ssyncset.done $0x0  }
0x3a5: {  	s10 =	simm.s32 $0x0;
	[sflag:s23] =	ssyncadd.s32 $0xFFFFDD00  }
0x3a6: {  	v7 =	vld [tilespmem:s10+$0x12170]  }
0x3a7: {  	v8 =	vld [tilespmem:s10+$0x14470];
	_ =	sdelay $0x4  }
0x3a8: {  	v7 =	vsub.f32 v7, v8;
	_ =	sdelay $0x1  }
0x3a9: {  	v7 =	vmul.f32 v7, v7;
	_ =	sdelay $0x1  }
0x3aa: {  	(v2sf) =	vpush v7, $0x0  }
0x3ab: {  	(v2sf) =	vpush v7, $0x1;
	_ =	sdelay $0x1  }
0x3ac: {  	(v2sf) =	vpush v7, $0x2;
	_ =	sdelay $0x3  }
0x3ad: {  	s11 =	simm.s32 $0x70  }
0x3ae: {  	v8 =	vld [tilespmem:s11+$0x14470]  }
0x3af: {  	v7 =	vld [tilespmem:s11+$0x12170];
	_ =	sdelay $0x3  }
0x3b0: {  	v9 =	vld [tilespmem:s10+$0x12110]  }
0x3b1: {  	v10 =	vld [tilespmem:s10+$0x14410];
	v7 =	vsub.f32 v7, v8  }
0x3b2: {  	v11 =	vld [tilespmem:s10+$0x12120];
	s0 =	spop (v2sf)  }
0x3b3: {  	v12 =	vld [tilespmem:s10+$0x14420];
	v7 =	vmul.f32 v7, v7;
	s2 =	spop (v2sf)  }
0x3b4: {  	v13 =	vld [tilespmem:s10+$0x14430];
	s0 =	sadd.f32 s2, s0  }
0x3b5: {  	v14 =	vld [tilespmem:s10+$0x12140];
	(v2sf) =	vpush v7, $0x0;
	s14 =	spop (v2sf)  }
0x3b6: {  	v15 =	vld [tilespmem:s10+$0x14440];
	(v2sf) =	vpush v7, $0x1;
	s13 =	sadd.f32 s0, s14  }
0x3b7: {  	v16 =	vld [tilespmem:s10+$0x12150]  }
0x3b8: {  	v17 =	vld [tilespmem:s10+$0x14450];
	(v2sf) =	vpush v7, $0x2;
	v20 =	vmov s13  }
0x3b9: {  	v18 =	vld [tilespmem:s11+$0x12110];
	v19 =	vshra.s32 v20, $0x1;
	v21 =	vmul.f32 $5.000000000e-01, v20  }
0x3ba: {  	v23 =	vld [tilespmem:s11+$0x12120];
	v19 =	vsub.s32 $0x5F3759DF, v19  }
0x3bb: {  	v27 =	vld [tilespmem:s11+$0x14420];
	s2 =	simm.s32 $0xE0;
	v22 =	vmul.f32 v19, v21  }
0x3bc: {  	v24 =	vld [tilespmem:s2+$0x12170]  }
0x3bd: {  	v25 =	vld [tilespmem:s2+$0x14470];
	v22 =	vmul.f32 v19, v22  }
0x3be: {  	v28 =	vld [tilespmem:s11+$0x12130]  }
0x3bf: {  	v29 =	vld [tilespmem:s11+$0x14430];
	v22 =	vsub.f32 $1.500000000e+00, v22  }
0x3c0: {  	v30 =	vld [tilespmem:s11+$0x12140]  }
0x3c1: {  	v31 =	vld [tilespmem:s11+$0x14440];
	v19 =	vmul.f32 v19, v22  }
0x3c2: {  	v32 =	vld [tilespmem:s11+$0x12150];
	v22 =	vsub.f32 v24, v25  }
0x3c3: {  	v33 =	vld [tilespmem:s11+$0x14450];
	v24 =	vmul.f32 v19, v21  }
0x3c4: {  	v8 =	vld [tilespmem:s10+$0x12130];
	s15 =	spop (v2sf);
	v22 =	vmul.f32 v22, v22  }
0x3c5: {  	v7 =	vld [tilespmem:s11+$0x14410];
	s9 =	spop (v2sf);
	v24 =	vmul.f32 v24, v19  }
0x3c6: {  	v34 =	vld [tilespmem:s2+$0x12110];
	s0 =	sadd.f32 s9, s15;
	(v2sf) =	vpush v22, $0x0  }
0x3c7: {  	v35 =	vld [tilespmem:s2+$0x14410];
	s17 =	spop (v2sf);
	(v2sf) =	vpush v22, $0x1;
	v24 =	vsub.f32 $1.500000000e+00, v24  }
0x3c8: {  	v38 =	vld [tilespmem:s2+$0x12130];
	s14 =	sadd.f32 s0, s17  }
0x3c9: {  	v39 =	vld [tilespmem:s2+$0x14430];
	(v2sf) =	vpush v22, $0x2;
	v40 =	vmul.f32 v24, v19  }
0x3ca: {  	v44 =	vadd.f32 v10, v9;
	v45 =	vadd.f32 v12, v11;
	v9 =	vld [tilespmem:s2+$0x12150];
	v22 =	vmov s14  }
0x3cb: {  	v46 =	vld [tilespmem:s2+$0x14450];
	v43 =	vmul.f32 $5.000000000e-01, v22;
	v19 =	vshra.s32 v22, $0x1;
	v21 =	vmul.f32 v40, v21  }
0x3cc: {  	vm0 =	vgt.f32 v20, $0.0e+00;
	v20 =	vld [tilespmem:s10+$0x12160];
	v25 =	vadd.f32 v15, v14;
	v10 =	vsub.s32 $0x5F3759DF, v19  }
0x3cd: {  	v15 =	vadd.f32 v31, v30;
	v30 =	vld [tilespmem:s10+$0x14460];
	s9 =	simm.s32 $0x150;
	v11 =	vmul.f32 v10, v43;
	v12 =	vmul.f32 v21, v40  }
0x3ce: {  	v14 =	vld [tilespmem:s9+$0x14470]  }
0x3cf: {  	v24 =	vadd.f32 v13, v8;
	v8 =	vld [tilespmem:s9+$0x12170];
	v11 =	vmul.f32 v10, v11;
	v12 =	vsub.f32 $1.500000000e+00, v12  }
0x3d0: {  	v26 =	vadd.f32 v17, v16;
	v17 =	vld [tilespmem:s9+$0x12110];
	v19 =	vadd.f32 v7, v18  }
0x3d1: {  	v18 =	vadd.f32 v27, v23;
	v23 =	vld [tilespmem:s9+$0x12120];
	v7 =	vsub.f32 $1.500000000e+00, v11;
	v12 =	vmul.f32 v12, v40  }
0x3d2: {  	v16 =	vadd.f32 v29, v28;
	v9 =	vadd.f32 v46, v9;
	v21 =	vld [tilespmem:s9+$0x14410]  }
0x3d3: {  	v20 =	vadd.f32 v30, v20;
	v27 =	vld [tilespmem:s9+$0x14420];
	v29 =	vmul.f32 v10, v7;
	v10 =	vmul.f32 s13, v12  }
0x3d4: {  	v36 =	vld [tilespmem:s2+$0x12120];
	v13 =	vadd.f32 v33, v32;
	v8 =	vsub.f32 v8, v14  }
0x3d5: {  	v37 =	vld [tilespmem:s2+$0x14420];
	v11 =	vadd.f32 v35, v34;
	v14 =	vmul.f32 v29, v43;
	s21 =	spop (v2sf);
	v28 =	vnsel vm0, $0x0, v10  }
0x3d6: {  	v41 =	vld [tilespmem:s2+$0x12140];
	v51 =	vmul.f32 v8, v8;
	v7 =	vadd.f32 v39, v38;
	s29 =	spop (v2sf);
	v31 =	vshrl.u32 v28, $0x10  }
0x3d7: {  	v42 =	vld [tilespmem:s2+$0x14440];
	v8 =	vadd.f32 v21, v17;
	v53 =	vmul.f32 v14, v29;
	s0 =	sadd.f32 s29, s21;
	v31 =	vand.u32 $0x1, v31  }
0x3d8: {  	v52 =	vld [tilespmem:s9+$0x12130];
	v14 =	vadd.f32 v27, v23;
	s31 =	spop (v2sf);
	(v2sf) =	vpush v51, $0x0;
	v21 =	vadd.s32 v31, v28  }
0x3d9: {  	v56 =	vld [tilespmem:s9+$0x12150];
	v27 =	vsub.f32 $1.500000000e+00, v53;
	(v2sf) =	vpush v51, $0x1;
	s15 =	sadd.f32 s0, s31;
	v21 =	vadd.s32 $0x7FFF, v21  }
0x3da: {  	v57 =	vld [tilespmem:s9+$0x14450];
	v12 =	vadd.f32 v37, v36;
	(v2sf) =	vpush v51, $0x2;
	v55 =	vand.u32 $0xFFFF0000, v21  }
0x3db: {  	v17 =	vld [tilespmem:s9+$0x14430];
	v30 =	vmul.f32 v27, v29;
	v28 =	vmov s15;
	v21 =	vmul.f32 v55, v6  }
0x3dc: {  	v54 =	vld [tilespmem:s9+$0x14440];
	v10 =	vadd.f32 v42, v41;
	v29 =	vshra.s32 v28, $0x1;
	v58 =	vmul.f32 v55, v1  }
0x3dd: {  	v23 =	vld [tilespmem:s9+$0x12140];
	v60 =	vmul.f32 v30, v43;
	v27 =	vmul.f32 $5.000000000e-01, v28;
	v20 =	vadd.f32 v21, v20  }
0x3de: {  	v59 =	vmul.f32 v55, v2;
	v32 =	vmul.f32 v55, v3;
	v29 =	vsub.s32 $0x5F3759DF, v29  }
0x3df: {  	s13 =	simm.s32 $0x1C0;
	v61 =	vmul.f32 v60, v30;
	v63 =	vmul.f32 v29, v27;
	v62 =	vmax.f32 v20, $0.0e+00  }
0x3e0: {  	v33 =	vld [tilespmem:s13+$0x12170];
	v31 =	vmul.f32 v55, v4;
	v21 =	vadd.f32 v17, v52;
	v17 =	vadd.f32 v57, v56;
	[tilespmem:s10+$0x16760] =	vst v62  }
0x3e1: {  	v37 =	vadd.f32 v58, v44;
	v38 =	vsub.f32 $1.500000000e+00, v61;
	v39 =	vmul.f32 v29, v63;
	v36 =	vld [tilespmem:s13+$0x14470]  }
0x3e2: {  	s17 =	simm.s32 $0x8C0;
	v34 =	vmul.f32 v55, v5;
	v35 =	vadd.f32 v59, v45;
	v20 =	vadd.f32 v54, v23;
	v23 =	vld [tilespmem:s13+$0x12110]  }
.LBB2_13:
0x3e3: {  	p1 =	sne.s32 s17, $0x8A40;
	v40 =	vld [tilespmem:s13+$0x14410];
	v39 =	vsub.f32 $1.500000000e+00, v39;
	v30 =	vmul.f32 v38, v30;
	v32 =	vadd.f32 v32, v24;
	v41 =	vmovc v18;
	v18 =	vmovc v12  }
0x3e4: {  	v31 =	vadd.f32 v31, v25;
	v34 =	vadd.f32 v34, v26;
	v12 =	vmovc v14;
	v24 =	vmovc v16;
	v38 =	vld [tilespmem:s13+$0x12120];
	v37 =	vmax.f32 v37, $0.0e+00  }
0x3e5: {  	v16 =	vmovc v7;
	v7 =	vmovc v21;
	v35 =	vmax.f32 v35, $0.0e+00;
	v14 =	vld [tilespmem:s13+$0x14420];
	v29 =	vmul.f32 v29, v39;
	v39 =	vmul.f32 s14, v30;
	[tilespmem:s10+$0x16710] =	vst v37;
	s14 =	smov.u32 s15  }
0x3e6: {  	vm0 =	vgt.f32 v22, $0.0e+00;
	v22 =	vmovc v28;
	v25 =	vmovc v15;
	v32 =	vmax.f32 v32, $0.0e+00;
	v21 =	vsub.f32 v33, v36;
	v30 =	vld [tilespmem:s11+$0x12160];
	[tilespmem:s10+$0x16720] =	vst v35  }
0x3e7: {  	v15 =	vmovc v10;
	v10 =	vmovc v20;
	v31 =	vmax.f32 v31, $0.0e+00;
	s0 =	spop (v2sf);
	v28 =	vmul.f32 v29, v27;
	v33 =	vnsel vm0, $0x0, v39;
	v35 =	vld [tilespmem:s11+$0x14460];
	[tilespmem:s10+$0x16730] =	vst v32  }
0x3e8: {  	v26 =	vmovc v13;
	v20 =	vmul.f32 v21, v21;
	v40 =	vadd.f32 v40, v23;
	v21 =	vld [tilespmem:s13+$0x12130];
	s15 =	spop (v2sf);
	v23 =	vshrl.u32 v33, $0x10;
	[tilespmem:s10+$0x16740] =	vst v31  }
0x3e9: {  	v13 =	vmovc v9;
	v9 =	vmovc v17;
	v31 =	vmax.f32 v34, $0.0e+00;
	v36 =	vld [tilespmem:s13+$0x14430];
	s0 =	sadd.f32 s15, s0;
	s15 =	spop (v2sf);
	v28 =	vmul.f32 v28, v29;
	v23 =	vand.u32 $0x1, v23  }
0x3ea: {  	v14 =	vadd.f32 v14, v38;
	v17 =	vld [tilespmem:s13+$0x12140];
	(v2sf) =	vpush v20, $0x0;
	v23 =	vadd.s32 v23, v33;
	[tilespmem:s10+$0x16750] =	vst v31;
	s10 =	smov.u32 s11;
	s11 =	smov.u32 s2;
	s2 =	smov.u32 s9  }
0x3eb: {  	s9 =	smov.u32 s13;
	v34 =	vld [tilespmem:s13+$0x14440];
	(v2sf) =	vpush v20, $0x1;
	s15 =	sadd.f32 s0, s15;
	v31 =	vsub.f32 $1.500000000e+00, v28;
	v23 =	vadd.s32 $0x7FFF, v23  }
0x3ec: {  	v37 =	vld [tilespmem:s9+$0x12150];
	(v2sf) =	vpush v20, $0x2;
	v23 =	vand.u32 $0xFFFF0000, v23;
	v20 =	vadd.f32 v35, v30  }
0x3ed: {  	v35 =	vld [tilespmem:s9+$0x14450];
	v28 =	vmov s15;
	v30 =	vmul.f32 v31, v29;
	v29 =	vmul.f32 v23, v6  }
0x3ee: {  	v42 =	vmul.f32 v23, v1;
	v43 =	vmul.f32 v23, v2;
	v31 =	vshra.s32 v28, $0x1  }
0x3ef: {  	v33 =	vmul.f32 v30, v27;
	v27 =	vmul.f32 $5.000000000e-01, v28;
	v20 =	vadd.f32 v29, v20  }
.Ltmp16:
0x3f0: {  	v32 =	vmul.f32 v23, v3;
	v29 =	vsub.s32 $0x5F3759DF, v31;
	v31 =	vmul.f32 v23, v4;
	(pc) =	sbr.rel @p1 .LBB2_13-.Ltmp16, $4  }
0x3f1: {  	s13 =	sshra.s32 s17, $0x2;
	v38 =	vmul.f32 v29, v27;
	v44 =	vmul.f32 v33, v30;
	v39 =	vmax.f32 v20, $0.0e+00  }
0x3f2: {  	v21 =	vadd.f32 v36, v21;
	v20 =	vadd.f32 v34, v17;
	v34 =	vmul.f32 v23, v5;
	v33 =	vld [tilespmem:s13+$0x12170];
	[tilespmem:s10+$0x16760] =	vst v39  }
0x3f3: {  	v17 =	vadd.f32 v35, v37;
	v36 =	vld [tilespmem:s13+$0x14470];
	v39 =	vmul.f32 v29, v38;
	v38 =	vsub.f32 $1.500000000e+00, v44  }
0x3f4: {  	s17 =	sadd.s32 $0x1C0, s17;
	v37 =	vadd.f32 v42, v19;
	v35 =	vadd.f32 v43, v41;
	v19 =	vmovc v11;
	v11 =	vmovc v8;
	v8 =	vmov v40;
	v23 =	vld [tilespmem:s13+$0x12110]  }
0x3f5: {  	_ =	sdelay $0x2  }
0x3f6: {  	v33 =	vsub.f32 v33, v36;
	_ =	sdelay $0x1  }
0x3f7: {  	v33 =	vmul.f32 v33, v33  }
0x3f8: {  	v41 =	vsub.f32 $1.500000000e+00, v39  }
0x3f9: {  	(v2sf) =	vpush v33, $0x0  }
0x3fa: {  	v36 =	vmul.f32 v29, v41;
	s0 =	spop (v2sf);
	(v2sf) =	vpush v33, $0x1  }
0x3fb: {  	s17 =	spop (v2sf)  }
0x3fc: {  	v38 =	vmul.f32 v38, v30;
	v42 =	vmul.f32 v36, v27;
	s0 =	sadd.f32 s17, s0;
	(v2sf) =	vpush v33, $0x2  }
0x3fd: {  	s31 =	spop (v2sf)  }
0x3fe: {  	v43 =	vmul.f32 s14, v38;
	v44 =	vmul.f32 v42, v36;
	s14 =	sadd.f32 s0, s31  }
0x3ff: {  	v32 =	vadd.f32 v32, v24;
	v25 =	vadd.f32 v31, v25;
	vm0 =	vgt.f32 v22, $0.0e+00  }
0x400: {  	v30 =	vld [tilespmem:s13+$0x12120];
	v37 =	vmax.f32 v37, $0.0e+00;
	v31 =	vsub.f32 $1.500000000e+00, v44;
	v33 =	vmov s14  }
0x401: {  	v24 =	vld [tilespmem:s13+$0x14420];
	v45 =	vmax.f32 v35, $0.0e+00;
	v50 =	vshra.s32 v33, $0x1;
	v51 =	vmul.f32 $5.000000000e-01, v33  }
0x402: {  	v29 =	vld [tilespmem:s13+$0x14410];
	[tilespmem:s10+$0x16710] =	vst v37;
	v48 =	vnsel vm0, $0x0, v43;
	v31 =	vmul.f32 v31, v36;
	v52 =	vsub.s32 $0x5F3759DF, v50  }
0x403: {  	v46 =	vld [tilespmem:s11+$0x12160];
	[tilespmem:s10+$0x16720] =	vst v45;
	v49 =	vshrl.u32 v48, $0x10;
	v53 =	vmul.f32 v52, v51  }
0x404: {  	v26 =	vadd.f32 v34, v26;
	v34 =	vld [tilespmem:s11+$0x14460];
	v37 =	vand.u32 $0x1, v49;
	v54 =	vmul.f32 v31, v27  }
0x405: {  	v47 =	vmax.f32 v32, $0.0e+00;
	v32 =	vadd.s32 v37, v48;
	v37 =	vmul.f32 v52, v53  }
0x406: {  	v32 =	vadd.s32 $0x7FFF, v32;
	v27 =	vmul.f32 v54, v31  }
0x407: {  	vm13 =	vgt.f32 v28, $0.0e+00;
	v32 =	vand.u32 $0xFFFF0000, v32;
	v37 =	vsub.f32 $1.500000000e+00, v37  }
0x408: {  	v25 =	vmax.f32 v25, $0.0e+00;
	[tilespmem:s10+$0x16730] =	vst v47;
	v56 =	vmul.f32 v32, v6;
	v27 =	vsub.f32 $1.500000000e+00, v27;
	s17 =	spop (v2sf)  }
0x409: {  	v22 =	vld [tilespmem:s13+$0x12130];
	[tilespmem:s10+$0x16740] =	vst v25;
	v34 =	vadd.f32 v34, v46;
	v57 =	vmul.f32 v32, v1;
	v36 =	vmul.f32 v52, v37;
	s21 =	spop (v2sf)  }
0x40a: {  	v55 =	vmax.f32 v26, $0.0e+00;
	v25 =	vld [tilespmem:s13+$0x14430];
	v41 =	vmul.f32 v32, v2;
	v27 =	vmul.f32 v27, v31;
	s0 =	sadd.f32 s21, s17  }
0x40b: {  	v26 =	vld [tilespmem:s13+$0x12140];
	[tilespmem:s10+$0x16750] =	vst v55;
	v34 =	vadd.f32 v56, v34;
	v19 =	vadd.f32 v57, v19;
	v58 =	vmul.f32 v36, v51;
	s29 =	spop (v2sf)  }
0x40c: {  	v40 =	vld [tilespmem:s13+$0x14440];
	v59 =	vmul.f32 v32, v3;
	v18 =	vadd.f32 v41, v18;
	v27 =	vmul.f32 s15, v27;
	s10 =	sadd.f32 s0, s29  }
0x40d: {  	v35 =	vld [tilespmem:s13+$0x12150];
	v34 =	vmax.f32 v34, $0.0e+00;
	v19 =	vmax.f32 v19, $0.0e+00;
	v60 =	vmul.f32 v58, v36  }
0x40e: {  	v18 =	vmax.f32 v18, $0.0e+00;
	v37 =	vld [tilespmem:s13+$0x14450];
	[tilespmem:s11+$0x16760] =	vst v34;
	v62 =	vnsel vm13, $0x0, v27;
	v27 =	vmov s10  }
0x40f: {  	[tilespmem:s11+$0x16710] =	vst v19;
	v28 =	vsub.f32 $1.500000000e+00, v60;
	v45 =	vshra.s32 v27, $0x1;
	v42 =	vmul.f32 $5.000000000e-01, v27  }
0x410: {  	v61 =	vmul.f32 v32, v4;
	v32 =	vmul.f32 v32, v5;
	v19 =	vld [tilespmem:s2+$0x12160];
	[tilespmem:s11+$0x16720] =	vst v18;
	v41 =	vsub.s32 $0x5F3759DF, v45  }
0x411: {  	v63 =	vld [tilespmem:s2+$0x14460];
	v46 =	vshrl.u32 v62, $0x10;
	v28 =	vmul.f32 v28, v36;
	v47 =	vmul.f32 v41, v42  }
0x412: {  	v16 =	vadd.f32 v59, v16;
	v15 =	vadd.f32 v61, v15;
	v34 =	vand.u32 $0x1, v46  }
0x413: {  	v18 =	vadd.s32 v34, v62;
	v48 =	vmul.f32 v28, v51;
	v49 =	vmul.f32 v41, v47  }
0x414: {  	v13 =	vadd.f32 v32, v13;
	v16 =	vmax.f32 v16, $0.0e+00;
	v18 =	vadd.s32 $0x7FFF, v18  }
0x415: {  	v18 =	vand.u32 $0xFFFF0000, v18;
	v31 =	vmul.f32 v48, v28;
	v34 =	vsub.f32 $1.500000000e+00, v49  }
0x416: {  	v15 =	vmax.f32 v15, $0.0e+00;
	v19 =	vadd.f32 v63, v19;
	v50 =	vmul.f32 v18, v6  }
0x417: {  	v51 =	vmul.f32 v18, v1;
	v53 =	vsub.f32 $1.500000000e+00, v31;
	v54 =	vmul.f32 v41, v34  }
0x418: {  	v13 =	vmax.f32 v13, $0.0e+00;
	[tilespmem:s11+$0x16730] =	vst v16;
	v55 =	vmul.f32 v18, v2;
	v52 =	vadd.f32 v50, v19  }
0x419: {  	[tilespmem:s11+$0x16740] =	vst v15;
	v11 =	vadd.f32 v51, v11;
	v57 =	vmul.f32 v53, v28;
	v58 =	vmul.f32 v54, v42  }
0x41a: {  	[tilespmem:s11+$0x16750] =	vst v13;
	v12 =	vadd.f32 v55, v12;
	v56 =	vmax.f32 v52, $0.0e+00  }
0x41b: {  	v11 =	vmax.f32 v11, $0.0e+00;
	[tilespmem:s2+$0x16760] =	vst v56;
	v59 =	vmul.f32 s14, v57;
	v60 =	vmul.f32 v58, v54  }
0x41c: {  	vm14 =	vgt.f32 v33, $0.0e+00;
	v12 =	vmax.f32 v12, $0.0e+00;
	[tilespmem:s2+$0x16710] =	vst v11  }
0x41d: {  	v61 =	vld [tilespmem:s9+$0x12160];
	[tilespmem:s2+$0x16720] =	vst v12;
	v62 =	vnsel vm14, $0x0, v59;
	v11 =	vsub.f32 $1.500000000e+00, v60  }
0x41e: {  	v33 =	vmul.f32 v18, v3;
	v63 =	vld [tilespmem:s9+$0x14460];
	v32 =	vshrl.u32 v62, $0x10  }
0x41f: {  	v16 =	vand.u32 $0x1, v32;
	v11 =	vmul.f32 v11, v54  }
0x420: {  	v7 =	vadd.f32 v33, v7;
	v34 =	vmul.f32 v18, v4;
	v12 =	vadd.s32 v16, v62  }
0x421: {  	v36 =	vmul.f32 v18, v5;
	v12 =	vadd.s32 $0x7FFF, v12;
	v38 =	vmul.f32 v11, v42  }
0x422: {  	v7 =	vmax.f32 v7, $0.0e+00;
	v10 =	vadd.f32 v34, v10;
	v12 =	vand.u32 $0xFFFF0000, v12  }
0x423: {  	v13 =	vadd.f32 v63, v61;
	v39 =	vmul.f32 v12, v6;
	v18 =	vmul.f32 v38, v11  }
0x424: {  	v9 =	vadd.f32 v36, v9;
	[tilespmem:s2+$0x16730] =	vst v7;
	v7 =	vmax.f32 v10, $0.0e+00  }
0x425: {  	v41 =	vmul.f32 v12, v1;
	v42 =	vadd.f32 v39, v13;
	v43 =	vsub.f32 $1.500000000e+00, v18  }
0x426: {  	[tilespmem:s2+$0x16740] =	vst v7;
	v7 =	vmax.f32 v9, $0.0e+00;
	v44 =	vmul.f32 v12, v2  }
0x427: {  	[tilespmem:s2+$0x16750] =	vst v7;
	v8 =	vadd.f32 v41, v8;
	v7 =	vmax.f32 v42, $0.0e+00;
	v45 =	vmul.f32 v43, v11  }
0x428: {  	[tilespmem:s9+$0x16760] =	vst v7;
	v7 =	vadd.f32 v44, v14  }
0x429: {  	v8 =	vmax.f32 v8, $0.0e+00;
	v46 =	vmul.f32 s10, v45  }
0x42a: {  	vm15 =	vgt.f32 v27, $0.0e+00;
	[tilespmem:s9+$0x16710] =	vst v8;
	v7 =	vmax.f32 v7, $0.0e+00  }
0x42b: {  	v8 =	vld [tilespmem:s13+$0x12160];
	[tilespmem:s9+$0x16720] =	vst v7;
	v7 =	vnsel vm15, $0x0, v46  }
0x42c: {  	v50 =	vadd.f32 v24, v30;
	v48 =	vld [tilespmem:s13+$0x14460];
	v49 =	vshrl.u32 v7, $0x10  }
0x42d: {  	v47 =	vadd.f32 v29, v23;
	v53 =	vmul.f32 v12, v3;
	v11 =	vand.u32 $0x1, v49  }
0x42e: {  	v55 =	vmul.f32 v12, v4;
	v12 =	vmul.f32 v12, v5;
	v7 =	vadd.s32 v11, v7  }
0x42f: {  	v54 =	vadd.f32 v37, v35;
	v16 =	vadd.f32 v53, v21;
	v7 =	vadd.s32 $0x7FFF, v7  }
0x430: {  	v12 =	vadd.f32 v12, v17;
	v18 =	vadd.f32 v55, v20;
	v7 =	vand.u32 $0xFFFF0000, v7  }
0x431: {  	v16 =	vmax.f32 v16, $0.0e+00;
	v8 =	vadd.f32 v48, v8;
	v56 =	vmul.f32 v7, v6  }
0x432: {  	v60 =	vmax.f32 v12, $0.0e+00;
	v58 =	vmax.f32 v18, $0.0e+00;
	v57 =	vmul.f32 v7, v1  }
0x433: {  	[tilespmem:s9+$0x16730] =	vst v16;
	v59 =	vmul.f32 v7, v2;
	v61 =	vmul.f32 v7, v3;
	v8 =	vadd.f32 v56, v8  }
0x434: {  	[tilespmem:s9+$0x16740] =	vst v58;
	v62 =	vmul.f32 v7, v4;
	v7 =	vmul.f32 v7, v5;
	v9 =	vadd.f32 v57, v47  }
0x435: {  	v51 =	vadd.f32 v25, v22;
	[tilespmem:s9+$0x16750] =	vst v60;
	v13 =	vadd.f32 v59, v50;
	v8 =	vmax.f32 v8, $0.0e+00  }
0x436: {  	v52 =	vadd.f32 v40, v26;
	v7 =	vadd.f32 v7, v54;
	v9 =	vmax.f32 v9, $0.0e+00;
	[tilespmem:s13+$0x16760] =	vst v8  }
0x437: {  	v63 =	vmax.f32 v13, $0.0e+00;
	v8 =	vadd.f32 v61, v51;
	[tilespmem:s13+$0x16710] =	vst v9  }
0x438: {  	v10 =	vadd.f32 v62, v52;
	v7 =	vmax.f32 v7, $0.0e+00;
	[tilespmem:s13+$0x16720] =	vst v63  }
0x439: {  	[tilespmem:s13+$0x16750] =	vst v7;
	v8 =	vmax.f32 v8, $0.0e+00  }
0x43a: {  	[tilespmem:s13+$0x16730] =	vst v8;
	v8 =	vmax.f32 v10, $0.0e+00  }
0x43b: {  	s3 =	sadd.s32 $0x1, s3;
	s31 =	simm.s32 $0x12070;
	[tilespmem:s13+$0x16740] =	vst v8  }
0x43c: {  	[spmem:s1] =	stream.indirect.scatter.add.f32 [tilespmem:s24], [sflag:$0x2], $0x70, s31, s19, $0xb8;
	[tilespmem:$0x1F380] =	vst v63  }
0x43d: {  	p1 =	seq.s32 s3, $0xA;
	_ =	swait.ge [sflag:s30], $0x2300  }
.Ltmp17:
0x43e: {  	[sflag:s30] =	ssyncset.done $0x0;
	(pc) =	sbr.rel @!p1 .LBB2_6-.Ltmp17, $4  }
.Ltmp18:
0x43f: {  	[sflag:s30] =	ssyncadd.s32 $0xFFFFDD00;
	(pc) =	sbr.rel @p1 .LBB2_28-.Ltmp18, $4  }
0x440: {  	_ =	swait.ge [sflag:s28], $0x2300  }
0x441: {  	[sflag:s28] =	ssyncset.done $0x0  }
0x442: {  	[sflag:s28] =	ssyncadd.s32 $0xFFFFDD00  }
0x443: {  	_ = 	snop  }
.LBB2_29:
0x444: {  	_ =	sfence.sel $0x180000  }
0x445: {  	[bflag:$0x0] =	sbarrier.arrive $0xFFFF  }
0x446: {  	_ =	strace $0x90000047  }
0x447: {  	s0 =	stileid.u32;
	[bflag:$0x2] =	sbarrier.arrive $0xFFFF  }
0x448: {  	p0 =	sne.s32 s0, $0x0;
	s0 =	rddreg [dreg:$0x2]  }
0x449: {  	s0 =	sadd.s32 @!p0 $0x100000, s0  }
0x44a: {  	[sflag:s0] =	ssyncadd.tile.s32 @!p0 $0x1;
	_ =	shalt  }
.Lfunc_end2:
_tile_overlayer_lowered:
.L_overlay_start_2:
0x44b: {  	(tag) =	ssettag $0x2  }
0x44c: {  	s0 =	rddreg [dreg:$0x0];
	s2 =	stileid.u32  }
0x44d: {  	s1 =	rddreg [dreg:$0x1];
	p0 =	sne.s32 s2, $0x0  }
0x44e: {  	s3 =	rddreg [dreg:$0x2];
	[bflag:$0x3] =	sbarrier.arrive $0xFFFF;
	s2 =	simm.s32 @!p0 $0x1C05  }
0x44f: {  	[timem:s3], [sflag:s2] =	dma.local @!p0 [hbm:s0], s1  }
0x450: {  	s0 =	simm.s32 @!p0 $0x5  }
0x451: {  	_ =	swait.ge @!p0 [sflag:s0], s1  }
0x452: {  	s1 =	ssub.s32 @!p0 $0x0, s1;
	[sflag:s0] =	ssyncset.done @!p0 $0x0  }
0x453: {  	[sflag:s0] =	ssyncadd.s32 @!p0 s1  }
0x454: {  	[bflag:$0x3] =	sbarrier.arrive $0xFFFF  }
0x455: {  	_ =	shalt  }

</sc_bundles>
